<compile_context>
chip_gen: v7x
topology: tpu7x:2x2x1
jax: 0.10.2.dev20260603
libtpu: 0.0.44.dev20260713+nightly
codegen_flags: <defaults>
</compile_context>

<pallas_src>
import functools

import jax
import jax.numpy as jnp
from jax import lax
from jax.experimental import pallas as pl
from jax.experimental.pallas import tpu as pltpu
from jax.experimental.pallas import tpu_sc as plsc

_B = 32
_N = 512
_M = 15 * _N
_NC, _NS = 2, 16
_NW = _NC * _NS
_CPT = _M // _NW
_VPT = _CPT // 16

_WS = (20, 40, 80)
_ANCHORS = (
    ((10.0, 13.0), (16.0, 30.0), (33.0, 23.0)),
    ((30.0, 61.0), (62.0, 45.0), (59.0, 119.0)),
    ((116.0, 90.0), (156.0, 198.0), (373.0, 326.0)),
)
_BAL = (4.0, 1.0, 0.4)


def _sigmoid(x):
    return 1.0 / (1.0 + jnp.exp(-x))


def _sc_body(p0_ref, p1_ref, p2_ref, tgt_ref,
             cls_out, valid_out, scal_out,
             tgt_v, idx_v, gbuf, vf_s, gtx_s, gty_s, w_s, h_s, aw_s, ah_s,
             cls_s, scal_s, sem):
    wid = lax.axis_index("s") * _NC + lax.axis_index("c")
    pltpu.sync_copy(tgt_ref, tgt_v)
    lanes = jnp.arange(16, dtype=jnp.int32)
    p_refs = (p0_ref, p1_ref, p2_ref)

    for l in range(3):
        w_l = _WS[l]
        wf = float(w_l)
        hw = w_l * w_l
        (a0w, a0h), (a1w, a1h), (a2w, a2h) = _ANCHORS[l]

        def cand_math(v, _):
            j = wid * _CPT + v * 16 + lanes
            t = lax.rem(j, _N)
            b = lax.div(j, _N)
            a = lax.rem(b, 3)
            g = lax.div(b, 3)
            t6 = t * 6
            img = plsc.load_gather(tgt_v, [t6]).astype(jnp.int32)
            cls = plsc.load_gather(tgt_v, [t6 + 1]).astype(jnp.int32)
            x = plsc.load_gather(tgt_v, [t6 + 2]) * wf
            y = plsc.load_gather(tgt_v, [t6 + 3]) * wf
            tw = plsc.load_gather(tgt_v, [t6 + 4]) * wf
            th = plsc.load_gather(tgt_v, [t6 + 5]) * wf
            aw = jnp.where(a == 0, a0w, jnp.where(a == 1, a1w, a2w))
            ah = jnp.where(a == 0, a0h, jnp.where(a == 1, a1h, a2h))
            rw = tw / aw
            rh = th / ah
            rmax = jnp.maximum(jnp.maximum(rw, 1.0 / rw),
                               jnp.maximum(rh, 1.0 / rh))
            vb = rmax < 4.0
            remx = lax.rem(x, 1.0)
            remy = lax.rem(y, 1.0)
            gm = ((g == 0)
                  | ((g == 1) & (remx < 0.5) & (x > 1.0))
                  | ((g == 2) & (remy < 0.5) & (y > 1.0))
                  | ((g == 3) & (remx > 0.5) & (x < wf - 1.0))
                  | ((g == 4) & (remy > 0.5) & (y < wf - 1.0)))
            valid = vb & gm
            offx = jnp.where(g == 1, 0.5, jnp.where(g == 3, -0.5, 0.0))
            offy = jnp.where(g == 2, 0.5, jnp.where(g == 4, -0.5, 0.0))
            gx = (x - offx).astype(jnp.int32)
            gy = (y - offy).astype(jnp.int32)
            base = (img * 255 + a * 85) * hw + gy * w_l + gx
            sl = pl.ds(v * 16, 16)
            idx_v[sl] = base
            vf_s[sl] = jnp.where(valid, 1.0, 0.0)
            gtx_s[sl] = x - gx.astype(jnp.float32)
            gty_s[sl] = y - gy.astype(jnp.float32)
            w_s[sl] = tw
            h_s[sl] = th
            aw_s[sl] = aw
            ah_s[sl] = ah
            cls_s[sl] = cls
            return 0

        lax.fori_loop(0, _VPT, cand_math, 0)

        def idx_row(c, _):
            for v in range(_VPT):
                prev = idx_v[pl.ds((c - 1) * _CPT + v * 16, 16)]
                idx_v[pl.ds(c * _CPT + v * 16, 16)] = prev + hw
            return 0

        lax.fori_loop(1, 85, idx_row, 0)
        pltpu.async_copy(p_refs[l].at[idx_v], gbuf, sem).wait()

        def giou_acc(v, carry):
            box_a, cnt_a, corr_a, pick_a = carry
            sl = pl.ds(v * 16, 16)
            op0 = gbuf[pl.ds(0 * _CPT + v * 16, 16)]
            op1 = gbuf[pl.ds(1 * _CPT + v * 16, 16)]
            op2 = gbuf[pl.ds(2 * _CPT + v * 16, 16)]
            op3 = gbuf[pl.ds(3 * _CPT + v * 16, 16)]
            op4 = gbuf[pl.ds(4 * _CPT + v * 16, 16)]
            vf = vf_s[sl]
            gtx = gtx_s[sl]
            gty = gty_s[sl]
            tw = w_s[sl]
            th = h_s[sl]
            aw = aw_s[sl]
            ah = ah_s[sl]
            sx = _sigmoid(op0) * 2.0 - 0.5
            sy = _sigmoid(op1) * 2.0 - 0.5
            swh = _sigmoid(op2) * 2.0
            sw = swh * swh * aw
            shh = _sigmoid(op3) * 2.0
            sh = shh * shh * ah
            a_xmin = sx - sw * 0.5
            a_xmax = sx + sw * 0.5
            a_ymin = sy - sh * 0.5
            a_ymax = sy + sh * 0.5
            b_xmin = gtx - tw * 0.5
            b_xmax = gtx + tw * 0.5
            b_ymin = gty - th * 0.5
            b_ymax = gty + th * 0.5
            iw = jnp.maximum(
                jnp.minimum(a_xmax, b_xmax) - jnp.maximum(a_xmin, b_xmin), 0.0)
            ih = jnp.maximum(
                jnp.minimum(a_ymax, b_ymax) - jnp.maximum(a_ymin, b_ymin), 0.0)
            inter = iw * ih
            union = ((a_xmax - a_xmin) * (a_ymax - a_ymin)
                     + (b_xmax - b_xmin) * (b_ymax - b_ymin) - inter)
            iou = inter / union
            cw = jnp.maximum(a_xmax, b_xmax) - jnp.minimum(a_xmin, b_xmin) + 1e-16
            ch = jnp.maximum(a_ymax, b_ymax) - jnp.minimum(a_ymin, b_ymin)
            carea = cw * ch + 1e-16
            giou = iou - (carea - union) / carea
            pick_idx = (cls_s[sl] + 5) * _CPT + v * 16 + lanes
            pick = plsc.load_gather(gbuf, [pick_idx])
            return (box_a + vf * (1.0 - giou),
                    cnt_a + vf,
                    corr_a + vf * op4 * jnp.maximum(giou, 0.0),
                    pick_a + vf * pick)

        zero = jnp.zeros((16,), jnp.float32)
        box_a, cnt_a, corr_a, pick_a = lax.fori_loop(
            0, _VPT, giou_acc, (zero, zero, zero, zero))
        scal_s[pl.ds(l * 64, 16)] = box_a
        scal_s[pl.ds(l * 64 + 16, 16)] = cnt_a
        scal_s[pl.ds(l * 64 + 32, 16)] = corr_a
        scal_s[pl.ds(l * 64 + 48, 16)] = pick_a
        pltpu.sync_copy(gbuf.at[pl.ds(5 * _CPT, 80 * _CPT)], cls_out.at[l, wid])
        pltpu.sync_copy(vf_s, valid_out.at[l, wid])

    pltpu.sync_copy(scal_s, scal_out.at[wid])


def _obj_body(p_ref, o_ref):
    a = pl.program_id(0)
    x = p_ref[...]
    s = jnp.sum(jnp.maximum(x, 0.0) + jnp.log1p(jnp.exp(-jnp.abs(x))))

    @pl.when(a == 0)
    def _():
        o_ref[...] = jnp.zeros((1, 1), jnp.float32)

    o_ref[...] = o_ref[...] + s


def _final_body(cls_ref, val_ref, scal_ref, o0_ref, o1_ref, o2_ref, out_ref):
    cls = cls_ref[...]
    vf = val_ref[...]
    sc = scal_ref[...]
    sp = jnp.maximum(cls, 0.0) + jnp.log1p(jnp.exp(-jnp.abs(cls)))
    objs = (o0_ref[0, 0], o1_ref[0, 0], o2_ref[0, 0])
    acc = 0.0
    for l in range(3):
        csum = jnp.sum(sp[l] * vf[l][:, None, :])
        box = jnp.sum(sc[:, l, 0, :])
        cnt = jnp.sum(sc[:, l, 1, :])
        corr = jnp.sum(sc[:, l, 2, :])
        pick = jnp.sum(sc[:, l, 3, :])
        denom = _B * 3.0 * float(_WS[l] * _WS[l])
        lobj = (objs[l] - corr) / denom * _BAL[l]
        lbox = jnp.where(cnt > 0, box / cnt, 0.0)
        lcls = jnp.where(cnt > 0, (csum - pick) / (cnt * 80.0), 0.0)
        acc = acc + 0.05 * lbox + lobj + 0.5 * lcls
    out_ref[...] = jnp.broadcast_to(acc * _B, (1, 1))


@jax.jit
def kernel(predict_0, predict_1, predict_2, targets):
    preds = (predict_0, predict_1, predict_2)
    flats = tuple(p.reshape(-1) for p in preds)

    sc_call = functools.partial(
        pl.kernel,
        out_type=[
            jax.ShapeDtypeStruct((3, _NW, 80 * _CPT), jnp.float32),
            jax.ShapeDtypeStruct((3, _NW, _CPT), jnp.float32),
            jax.ShapeDtypeStruct((_NW, 192), jnp.float32),
        ],
        mesh=plsc.VectorSubcoreMesh(core_axis_name="c", subcore_axis_name="s"),
        compiler_params=pltpu.CompilerParams(needs_layout_passes=False,
                                             use_tc_tiling_on_sc=False),
        scratch_types=[
            pltpu.VMEM((_N * 6,), jnp.float32),
            pltpu.VMEM((85 * _CPT,), jnp.int32),
            pltpu.VMEM((85 * _CPT,), jnp.float32),
            pltpu.VMEM((_CPT,), jnp.float32),
            pltpu.VMEM((_CPT,), jnp.float32),
            pltpu.VMEM((_CPT,), jnp.float32),
            pltpu.VMEM((_CPT,), jnp.float32),
            pltpu.VMEM((_CPT,), jnp.float32),
            pltpu.VMEM((_CPT,), jnp.float32),
            pltpu.VMEM((_CPT,), jnp.float32),
            pltpu.VMEM((_CPT,), jnp.int32),
            pltpu.VMEM((192,), jnp.float32),
            pltpu.SemaphoreType.DMA,
        ],
    )(_sc_body)
    cls_buf, valid_buf, scal_buf = sc_call(flats[0], flats[1], flats[2],
                                           targets.reshape(-1))

    obj_sums = []
    for l, p in enumerate(preds):
        h = w = _WS[l]
        obj_sums.append(pl.pallas_call(
            _obj_body,
            grid=(3,),
            in_specs=[pl.BlockSpec((_B, 1, h, w), lambda a: (0, 4 + 85 * a, 0, 0))],
            out_specs=pl.BlockSpec((1, 1), lambda a: (0, 0)),
            out_shape=jax.ShapeDtypeStruct((1, 1), jnp.float32),
        )(p))

    out = pl.pallas_call(
        _final_body,
        out_shape=jax.ShapeDtypeStruct((1, 1), jnp.float32),
    )(cls_buf.reshape(3, _NW, 80, _CPT), valid_buf,
      scal_buf.reshape(_NW, 3, 4, 16), *obj_sums)
    return out.reshape(1)

# --- scband reference (transcript-rebuilt; emitter-appended) ---
"""Pipeline reference for scband-yolo-loss-12945031430825 (READ-ONLY COPY).

The authoritative reference and input builder live on the scoring server;
editing this copy changes nothing except your own understanding.
"""

import jax, jax.numpy as jnp
import numpy as np

NUM_CLASSES = 80
ANCHORS = np.array([[10,13,16,30,33,23],[30,61,62,45,59,119],[116,90,156,198,373,326]], dtype=np.float32).reshape(3,3,2)
BALANCE = [4.0, 1.0, 0.4]
ANCHOR_T = 4.0
OFFSET_BOUNDARY = np.array([[1.0,0.0],[0.0,1.0],[-1.0,0.0],[0.0,-1.0]], dtype=np.float32)

def setup_inputs(seed: int = 0):
    key = jax.random.key(seed)
    k0, k1, k2, k3, k4, k5 = jax.random.split(key, 6)
    B, N = 32, 512
    p0 = jax.random.normal(k0, (B, 255, 20, 20), dtype=jnp.float32)
    p1 = jax.random.normal(k1, (B, 255, 40, 40), dtype=jnp.float32)
    p2 = jax.random.normal(k2, (B, 255, 80, 80), dtype=jnp.float32)
    img = jax.random.randint(k3, (N,), 0, B).astype(jnp.float32)
    cls = jax.random.randint(k4, (N,), 0, NUM_CLASSES).astype(jnp.float32)
    boxes = jax.random.uniform(k5, (N, 4), minval=0.05, maxval=0.95, dtype=jnp.float32)
    targets = jnp.concatenate([img[:, None], cls[:, None], boxes], axis=1)
    return {"predict_0": p0, "predict_1": p1, "predict_2": p2, "targets": targets}

def _bce_mean(logits, labels):
    return jnp.mean(jnp.maximum(logits, 0.0) - logits * labels + jnp.log1p(jnp.exp(-jnp.abs(logits))))

def _giou(a, b):
    a_xmin, a_xmax = a[:, 0] - a[:, 2] / 2, a[:, 0] + a[:, 2] / 2
    a_ymin, a_ymax = a[:, 1] - a[:, 3] / 2, a[:, 1] + a[:, 3] / 2
    b_xmin, b_xmax = b[:, 0] - b[:, 2] / 2, b[:, 0] + b[:, 2] / 2
    b_ymin, b_ymax = b[:, 1] - b[:, 3] / 2, b[:, 1] + b[:, 3] / 2
    inter_w = jnp.maximum(jnp.minimum(a_xmax, b_xmax) - jnp.maximum(a_xmin, b_xmin), 0.0)
    inter_h = jnp.maximum(jnp.minimum(a_ymax, b_ymax) - jnp.maximum(a_ymin, b_ymin), 0.0)
    inter = inter_w * inter_h
    union = (a_xmax - a_xmin) * (a_ymax - a_ymin) + (b_xmax - b_xmin) * (b_ymax - b_ymin) - inter
    iou = inter / union
    cw = jnp.maximum(a_xmax, b_xmax) - jnp.minimum(a_xmin, b_xmin) + 1e-16
    ch = jnp.maximum(a_ymax, b_ymax) - jnp.minimum(a_ymin, b_ymin)
    carea = cw * ch + 1e-16
    return iou - (carea - union) / carea

def reference(predict_0, predict_1, predict_2, targets):
    predict = [predict_0, predict_1, predict_2]
    batch_size = predict[0].shape[0]
    N = targets.shape[0]
    loss_box = jnp.zeros((1,), jnp.float32)
    loss_cls = jnp.zeros((1,), jnp.float32)
    loss_obj = jnp.zeros((1,), jnp.float32)
    for i, layer in enumerate(predict):
        H, W = layer.shape[-2], layer.shape[-1]
        layer = jnp.transpose(layer.reshape(-1, 3, 5 + NUM_CLASSES, H, W), (0, 1, 3, 4, 2))
        feat_obj = layer[..., 4]
        obj_gt = jnp.zeros_like(feat_obj)
        anchors_i = jnp.asarray(ANCHORS[i])
        gain = jnp.array([1, 1, W, H, W, H], dtype=jnp.float32)
        tfs = targets * gain
        r = tfs[None, :, 4:6] / anchors_i.reshape(3, 1, 2)
        mask = jnp.max(jnp.maximum(r, 1.0 / r), axis=2) < ANCHOR_T
        valid_base = mask.reshape(-1)
        tfs_flat = jnp.tile(tfs, (3, 1))
        anc_flat = jnp.repeat(jnp.arange(3), N)
        xy = tfs_flat[:, 2:4]
        rem = xy % 1.0
        less = (rem < 0.5) & (xy > 1.0)
        high = jnp.array([W - 1.0, H - 1.0], dtype=jnp.float32)
        greater = (rem > 0.5) & (xy < high)
        group_masks = [less[:, 0], less[:, 1], greater[:, 0], greater[:, 1]]
        valid = jnp.concatenate([valid_base] + [valid_base & gm for gm in group_masks])
        sel = jnp.tile(tfs_flat, (5, 1))
        anc = jnp.tile(anc_flat, 5)
        off = jnp.concatenate([jnp.zeros((3 * N, 2), jnp.float32)] + [jnp.zeros((3 * N, 2), jnp.float32) + jnp.asarray(OFFSET_BOUNDARY[j]) for j in range(4)]) * 0.5
        xy_ext = sel[:, 2:4]
        grid = jnp.floor(xy_ext - off).astype(jnp.int32)
        gx, gy = grid[:, 0], grid[:, 1]
        img_id = sel[:, 0].astype(jnp.int32)
        cls_id = sel[:, 1].astype(jnp.int32)
        sel_anchors = anchors_i[anc]
        count = jnp.sum(valid.astype(jnp.float32))
        gt_xy = sel[:, 2:4] - jnp.stack([gx, gy], axis=1).astype(jnp.float32)
        gt_wh = sel[:, 4:6]
        op = layer[img_id, anc, gy, gx]
        op_xy = jax.nn.sigmoid(op[:, 0:2]) * 2.0 - 0.5
        op_wh = jnp.square(jax.nn.sigmoid(op[:, 2:4]) * 2.0) * sel_anchors
        gious = _giou(jnp.concatenate([op_xy, op_wh], axis=1), jnp.concatenate([gt_xy, gt_wh], axis=1))
        box_terms = jnp.where(valid, 1.0 - gious, 0.0)
        loss_box = loss_box + jnp.where(count > 0, jnp.sum(box_terms) / count, 0.0)
        gy_s = jnp.where(valid, gy, H)
        obj_gt = obj_gt.at[img_id, anc, gy_s, gx].set(jnp.maximum(jax.lax.stop_gradient(gious), 0.0))
        if NUM_CLASSES > 1:
            oc = op[:, 5:]
            ct = jnp.zeros_like(oc).at[jnp.arange(oc.shape[0]), cls_id].set(1.0)
            bce = jnp.maximum(oc, 0.0) - oc * ct + jnp.log1p(jnp.exp(-jnp.abs(oc)))
            cls_sum = jnp.sum(bce * valid[:, None].astype(jnp.float32))
            loss_cls = loss_cls + jnp.where(count > 0, cls_sum / (count * oc.shape[1]), 0.0)
        loss_obj = loss_obj + _bce_mean(feat_obj, obj_gt) * BALANCE[i]
    scale = 3.0 / len(predict)
    loss = loss_box * (0.05 * scale) + loss_obj * (1.0 * scale) + loss_cls * (0.5 * NUM_CLASSES / 80.0 * scale)
    return loss * batch_size

if __name__ == "__main__":
    import jax
    _d = setup_inputs()
    print(jax.jit(kernel)(*tuple(_d.values())))

</pallas_src>

<mosaic_0001>
#map = affine_map<(d0, d1) -> (0)>
#map1 = affine_map<(d0, d1) -> (0, 0, 0)>
#map2 = affine_map<(d0, d1) -> (0, 0)>
module attributes {stable_mosaic.version = 14 : i64} {
  func.func @_sc_body(%arg0: i32, %arg1: i32, %arg2: memref<3264000xf32, #tpu.memory_space<hbm>>, %arg3: memref<13056000xf32, #tpu.memory_space<hbm>>, %arg4: memref<52224000xf32, #tpu.memory_space<hbm>>, %arg5: memref<3072xf32, #tpu.memory_space<hbm>>, %arg6: memref<3x32x19200xf32, #tpu.memory_space<hbm>>, %arg7: memref<3x32x240xf32, #tpu.memory_space<hbm>>, %arg8: memref<32x192xf32, #tpu.memory_space<hbm>>, %arg9: memref<3072xf32, #tpu.memory_space<vmem>>, %arg10: memref<20400xi32, #tpu.memory_space<vmem>>, %arg11: memref<20400xf32, #tpu.memory_space<vmem>>, %arg12: memref<240xf32, #tpu.memory_space<vmem>>, %arg13: memref<240xf32, #tpu.memory_space<vmem>>, %arg14: memref<240xf32, #tpu.memory_space<vmem>>, %arg15: memref<240xf32, #tpu.memory_space<vmem>>, %arg16: memref<240xf32, #tpu.memory_space<vmem>>, %arg17: memref<240xf32, #tpu.memory_space<vmem>>, %arg18: memref<240xf32, #tpu.memory_space<vmem>>, %arg19: memref<240xi32, #tpu.memory_space<vmem>>, %arg20: memref<192xf32, #tpu.memory_space<vmem>>, %arg21: memref<!tpu.dma_semaphore, #tpu.memory_space<semaphore_mem>>) attributes {dimension_semantics = [#tpu.dimension_semantics<core_parallel>, #tpu.dimension_semantics<subcore_parallel>], iteration_bounds = array<i64: 2, 16>, scalar_prefetch = 0 : i64, scratch_operands = 13 : i64, tpu.core_type = #tpu.core_type<sc_vector_subcore>, window_params = [{transform_indices = #map}, {transform_indices = #map}, {transform_indices = #map}, {transform_indices = #map}, {transform_indices = #map1}, {transform_indices = #map1}, {transform_indices = #map2}]} {
    %mul3A = arith.constant 2 : i32
    %mul3A_0 = arith.muli %arg1, %mul3A : i32
    %add3A = arith.addi %mul3A_0, %arg0 : i32
    "tpu.region"() ({
      %run_scoped3A_103 = tpu.sem_alloc : memref<!tpu.dma_semaphore, #tpu.memory_space<semaphore_mem>>
      tpu.enqueue_dma source(%arg5 : memref<3072xf32, #tpu.memory_space<hbm>>) target(%arg9 : memref<3072xf32, #tpu.memory_space<vmem>>) target_semaphore(%run_scoped3A_103 : memref<!tpu.dma_semaphore, #tpu.memory_space<semaphore_mem>>)
      tpu.wait_dma2 semaphore(%run_scoped3A_103 : memref<!tpu.dma_semaphore, #tpu.memory_space<semaphore_mem>>) src(%arg5 : memref<3072xf32, #tpu.memory_space<hbm>>) dst(%arg9 : memref<3072xf32, #tpu.memory_space<vmem>>)
      tpu.yield
    }) : () -> ()
    %iota3A = tpu.iota {dimensions = array<i32: 0>} : vector<16xi32>
    %scan3A = arith.constant 0 : i32
    %scan3A_1 = arith.constant 0 : i32
    %scan3A_2 = arith.constant 15 : i32
    %scan3A_3 = arith.addi %scan3A_1, %scan3A_2 : i32
    %scan3A_4 = arith.constant 1 : i32
    %scan3A_5 = scf.for %scan3A_103 = %scan3A_1 to %scan3A_3 step %scan3A_4 iter_args(%scan3A_104 = %scan3A) -> (i32)  : i32 {
      %mul3A_105 = arith.constant 240 : i32
      %mul3A_106 = arith.muli %add3A, %mul3A_105 : i32
      %mul3A_107 = arith.constant 16 : i32
      %mul3A_108 = arith.muli %scan3A_103, %mul3A_107 : i32
      %add3A_109 = arith.addi %mul3A_106, %mul3A_108 : i32
      %add3A_110 = vector.broadcast %add3A_109 : i32 to vector<16xi32>
      %add3A_111 = arith.addi %add3A_110, %iota3A : vector<16xi32>
      %rem3A = arith.constant 512 : i32
      %rem3A_112 = vector.broadcast %rem3A : i32 to vector<16xi32>
      %rem3A_113 = arith.remsi %add3A_111, %rem3A_112 : vector<16xi32>
      %div3A = arith.constant 512 : i32
      %div3A_114 = vector.broadcast %div3A : i32 to vector<16xi32>
      %div3A_115 = arith.divsi %add3A_111, %div3A_114 : vector<16xi32>
      %rem3A_116 = arith.constant 3 : i32
      %rem3A_117 = vector.broadcast %rem3A_116 : i32 to vector<16xi32>
      %rem3A_118 = arith.remsi %div3A_115, %rem3A_117 : vector<16xi32>
      %div3A_119 = arith.constant 3 : i32
      %div3A_120 = vector.broadcast %div3A_119 : i32 to vector<16xi32>
      %div3A_121 = arith.divsi %div3A_115, %div3A_120 : vector<16xi32>
      %mul3A_122 = arith.constant 6 : i32
      %mul3A_123 = vector.broadcast %mul3A_122 : i32 to vector<16xi32>
      %mul3A_124 = arith.muli %rem3A_113, %mul3A_123 : vector<16xi32>
      %gather3A = tpu.vector_load_idx %arg9[%mul3A_124] : memref<3072xf32, #tpu.memory_space<vmem>>[vector<16xi32>], vector<16xf32>,
      %convert_element_type3A = arith.fptosi %gather3A : vector<16xf32> to vector<16xi32>
      %add3A_125 = arith.constant 1 : i32
      %add3A_126 = vector.broadcast %add3A_125 : i32 to vector<16xi32>
      %add3A_127 = arith.addi %mul3A_124, %add3A_126 : vector<16xi32>
      %gather3A_128 = tpu.vector_load_idx %arg9[%add3A_127] : memref<3072xf32, #tpu.memory_space<vmem>>[vector<16xi32>], vector<16xf32>,
      %convert_element_type3A_129 = arith.fptosi %gather3A_128 : vector<16xf32> to vector<16xi32>
      %add3A_130 = arith.constant 2 : i32
      %add3A_131 = vector.broadcast %add3A_130 : i32 to vector<16xi32>
      %add3A_132 = arith.addi %mul3A_124, %add3A_131 : vector<16xi32>
      %gather3A_133 = tpu.vector_load_idx %arg9[%add3A_132] : memref<3072xf32, #tpu.memory_space<vmem>>[vector<16xi32>], vector<16xf32>,
      %mul3A_134 = arith.constant 2.000000e+01 : f32
      %mul3A_135 = vector.broadcast %mul3A_134 : f32 to vector<16xf32>
      %mul3A_136 = arith.mulf %gather3A_133, %mul3A_135 : vector<16xf32>
      %add3A_137 = arith.constant 3 : i32
      %add3A_138 = vector.broadcast %add3A_137 : i32 to vector<16xi32>
      %add3A_139 = arith.addi %mul3A_124, %add3A_138 : vector<16xi32>
      %gather3A_140 = tpu.vector_load_idx %arg9[%add3A_139] : memref<3072xf32, #tpu.memory_space<vmem>>[vector<16xi32>], vector<16xf32>,
      %mul3A_141 = arith.constant 2.000000e+01 : f32
      %mul3A_142 = vector.broadcast %mul3A_141 : f32 to vector<16xf32>
      %mul3A_143 = arith.mulf %gather3A_140, %mul3A_142 : vector<16xf32>
      %add3A_144 = arith.constant 4 : i32
      %add3A_145 = vector.broadcast %add3A_144 : i32 to vector<16xi32>
      %add3A_146 = arith.addi %mul3A_124, %add3A_145 : vector<16xi32>
      %gather3A_147 = tpu.vector_load_idx %arg9[%add3A_146] : memref<3072xf32, #tpu.memory_space<vmem>>[vector<16xi32>], vector<16xf32>,
      %mul3A_148 = arith.constant 2.000000e+01 : f32
      %mul3A_149 = vector.broadcast %mul3A_148 : f32 to vector<16xf32>
      %mul3A_150 = arith.mulf %gather3A_147, %mul3A_149 : vector<16xf32>
      %add3A_151 = arith.constant 5 : i32
      %add3A_152 = vector.broadcast %add3A_151 : i32 to vector<16xi32>
      %add3A_153 = arith.addi %mul3A_124, %add3A_152 : vector<16xi32>
      %gather3A_154 = tpu.vector_load_idx %arg9[%add3A_153] : memref<3072xf32, #tpu.memory_space<vmem>>[vector<16xi32>], vector<16xf32>,
      %mul3A_155 = arith.constant 2.000000e+01 : f32
      %mul3A_156 = vector.broadcast %mul3A_155 : f32 to vector<16xf32>
      %mul3A_157 = arith.mulf %gather3A_154, %mul3A_156 : vector<16xf32>
      %eq3A = arith.constant 0 : i32
      %eq3A_158 = vector.broadcast %eq3A : i32 to vector<16xi32>
      %eq3A_159 = arith.cmpi eq, %rem3A_118, %eq3A_158 : vector<16xi32>
      %eq3A_160 = arith.constant 1 : i32
      %eq3A_161 = vector.broadcast %eq3A_160 : i32 to vector<16xi32>
      %eq3A_162 = arith.cmpi eq, %rem3A_118, %eq3A_161 : vector<16xi32>
      %jit3A = arith.constant 1.600000e+01 : f32
      %jit3A_163 = arith.constant 3.300000e+01 : f32
      %broadcast_in_dim3A_164 = vector.broadcast %jit3A : f32 to vector<16xf32>
      %broadcast_in_dim3A_165 = vector.broadcast %jit3A_163 : f32 to vector<16xf32>
      %select_n3A = arith.select %eq3A_162, %broadcast_in_dim3A_164, %broadcast_in_dim3A_165 : vector<16xi1>, vector<16xf32>
      %jit3A_166 = arith.constant 1.000000e+01 : f32
      %broadcast_in_dim3A_167 = vector.broadcast %jit3A_166 : f32 to vector<16xf32>
      %select_n3A_168 = arith.select %eq3A_159, %broadcast_in_dim3A_167, %select_n3A : vector<16xi1>, vector<16xf32>
      %eq3A_169 = arith.constant 0 : i32
      %eq3A_170 = vector.broadcast %eq3A_169 : i32 to vector<16xi32>
      %eq3A_171 = arith.cmpi eq, %rem3A_118, %eq3A_170 : vector<16xi32>
      %eq3A_172 = arith.constant 1 : i32
      %eq3A_173 = vector.broadcast %eq3A_172 : i32 to vector<16xi32>
      %eq3A_174 = arith.cmpi eq, %rem3A_118, %eq3A_173 : vector<16xi32>
      %jit3A_175 = arith.constant 3.000000e+01 : f32
      %jit3A_176 = arith.constant 2.300000e+01 : f32
      %broadcast_in_dim3A_177 = vector.broadcast %jit3A_175 : f32 to vector<16xf32>
      %broadcast_in_dim3A_178 = vector.broadcast %jit3A_176 : f32 to vector<16xf32>
      %select_n3A_179 = arith.select %eq3A_174, %broadcast_in_dim3A_177, %broadcast_in_dim3A_178 : vector<16xi1>, vector<16xf32>
      %jit3A_180 = arith.constant 1.300000e+01 : f32
      %broadcast_in_dim3A_181 = vector.broadcast %jit3A_180 : f32 to vector<16xf32>
      %select_n3A_182 = arith.select %eq3A_171, %broadcast_in_dim3A_181, %select_n3A_179 : vector<16xi1>, vector<16xf32>
      %div3A_183 = arith.divf %mul3A_150, %select_n3A_168 : vector<16xf32>
      %div3A_184 = arith.divf %mul3A_157, %select_n3A_182 : vector<16xf32>
      %div3A_185 = arith.constant 1.000000e+00 : f32
      %div3A_186 = vector.broadcast %div3A_185 : f32 to vector<16xf32>
      %div3A_187 = arith.divf %div3A_186, %div3A_183 : vector<16xf32>
      %max3A = arith.maximumf %div3A_183, %div3A_187 : vector<16xf32>
      %div3A_188 = arith.constant 1.000000e+00 : f32
      %div3A_189 = vector.broadcast %div3A_188 : f32 to vector<16xf32>
      %div3A_190 = arith.divf %div3A_189, %div3A_184 : vector<16xf32>
      %max3A_191 = arith.maximumf %div3A_184, %div3A_190 : vector<16xf32>
      %max3A_192 = arith.maximumf %max3A, %max3A_191 : vector<16xf32>
      %lt3A = arith.constant 4.000000e+00 : f32
      %lt3A_193 = vector.broadcast %lt3A : f32 to vector<16xf32>
      %lt3A_194 = arith.cmpf olt, %max3A_192, %lt3A_193 : vector<16xf32>
      %rem3A_195 = arith.constant 1.000000e+00 : f32
      %rem3A_196 = vector.broadcast %rem3A_195 : f32 to vector<16xf32>
      %rem3A_197 = arith.remf %mul3A_136, %rem3A_196 : vector<16xf32>
      %rem3A_198 = arith.constant 1.000000e+00 : f32
      %rem3A_199 = vector.broadcast %rem3A_198 : f32 to vector<16xf32>
      %rem3A_200 = arith.remf %mul3A_143, %rem3A_199 : vector<16xf32>
      %eq3A_201 = arith.constant 0 : i32
      %eq3A_202 = vector.broadcast %eq3A_201 : i32 to vector<16xi32>
      %eq3A_203 = arith.cmpi eq, %div3A_121, %eq3A_202 : vector<16xi32>
      %eq3A_204 = arith.constant 1 : i32
      %eq3A_205 = vector.broadcast %eq3A_204 : i32 to vector<16xi32>
      %eq3A_206 = arith.cmpi eq, %div3A_121, %eq3A_205 : vector<16xi32>
      %lt3A_207 = arith.constant 5.000000e-01 : f32
      %lt3A_208 = vector.broadcast %lt3A_207 : f32 to vector<16xf32>
      %lt3A_209 = arith.cmpf olt, %rem3A_197, %lt3A_208 : vector<16xf32>
      %and3A = arith.andi %eq3A_206, %lt3A_209 : vector<16xi1>
      %gt3A = arith.constant 1.000000e+00 : f32
      %gt3A_210 = vector.broadcast %gt3A : f32 to vector<16xf32>
      %gt3A_211 = arith.cmpf ogt, %mul3A_136, %gt3A_210 : vector<16xf32>
      %and3A_212 = arith.andi %and3A, %gt3A_211 : vector<16xi1>
      %or3A = arith.ori %eq3A_203, %and3A_212 : vector<16xi1>
      %eq3A_213 = arith.constant 2 : i32
      %eq3A_214 = vector.broadcast %eq3A_213 : i32 to vector<16xi32>
      %eq3A_215 = arith.cmpi eq, %div3A_121, %eq3A_214 : vector<16xi32>
      %lt3A_216 = arith.constant 5.000000e-01 : f32
      %lt3A_217 = vector.broadcast %lt3A_216 : f32 to vector<16xf32>
      %lt3A_218 = arith.cmpf olt, %rem3A_200, %lt3A_217 : vector<16xf32>
      %and3A_219 = arith.andi %eq3A_215, %lt3A_218 : vector<16xi1>
      %gt3A_220 = arith.constant 1.000000e+00 : f32
      %gt3A_221 = vector.broadcast %gt3A_220 : f32 to vector<16xf32>
      %gt3A_222 = arith.cmpf ogt, %mul3A_143, %gt3A_221 : vector<16xf32>
      %and3A_223 = arith.andi %and3A_219, %gt3A_222 : vector<16xi1>
      %or3A_224 = arith.ori %or3A, %and3A_223 : vector<16xi1>
      %eq3A_225 = arith.constant 3 : i32
      %eq3A_226 = vector.broadcast %eq3A_225 : i32 to vector<16xi32>
      %eq3A_227 = arith.cmpi eq, %div3A_121, %eq3A_226 : vector<16xi32>
      %gt3A_228 = arith.constant 5.000000e-01 : f32
      %gt3A_229 = vector.broadcast %gt3A_228 : f32 to vector<16xf32>
      %gt3A_230 = arith.cmpf ogt, %rem3A_197, %gt3A_229 : vector<16xf32>
      %and3A_231 = arith.andi %eq3A_227, %gt3A_230 : vector<16xi1>
      %lt3A_232 = arith.constant 1.900000e+01 : f32
      %lt3A_233 = vector.broadcast %lt3A_232 : f32 to vector<16xf32>
      %lt3A_234 = arith.cmpf olt, %mul3A_136, %lt3A_233 : vector<16xf32>
      %and3A_235 = arith.andi %and3A_231, %lt3A_234 : vector<16xi1>
      %or3A_236 = arith.ori %or3A_224, %and3A_235 : vector<16xi1>
      %eq3A_237 = arith.constant 4 : i32
      %eq3A_238 = vector.broadcast %eq3A_237 : i32 to vector<16xi32>
      %eq3A_239 = arith.cmpi eq, %div3A_121, %eq3A_238 : vector<16xi32>
      %gt3A_240 = arith.constant 5.000000e-01 : f32
      %gt3A_241 = vector.broadcast %gt3A_240 : f32 to vector<16xf32>
      %gt3A_242 = arith.cmpf ogt, %rem3A_200, %gt3A_241 : vector<16xf32>
      %and3A_243 = arith.andi %eq3A_239, %gt3A_242 : vector<16xi1>
      %lt3A_244 = arith.constant 1.900000e+01 : f32
      %lt3A_245 = vector.broadcast %lt3A_244 : f32 to vector<16xf32>
      %lt3A_246 = arith.cmpf olt, %mul3A_143, %lt3A_245 : vector<16xf32>
      %and3A_247 = arith.andi %and3A_243, %lt3A_246 : vector<16xi1>
      %or3A_248 = arith.ori %or3A_236, %and3A_247 : vector<16xi1>
      %and3A_249 = arith.andi %lt3A_194, %or3A_248 : vector<16xi1>
      %eq3A_250 = arith.constant 1 : i32
      %eq3A_251 = vector.broadcast %eq3A_250 : i32 to vector<16xi32>
      %eq3A_252 = arith.cmpi eq, %div3A_121, %eq3A_251 : vector<16xi32>
      %eq3A_253 = arith.constant 3 : i32
      %eq3A_254 = vector.broadcast %eq3A_253 : i32 to vector<16xi32>
      %eq3A_255 = arith.cmpi eq, %div3A_121, %eq3A_254 : vector<16xi32>
      %jit3A_256 = arith.constant -5.000000e-01 : f32
      %jit3A_257 = arith.constant 0.000000e+00 : f32
      %broadcast_in_dim3A_258 = vector.broadcast %jit3A_256 : f32 to vector<16xf32>
      %broadcast_in_dim3A_259 = vector.broadcast %jit3A_257 : f32 to vector<16xf32>
      %select_n3A_260 = arith.select %eq3A_255, %broadcast_in_dim3A_258, %broadcast_in_dim3A_259 : vector<16xi1>, vector<16xf32>
      %jit3A_261 = arith.constant 5.000000e-01 : f32
      %broadcast_in_dim3A_262 = vector.broadcast %jit3A_261 : f32 to vector<16xf32>
      %select_n3A_263 = arith.select %eq3A_252, %broadcast_in_dim3A_262, %select_n3A_260 : vector<16xi1>, vector<16xf32>
      %eq3A_264 = arith.constant 2 : i32
      %eq3A_265 = vector.broadcast %eq3A_264 : i32 to vector<16xi32>
      %eq3A_266 = arith.cmpi eq, %div3A_121, %eq3A_265 : vector<16xi32>
      %eq3A_267 = arith.constant 4 : i32
      %eq3A_268 = vector.broadcast %eq3A_267 : i32 to vector<16xi32>
      %eq3A_269 = arith.cmpi eq, %div3A_121, %eq3A_268 : vector<16xi32>
      %jit3A_270 = arith.constant -5.000000e-01 : f32
      %jit3A_271 = arith.constant 0.000000e+00 : f32
      %broadcast_in_dim3A_272 = vector.broadcast %jit3A_270 : f32 to vector<16xf32>
      %broadcast_in_dim3A_273 = vector.broadcast %jit3A_271 : f32 to vector<16xf32>
      %select_n3A_274 = arith.select %eq3A_269, %broadcast_in_dim3A_272, %broadcast_in_dim3A_273 : vector<16xi1>, vector<16xf32>
      %jit3A_275 = arith.constant 5.000000e-01 : f32
      %broadcast_in_dim3A_276 = vector.broadcast %jit3A_275 : f32 to vector<16xf32>
      %select_n3A_277 = arith.select %eq3A_266, %broadcast_in_dim3A_276, %select_n3A_274 : vector<16xi1>, vector<16xf32>
      %sub3A = arith.subf %mul3A_136, %select_n3A_263 : vector<16xf32>
      %convert_element_type3A_278 = arith.fptosi %sub3A : vector<16xf32> to vector<16xi32>
      %sub3A_279 = arith.subf %mul3A_143, %select_n3A_277 : vector<16xf32>
      %convert_element_type3A_280 = arith.fptosi %sub3A_279 : vector<16xf32> to vector<16xi32>
      %mul3A_281 = arith.constant 255 : i32
      %mul3A_282 = vector.broadcast %mul3A_281 : i32 to vector<16xi32>
      %mul3A_283 = arith.muli %convert_element_type3A, %mul3A_282 : vector<16xi32>
      %mul3A_284 = arith.constant 85 : i32
      %mul3A_285 = vector.broadcast %mul3A_284 : i32 to vector<16xi32>
      %mul3A_286 = arith.muli %rem3A_118, %mul3A_285 : vector<16xi32>
      %add3A_287 = arith.addi %mul3A_283, %mul3A_286 : vector<16xi32>
      %mul3A_288 = arith.constant 400 : i32
      %mul3A_289 = vector.broadcast %mul3A_288 : i32 to vector<16xi32>
      %mul3A_290 = arith.muli %add3A_287, %mul3A_289 : vector<16xi32>
      %mul3A_291 = arith.constant 20 : i32
      %mul3A_292 = vector.broadcast %mul3A_291 : i32 to vector<16xi32>
      %mul3A_293 = arith.muli %convert_element_type3A_280, %mul3A_292 : vector<16xi32>
      %add3A_294 = arith.addi %mul3A_290, %mul3A_293 : vector<16xi32>
      %add3A_295 = arith.addi %add3A_294, %convert_element_type3A_278 : vector<16xi32>
      %mul3A_296 = arith.constant 16 : i32
      %mul3A_297 = arith.muli %scan3A_103, %mul3A_296 : i32
      %swap3A_298 = arith.index_cast %mul3A_297 : i32 to index
      %swap3A_299 = tpu.vector_load %arg10[%swap3A_298] {strides = array<i32>} : memref<20400xi32, #tpu.memory_space<vmem>>, vector<16xi32>,
      tpu.vector_store %arg10[%swap3A_298], %add3A_295 {strides = array<i32>} : memref<20400xi32, #tpu.memory_space<vmem>>, vector<16xi32>,
      %jit3A_300 = arith.constant 1.000000e+00 : f32
      %jit3A_301 = arith.constant 0.000000e+00 : f32
      %broadcast_in_dim3A_302 = vector.broadcast %jit3A_300 : f32 to vector<16xf32>
      %broadcast_in_dim3A_303 = vector.broadcast %jit3A_301 : f32 to vector<16xf32>
      %select_n3A_304 = arith.select %and3A_249, %broadcast_in_dim3A_302, %broadcast_in_dim3A_303 : vector<16xi1>, vector<16xf32>
      %swap3A_305 = arith.index_cast %mul3A_297 : i32 to index
      %swap3A_306 = tpu.vector_load %arg12[%swap3A_305] {strides = array<i32>} : memref<240xf32, #tpu.memory_space<vmem>>, vector<16xf32>,
      tpu.vector_store %arg12[%swap3A_305], %select_n3A_304 {strides = array<i32>} : memref<240xf32, #tpu.memory_space<vmem>>, vector<16xf32>,
      %convert_element_type3A_307 = arith.sitofp %convert_element_type3A_278 : vector<16xi32> to vector<16xf32>
      %sub3A_308 = arith.subf %mul3A_136, %convert_element_type3A_307 : vector<16xf32>
      %swap3A_309 = arith.index_cast %mul3A_297 : i32 to index
      %swap3A_310 = tpu.vector_load %arg13[%swap3A_309] {strides = array<i32>} : memref<240xf32, #tpu.memory_space<vmem>>, vector<16xf32>,
      tpu.vector_store %arg13[%swap3A_309], %sub3A_308 {strides = array<i32>} : memref<240xf32, #tpu.memory_space<vmem>>, vector<16xf32>,
      %convert_element_type3A_311 = arith.sitofp %convert_element_type3A_280 : vector<16xi32> to vector<16xf32>
      %sub3A_312 = arith.subf %mul3A_143, %convert_element_type3A_311 : vector<16xf32>
      %swap3A_313 = arith.index_cast %mul3A_297 : i32 to index
      %swap3A_314 = tpu.vector_load %arg14[%swap3A_313] {strides = array<i32>} : memref<240xf32, #tpu.memory_space<vmem>>, vector<16xf32>,
      tpu.vector_store %arg14[%swap3A_313], %sub3A_312 {strides = array<i32>} : memref<240xf32, #tpu.memory_space<vmem>>, vector<16xf32>,
      %swap3A_315 = arith.index_cast %mul3A_297 : i32 to index
      %swap3A_316 = tpu.vector_load %arg15[%swap3A_315] {strides = array<i32>} : memref<240xf32, #tpu.memory_space<vmem>>, vector<16xf32>,
      tpu.vector_store %arg15[%swap3A_315], %mul3A_150 {strides = array<i32>} : memref<240xf32, #tpu.memory_space<vmem>>, vector<16xf32>,
      %swap3A_317 = arith.index_cast %mul3A_297 : i32 to index
      %swap3A_318 = tpu.vector_load %arg16[%swap3A_317] {strides = array<i32>} : memref<240xf32, #tpu.memory_space<vmem>>, vector<16xf32>,
      tpu.vector_store %arg16[%swap3A_317], %mul3A_157 {strides = array<i32>} : memref<240xf32, #tpu.memory_space<vmem>>, vector<16xf32>,
      %swap3A_319 = arith.index_cast %mul3A_297 : i32 to index
      %swap3A_320 = tpu.vector_load %arg17[%swap3A_319] {strides = array<i32>} : memref<240xf32, #tpu.memory_space<vmem>>, vector<16xf32>,
      tpu.vector_store %arg17[%swap3A_319], %select_n3A_168 {strides = array<i32>} : memref<240xf32, #tpu.memory_space<vmem>>, vector<16xf32>,
      %swap3A_321 = arith.index_cast %mul3A_297 : i32 to index
      %swap3A_322 = tpu.vector_load %arg18[%swap3A_321] {strides = array<i32>} : memref<240xf32, #tpu.memory_space<vmem>>, vector<16xf32>,
      tpu.vector_store %arg18[%swap3A_321], %select_n3A_182 {strides = array<i32>} : memref<240xf32, #tpu.memory_space<vmem>>, vector<16xf32>,
      %swap3A_323 = arith.index_cast %mul3A_297 : i32 to index
      %swap3A_324 = tpu.vector_load %arg19[%swap3A_323] {strides = array<i32>} : memref<240xi32, #tpu.memory_space<vmem>>, vector<16xi32>,
      tpu.vector_store %arg19[%swap3A_323], %convert_element_type3A_129 {strides = array<i32>} : memref<240xi32, #tpu.memory_space<vmem>>, vector<16xi32>,
      %scan3A_325 = arith.constant 0 : i32
      scf.yield %scan3A_325 : i32
    }
    %scan3A_6 = arith.constant 15 : i32
    %scan3A_7 = arith.constant 0 : i32
    %scan3A_8 = arith.constant 1 : i32
    %scan3A_9 = arith.constant 84 : i32
    %scan3A_10 = arith.addi %scan3A_8, %scan3A_9 : i32
    %scan3A_11 = arith.constant 1 : i32
    %scan3A_12 = scf.for %scan3A_103 = %scan3A_8 to %scan3A_10 step %scan3A_11 iter_args(%scan3A_104 = %scan3A_7) -> (i32)  : i32 {
      %sub3A = arith.constant 1 : i32
      %sub3A_105 = arith.subi %scan3A_103, %sub3A : i32
      %mul3A_106 = arith.constant 240 : i32
      %mul3A_107 = arith.muli %sub3A_105, %mul3A_106 : i32
      %add3A_108 = arith.constant 0 : i32
      %add3A_109 = arith.addi %mul3A_107, %add3A_108 : i32
      %get3A = arith.index_cast %add3A_109 : i32 to index
      %get3A_110 = tpu.vector_load %arg10[%get3A] {strides = array<i32>} : memref<20400xi32, #tpu.memory_space<vmem>>, vector<16xi32>,
      %add3A_111 = arith.constant 400 : i32
      %add3A_112 = vector.broadcast %add3A_111 : i32 to vector<16xi32>
      %add3A_113 = arith.addi %get3A_110, %add3A_112 : vector<16xi32>
      %mul3A_114 = arith.constant 240 : i32
      %mul3A_115 = arith.muli %scan3A_103, %mul3A_114 : i32
      %add3A_116 = arith.constant 0 : i32
      %add3A_117 = arith.addi %mul3A_115, %add3A_116 : i32
      %swap3A_118 = arith.index_cast %add3A_117 : i32 to index
      %swap3A_119 = tpu.vector_load %arg10[%swap3A_118] {strides = array<i32>} : memref<20400xi32, #tpu.memory_space<vmem>>, vector<16xi32>,
      tpu.vector_store %arg10[%swap3A_118], %add3A_113 {strides = array<i32>} : memref<20400xi32, #tpu.memory_space<vmem>>, vector<16xi32>,
      %sub3A_120 = arith.constant 1 : i32
      %sub3A_121 = arith.subi %scan3A_103, %sub3A_120 : i32
      %mul3A_122 = arith.constant 240 : i32
      %mul3A_123 = arith.muli %sub3A_121, %mul3A_122 : i32
      %add3A_124 = arith.constant 16 : i32
      %add3A_125 = arith.addi %mul3A_123, %add3A_124 : i32
      %get3A_126 = arith.index_cast %add3A_125 : i32 to index
      %get3A_127 = tpu.vector_load %arg10[%get3A_126] {strides = array<i32>} : memref<20400xi32, #tpu.memory_space<vmem>>, vector<16xi32>,
      %add3A_128 = arith.constant 400 : i32
      %add3A_129 = vector.broadcast %add3A_128 : i32 to vector<16xi32>
      %add3A_130 = arith.addi %get3A_127, %add3A_129 : vector<16xi32>
      %mul3A_131 = arith.constant 240 : i32
      %mul3A_132 = arith.muli %scan3A_103, %mul3A_131 : i32
      %add3A_133 = arith.constant 16 : i32
      %add3A_134 = arith.addi %mul3A_132, %add3A_133 : i32
      %swap3A_135 = arith.index_cast %add3A_134 : i32 to index
      %swap3A_136 = tpu.vector_load %arg10[%swap3A_135] {strides = array<i32>} : memref<20400xi32, #tpu.memory_space<vmem>>, vector<16xi32>,
      tpu.vector_store %arg10[%swap3A_135], %add3A_130 {strides = array<i32>} : memref<20400xi32, #tpu.memory_space<vmem>>, vector<16xi32>,
      %sub3A_137 = arith.constant 1 : i32
      %sub3A_138 = arith.subi %scan3A_103, %sub3A_137 : i32
      %mul3A_139 = arith.constant 240 : i32
      %mul3A_140 = arith.muli %sub3A_138, %mul3A_139 : i32
      %add3A_141 = arith.constant 32 : i32
      %add3A_142 = arith.addi %mul3A_140, %add3A_141 : i32
      %get3A_143 = arith.index_cast %add3A_142 : i32 to index
      %get3A_144 = tpu.vector_load %arg10[%get3A_143] {strides = array<i32>} : memref<20400xi32, #tpu.memory_space<vmem>>, vector<16xi32>,
      %add3A_145 = arith.constant 400 : i32
      %add3A_146 = vector.broadcast %add3A_145 : i32 to vector<16xi32>
      %add3A_147 = arith.addi %get3A_144, %add3A_146 : vector<16xi32>
      %mul3A_148 = arith.constant 240 : i32
      %mul3A_149 = arith.muli %scan3A_103, %mul3A_148 : i32
      %add3A_150 = arith.constant 32 : i32
      %add3A_151 = arith.addi %mul3A_149, %add3A_150 : i32
      %swap3A_152 = arith.index_cast %add3A_151 : i32 to index
      %swap3A_153 = tpu.vector_load %arg10[%swap3A_152] {strides = array<i32>} : memref<20400xi32, #tpu.memory_space<vmem>>, vector<16xi32>,
      tpu.vector_store %arg10[%swap3A_152], %add3A_147 {strides = array<i32>} : memref<20400xi32, #tpu.memory_space<vmem>>, vector<16xi32>,
      %sub3A_154 = arith.constant 1 : i32
      %sub3A_155 = arith.subi %scan3A_103, %sub3A_154 : i32
      %mul3A_156 = arith.constant 240 : i32
      %mul3A_157 = arith.muli %sub3A_155, %mul3A_156 : i32
      %add3A_158 = arith.constant 48 : i32
      %add3A_159 = arith.addi %mul3A_157, %add3A_158 : i32
      %get3A_160 = arith.index_cast %add3A_159 : i32 to index
      %get3A_161 = tpu.vector_load %arg10[%get3A_160] {strides = array<i32>} : memref<20400xi32, #tpu.memory_space<vmem>>, vector<16xi32>,
      %add3A_162 = arith.constant 400 : i32
      %add3A_163 = vector.broadcast %add3A_162 : i32 to vector<16xi32>
      %add3A_164 = arith.addi %get3A_161, %add3A_163 : vector<16xi32>
      %mul3A_165 = arith.constant 240 : i32
      %mul3A_166 = arith.muli %scan3A_103, %mul3A_165 : i32
      %add3A_167 = arith.constant 48 : i32
      %add3A_168 = arith.addi %mul3A_166, %add3A_167 : i32
      %swap3A_169 = arith.index_cast %add3A_168 : i32 to index
      %swap3A_170 = tpu.vector_load %arg10[%swap3A_169] {strides = array<i32>} : memref<20400xi32, #tpu.memory_space<vmem>>, vector<16xi32>,
      tpu.vector_store %arg10[%swap3A_169], %add3A_164 {strides = array<i32>} : memref<20400xi32, #tpu.memory_space<vmem>>, vector<16xi32>,
      %sub3A_171 = arith.constant 1 : i32
      %sub3A_172 = arith.subi %scan3A_103, %sub3A_171 : i32
      %mul3A_173 = arith.constant 240 : i32
      %mul3A_174 = arith.muli %sub3A_172, %mul3A_173 : i32
      %add3A_175 = arith.constant 64 : i32
      %add3A_176 = arith.addi %mul3A_174, %add3A_175 : i32
      %get3A_177 = arith.index_cast %add3A_176 : i32 to index
      %get3A_178 = tpu.vector_load %arg10[%get3A_177] {strides = array<i32>} : memref<20400xi32, #tpu.memory_space<vmem>>, vector<16xi32>,
      %add3A_179 = arith.constant 400 : i32
      %add3A_180 = vector.broadcast %add3A_179 : i32 to vector<16xi32>
      %add3A_181 = arith.addi %get3A_178, %add3A_180 : vector<16xi32>
      %mul3A_182 = arith.constant 240 : i32
      %mul3A_183 = arith.muli %scan3A_103, %mul3A_182 : i32
      %add3A_184 = arith.constant 64 : i32
      %add3A_185 = arith.addi %mul3A_183, %add3A_184 : i32
      %swap3A_186 = arith.index_cast %add3A_185 : i32 to index
      %swap3A_187 = tpu.vector_load %arg10[%swap3A_186] {strides = array<i32>} : memref<20400xi32, #tpu.memory_space<vmem>>, vector<16xi32>,
      tpu.vector_store %arg10[%swap3A_186], %add3A_181 {strides = array<i32>} : memref<20400xi32, #tpu.memory_space<vmem>>, vector<16xi32>,
      %sub3A_188 = arith.constant 1 : i32
      %sub3A_189 = arith.subi %scan3A_103, %sub3A_188 : i32
      %mul3A_190 = arith.constant 240 : i32
      %mul3A_191 = arith.muli %sub3A_189, %mul3A_190 : i32
      %add3A_192 = arith.constant 80 : i32
      %add3A_193 = arith.addi %mul3A_191, %add3A_192 : i32
      %get3A_194 = arith.index_cast %add3A_193 : i32 to index
      %get3A_195 = tpu.vector_load %arg10[%get3A_194] {strides = array<i32>} : memref<20400xi32, #tpu.memory_space<vmem>>, vector<16xi32>,
      %add3A_196 = arith.constant 400 : i32
      %add3A_197 = vector.broadcast %add3A_196 : i32 to vector<16xi32>
      %add3A_198 = arith.addi %get3A_195, %add3A_197 : vector<16xi32>
      %mul3A_199 = arith.constant 240 : i32
      %mul3A_200 = arith.muli %scan3A_103, %mul3A_199 : i32
      %add3A_201 = arith.constant 80 : i32
      %add3A_202 = arith.addi %mul3A_200, %add3A_201 : i32
      %swap3A_203 = arith.index_cast %add3A_202 : i32 to index
      %swap3A_204 = tpu.vector_load %arg10[%swap3A_203] {strides = array<i32>} : memref<20400xi32, #tpu.memory_space<vmem>>, vector<16xi32>,
      tpu.vector_store %arg10[%swap3A_203], %add3A_198 {strides = array<i32>} : memref<20400xi32, #tpu.memory_space<vmem>>, vector<16xi32>,
      %sub3A_205 = arith.constant 1 : i32
      %sub3A_206 = arith.subi %scan3A_103, %sub3A_205 : i32
      %mul3A_207 = arith.constant 240 : i32
      %mul3A_208 = arith.muli %sub3A_206, %mul3A_207 : i32
      %add3A_209 = arith.constant 96 : i32
      %add3A_210 = arith.addi %mul3A_208, %add3A_209 : i32
      %get3A_211 = arith.index_cast %add3A_210 : i32 to index
      %get3A_212 = tpu.vector_load %arg10[%get3A_211] {strides = array<i32>} : memref<20400xi32, #tpu.memory_space<vmem>>, vector<16xi32>,
      %add3A_213 = arith.constant 400 : i32
      %add3A_214 = vector.broadcast %add3A_213 : i32 to vector<16xi32>
      %add3A_215 = arith.addi %get3A_212, %add3A_214 : vector<16xi32>
      %mul3A_216 = arith.constant 240 : i32
      %mul3A_217 = arith.muli %scan3A_103, %mul3A_216 : i32
      %add3A_218 = arith.constant 96 : i32
      %add3A_219 = arith.addi %mul3A_217, %add3A_218 : i32
      %swap3A_220 = arith.index_cast %add3A_219 : i32 to index
      %swap3A_221 = tpu.vector_load %arg10[%swap3A_220] {strides = array<i32>} : memref<20400xi32, #tpu.memory_space<vmem>>, vector<16xi32>,
      tpu.vector_store %arg10[%swap3A_220], %add3A_215 {strides = array<i32>} : memref<20400xi32, #tpu.memory_space<vmem>>, vector<16xi32>,
      %sub3A_222 = arith.constant 1 : i32
      %sub3A_223 = arith.subi %scan3A_103, %sub3A_222 : i32
      %mul3A_224 = arith.constant 240 : i32
      %mul3A_225 = arith.muli %sub3A_223, %mul3A_224 : i32
      %add3A_226 = arith.constant 112 : i32
      %add3A_227 = arith.addi %mul3A_225, %add3A_226 : i32
      %get3A_228 = arith.index_cast %add3A_227 : i32 to index
      %get3A_229 = tpu.vector_load %arg10[%get3A_228] {strides = array<i32>} : memref<20400xi32, #tpu.memory_space<vmem>>, vector<16xi32>,
      %add3A_230 = arith.constant 400 : i32
      %add3A_231 = vector.broadcast %add3A_230 : i32 to vector<16xi32>
      %add3A_232 = arith.addi %get3A_229, %add3A_231 : vector<16xi32>
      %mul3A_233 = arith.constant 240 : i32
      %mul3A_234 = arith.muli %scan3A_103, %mul3A_233 : i32
      %add3A_235 = arith.constant 112 : i32
      %add3A_236 = arith.addi %mul3A_234, %add3A_235 : i32
      %swap3A_237 = arith.index_cast %add3A_236 : i32 to index
      %swap3A_238 = tpu.vector_load %arg10[%swap3A_237] {strides = array<i32>} : memref<20400xi32, #tpu.memory_space<vmem>>, vector<16xi32>,
      tpu.vector_store %arg10[%swap3A_237], %add3A_232 {strides = array<i32>} : memref<20400xi32, #tpu.memory_space<vmem>>, vector<16xi32>,
      %sub3A_239 = arith.constant 1 : i32
      %sub3A_240 = arith.subi %scan3A_103, %sub3A_239 : i32
      %mul3A_241 = arith.constant 240 : i32
      %mul3A_242 = arith.muli %sub3A_240, %mul3A_241 : i32
      %add3A_243 = arith.constant 128 : i32
      %add3A_244 = arith.addi %mul3A_242, %add3A_243 : i32
      %get3A_245 = arith.index_cast %add3A_244 : i32 to index
      %get3A_246 = tpu.vector_load %arg10[%get3A_245] {strides = array<i32>} : memref<20400xi32, #tpu.memory_space<vmem>>, vector<16xi32>,
      %add3A_247 = arith.constant 400 : i32
      %add3A_248 = vector.broadcast %add3A_247 : i32 to vector<16xi32>
      %add3A_249 = arith.addi %get3A_246, %add3A_248 : vector<16xi32>
      %mul3A_250 = arith.constant 240 : i32
      %mul3A_251 = arith.muli %scan3A_103, %mul3A_250 : i32
      %add3A_252 = arith.constant 128 : i32
      %add3A_253 = arith.addi %mul3A_251, %add3A_252 : i32
      %swap3A_254 = arith.index_cast %add3A_253 : i32 to index
      %swap3A_255 = tpu.vector_load %arg10[%swap3A_254] {strides = array<i32>} : memref<20400xi32, #tpu.memory_space<vmem>>, vector<16xi32>,
      tpu.vector_store %arg10[%swap3A_254], %add3A_249 {strides = array<i32>} : memref<20400xi32, #tpu.memory_space<vmem>>, vector<16xi32>,
      %sub3A_256 = arith.constant 1 : i32
      %sub3A_257 = arith.subi %scan3A_103, %sub3A_256 : i32
      %mul3A_258 = arith.constant 240 : i32
      %mul3A_259 = arith.muli %sub3A_257, %mul3A_258 : i32
      %add3A_260 = arith.constant 144 : i32
      %add3A_261 = arith.addi %mul3A_259, %add3A_260 : i32
      %get3A_262 = arith.index_cast %add3A_261 : i32 to index
      %get3A_263 = tpu.vector_load %arg10[%get3A_262] {strides = array<i32>} : memref<20400xi32, #tpu.memory_space<vmem>>, vector<16xi32>,
      %add3A_264 = arith.constant 400 : i32
      %add3A_265 = vector.broadcast %add3A_264 : i32 to vector<16xi32>
      %add3A_266 = arith.addi %get3A_263, %add3A_265 : vector<16xi32>
      %mul3A_267 = arith.constant 240 : i32
      %mul3A_268 = arith.muli %scan3A_103, %mul3A_267 : i32
      %add3A_269 = arith.constant 144 : i32
      %add3A_270 = arith.addi %mul3A_268, %add3A_269 : i32
      %swap3A_271 = arith.index_cast %add3A_270 : i32 to index
      %swap3A_272 = tpu.vector_load %arg10[%swap3A_271] {strides = array<i32>} : memref<20400xi32, #tpu.memory_space<vmem>>, vector<16xi32>,
      tpu.vector_store %arg10[%swap3A_271], %add3A_266 {strides = array<i32>} : memref<20400xi32, #tpu.memory_space<vmem>>, vector<16xi32>,
      %sub3A_273 = arith.constant 1 : i32
      %sub3A_274 = arith.subi %scan3A_103, %sub3A_273 : i32
      %mul3A_275 = arith.constant 240 : i32
      %mul3A_276 = arith.muli %sub3A_274, %mul3A_275 : i32
      %add3A_277 = arith.constant 160 : i32
      %add3A_278 = arith.addi %mul3A_276, %add3A_277 : i32
      %get3A_279 = arith.index_cast %add3A_278 : i32 to index
      %get3A_280 = tpu.vector_load %arg10[%get3A_279] {strides = array<i32>} : memref<20400xi32, #tpu.memory_space<vmem>>, vector<16xi32>,
      %add3A_281 = arith.constant 400 : i32
      %add3A_282 = vector.broadcast %add3A_281 : i32 to vector<16xi32>
      %add3A_283 = arith.addi %get3A_280, %add3A_282 : vector<16xi32>
      %mul3A_284 = arith.constant 240 : i32
      %mul3A_285 = arith.muli %scan3A_103, %mul3A_284 : i32
      %add3A_286 = arith.constant 160 : i32
      %add3A_287 = arith.addi %mul3A_285, %add3A_286 : i32
      %swap3A_288 = arith.index_cast %add3A_287 : i32 to index
      %swap3A_289 = tpu.vector_load %arg10[%swap3A_288] {strides = array<i32>} : memref<20400xi32, #tpu.memory_space<vmem>>, vector<16xi32>,
      tpu.vector_store %arg10[%swap3A_288], %add3A_283 {strides = array<i32>} : memref<20400xi32, #tpu.memory_space<vmem>>, vector<16xi32>,
      %sub3A_290 = arith.constant 1 : i32
      %sub3A_291 = arith.subi %scan3A_103, %sub3A_290 : i32
      %mul3A_292 = arith.constant 240 : i32
      %mul3A_293 = arith.muli %sub3A_291, %mul3A_292 : i32
      %add3A_294 = arith.constant 176 : i32
      %add3A_295 = arith.addi %mul3A_293, %add3A_294 : i32
      %get3A_296 = arith.index_cast %add3A_295 : i32 to index
      %get3A_297 = tpu.vector_load %arg10[%get3A_296] {strides = array<i32>} : memref<20400xi32, #tpu.memory_space<vmem>>, vector<16xi32>,
      %add3A_298 = arith.constant 400 : i32
      %add3A_299 = vector.broadcast %add3A_298 : i32 to vector<16xi32>
      %add3A_300 = arith.addi %get3A_297, %add3A_299 : vector<16xi32>
      %mul3A_301 = arith.constant 240 : i32
      %mul3A_302 = arith.muli %scan3A_103, %mul3A_301 : i32
      %add3A_303 = arith.constant 176 : i32
      %add3A_304 = arith.addi %mul3A_302, %add3A_303 : i32
      %swap3A_305 = arith.index_cast %add3A_304 : i32 to index
      %swap3A_306 = tpu.vector_load %arg10[%swap3A_305] {strides = array<i32>} : memref<20400xi32, #tpu.memory_space<vmem>>, vector<16xi32>,
      tpu.vector_store %arg10[%swap3A_305], %add3A_300 {strides = array<i32>} : memref<20400xi32, #tpu.memory_space<vmem>>, vector<16xi32>,
      %sub3A_307 = arith.constant 1 : i32
      %sub3A_308 = arith.subi %scan3A_103, %sub3A_307 : i32
      %mul3A_309 = arith.constant 240 : i32
      %mul3A_310 = arith.muli %sub3A_308, %mul3A_309 : i32
      %add3A_311 = arith.constant 192 : i32
      %add3A_312 = arith.addi %mul3A_310, %add3A_311 : i32
      %get3A_313 = arith.index_cast %add3A_312 : i32 to index
      %get3A_314 = tpu.vector_load %arg10[%get3A_313] {strides = array<i32>} : memref<20400xi32, #tpu.memory_space<vmem>>, vector<16xi32>,
      %add3A_315 = arith.constant 400 : i32
      %add3A_316 = vector.broadcast %add3A_315 : i32 to vector<16xi32>
      %add3A_317 = arith.addi %get3A_314, %add3A_316 : vector<16xi32>
      %mul3A_318 = arith.constant 240 : i32
      %mul3A_319 = arith.muli %scan3A_103, %mul3A_318 : i32
      %add3A_320 = arith.constant 192 : i32
      %add3A_321 = arith.addi %mul3A_319, %add3A_320 : i32
      %swap3A_322 = arith.index_cast %add3A_321 : i32 to index
      %swap3A_323 = tpu.vector_load %arg10[%swap3A_322] {strides = array<i32>} : memref<20400xi32, #tpu.memory_space<vmem>>, vector<16xi32>,
      tpu.vector_store %arg10[%swap3A_322], %add3A_317 {strides = array<i32>} : memref<20400xi32, #tpu.memory_space<vmem>>, vector<16xi32>,
      %sub3A_324 = arith.constant 1 : i32
      %sub3A_325 = arith.subi %scan3A_103, %sub3A_324 : i32
      %mul3A_326 = arith.constant 240 : i32
      %mul3A_327 = arith.muli %sub3A_325, %mul3A_326 : i32
      %add3A_328 = arith.constant 208 : i32
      %add3A_329 = arith.addi %mul3A_327, %add3A_328 : i32
      %get3A_330 = arith.index_cast %add3A_329 : i32 to index
      %get3A_331 = tpu.vector_load %arg10[%get3A_330] {strides = array<i32>} : memref<20400xi32, #tpu.memory_space<vmem>>, vector<16xi32>,
      %add3A_332 = arith.constant 400 : i32
      %add3A_333 = vector.broadcast %add3A_332 : i32 to vector<16xi32>
      %add3A_334 = arith.addi %get3A_331, %add3A_333 : vector<16xi32>
      %mul3A_335 = arith.constant 240 : i32
      %mul3A_336 = arith.muli %scan3A_103, %mul3A_335 : i32
      %add3A_337 = arith.constant 208 : i32
      %add3A_338 = arith.addi %mul3A_336, %add3A_337 : i32
      %swap3A_339 = arith.index_cast %add3A_338 : i32 to index
      %swap3A_340 = tpu.vector_load %arg10[%swap3A_339] {strides = array<i32>} : memref<20400xi32, #tpu.memory_space<vmem>>, vector<16xi32>,
      tpu.vector_store %arg10[%swap3A_339], %add3A_334 {strides = array<i32>} : memref<20400xi32, #tpu.memory_space<vmem>>, vector<16xi32>,
      %sub3A_341 = arith.constant 1 : i32
      %sub3A_342 = arith.subi %scan3A_103, %sub3A_341 : i32
      %mul3A_343 = arith.constant 240 : i32
      %mul3A_344 = arith.muli %sub3A_342, %mul3A_343 : i32
      %add3A_345 = arith.constant 224 : i32
      %add3A_346 = arith.addi %mul3A_344, %add3A_345 : i32
      %get3A_347 = arith.index_cast %add3A_346 : i32 to index
      %get3A_348 = tpu.vector_load %arg10[%get3A_347] {strides = array<i32>} : memref<20400xi32, #tpu.memory_space<vmem>>, vector<16xi32>,
      %add3A_349 = arith.constant 400 : i32
      %add3A_350 = vector.broadcast %add3A_349 : i32 to vector<16xi32>
      %add3A_351 = arith.addi %get3A_348, %add3A_350 : vector<16xi32>
      %mul3A_352 = arith.constant 240 : i32
      %mul3A_353 = arith.muli %scan3A_103, %mul3A_352 : i32
      %add3A_354 = arith.constant 224 : i32
      %add3A_355 = arith.addi %mul3A_353, %add3A_354 : i32
      %swap3A_356 = arith.index_cast %add3A_355 : i32 to index
      %swap3A_357 = tpu.vector_load %arg10[%swap3A_356] {strides = array<i32>} : memref<20400xi32, #tpu.memory_space<vmem>>, vector<16xi32>,
      tpu.vector_store %arg10[%swap3A_356], %add3A_351 {strides = array<i32>} : memref<20400xi32, #tpu.memory_space<vmem>>, vector<16xi32>,
      %scan3A_358 = arith.constant 0 : i32
      scf.yield %scan3A_358 : i32
    }
    %scan3A_13 = arith.constant 84 : i32
    %dma_start3A = arith.constant 0 : i32
    %dma_start3A_14 = tpu.memref_slice %arg2[%dma_start3A] : memref<3264000xf32, #tpu.memory_space<hbm>> -> memref<3264000xf32, #tpu.memory_space<hbm>>
    tpu.enqueue_indirect_dma source(%dma_start3A_14 : memref<3264000xf32, #tpu.memory_space<hbm>>) target(%arg11 : memref<20400xf32, #tpu.memory_space<vmem>>) offsets(%arg10 : memref<20400xi32, #tpu.memory_space<vmem>>) semaphore(%arg21 : memref<!tpu.dma_semaphore, #tpu.memory_space<semaphore_mem>>)
    %dma_wait3A = arith.constant 0 : i32
    %dma_wait3A_15 = tpu.memref_slice %arg2[%dma_wait3A] : memref<3264000xf32, #tpu.memory_space<hbm>> -> memref<3264000xf32, #tpu.memory_space<hbm>>
    tpu.wait_indirect_dma semaphore(%arg21 : memref<!tpu.dma_semaphore, #tpu.memory_space<semaphore_mem>>) src(%dma_wait3A_15 : memref<3264000xf32, #tpu.memory_space<hbm>>) dst(%arg11 : memref<20400xf32, #tpu.memory_space<vmem>>)
    %broadcast_in_dim3A = arith.constant 0.000000e+00 : f32
    %broadcast_in_dim3A_16 = vector.broadcast %broadcast_in_dim3A : f32 to vector<16xf32>
    %scan3A_17 = arith.constant 0 : i32
    %scan3A_18 = arith.constant 15 : i32
    %scan3A_19 = arith.addi %scan3A_17, %scan3A_18 : i32
    %scan3A_20 = arith.constant 1 : i32
    %scan3A_21:4 = scf.for %scan3A_103 = %scan3A_17 to %scan3A_19 step %scan3A_20 iter_args(%scan3A_104 = %broadcast_in_dim3A_16, %scan3A_105 = %broadcast_in_dim3A_16, %scan3A_106 = %broadcast_in_dim3A_16, %scan3A_107 = %broadcast_in_dim3A_16) -> (vector<16xf32>, vector<16xf32>, vector<16xf32>, vector<16xf32>)  : i32 {
      %mul3A_108 = arith.constant 16 : i32
      %mul3A_109 = arith.muli %scan3A_103, %mul3A_108 : i32
      %mul3A_110 = arith.constant 16 : i32
      %mul3A_111 = arith.muli %scan3A_103, %mul3A_110 : i32
      %add3A_112 = arith.constant 0 : i32
      %add3A_113 = arith.addi %add3A_112, %mul3A_111 : i32
      %get3A = arith.index_cast %add3A_113 : i32 to index
      %get3A_114 = tpu.vector_load %arg11[%get3A] {strides = array<i32>} : memref<20400xf32, #tpu.memory_space<vmem>>, vector<16xf32>,
      %mul3A_115 = arith.constant 16 : i32
      %mul3A_116 = arith.muli %scan3A_103, %mul3A_115 : i32
      %add3A_117 = arith.constant 240 : i32
      %add3A_118 = arith.addi %add3A_117, %mul3A_116 : i32
      %get3A_119 = arith.index_cast %add3A_118 : i32 to index
      %get3A_120 = tpu.vector_load %arg11[%get3A_119] {strides = array<i32>} : memref<20400xf32, #tpu.memory_space<vmem>>, vector<16xf32>,
      %mul3A_121 = arith.constant 16 : i32
      %mul3A_122 = arith.muli %scan3A_103, %mul3A_121 : i32
      %add3A_123 = arith.constant 480 : i32
      %add3A_124 = arith.addi %add3A_123, %mul3A_122 : i32
      %get3A_125 = arith.index_cast %add3A_124 : i32 to index
      %get3A_126 = tpu.vector_load %arg11[%get3A_125] {strides = array<i32>} : memref<20400xf32, #tpu.memory_space<vmem>>, vector<16xf32>,
      %mul3A_127 = arith.constant 16 : i32
      %mul3A_128 = arith.muli %scan3A_103, %mul3A_127 : i32
      %add3A_129 = arith.constant 720 : i32
      %add3A_130 = arith.addi %add3A_129, %mul3A_128 : i32
      %get3A_131 = arith.index_cast %add3A_130 : i32 to index
      %get3A_132 = tpu.vector_load %arg11[%get3A_131] {strides = array<i32>} : memref<20400xf32, #tpu.memory_space<vmem>>, vector<16xf32>,
      %mul3A_133 = arith.constant 16 : i32
      %mul3A_134 = arith.muli %scan3A_103, %mul3A_133 : i32
      %add3A_135 = arith.constant 960 : i32
      %add3A_136 = arith.addi %add3A_135, %mul3A_134 : i32
      %get3A_137 = arith.index_cast %add3A_136 : i32 to index
      %get3A_138 = tpu.vector_load %arg11[%get3A_137] {strides = array<i32>} : memref<20400xf32, #tpu.memory_space<vmem>>, vector<16xf32>,
      %get3A_139 = arith.index_cast %mul3A_109 : i32 to index
      %get3A_140 = tpu.vector_load %arg12[%get3A_139] {strides = array<i32>} : memref<240xf32, #tpu.memory_space<vmem>>, vector<16xf32>,
      %get3A_141 = arith.index_cast %mul3A_109 : i32 to index
      %get3A_142 = tpu.vector_load %arg13[%get3A_141] {strides = array<i32>} : memref<240xf32, #tpu.memory_space<vmem>>, vector<16xf32>,
      %get3A_143 = arith.index_cast %mul3A_109 : i32 to index
      %get3A_144 = tpu.vector_load %arg14[%get3A_143] {strides = array<i32>} : memref<240xf32, #tpu.memory_space<vmem>>, vector<16xf32>,
      %get3A_145 = arith.index_cast %mul3A_109 : i32 to index
      %get3A_146 = tpu.vector_load %arg15[%get3A_145] {strides = array<i32>} : memref<240xf32, #tpu.memory_space<vmem>>, vector<16xf32>,
      %get3A_147 = arith.index_cast %mul3A_109 : i32 to index
      %get3A_148 = tpu.vector_load %arg16[%get3A_147] {strides = array<i32>} : memref<240xf32, #tpu.memory_space<vmem>>, vector<16xf32>,
      %get3A_149 = arith.index_cast %mul3A_109 : i32 to index
      %get3A_150 = tpu.vector_load %arg17[%get3A_149] {strides = array<i32>} : memref<240xf32, #tpu.memory_space<vmem>>, vector<16xf32>,
      %get3A_151 = arith.index_cast %mul3A_109 : i32 to index
      %get3A_152 = tpu.vector_load %arg18[%get3A_151] {strides = array<i32>} : memref<240xf32, #tpu.memory_space<vmem>>, vector<16xf32>,
      %neg3A = arith.constant 0.000000e+00 : f32
      %neg3A_153 = vector.broadcast %neg3A : f32 to vector<16xf32>
      %neg3A_154 = arith.subf %neg3A_153, %get3A_114 : vector<16xf32>
      %exp3A = math.exp %neg3A_154 : vector<16xf32>
      %add3A_155 = arith.constant 1.000000e+00 : f32
      %add3A_156 = vector.broadcast %add3A_155 : f32 to vector<16xf32>
      %add3A_157 = arith.addf %add3A_156, %exp3A : vector<16xf32>
      %div3A = arith.constant 1.000000e+00 : f32
      %div3A_158 = vector.broadcast %div3A : f32 to vector<16xf32>
      %div3A_159 = arith.divf %div3A_158, %add3A_157 : vector<16xf32>
      %mul3A_160 = arith.constant 2.000000e+00 : f32
      %mul3A_161 = vector.broadcast %mul3A_160 : f32 to vector<16xf32>
      %mul3A_162 = arith.mulf %div3A_159, %mul3A_161 : vector<16xf32>
      %sub3A = arith.constant 5.000000e-01 : f32
      %sub3A_163 = vector.broadcast %sub3A : f32 to vector<16xf32>
      %sub3A_164 = arith.subf %mul3A_162, %sub3A_163 : vector<16xf32>
      %neg3A_165 = arith.constant 0.000000e+00 : f32
      %neg3A_166 = vector.broadcast %neg3A_165 : f32 to vector<16xf32>
      %neg3A_167 = arith.subf %neg3A_166, %get3A_120 : vector<16xf32>
      %exp3A_168 = math.exp %neg3A_167 : vector<16xf32>
      %add3A_169 = arith.constant 1.000000e+00 : f32
      %add3A_170 = vector.broadcast %add3A_169 : f32 to vector<16xf32>
      %add3A_171 = arith.addf %add3A_170, %exp3A_168 : vector<16xf32>
      %div3A_172 = arith.constant 1.000000e+00 : f32
      %div3A_173 = vector.broadcast %div3A_172 : f32 to vector<16xf32>
      %div3A_174 = arith.divf %div3A_173, %add3A_171 : vector<16xf32>
      %mul3A_175 = arith.constant 2.000000e+00 : f32
      %mul3A_176 = vector.broadcast %mul3A_175 : f32 to vector<16xf32>
      %mul3A_177 = arith.mulf %div3A_174, %mul3A_176 : vector<16xf32>
      %sub3A_178 = arith.constant 5.000000e-01 : f32
      %sub3A_179 = vector.broadcast %sub3A_178 : f32 to vector<16xf32>
      %sub3A_180 = arith.subf %mul3A_177, %sub3A_179 : vector<16xf32>
      %neg3A_181 = arith.constant 0.000000e+00 : f32
      %neg3A_182 = vector.broadcast %neg3A_181 : f32 to vector<16xf32>
      %neg3A_183 = arith.subf %neg3A_182, %get3A_126 : vector<16xf32>
      %exp3A_184 = math.exp %neg3A_183 : vector<16xf32>
      %add3A_185 = arith.constant 1.000000e+00 : f32
      %add3A_186 = vector.broadcast %add3A_185 : f32 to vector<16xf32>
      %add3A_187 = arith.addf %add3A_186, %exp3A_184 : vector<16xf32>
      %div3A_188 = arith.constant 1.000000e+00 : f32
      %div3A_189 = vector.broadcast %div3A_188 : f32 to vector<16xf32>
      %div3A_190 = arith.divf %div3A_189, %add3A_187 : vector<16xf32>
      %mul3A_191 = arith.constant 2.000000e+00 : f32
      %mul3A_192 = vector.broadcast %mul3A_191 : f32 to vector<16xf32>
      %mul3A_193 = arith.mulf %div3A_190, %mul3A_192 : vector<16xf32>
      %mul3A_194 = arith.mulf %mul3A_193, %mul3A_193 : vector<16xf32>
      %mul3A_195 = arith.mulf %mul3A_194, %get3A_150 : vector<16xf32>
      %neg3A_196 = arith.constant 0.000000e+00 : f32
      %neg3A_197 = vector.broadcast %neg3A_196 : f32 to vector<16xf32>
      %neg3A_198 = arith.subf %neg3A_197, %get3A_132 : vector<16xf32>
      %exp3A_199 = math.exp %neg3A_198 : vector<16xf32>
      %add3A_200 = arith.constant 1.000000e+00 : f32
      %add3A_201 = vector.broadcast %add3A_200 : f32 to vector<16xf32>
      %add3A_202 = arith.addf %add3A_201, %exp3A_199 : vector<16xf32>
      %div3A_203 = arith.constant 1.000000e+00 : f32
      %div3A_204 = vector.broadcast %div3A_203 : f32 to vector<16xf32>
      %div3A_205 = arith.divf %div3A_204, %add3A_202 : vector<16xf32>
      %mul3A_206 = arith.constant 2.000000e+00 : f32
      %mul3A_207 = vector.broadcast %mul3A_206 : f32 to vector<16xf32>
      %mul3A_208 = arith.mulf %div3A_205, %mul3A_207 : vector<16xf32>
      %mul3A_209 = arith.mulf %mul3A_208, %mul3A_208 : vector<16xf32>
      %mul3A_210 = arith.mulf %mul3A_209, %get3A_152 : vector<16xf32>
      %mul3A_211 = arith.constant 5.000000e-01 : f32
      %mul3A_212 = vector.broadcast %mul3A_211 : f32 to vector<16xf32>
      %mul3A_213 = arith.mulf %mul3A_195, %mul3A_212 : vector<16xf32>
      %sub3A_214 = arith.subf %sub3A_164, %mul3A_213 : vector<16xf32>
      %mul3A_215 = arith.constant 5.000000e-01 : f32
      %mul3A_216 = vector.broadcast %mul3A_215 : f32 to vector<16xf32>
      %mul3A_217 = arith.mulf %mul3A_195, %mul3A_216 : vector<16xf32>
      %add3A_218 = arith.addf %sub3A_164, %mul3A_217 : vector<16xf32>
      %mul3A_219 = arith.constant 5.000000e-01 : f32
      %mul3A_220 = vector.broadcast %mul3A_219 : f32 to vector<16xf32>
      %mul3A_221 = arith.mulf %mul3A_210, %mul3A_220 : vector<16xf32>
      %sub3A_222 = arith.subf %sub3A_180, %mul3A_221 : vector<16xf32>
      %mul3A_223 = arith.constant 5.000000e-01 : f32
      %mul3A_224 = vector.broadcast %mul3A_223 : f32 to vector<16xf32>
      %mul3A_225 = arith.mulf %mul3A_210, %mul3A_224 : vector<16xf32>
      %add3A_226 = arith.addf %sub3A_180, %mul3A_225 : vector<16xf32>
      %mul3A_227 = arith.constant 5.000000e-01 : f32
      %mul3A_228 = vector.broadcast %mul3A_227 : f32 to vector<16xf32>
      %mul3A_229 = arith.mulf %get3A_146, %mul3A_228 : vector<16xf32>
      %sub3A_230 = arith.subf %get3A_142, %mul3A_229 : vector<16xf32>
      %mul3A_231 = arith.constant 5.000000e-01 : f32
      %mul3A_232 = vector.broadcast %mul3A_231 : f32 to vector<16xf32>
      %mul3A_233 = arith.mulf %get3A_146, %mul3A_232 : vector<16xf32>
      %add3A_234 = arith.addf %get3A_142, %mul3A_233 : vector<16xf32>
      %mul3A_235 = arith.constant 5.000000e-01 : f32
      %mul3A_236 = vector.broadcast %mul3A_235 : f32 to vector<16xf32>
      %mul3A_237 = arith.mulf %get3A_148, %mul3A_236 : vector<16xf32>
      %sub3A_238 = arith.subf %get3A_144, %mul3A_237 : vector<16xf32>
      %mul3A_239 = arith.constant 5.000000e-01 : f32
      %mul3A_240 = vector.broadcast %mul3A_239 : f32 to vector<16xf32>
      %mul3A_241 = arith.mulf %get3A_148, %mul3A_240 : vector<16xf32>
      %add3A_242 = arith.addf %get3A_144, %mul3A_241 : vector<16xf32>
      %min3A = arith.minimumf %add3A_218, %add3A_234 : vector<16xf32>
      %max3A = arith.maximumf %sub3A_214, %sub3A_230 : vector<16xf32>
      %sub3A_243 = arith.subf %min3A, %max3A : vector<16xf32>
      %max3A_244 = arith.constant 0.000000e+00 : f32
      %max3A_245 = vector.broadcast %max3A_244 : f32 to vector<16xf32>
      %max3A_246 = arith.maximumf %sub3A_243, %max3A_245 : vector<16xf32>
      %min3A_247 = arith.minimumf %add3A_226, %add3A_242 : vector<16xf32>
      %max3A_248 = arith.maximumf %sub3A_222, %sub3A_238 : vector<16xf32>
      %sub3A_249 = arith.subf %min3A_247, %max3A_248 : vector<16xf32>
      %max3A_250 = arith.constant 0.000000e+00 : f32
      %max3A_251 = vector.broadcast %max3A_250 : f32 to vector<16xf32>
      %max3A_252 = arith.maximumf %sub3A_249, %max3A_251 : vector<16xf32>
      %mul3A_253 = arith.mulf %max3A_246, %max3A_252 : vector<16xf32>
      %sub3A_254 = arith.subf %add3A_218, %sub3A_214 : vector<16xf32>
      %sub3A_255 = arith.subf %add3A_226, %sub3A_222 : vector<16xf32>
      %mul3A_256 = arith.mulf %sub3A_254, %sub3A_255 : vector<16xf32>
      %sub3A_257 = arith.subf %add3A_234, %sub3A_230 : vector<16xf32>
      %sub3A_258 = arith.subf %add3A_242, %sub3A_238 : vector<16xf32>
      %mul3A_259 = arith.mulf %sub3A_257, %sub3A_258 : vector<16xf32>
      %add3A_260 = arith.addf %mul3A_256, %mul3A_259 : vector<16xf32>
      %sub3A_261 = arith.subf %add3A_260, %mul3A_253 : vector<16xf32>
      %div3A_262 = arith.divf %mul3A_253, %sub3A_261 : vector<16xf32>
      %max3A_263 = arith.maximumf %add3A_218, %add3A_234 : vector<16xf32>
      %min3A_264 = arith.minimumf %sub3A_214, %sub3A_230 : vector<16xf32>
      %sub3A_265 = arith.subf %max3A_263, %min3A_264 : vector<16xf32>
      %add3A_266 = arith.constant 1.000000e-16 : f32
      %add3A_267 = vector.broadcast %add3A_266 : f32 to vector<16xf32>
      %add3A_268 = arith.addf %sub3A_265, %add3A_267 : vector<16xf32>
      %max3A_269 = arith.maximumf %add3A_226, %add3A_242 : vector<16xf32>
      %min3A_270 = arith.minimumf %sub3A_222, %sub3A_238 : vector<16xf32>
      %sub3A_271 = arith.subf %max3A_269, %min3A_270 : vector<16xf32>
      %mul3A_272 = arith.mulf %add3A_268, %sub3A_271 : vector<16xf32>
      %add3A_273 = arith.constant 1.000000e-16 : f32
      %add3A_274 = vector.broadcast %add3A_273 : f32 to vector<16xf32>
      %add3A_275 = arith.addf %mul3A_272, %add3A_274 : vector<16xf32>
      %sub3A_276 = arith.subf %add3A_275, %sub3A_261 : vector<16xf32>
      %div3A_277 = arith.divf %sub3A_276, %add3A_275 : vector<16xf32>
      %sub3A_278 = arith.subf %div3A_262, %div3A_277 : vector<16xf32>
      %get3A_279 = arith.index_cast %mul3A_109 : i32 to index
      %get3A_280 = tpu.vector_load %arg19[%get3A_279] {strides = array<i32>} : memref<240xi32, #tpu.memory_space<vmem>>, vector<16xi32>,
      %add3A_281 = arith.constant 5 : i32
      %add3A_282 = vector.broadcast %add3A_281 : i32 to vector<16xi32>
      %add3A_283 = arith.addi %get3A_280, %add3A_282 : vector<16xi32>
      %mul3A_284 = arith.constant 240 : i32
      %mul3A_285 = vector.broadcast %mul3A_284 : i32 to vector<16xi32>
      %mul3A_286 = arith.muli %add3A_283, %mul3A_285 : vector<16xi32>
      %mul3A_287 = arith.constant 16 : i32
      %mul3A_288 = arith.muli %scan3A_103, %mul3A_287 : i32
      %add3A_289 = vector.broadcast %mul3A_288 : i32 to vector<16xi32>
      %add3A_290 = arith.addi %mul3A_286, %add3A_289 : vector<16xi32>
      %add3A_291 = arith.addi %add3A_290, %iota3A : vector<16xi32>
      %gather3A = tpu.vector_load_idx %arg11[%add3A_291] : memref<20400xf32, #tpu.memory_space<vmem>>[vector<16xi32>], vector<16xf32>,
      %sub3A_292 = arith.constant 1.000000e+00 : f32
      %sub3A_293 = vector.broadcast %sub3A_292 : f32 to vector<16xf32>
      %sub3A_294 = arith.subf %sub3A_293, %sub3A_278 : vector<16xf32>
      %mul3A_295 = arith.mulf %get3A_140, %sub3A_294 : vector<16xf32>
      %add3A_296 = arith.addf %scan3A_104, %mul3A_295 : vector<16xf32>
      %add3A_297 = arith.addf %scan3A_105, %get3A_140 : vector<16xf32>
      %mul3A_298 = arith.mulf %get3A_140, %get3A_138 : vector<16xf32>
      %max3A_299 = arith.constant 0.000000e+00 : f32
      %max3A_300 = vector.broadcast %max3A_299 : f32 to vector<16xf32>
      %max3A_301 = arith.maximumf %sub3A_278, %max3A_300 : vector<16xf32>
      %mul3A_302 = arith.mulf %mul3A_298, %max3A_301 : vector<16xf32>
      %add3A_303 = arith.addf %scan3A_106, %mul3A_302 : vector<16xf32>
      %mul3A_304 = arith.mulf %get3A_140, %gather3A : vector<16xf32>
      %add3A_305 = arith.addf %scan3A_107, %mul3A_304 : vector<16xf32>
      scf.yield %add3A_296, %add3A_297, %add3A_303, %add3A_305 : vector<16xf32>, vector<16xf32>, vector<16xf32>, vector<16xf32>
    }
    %scan3A_22 = arith.constant 15 : i32
    %swap3A = arith.constant 0 : index
    %swap3A_23 = tpu.vector_load %arg20[%swap3A] {strides = array<i32>} : memref<192xf32, #tpu.memory_space<vmem>>, vector<16xf32>,
    tpu.vector_store %arg20[%swap3A], %scan3A_21#0 {strides = array<i32>} : memref<192xf32, #tpu.memory_space<vmem>>, vector<16xf32>,
    %swap3A_24 = arith.constant 16 : index
    %swap3A_25 = tpu.vector_load %arg20[%swap3A_24] {strides = array<i32>} : memref<192xf32, #tpu.memory_space<vmem>>, vector<16xf32>,
    tpu.vector_store %arg20[%swap3A_24], %scan3A_21#1 {strides = array<i32>} : memref<192xf32, #tpu.memory_space<vmem>>, vector<16xf32>,
    %swap3A_26 = arith.constant 32 : index
    %swap3A_27 = tpu.vector_load %arg20[%swap3A_26] {strides = array<i32>} : memref<192xf32, #tpu.memory_space<vmem>>, vector<16xf32>,
    tpu.vector_store %arg20[%swap3A_26], %scan3A_21#2 {strides = array<i32>} : memref<192xf32, #tpu.memory_space<vmem>>, vector<16xf32>,
    %swap3A_28 = arith.constant 48 : index
    %swap3A_29 = tpu.vector_load %arg20[%swap3A_28] {strides = array<i32>} : memref<192xf32, #tpu.memory_space<vmem>>, vector<16xf32>,
    tpu.vector_store %arg20[%swap3A_28], %scan3A_21#3 {strides = array<i32>} : memref<192xf32, #tpu.memory_space<vmem>>, vector<16xf32>,
    %run_scoped3A = arith.constant 0 : i32
    "tpu.region"() ({
      %run_scoped3A_103 = tpu.sem_alloc : memref<!tpu.dma_semaphore, #tpu.memory_space<semaphore_mem>>
      %dma_start3A_104 = arith.constant 1200 : i32
      %dma_start3A_105 = tpu.memref_slice %arg11[%dma_start3A_104] : memref<20400xf32, #tpu.memory_space<vmem>> -> memref<19200xf32, #tpu.memory_space<vmem>>
      %dma_start3A_106 = arith.constant 0 : i32
      %dma_start3A_107 = tpu.memref_slice %arg6[%run_scoped3A, %add3A, %dma_start3A_106] : memref<3x32x19200xf32, #tpu.memory_space<hbm>> -> memref<1x1x19200xf32, #tpu.memory_space<hbm>>
      %dma_start3A_108 = tpu.memref_squeeze %dma_start3A_107 : memref<1x1x19200xf32, #tpu.memory_space<hbm>> -> memref<19200xf32, #tpu.memory_space<hbm>>
      %dma_start3A_109 = arith.constant 0 : i32
      %dma_start3A_110 = tpu.memref_slice %arg6[%run_scoped3A, %add3A, %dma_start3A_109] : memref<3x32x19200xf32, #tpu.memory_space<hbm>> -> memref<1x1x19200xf32, #tpu.memory_space<hbm>>
      %dma_start3A_111 = tpu.memref_squeeze %dma_start3A_110 : memref<1x1x19200xf32, #tpu.memory_space<hbm>> -> memref<19200xf32, #tpu.memory_space<hbm>>
      %dma_start3A_112 = arith.constant 1200 : i32
      %dma_start3A_113 = tpu.memref_slice %arg11[%dma_start3A_112] : memref<20400xf32, #tpu.memory_space<vmem>> -> memref<19200xf32, #tpu.memory_space<vmem>>
      tpu.enqueue_dma source(%dma_start3A_113 : memref<19200xf32, #tpu.memory_space<vmem>>) target(%dma_start3A_111 : memref<19200xf32, #tpu.memory_space<hbm>>) target_semaphore(%run_scoped3A_103 : memref<!tpu.dma_semaphore, #tpu.memory_space<semaphore_mem>>)
      %dma_wait3A_114 = arith.constant 1200 : i32
      %dma_wait3A_115 = tpu.memref_slice %arg11[%dma_wait3A_114] : memref<20400xf32, #tpu.memory_space<vmem>> -> memref<19200xf32, #tpu.memory_space<vmem>>
      %dma_wait3A_116 = arith.constant 0 : i32
      %dma_wait3A_117 = tpu.memref_slice %arg6[%run_scoped3A, %add3A, %dma_wait3A_116] : memref<3x32x19200xf32, #tpu.memory_space<hbm>> -> memref<1x1x19200xf32, #tpu.memory_space<hbm>>
      %dma_wait3A_118 = tpu.memref_squeeze %dma_wait3A_117 : memref<1x1x19200xf32, #tpu.memory_space<hbm>> -> memref<19200xf32, #tpu.memory_space<hbm>>
      %dma_wait3A_119 = arith.constant 0 : i32
      %dma_wait3A_120 = tpu.memref_slice %arg6[%run_scoped3A, %add3A, %dma_wait3A_119] : memref<3x32x19200xf32, #tpu.memory_space<hbm>> -> memref<1x1x19200xf32, #tpu.memory_space<hbm>>
      %dma_wait3A_121 = tpu.memref_squeeze %dma_wait3A_120 : memref<1x1x19200xf32, #tpu.memory_space<hbm>> -> memref<19200xf32, #tpu.memory_space<hbm>>
      %dma_wait3A_122 = arith.constant 1200 : i32
      %dma_wait3A_123 = tpu.memref_slice %arg11[%dma_wait3A_122] : memref<20400xf32, #tpu.memory_space<vmem>> -> memref<19200xf32, #tpu.memory_space<vmem>>
      tpu.wait_dma2 semaphore(%run_scoped3A_103 : memref<!tpu.dma_semaphore, #tpu.memory_space<semaphore_mem>>) src(%dma_wait3A_123 : memref<19200xf32, #tpu.memory_space<vmem>>) dst(%dma_wait3A_121 : memref<19200xf32, #tpu.memory_space<hbm>>)
      tpu.yield
    }) : () -> ()
    %run_scoped3A_30 = arith.constant 0 : i32
    "tpu.region"() ({
      %run_scoped3A_103 = tpu.sem_alloc : memref<!tpu.dma_semaphore, #tpu.memory_space<semaphore_mem>>
      %dma_start3A_104 = arith.constant 0 : i32
      %dma_start3A_105 = tpu.memref_slice %arg7[%run_scoped3A_30, %add3A, %dma_start3A_104] : memref<3x32x240xf32, #tpu.memory_space<hbm>> -> memref<1x1x240xf32, #tpu.memory_space<hbm>>
      %dma_start3A_106 = tpu.memref_squeeze %dma_start3A_105 : memref<1x1x240xf32, #tpu.memory_space<hbm>> -> memref<240xf32, #tpu.memory_space<hbm>>
      %dma_start3A_107 = arith.constant 0 : i32
      %dma_start3A_108 = tpu.memref_slice %arg7[%run_scoped3A_30, %add3A, %dma_start3A_107] : memref<3x32x240xf32, #tpu.memory_space<hbm>> -> memref<1x1x240xf32, #tpu.memory_space<hbm>>
      %dma_start3A_109 = tpu.memref_squeeze %dma_start3A_108 : memref<1x1x240xf32, #tpu.memory_space<hbm>> -> memref<240xf32, #tpu.memory_space<hbm>>
      tpu.enqueue_dma source(%arg12 : memref<240xf32, #tpu.memory_space<vmem>>) target(%dma_start3A_109 : memref<240xf32, #tpu.memory_space<hbm>>) target_semaphore(%run_scoped3A_103 : memref<!tpu.dma_semaphore, #tpu.memory_space<semaphore_mem>>)
      %dma_wait3A_110 = arith.constant 0 : i32
      %dma_wait3A_111 = tpu.memref_slice %arg7[%run_scoped3A_30, %add3A, %dma_wait3A_110] : memref<3x32x240xf32, #tpu.memory_space<hbm>> -> memref<1x1x240xf32, #tpu.memory_space<hbm>>
      %dma_wait3A_112 = tpu.memref_squeeze %dma_wait3A_111 : memref<1x1x240xf32, #tpu.memory_space<hbm>> -> memref<240xf32, #tpu.memory_space<hbm>>
      %dma_wait3A_113 = arith.constant 0 : i32
      %dma_wait3A_114 = tpu.memref_slice %arg7[%run_scoped3A_30, %add3A, %dma_wait3A_113] : memref<3x32x240xf32, #tpu.memory_space<hbm>> -> memref<1x1x240xf32, #tpu.memory_space<hbm>>
      %dma_wait3A_115 = tpu.memref_squeeze %dma_wait3A_114 : memref<1x1x240xf32, #tpu.memory_space<hbm>> -> memref<240xf32, #tpu.memory_space<hbm>>
      tpu.wait_dma2 semaphore(%run_scoped3A_103 : memref<!tpu.dma_semaphore, #tpu.memory_space<semaphore_mem>>) src(%arg12 : memref<240xf32, #tpu.memory_space<vmem>>) dst(%dma_wait3A_115 : memref<240xf32, #tpu.memory_space<hbm>>)
      tpu.yield
    }) : () -> ()
    %scan3A_31 = arith.constant 0 : i32
    %scan3A_32 = arith.constant 0 : i32
    %scan3A_33 = arith.constant 15 : i32
    %scan3A_34 = arith.addi %scan3A_32, %scan3A_33 : i32
    %scan3A_35 = arith.constant 1 : i32
    %scan3A_36 = scf.for %scan3A_103 = %scan3A_32 to %scan3A_34 step %scan3A_35 iter_args(%scan3A_104 = %scan3A_31) -> (i32)  : i32 {
      %mul3A_105 = arith.constant 240 : i32
      %mul3A_106 = arith.muli %add3A, %mul3A_105 : i32
      %mul3A_107 = arith.constant 16 : i32
      %mul3A_108 = arith.muli %scan3A_103, %mul3A_107 : i32
      %add3A_109 = arith.addi %mul3A_106, %mul3A_108 : i32
      %add3A_110 = vector.broadcast %add3A_109 : i32 to vector<16xi32>
      %add3A_111 = arith.addi %add3A_110, %iota3A : vector<16xi32>
      %rem3A = arith.constant 512 : i32
      %rem3A_112 = vector.broadcast %rem3A : i32 to vector<16xi32>
      %rem3A_113 = arith.remsi %add3A_111, %rem3A_112 : vector<16xi32>
      %div3A = arith.constant 512 : i32
      %div3A_114 = vector.broadcast %div3A : i32 to vector<16xi32>
      %div3A_115 = arith.divsi %add3A_111, %div3A_114 : vector<16xi32>
      %rem3A_116 = arith.constant 3 : i32
      %rem3A_117 = vector.broadcast %rem3A_116 : i32 to vector<16xi32>
      %rem3A_118 = arith.remsi %div3A_115, %rem3A_117 : vector<16xi32>
      %div3A_119 = arith.constant 3 : i32
      %div3A_120 = vector.broadcast %div3A_119 : i32 to vector<16xi32>
      %div3A_121 = arith.divsi %div3A_115, %div3A_120 : vector<16xi32>
      %mul3A_122 = arith.constant 6 : i32
      %mul3A_123 = vector.broadcast %mul3A_122 : i32 to vector<16xi32>
      %mul3A_124 = arith.muli %rem3A_113, %mul3A_123 : vector<16xi32>
      %gather3A = tpu.vector_load_idx %arg9[%mul3A_124] : memref<3072xf32, #tpu.memory_space<vmem>>[vector<16xi32>], vector<16xf32>,
      %convert_element_type3A = arith.fptosi %gather3A : vector<16xf32> to vector<16xi32>
      %add3A_125 = arith.constant 1 : i32
      %add3A_126 = vector.broadcast %add3A_125 : i32 to vector<16xi32>
      %add3A_127 = arith.addi %mul3A_124, %add3A_126 : vector<16xi32>
      %gather3A_128 = tpu.vector_load_idx %arg9[%add3A_127] : memref<3072xf32, #tpu.memory_space<vmem>>[vector<16xi32>], vector<16xf32>,
      %convert_element_type3A_129 = arith.fptosi %gather3A_128 : vector<16xf32> to vector<16xi32>
      %add3A_130 = arith.constant 2 : i32
      %add3A_131 = vector.broadcast %add3A_130 : i32 to vector<16xi32>
      %add3A_132 = arith.addi %mul3A_124, %add3A_131 : vector<16xi32>
      %gather3A_133 = tpu.vector_load_idx %arg9[%add3A_132] : memref<3072xf32, #tpu.memory_space<vmem>>[vector<16xi32>], vector<16xf32>,
      %mul3A_134 = arith.constant 4.000000e+01 : f32
      %mul3A_135 = vector.broadcast %mul3A_134 : f32 to vector<16xf32>
      %mul3A_136 = arith.mulf %gather3A_133, %mul3A_135 : vector<16xf32>
      %add3A_137 = arith.constant 3 : i32
      %add3A_138 = vector.broadcast %add3A_137 : i32 to vector<16xi32>
      %add3A_139 = arith.addi %mul3A_124, %add3A_138 : vector<16xi32>
      %gather3A_140 = tpu.vector_load_idx %arg9[%add3A_139] : memref<3072xf32, #tpu.memory_space<vmem>>[vector<16xi32>], vector<16xf32>,
      %mul3A_141 = arith.constant 4.000000e+01 : f32
      %mul3A_142 = vector.broadcast %mul3A_141 : f32 to vector<16xf32>
      %mul3A_143 = arith.mulf %gather3A_140, %mul3A_142 : vector<16xf32>
      %add3A_144 = arith.constant 4 : i32
      %add3A_145 = vector.broadcast %add3A_144 : i32 to vector<16xi32>
      %add3A_146 = arith.addi %mul3A_124, %add3A_145 : vector<16xi32>
      %gather3A_147 = tpu.vector_load_idx %arg9[%add3A_146] : memref<3072xf32, #tpu.memory_space<vmem>>[vector<16xi32>], vector<16xf32>,
      %mul3A_148 = arith.constant 4.000000e+01 : f32
      %mul3A_149 = vector.broadcast %mul3A_148 : f32 to vector<16xf32>
      %mul3A_150 = arith.mulf %gather3A_147, %mul3A_149 : vector<16xf32>
      %add3A_151 = arith.constant 5 : i32
      %add3A_152 = vector.broadcast %add3A_151 : i32 to vector<16xi32>
      %add3A_153 = arith.addi %mul3A_124, %add3A_152 : vector<16xi32>
      %gather3A_154 = tpu.vector_load_idx %arg9[%add3A_153] : memref<3072xf32, #tpu.memory_space<vmem>>[vector<16xi32>], vector<16xf32>,
      %mul3A_155 = arith.constant 4.000000e+01 : f32
      %mul3A_156 = vector.broadcast %mul3A_155 : f32 to vector<16xf32>
      %mul3A_157 = arith.mulf %gather3A_154, %mul3A_156 : vector<16xf32>
      %eq3A = arith.constant 0 : i32
      %eq3A_158 = vector.broadcast %eq3A : i32 to vector<16xi32>
      %eq3A_159 = arith.cmpi eq, %rem3A_118, %eq3A_158 : vector<16xi32>
      %eq3A_160 = arith.constant 1 : i32
      %eq3A_161 = vector.broadcast %eq3A_160 : i32 to vector<16xi32>
      %eq3A_162 = arith.cmpi eq, %rem3A_118, %eq3A_161 : vector<16xi32>
      %jit3A = arith.constant 6.200000e+01 : f32
      %jit3A_163 = arith.constant 5.900000e+01 : f32
      %broadcast_in_dim3A_164 = vector.broadcast %jit3A : f32 to vector<16xf32>
      %broadcast_in_dim3A_165 = vector.broadcast %jit3A_163 : f32 to vector<16xf32>
      %select_n3A = arith.select %eq3A_162, %broadcast_in_dim3A_164, %broadcast_in_dim3A_165 : vector<16xi1>, vector<16xf32>
      %jit3A_166 = arith.constant 3.000000e+01 : f32
      %broadcast_in_dim3A_167 = vector.broadcast %jit3A_166 : f32 to vector<16xf32>
      %select_n3A_168 = arith.select %eq3A_159, %broadcast_in_dim3A_167, %select_n3A : vector<16xi1>, vector<16xf32>
      %eq3A_169 = arith.constant 0 : i32
      %eq3A_170 = vector.broadcast %eq3A_169 : i32 to vector<16xi32>
      %eq3A_171 = arith.cmpi eq, %rem3A_118, %eq3A_170 : vector<16xi32>
      %eq3A_172 = arith.constant 1 : i32
      %eq3A_173 = vector.broadcast %eq3A_172 : i32 to vector<16xi32>
      %eq3A_174 = arith.cmpi eq, %rem3A_118, %eq3A_173 : vector<16xi32>
      %jit3A_175 = arith.constant 4.500000e+01 : f32
      %jit3A_176 = arith.constant 1.190000e+02 : f32
      %broadcast_in_dim3A_177 = vector.broadcast %jit3A_175 : f32 to vector<16xf32>
      %broadcast_in_dim3A_178 = vector.broadcast %jit3A_176 : f32 to vector<16xf32>
      %select_n3A_179 = arith.select %eq3A_174, %broadcast_in_dim3A_177, %broadcast_in_dim3A_178 : vector<16xi1>, vector<16xf32>
      %jit3A_180 = arith.constant 6.100000e+01 : f32
      %broadcast_in_dim3A_181 = vector.broadcast %jit3A_180 : f32 to vector<16xf32>
      %select_n3A_182 = arith.select %eq3A_171, %broadcast_in_dim3A_181, %select_n3A_179 : vector<16xi1>, vector<16xf32>
      %div3A_183 = arith.divf %mul3A_150, %select_n3A_168 : vector<16xf32>
      %div3A_184 = arith.divf %mul3A_157, %select_n3A_182 : vector<16xf32>
      %div3A_185 = arith.constant 1.000000e+00 : f32
      %div3A_186 = vector.broadcast %div3A_185 : f32 to vector<16xf32>
      %div3A_187 = arith.divf %div3A_186, %div3A_183 : vector<16xf32>
      %max3A = arith.maximumf %div3A_183, %div3A_187 : vector<16xf32>
      %div3A_188 = arith.constant 1.000000e+00 : f32
      %div3A_189 = vector.broadcast %div3A_188 : f32 to vector<16xf32>
      %div3A_190 = arith.divf %div3A_189, %div3A_184 : vector<16xf32>
      %max3A_191 = arith.maximumf %div3A_184, %div3A_190 : vector<16xf32>
      %max3A_192 = arith.maximumf %max3A, %max3A_191 : vector<16xf32>
      %lt3A = arith.constant 4.000000e+00 : f32
      %lt3A_193 = vector.broadcast %lt3A : f32 to vector<16xf32>
      %lt3A_194 = arith.cmpf olt, %max3A_192, %lt3A_193 : vector<16xf32>
      %rem3A_195 = arith.constant 1.000000e+00 : f32
      %rem3A_196 = vector.broadcast %rem3A_195 : f32 to vector<16xf32>
      %rem3A_197 = arith.remf %mul3A_136, %rem3A_196 : vector<16xf32>
      %rem3A_198 = arith.constant 1.000000e+00 : f32
      %rem3A_199 = vector.broadcast %rem3A_198 : f32 to vector<16xf32>
      %rem3A_200 = arith.remf %mul3A_143, %rem3A_199 : vector<16xf32>
      %eq3A_201 = arith.constant 0 : i32
      %eq3A_202 = vector.broadcast %eq3A_201 : i32 to vector<16xi32>
      %eq3A_203 = arith.cmpi eq, %div3A_121, %eq3A_202 : vector<16xi32>
      %eq3A_204 = arith.constant 1 : i32
      %eq3A_205 = vector.broadcast %eq3A_204 : i32 to vector<16xi32>
      %eq3A_206 = arith.cmpi eq, %div3A_121, %eq3A_205 : vector<16xi32>
      %lt3A_207 = arith.constant 5.000000e-01 : f32
      %lt3A_208 = vector.broadcast %lt3A_207 : f32 to vector<16xf32>
      %lt3A_209 = arith.cmpf olt, %rem3A_197, %lt3A_208 : vector<16xf32>
      %and3A = arith.andi %eq3A_206, %lt3A_209 : vector<16xi1>
      %gt3A = arith.constant 1.000000e+00 : f32
      %gt3A_210 = vector.broadcast %gt3A : f32 to vector<16xf32>
      %gt3A_211 = arith.cmpf ogt, %mul3A_136, %gt3A_210 : vector<16xf32>
      %and3A_212 = arith.andi %and3A, %gt3A_211 : vector<16xi1>
      %or3A = arith.ori %eq3A_203, %and3A_212 : vector<16xi1>
      %eq3A_213 = arith.constant 2 : i32
      %eq3A_214 = vector.broadcast %eq3A_213 : i32 to vector<16xi32>
      %eq3A_215 = arith.cmpi eq, %div3A_121, %eq3A_214 : vector<16xi32>
      %lt3A_216 = arith.constant 5.000000e-01 : f32
      %lt3A_217 = vector.broadcast %lt3A_216 : f32 to vector<16xf32>
      %lt3A_218 = arith.cmpf olt, %rem3A_200, %lt3A_217 : vector<16xf32>
      %and3A_219 = arith.andi %eq3A_215, %lt3A_218 : vector<16xi1>
      %gt3A_220 = arith.constant 1.000000e+00 : f32
      %gt3A_221 = vector.broadcast %gt3A_220 : f32 to vector<16xf32>
      %gt3A_222 = arith.cmpf ogt, %mul3A_143, %gt3A_221 : vector<16xf32>
      %and3A_223 = arith.andi %and3A_219, %gt3A_222 : vector<16xi1>
      %or3A_224 = arith.ori %or3A, %and3A_223 : vector<16xi1>
      %eq3A_225 = arith.constant 3 : i32
      %eq3A_226 = vector.broadcast %eq3A_225 : i32 to vector<16xi32>
      %eq3A_227 = arith.cmpi eq, %div3A_121, %eq3A_226 : vector<16xi32>
      %gt3A_228 = arith.constant 5.000000e-01 : f32
      %gt3A_229 = vector.broadcast %gt3A_228 : f32 to vector<16xf32>
      %gt3A_230 = arith.cmpf ogt, %rem3A_197, %gt3A_229 : vector<16xf32>
      %and3A_231 = arith.andi %eq3A_227, %gt3A_230 : vector<16xi1>
      %lt3A_232 = arith.constant 3.900000e+01 : f32
      %lt3A_233 = vector.broadcast %lt3A_232 : f32 to vector<16xf32>
      %lt3A_234 = arith.cmpf olt, %mul3A_136, %lt3A_233 : vector<16xf32>
      %and3A_235 = arith.andi %and3A_231, %lt3A_234 : vector<16xi1>
      %or3A_236 = arith.ori %or3A_224, %and3A_235 : vector<16xi1>
      %eq3A_237 = arith.constant 4 : i32
      %eq3A_238 = vector.broadcast %eq3A_237 : i32 to vector<16xi32>
      %eq3A_239 = arith.cmpi eq, %div3A_121, %eq3A_238 : vector<16xi32>
      %gt3A_240 = arith.constant 5.000000e-01 : f32
      %gt3A_241 = vector.broadcast %gt3A_240 : f32 to vector<16xf32>
      %gt3A_242 = arith.cmpf ogt, %rem3A_200, %gt3A_241 : vector<16xf32>
      %and3A_243 = arith.andi %eq3A_239, %gt3A_242 : vector<16xi1>
      %lt3A_244 = arith.constant 3.900000e+01 : f32
      %lt3A_245 = vector.broadcast %lt3A_244 : f32 to vector<16xf32>
      %lt3A_246 = arith.cmpf olt, %mul3A_143, %lt3A_245 : vector<16xf32>
      %and3A_247 = arith.andi %and3A_243, %lt3A_246 : vector<16xi1>
      %or3A_248 = arith.ori %or3A_236, %and3A_247 : vector<16xi1>
      %and3A_249 = arith.andi %lt3A_194, %or3A_248 : vector<16xi1>
      %eq3A_250 = arith.constant 1 : i32
      %eq3A_251 = vector.broadcast %eq3A_250 : i32 to vector<16xi32>
      %eq3A_252 = arith.cmpi eq, %div3A_121, %eq3A_251 : vector<16xi32>
      %eq3A_253 = arith.constant 3 : i32
      %eq3A_254 = vector.broadcast %eq3A_253 : i32 to vector<16xi32>
      %eq3A_255 = arith.cmpi eq, %div3A_121, %eq3A_254 : vector<16xi32>
      %jit3A_256 = arith.constant -5.000000e-01 : f32
      %jit3A_257 = arith.constant 0.000000e+00 : f32
      %broadcast_in_dim3A_258 = vector.broadcast %jit3A_256 : f32 to vector<16xf32>
      %broadcast_in_dim3A_259 = vector.broadcast %jit3A_257 : f32 to vector<16xf32>
      %select_n3A_260 = arith.select %eq3A_255, %broadcast_in_dim3A_258, %broadcast_in_dim3A_259 : vector<16xi1>, vector<16xf32>
      %jit3A_261 = arith.constant 5.000000e-01 : f32
      %broadcast_in_dim3A_262 = vector.broadcast %jit3A_261 : f32 to vector<16xf32>
      %select_n3A_263 = arith.select %eq3A_252, %broadcast_in_dim3A_262, %select_n3A_260 : vector<16xi1>, vector<16xf32>
      %eq3A_264 = arith.constant 2 : i32
      %eq3A_265 = vector.broadcast %eq3A_264 : i32 to vector<16xi32>
      %eq3A_266 = arith.cmpi eq, %div3A_121, %eq3A_265 : vector<16xi32>
      %eq3A_267 = arith.constant 4 : i32
      %eq3A_268 = vector.broadcast %eq3A_267 : i32 to vector<16xi32>
      %eq3A_269 = arith.cmpi eq, %div3A_121, %eq3A_268 : vector<16xi32>
      %jit3A_270 = arith.constant -5.000000e-01 : f32
      %jit3A_271 = arith.constant 0.000000e+00 : f32
      %broadcast_in_dim3A_272 = vector.broadcast %jit3A_270 : f32 to vector<16xf32>
      %broadcast_in_dim3A_273 = vector.broadcast %jit3A_271 : f32 to vector<16xf32>
      %select_n3A_274 = arith.select %eq3A_269, %broadcast_in_dim3A_272, %broadcast_in_dim3A_273 : vector<16xi1>, vector<16xf32>
      %jit3A_275 = arith.constant 5.000000e-01 : f32
      %broadcast_in_dim3A_276 = vector.broadcast %jit3A_275 : f32 to vector<16xf32>
      %select_n3A_277 = arith.select %eq3A_266, %broadcast_in_dim3A_276, %select_n3A_274 : vector<16xi1>, vector<16xf32>
      %sub3A = arith.subf %mul3A_136, %select_n3A_263 : vector<16xf32>
      %convert_element_type3A_278 = arith.fptosi %sub3A : vector<16xf32> to vector<16xi32>
      %sub3A_279 = arith.subf %mul3A_143, %select_n3A_277 : vector<16xf32>
      %convert_element_type3A_280 = arith.fptosi %sub3A_279 : vector<16xf32> to vector<16xi32>
      %mul3A_281 = arith.constant 255 : i32
      %mul3A_282 = vector.broadcast %mul3A_281 : i32 to vector<16xi32>
      %mul3A_283 = arith.muli %convert_element_type3A, %mul3A_282 : vector<16xi32>
      %mul3A_284 = arith.constant 85 : i32
      %mul3A_285 = vector.broadcast %mul3A_284 : i32 to vector<16xi32>
      %mul3A_286 = arith.muli %rem3A_118, %mul3A_285 : vector<16xi32>
      %add3A_287 = arith.addi %mul3A_283, %mul3A_286 : vector<16xi32>
      %mul3A_288 = arith.constant 1600 : i32
      %mul3A_289 = vector.broadcast %mul3A_288 : i32 to vector<16xi32>
      %mul3A_290 = arith.muli %add3A_287, %mul3A_289 : vector<16xi32>
      %mul3A_291 = arith.constant 40 : i32
      %mul3A_292 = vector.broadcast %mul3A_291 : i32 to vector<16xi32>
      %mul3A_293 = arith.muli %convert_element_type3A_280, %mul3A_292 : vector<16xi32>
      %add3A_294 = arith.addi %mul3A_290, %mul3A_293 : vector<16xi32>
      %add3A_295 = arith.addi %add3A_294, %convert_element_type3A_278 : vector<16xi32>
      %mul3A_296 = arith.constant 16 : i32
      %mul3A_297 = arith.muli %scan3A_103, %mul3A_296 : i32
      %swap3A_298 = arith.index_cast %mul3A_297 : i32 to index
      %swap3A_299 = tpu.vector_load %arg10[%swap3A_298] {strides = array<i32>} : memref<20400xi32, #tpu.memory_space<vmem>>, vector<16xi32>,
      tpu.vector_store %arg10[%swap3A_298], %add3A_295 {strides = array<i32>} : memref<20400xi32, #tpu.memory_space<vmem>>, vector<16xi32>,
      %jit3A_300 = arith.constant 1.000000e+00 : f32
      %jit3A_301 = arith.constant 0.000000e+00 : f32
      %broadcast_in_dim3A_302 = vector.broadcast %jit3A_300 : f32 to vector<16xf32>
      %broadcast_in_dim3A_303 = vector.broadcast %jit3A_301 : f32 to vector<16xf32>
      %select_n3A_304 = arith.select %and3A_249, %broadcast_in_dim3A_302, %broadcast_in_dim3A_303 : vector<16xi1>, vector<16xf32>
      %swap3A_305 = arith.index_cast %mul3A_297 : i32 to index
      %swap3A_306 = tpu.vector_load %arg12[%swap3A_305] {strides = array<i32>} : memref<240xf32, #tpu.memory_space<vmem>>, vector<16xf32>,
      tpu.vector_store %arg12[%swap3A_305], %select_n3A_304 {strides = array<i32>} : memref<240xf32, #tpu.memory_space<vmem>>, vector<16xf32>,
      %convert_element_type3A_307 = arith.sitofp %convert_element_type3A_278 : vector<16xi32> to vector<16xf32>
      %sub3A_308 = arith.subf %mul3A_136, %convert_element_type3A_307 : vector<16xf32>
      %swap3A_309 = arith.index_cast %mul3A_297 : i32 to index
      %swap3A_310 = tpu.vector_load %arg13[%swap3A_309] {strides = array<i32>} : memref<240xf32, #tpu.memory_space<vmem>>, vector<16xf32>,
      tpu.vector_store %arg13[%swap3A_309], %sub3A_308 {strides = array<i32>} : memref<240xf32, #tpu.memory_space<vmem>>, vector<16xf32>,
      %convert_element_type3A_311 = arith.sitofp %convert_element_type3A_280 : vector<16xi32> to vector<16xf32>
      %sub3A_312 = arith.subf %mul3A_143, %convert_element_type3A_311 : vector<16xf32>
      %swap3A_313 = arith.index_cast %mul3A_297 : i32 to index
      %swap3A_314 = tpu.vector_load %arg14[%swap3A_313] {strides = array<i32>} : memref<240xf32, #tpu.memory_space<vmem>>, vector<16xf32>,
      tpu.vector_store %arg14[%swap3A_313], %sub3A_312 {strides = array<i32>} : memref<240xf32, #tpu.memory_space<vmem>>, vector<16xf32>,
      %swap3A_315 = arith.index_cast %mul3A_297 : i32 to index
      %swap3A_316 = tpu.vector_load %arg15[%swap3A_315] {strides = array<i32>} : memref<240xf32, #tpu.memory_space<vmem>>, vector<16xf32>,
      tpu.vector_store %arg15[%swap3A_315], %mul3A_150 {strides = array<i32>} : memref<240xf32, #tpu.memory_space<vmem>>, vector<16xf32>,
      %swap3A_317 = arith.index_cast %mul3A_297 : i32 to index
      %swap3A_318 = tpu.vector_load %arg16[%swap3A_317] {strides = array<i32>} : memref<240xf32, #tpu.memory_space<vmem>>, vector<16xf32>,
      tpu.vector_store %arg16[%swap3A_317], %mul3A_157 {strides = array<i32>} : memref<240xf32, #tpu.memory_space<vmem>>, vector<16xf32>,
      %swap3A_319 = arith.index_cast %mul3A_297 : i32 to index
      %swap3A_320 = tpu.vector_load %arg17[%swap3A_319] {strides = array<i32>} : memref<240xf32, #tpu.memory_space<vmem>>, vector<16xf32>,
      tpu.vector_store %arg17[%swap3A_319], %select_n3A_168 {strides = array<i32>} : memref<240xf32, #tpu.memory_space<vmem>>, vector<16xf32>,
      %swap3A_321 = arith.index_cast %mul3A_297 : i32 to index
      %swap3A_322 = tpu.vector_load %arg18[%swap3A_321] {strides = array<i32>} : memref<240xf32, #tpu.memory_space<vmem>>, vector<16xf32>,
      tpu.vector_store %arg18[%swap3A_321], %select_n3A_182 {strides = array<i32>} : memref<240xf32, #tpu.memory_space<vmem>>, vector<16xf32>,
      %swap3A_323 = arith.index_cast %mul3A_297 : i32 to index
      %swap3A_324 = tpu.vector_load %arg19[%swap3A_323] {strides = array<i32>} : memref<240xi32, #tpu.memory_space<vmem>>, vector<16xi32>,
      tpu.vector_store %arg19[%swap3A_323], %convert_element_type3A_129 {strides = array<i32>} : memref<240xi32, #tpu.memory_space<vmem>>, vector<16xi32>,
      %scan3A_325 = arith.constant 0 : i32
      scf.yield %scan3A_325 : i32
    }
    %scan3A_37 = arith.constant 15 : i32
    %scan3A_38 = arith.constant 0 : i32
    %scan3A_39 = arith.constant 1 : i32
    %scan3A_40 = arith.constant 84 : i32
    %scan3A_41 = arith.addi %scan3A_39, %scan3A_40 : i32
    %scan3A_42 = arith.constant 1 : i32
    %scan3A_43 = scf.for %scan3A_103 = %scan3A_39 to %scan3A_41 step %scan3A_42 iter_args(%scan3A_104 = %scan3A_38) -> (i32)  : i32 {
      %sub3A = arith.constant 1 : i32
      %sub3A_105 = arith.subi %scan3A_103, %sub3A : i32
      %mul3A_106 = arith.constant 240 : i32
      %mul3A_107 = arith.muli %sub3A_105, %mul3A_106 : i32
      %add3A_108 = arith.constant 0 : i32
      %add3A_109 = arith.addi %mul3A_107, %add3A_108 : i32
      %get3A = arith.index_cast %add3A_109 : i32 to index
      %get3A_110 = tpu.vector_load %arg10[%get3A] {strides = array<i32>} : memref<20400xi32, #tpu.memory_space<vmem>>, vector<16xi32>,
      %add3A_111 = arith.constant 1600 : i32
      %add3A_112 = vector.broadcast %add3A_111 : i32 to vector<16xi32>
      %add3A_113 = arith.addi %get3A_110, %add3A_112 : vector<16xi32>
      %mul3A_114 = arith.constant 240 : i32
      %mul3A_115 = arith.muli %scan3A_103, %mul3A_114 : i32
      %add3A_116 = arith.constant 0 : i32
      %add3A_117 = arith.addi %mul3A_115, %add3A_116 : i32
      %swap3A_118 = arith.index_cast %add3A_117 : i32 to index
      %swap3A_119 = tpu.vector_load %arg10[%swap3A_118] {strides = array<i32>} : memref<20400xi32, #tpu.memory_space<vmem>>, vector<16xi32>,
      tpu.vector_store %arg10[%swap3A_118], %add3A_113 {strides = array<i32>} : memref<20400xi32, #tpu.memory_space<vmem>>, vector<16xi32>,
      %sub3A_120 = arith.constant 1 : i32
      %sub3A_121 = arith.subi %scan3A_103, %sub3A_120 : i32
      %mul3A_122 = arith.constant 240 : i32
      %mul3A_123 = arith.muli %sub3A_121, %mul3A_122 : i32
      %add3A_124 = arith.constant 16 : i32
      %add3A_125 = arith.addi %mul3A_123, %add3A_124 : i32
      %get3A_126 = arith.index_cast %add3A_125 : i32 to index
      %get3A_127 = tpu.vector_load %arg10[%get3A_126] {strides = array<i32>} : memref<20400xi32, #tpu.memory_space<vmem>>, vector<16xi32>,
      %add3A_128 = arith.constant 1600 : i32
      %add3A_129 = vector.broadcast %add3A_128 : i32 to vector<16xi32>
      %add3A_130 = arith.addi %get3A_127, %add3A_129 : vector<16xi32>
      %mul3A_131 = arith.constant 240 : i32
      %mul3A_132 = arith.muli %scan3A_103, %mul3A_131 : i32
      %add3A_133 = arith.constant 16 : i32
      %add3A_134 = arith.addi %mul3A_132, %add3A_133 : i32
      %swap3A_135 = arith.index_cast %add3A_134 : i32 to index
      %swap3A_136 = tpu.vector_load %arg10[%swap3A_135] {strides = array<i32>} : memref<20400xi32, #tpu.memory_space<vmem>>, vector<16xi32>,
      tpu.vector_store %arg10[%swap3A_135], %add3A_130 {strides = array<i32>} : memref<20400xi32, #tpu.memory_space<vmem>>, vector<16xi32>,
      %sub3A_137 = arith.constant 1 : i32
      %sub3A_138 = arith.subi %scan3A_103, %sub3A_137 : i32
      %mul3A_139 = arith.constant 240 : i32
      %mul3A_140 = arith.muli %sub3A_138, %mul3A_139 : i32
      %add3A_141 = arith.constant 32 : i32
      %add3A_142 = arith.addi %mul3A_140, %add3A_141 : i32
      %get3A_143 = arith.index_cast %add3A_142 : i32 to index
      %get3A_144 = tpu.vector_load %arg10[%get3A_143] {strides = array<i32>} : memref<20400xi32, #tpu.memory_space<vmem>>, vector<16xi32>,
      %add3A_145 = arith.constant 1600 : i32
      %add3A_146 = vector.broadcast %add3A_145 : i32 to vector<16xi32>
      %add3A_147 = arith.addi %get3A_144, %add3A_146 : vector<16xi32>
      %mul3A_148 = arith.constant 240 : i32
      %mul3A_149 = arith.muli %scan3A_103, %mul3A_148 : i32
      %add3A_150 = arith.constant 32 : i32
      %add3A_151 = arith.addi %mul3A_149, %add3A_150 : i32
      %swap3A_152 = arith.index_cast %add3A_151 : i32 to index
      %swap3A_153 = tpu.vector_load %arg10[%swap3A_152] {strides = array<i32>} : memref<20400xi32, #tpu.memory_space<vmem>>, vector<16xi32>,
      tpu.vector_store %arg10[%swap3A_152], %add3A_147 {strides = array<i32>} : memref<20400xi32, #tpu.memory_space<vmem>>, vector<16xi32>,
      %sub3A_154 = arith.constant 1 : i32
      %sub3A_155 = arith.subi %scan3A_103, %sub3A_154 : i32
      %mul3A_156 = arith.constant 240 : i32
      %mul3A_157 = arith.muli %sub3A_155, %mul3A_156 : i32
      %add3A_158 = arith.constant 48 : i32
      %add3A_159 = arith.addi %mul3A_157, %add3A_158 : i32
      %get3A_160 = arith.index_cast %add3A_159 : i32 to index
      %get3A_161 = tpu.vector_load %arg10[%get3A_160] {strides = array<i32>} : memref<20400xi32, #tpu.memory_space<vmem>>, vector<16xi32>,
      %add3A_162 = arith.constant 1600 : i32
      %add3A_163 = vector.broadcast %add3A_162 : i32 to vector<16xi32>
      %add3A_164 = arith.addi %get3A_161, %add3A_163 : vector<16xi32>
      %mul3A_165 = arith.constant 240 : i32
      %mul3A_166 = arith.muli %scan3A_103, %mul3A_165 : i32
      %add3A_167 = arith.constant 48 : i32
      %add3A_168 = arith.addi %mul3A_166, %add3A_167 : i32
      %swap3A_169 = arith.index_cast %add3A_168 : i32 to index
      %swap3A_170 = tpu.vector_load %arg10[%swap3A_169] {strides = array<i32>} : memref<20400xi32, #tpu.memory_space<vmem>>, vector<16xi32>,
      tpu.vector_store %arg10[%swap3A_169], %add3A_164 {strides = array<i32>} : memref<20400xi32, #tpu.memory_space<vmem>>, vector<16xi32>,
      %sub3A_171 = arith.constant 1 : i32
      %sub3A_172 = arith.subi %scan3A_103, %sub3A_171 : i32
      %mul3A_173 = arith.constant 240 : i32
      %mul3A_174 = arith.muli %sub3A_172, %mul3A_173 : i32
      %add3A_175 = arith.constant 64 : i32
      %add3A_176 = arith.addi %mul3A_174, %add3A_175 : i32
      %get3A_177 = arith.index_cast %add3A_176 : i32 to index
      %get3A_178 = tpu.vector_load %arg10[%get3A_177] {strides = array<i32>} : memref<20400xi32, #tpu.memory_space<vmem>>, vector<16xi32>,
      %add3A_179 = arith.constant 1600 : i32
      %add3A_180 = vector.broadcast %add3A_179 : i32 to vector<16xi32>
      %add3A_181 = arith.addi %get3A_178, %add3A_180 : vector<16xi32>
      %mul3A_182 = arith.constant 240 : i32
      %mul3A_183 = arith.muli %scan3A_103, %mul3A_182 : i32
      %add3A_184 = arith.constant 64 : i32
      %add3A_185 = arith.addi %mul3A_183, %add3A_184 : i32
      %swap3A_186 = arith.index_cast %add3A_185 : i32 to index
      %swap3A_187 = tpu.vector_load %arg10[%swap3A_186] {strides = array<i32>} : memref<20400xi32, #tpu.memory_space<vmem>>, vector<16xi32>,
      tpu.vector_store %arg10[%swap3A_186], %add3A_181 {strides = array<i32>} : memref<20400xi32, #tpu.memory_space<vmem>>, vector<16xi32>,
      %sub3A_188 = arith.constant 1 : i32
      %sub3A_189 = arith.subi %scan3A_103, %sub3A_188 : i32
      %mul3A_190 = arith.constant 240 : i32
      %mul3A_191 = arith.muli %sub3A_189, %mul3A_190 : i32
      %add3A_192 = arith.constant 80 : i32
      %add3A_193 = arith.addi %mul3A_191, %add3A_192 : i32
      %get3A_194 = arith.index_cast %add3A_193 : i32 to index
      %get3A_195 = tpu.vector_load %arg10[%get3A_194] {strides = array<i32>} : memref<20400xi32, #tpu.memory_space<vmem>>, vector<16xi32>,
      %add3A_196 = arith.constant 1600 : i32
      %add3A_197 = vector.broadcast %add3A_196 : i32 to vector<16xi32>
      %add3A_198 = arith.addi %get3A_195, %add3A_197 : vector<16xi32>
      %mul3A_199 = arith.constant 240 : i32
      %mul3A_200 = arith.muli %scan3A_103, %mul3A_199 : i32
      %add3A_201 = arith.constant 80 : i32
      %add3A_202 = arith.addi %mul3A_200, %add3A_201 : i32
      %swap3A_203 = arith.index_cast %add3A_202 : i32 to index
      %swap3A_204 = tpu.vector_load %arg10[%swap3A_203] {strides = array<i32>} : memref<20400xi32, #tpu.memory_space<vmem>>, vector<16xi32>,
      tpu.vector_store %arg10[%swap3A_203], %add3A_198 {strides = array<i32>} : memref<20400xi32, #tpu.memory_space<vmem>>, vector<16xi32>,
      %sub3A_205 = arith.constant 1 : i32
      %sub3A_206 = arith.subi %scan3A_103, %sub3A_205 : i32
      %mul3A_207 = arith.constant 240 : i32
      %mul3A_208 = arith.muli %sub3A_206, %mul3A_207 : i32
      %add3A_209 = arith.constant 96 : i32
      %add3A_210 = arith.addi %mul3A_208, %add3A_209 : i32
      %get3A_211 = arith.index_cast %add3A_210 : i32 to index
      %get3A_212 = tpu.vector_load %arg10[%get3A_211] {strides = array<i32>} : memref<20400xi32, #tpu.memory_space<vmem>>, vector<16xi32>,
      %add3A_213 = arith.constant 1600 : i32
      %add3A_214 = vector.broadcast %add3A_213 : i32 to vector<16xi32>
      %add3A_215 = arith.addi %get3A_212, %add3A_214 : vector<16xi32>
      %mul3A_216 = arith.constant 240 : i32
      %mul3A_217 = arith.muli %scan3A_103, %mul3A_216 : i32
      %add3A_218 = arith.constant 96 : i32
      %add3A_219 = arith.addi %mul3A_217, %add3A_218 : i32
      %swap3A_220 = arith.index_cast %add3A_219 : i32 to index
      %swap3A_221 = tpu.vector_load %arg10[%swap3A_220] {strides = array<i32>} : memref<20400xi32, #tpu.memory_space<vmem>>, vector<16xi32>,
      tpu.vector_store %arg10[%swap3A_220], %add3A_215 {strides = array<i32>} : memref<20400xi32, #tpu.memory_space<vmem>>, vector<16xi32>,
      %sub3A_222 = arith.constant 1 : i32
      %sub3A_223 = arith.subi %scan3A_103, %sub3A_222 : i32
      %mul3A_224 = arith.constant 240 : i32
      %mul3A_225 = arith.muli %sub3A_223, %mul3A_224 : i32
      %add3A_226 = arith.constant 112 : i32
      %add3A_227 = arith.addi %mul3A_225, %add3A_226 : i32
      %get3A_228 = arith.index_cast %add3A_227 : i32 to index
      %get3A_229 = tpu.vector_load %arg10[%get3A_228] {strides = array<i32>} : memref<20400xi32, #tpu.memory_space<vmem>>, vector<16xi32>,
      %add3A_230 = arith.constant 1600 : i32
      %add3A_231 = vector.broadcast %add3A_230 : i32 to vector<16xi32>
      %add3A_232 = arith.addi %get3A_229, %add3A_231 : vector<16xi32>
      %mul3A_233 = arith.constant 240 : i32
      %mul3A_234 = arith.muli %scan3A_103, %mul3A_233 : i32
      %add3A_235 = arith.constant 112 : i32
      %add3A_236 = arith.addi %mul3A_234, %add3A_235 : i32
      %swap3A_237 = arith.index_cast %add3A_236 : i32 to index
      %swap3A_238 = tpu.vector_load %arg10[%swap3A_237] {strides = array<i32>} : memref<20400xi32, #tpu.memory_space<vmem>>, vector<16xi32>,
      tpu.vector_store %arg10[%swap3A_237], %add3A_232 {strides = array<i32>} : memref<20400xi32, #tpu.memory_space<vmem>>, vector<16xi32>,
      %sub3A_239 = arith.constant 1 : i32
      %sub3A_240 = arith.subi %scan3A_103, %sub3A_239 : i32
      %mul3A_241 = arith.constant 240 : i32
      %mul3A_242 = arith.muli %sub3A_240, %mul3A_241 : i32
      %add3A_243 = arith.constant 128 : i32
      %add3A_244 = arith.addi %mul3A_242, %add3A_243 : i32
      %get3A_245 = arith.index_cast %add3A_244 : i32 to index
      %get3A_246 = tpu.vector_load %arg10[%get3A_245] {strides = array<i32>} : memref<20400xi32, #tpu.memory_space<vmem>>, vector<16xi32>,
      %add3A_247 = arith.constant 1600 : i32
      %add3A_248 = vector.broadcast %add3A_247 : i32 to vector<16xi32>
      %add3A_249 = arith.addi %get3A_246, %add3A_248 : vector<16xi32>
      %mul3A_250 = arith.constant 240 : i32
      %mul3A_251 = arith.muli %scan3A_103, %mul3A_250 : i32
      %add3A_252 = arith.constant 128 : i32
      %add3A_253 = arith.addi %mul3A_251, %add3A_252 : i32
      %swap3A_254 = arith.index_cast %add3A_253 : i32 to index
      %swap3A_255 = tpu.vector_load %arg10[%swap3A_254] {strides = array<i32>} : memref<20400xi32, #tpu.memory_space<vmem>>, vector<16xi32>,
      tpu.vector_store %arg10[%swap3A_254], %add3A_249 {strides = array<i32>} : memref<20400xi32, #tpu.memory_space<vmem>>, vector<16xi32>,
      %sub3A_256 = arith.constant 1 : i32
      %sub3A_257 = arith.subi %scan3A_103, %sub3A_256 : i32
      %mul3A_258 = arith.constant 240 : i32
      %mul3A_259 = arith.muli %sub3A_257, %mul3A_258 : i32
      %add3A_260 = arith.constant 144 : i32
      %add3A_261 = arith.addi %mul3A_259, %add3A_260 : i32
      %get3A_262 = arith.index_cast %add3A_261 : i32 to index
      %get3A_263 = tpu.vector_load %arg10[%get3A_262] {strides = array<i32>} : memref<20400xi32, #tpu.memory_space<vmem>>, vector<16xi32>,
      %add3A_264 = arith.constant 1600 : i32
      %add3A_265 = vector.broadcast %add3A_264 : i32 to vector<16xi32>
      %add3A_266 = arith.addi %get3A_263, %add3A_265 : vector<16xi32>
      %mul3A_267 = arith.constant 240 : i32
      %mul3A_268 = arith.muli %scan3A_103, %mul3A_267 : i32
      %add3A_269 = arith.constant 144 : i32
      %add3A_270 = arith.addi %mul3A_268, %add3A_269 : i32
      %swap3A_271 = arith.index_cast %add3A_270 : i32 to index
      %swap3A_272 = tpu.vector_load %arg10[%swap3A_271] {strides = array<i32>} : memref<20400xi32, #tpu.memory_space<vmem>>, vector<16xi32>,
      tpu.vector_store %arg10[%swap3A_271], %add3A_266 {strides = array<i32>} : memref<20400xi32, #tpu.memory_space<vmem>>, vector<16xi32>,
      %sub3A_273 = arith.constant 1 : i32
      %sub3A_274 = arith.subi %scan3A_103, %sub3A_273 : i32
      %mul3A_275 = arith.constant 240 : i32
      %mul3A_276 = arith.muli %sub3A_274, %mul3A_275 : i32
      %add3A_277 = arith.constant 160 : i32
      %add3A_278 = arith.addi %mul3A_276, %add3A_277 : i32
      %get3A_279 = arith.index_cast %add3A_278 : i32 to index
      %get3A_280 = tpu.vector_load %arg10[%get3A_279] {strides = array<i32>} : memref<20400xi32, #tpu.memory_space<vmem>>, vector<16xi32>,
      %add3A_281 = arith.constant 1600 : i32
      %add3A_282 = vector.broadcast %add3A_281 : i32 to vector<16xi32>
      %add3A_283 = arith.addi %get3A_280, %add3A_282 : vector<16xi32>
      %mul3A_284 = arith.constant 240 : i32
      %mul3A_285 = arith.muli %scan3A_103, %mul3A_284 : i32
      %add3A_286 = arith.constant 160 : i32
      %add3A_287 = arith.addi %mul3A_285, %add3A_286 : i32
      %swap3A_288 = arith.index_cast %add3A_287 : i32 to index
      %swap3A_289 = tpu.vector_load %arg10[%swap3A_288] {strides = array<i32>} : memref<20400xi32, #tpu.memory_space<vmem>>, vector<16xi32>,
      tpu.vector_store %arg10[%swap3A_288], %add3A_283 {strides = array<i32>} : memref<20400xi32, #tpu.memory_space<vmem>>, vector<16xi32>,
      %sub3A_290 = arith.constant 1 : i32
      %sub3A_291 = arith.subi %scan3A_103, %sub3A_290 : i32
      %mul3A_292 = arith.constant 240 : i32
      %mul3A_293 = arith.muli %sub3A_291, %mul3A_292 : i32
      %add3A_294 = arith.constant 176 : i32
      %add3A_295 = arith.addi %mul3A_293, %add3A_294 : i32
      %get3A_296 = arith.index_cast %add3A_295 : i32 to index
      %get3A_297 = tpu.vector_load %arg10[%get3A_296] {strides = array<i32>} : memref<20400xi32, #tpu.memory_space<vmem>>, vector<16xi32>,
      %add3A_298 = arith.constant 1600 : i32
      %add3A_299 = vector.broadcast %add3A_298 : i32 to vector<16xi32>
      %add3A_300 = arith.addi %get3A_297, %add3A_299 : vector<16xi32>
      %mul3A_301 = arith.constant 240 : i32
      %mul3A_302 = arith.muli %scan3A_103, %mul3A_301 : i32
      %add3A_303 = arith.constant 176 : i32
      %add3A_304 = arith.addi %mul3A_302, %add3A_303 : i32
      %swap3A_305 = arith.index_cast %add3A_304 : i32 to index
      %swap3A_306 = tpu.vector_load %arg10[%swap3A_305] {strides = array<i32>} : memref<20400xi32, #tpu.memory_space<vmem>>, vector<16xi32>,
      tpu.vector_store %arg10[%swap3A_305], %add3A_300 {strides = array<i32>} : memref<20400xi32, #tpu.memory_space<vmem>>, vector<16xi32>,
      %sub3A_307 = arith.constant 1 : i32
      %sub3A_308 = arith.subi %scan3A_103, %sub3A_307 : i32
      %mul3A_309 = arith.constant 240 : i32
      %mul3A_310 = arith.muli %sub3A_308, %mul3A_309 : i32
      %add3A_311 = arith.constant 192 : i32
      %add3A_312 = arith.addi %mul3A_310, %add3A_311 : i32
      %get3A_313 = arith.index_cast %add3A_312 : i32 to index
      %get3A_314 = tpu.vector_load %arg10[%get3A_313] {strides = array<i32>} : memref<20400xi32, #tpu.memory_space<vmem>>, vector<16xi32>,
      %add3A_315 = arith.constant 1600 : i32
      %add3A_316 = vector.broadcast %add3A_315 : i32 to vector<16xi32>
      %add3A_317 = arith.addi %get3A_314, %add3A_316 : vector<16xi32>
      %mul3A_318 = arith.constant 240 : i32
      %mul3A_319 = arith.muli %scan3A_103, %mul3A_318 : i32
      %add3A_320 = arith.constant 192 : i32
      %add3A_321 = arith.addi %mul3A_319, %add3A_320 : i32
      %swap3A_322 = arith.index_cast %add3A_321 : i32 to index
      %swap3A_323 = tpu.vector_load %arg10[%swap3A_322] {strides = array<i32>} : memref<20400xi32, #tpu.memory_space<vmem>>, vector<16xi32>,
      tpu.vector_store %arg10[%swap3A_322], %add3A_317 {strides = array<i32>} : memref<20400xi32, #tpu.memory_space<vmem>>, vector<16xi32>,
      %sub3A_324 = arith.constant 1 : i32
      %sub3A_325 = arith.subi %scan3A_103, %sub3A_324 : i32
      %mul3A_326 = arith.constant 240 : i32
      %mul3A_327 = arith.muli %sub3A_325, %mul3A_326 : i32
      %add3A_328 = arith.constant 208 : i32
      %add3A_329 = arith.addi %mul3A_327, %add3A_328 : i32
      %get3A_330 = arith.index_cast %add3A_329 : i32 to index
      %get3A_331 = tpu.vector_load %arg10[%get3A_330] {strides = array<i32>} : memref<20400xi32, #tpu.memory_space<vmem>>, vector<16xi32>,
      %add3A_332 = arith.constant 1600 : i32
      %add3A_333 = vector.broadcast %add3A_332 : i32 to vector<16xi32>
      %add3A_334 = arith.addi %get3A_331, %add3A_333 : vector<16xi32>
      %mul3A_335 = arith.constant 240 : i32
      %mul3A_336 = arith.muli %scan3A_103, %mul3A_335 : i32
      %add3A_337 = arith.constant 208 : i32
      %add3A_338 = arith.addi %mul3A_336, %add3A_337 : i32
      %swap3A_339 = arith.index_cast %add3A_338 : i32 to index
      %swap3A_340 = tpu.vector_load %arg10[%swap3A_339] {strides = array<i32>} : memref<20400xi32, #tpu.memory_space<vmem>>, vector<16xi32>,
      tpu.vector_store %arg10[%swap3A_339], %add3A_334 {strides = array<i32>} : memref<20400xi32, #tpu.memory_space<vmem>>, vector<16xi32>,
      %sub3A_341 = arith.constant 1 : i32
      %sub3A_342 = arith.subi %scan3A_103, %sub3A_341 : i32
      %mul3A_343 = arith.constant 240 : i32
      %mul3A_344 = arith.muli %sub3A_342, %mul3A_343 : i32
      %add3A_345 = arith.constant 224 : i32
      %add3A_346 = arith.addi %mul3A_344, %add3A_345 : i32
      %get3A_347 = arith.index_cast %add3A_346 : i32 to index
      %get3A_348 = tpu.vector_load %arg10[%get3A_347] {strides = array<i32>} : memref<20400xi32, #tpu.memory_space<vmem>>, vector<16xi32>,
      %add3A_349 = arith.constant 1600 : i32
      %add3A_350 = vector.broadcast %add3A_349 : i32 to vector<16xi32>
      %add3A_351 = arith.addi %get3A_348, %add3A_350 : vector<16xi32>
      %mul3A_352 = arith.constant 240 : i32
      %mul3A_353 = arith.muli %scan3A_103, %mul3A_352 : i32
      %add3A_354 = arith.constant 224 : i32
      %add3A_355 = arith.addi %mul3A_353, %add3A_354 : i32
      %swap3A_356 = arith.index_cast %add3A_355 : i32 to index
      %swap3A_357 = tpu.vector_load %arg10[%swap3A_356] {strides = array<i32>} : memref<20400xi32, #tpu.memory_space<vmem>>, vector<16xi32>,
      tpu.vector_store %arg10[%swap3A_356], %add3A_351 {strides = array<i32>} : memref<20400xi32, #tpu.memory_space<vmem>>, vector<16xi32>,
      %scan3A_358 = arith.constant 0 : i32
      scf.yield %scan3A_358 : i32
    }
    %scan3A_44 = arith.constant 84 : i32
    %dma_start3A_45 = arith.constant 0 : i32
    %dma_start3A_46 = tpu.memref_slice %arg3[%dma_start3A_45] : memref<13056000xf32, #tpu.memory_space<hbm>> -> memref<13056000xf32, #tpu.memory_space<hbm>>
    tpu.enqueue_indirect_dma source(%dma_start3A_46 : memref<13056000xf32, #tpu.memory_space<hbm>>) target(%arg11 : memref<20400xf32, #tpu.memory_space<vmem>>) offsets(%arg10 : memref<20400xi32, #tpu.memory_space<vmem>>) semaphore(%arg21 : memref<!tpu.dma_semaphore, #tpu.memory_space<semaphore_mem>>)
    %dma_wait3A_47 = arith.constant 0 : i32
    %dma_wait3A_48 = tpu.memref_slice %arg3[%dma_wait3A_47] : memref<13056000xf32, #tpu.memory_space<hbm>> -> memref<13056000xf32, #tpu.memory_space<hbm>>
    tpu.wait_indirect_dma semaphore(%arg21 : memref<!tpu.dma_semaphore, #tpu.memory_space<semaphore_mem>>) src(%dma_wait3A_48 : memref<13056000xf32, #tpu.memory_space<hbm>>) dst(%arg11 : memref<20400xf32, #tpu.memory_space<vmem>>)
    %broadcast_in_dim3A_49 = arith.constant 0.000000e+00 : f32
    %broadcast_in_dim3A_50 = vector.broadcast %broadcast_in_dim3A_49 : f32 to vector<16xf32>
    %scan3A_51 = arith.constant 0 : i32
    %scan3A_52 = arith.constant 15 : i32
    %scan3A_53 = arith.addi %scan3A_51, %scan3A_52 : i32
    %scan3A_54 = arith.constant 1 : i32
    %scan3A_55:4 = scf.for %scan3A_103 = %scan3A_51 to %scan3A_53 step %scan3A_54 iter_args(%scan3A_104 = %broadcast_in_dim3A_50, %scan3A_105 = %broadcast_in_dim3A_50, %scan3A_106 = %broadcast_in_dim3A_50, %scan3A_107 = %broadcast_in_dim3A_50) -> (vector<16xf32>, vector<16xf32>, vector<16xf32>, vector<16xf32>)  : i32 {
      %mul3A_108 = arith.constant 16 : i32
      %mul3A_109 = arith.muli %scan3A_103, %mul3A_108 : i32
      %mul3A_110 = arith.constant 16 : i32
      %mul3A_111 = arith.muli %scan3A_103, %mul3A_110 : i32
      %add3A_112 = arith.constant 0 : i32
      %add3A_113 = arith.addi %add3A_112, %mul3A_111 : i32
      %get3A = arith.index_cast %add3A_113 : i32 to index
      %get3A_114 = tpu.vector_load %arg11[%get3A] {strides = array<i32>} : memref<20400xf32, #tpu.memory_space<vmem>>, vector<16xf32>,
      %mul3A_115 = arith.constant 16 : i32
      %mul3A_116 = arith.muli %scan3A_103, %mul3A_115 : i32
      %add3A_117 = arith.constant 240 : i32
      %add3A_118 = arith.addi %add3A_117, %mul3A_116 : i32
      %get3A_119 = arith.index_cast %add3A_118 : i32 to index
      %get3A_120 = tpu.vector_load %arg11[%get3A_119] {strides = array<i32>} : memref<20400xf32, #tpu.memory_space<vmem>>, vector<16xf32>,
      %mul3A_121 = arith.constant 16 : i32
      %mul3A_122 = arith.muli %scan3A_103, %mul3A_121 : i32
      %add3A_123 = arith.constant 480 : i32
      %add3A_124 = arith.addi %add3A_123, %mul3A_122 : i32
      %get3A_125 = arith.index_cast %add3A_124 : i32 to index
      %get3A_126 = tpu.vector_load %arg11[%get3A_125] {strides = array<i32>} : memref<20400xf32, #tpu.memory_space<vmem>>, vector<16xf32>,
      %mul3A_127 = arith.constant 16 : i32
      %mul3A_128 = arith.muli %scan3A_103, %mul3A_127 : i32
      %add3A_129 = arith.constant 720 : i32
      %add3A_130 = arith.addi %add3A_129, %mul3A_128 : i32
      %get3A_131 = arith.index_cast %add3A_130 : i32 to index
      %get3A_132 = tpu.vector_load %arg11[%get3A_131] {strides = array<i32>} : memref<20400xf32, #tpu.memory_space<vmem>>, vector<16xf32>,
      %mul3A_133 = arith.constant 16 : i32
      %mul3A_134 = arith.muli %scan3A_103, %mul3A_133 : i32
      %add3A_135 = arith.constant 960 : i32
      %add3A_136 = arith.addi %add3A_135, %mul3A_134 : i32
      %get3A_137 = arith.index_cast %add3A_136 : i32 to index
      %get3A_138 = tpu.vector_load %arg11[%get3A_137] {strides = array<i32>} : memref<20400xf32, #tpu.memory_space<vmem>>, vector<16xf32>,
      %get3A_139 = arith.index_cast %mul3A_109 : i32 to index
      %get3A_140 = tpu.vector_load %arg12[%get3A_139] {strides = array<i32>} : memref<240xf32, #tpu.memory_space<vmem>>, vector<16xf32>,
      %get3A_141 = arith.index_cast %mul3A_109 : i32 to index
      %get3A_142 = tpu.vector_load %arg13[%get3A_141] {strides = array<i32>} : memref<240xf32, #tpu.memory_space<vmem>>, vector<16xf32>,
      %get3A_143 = arith.index_cast %mul3A_109 : i32 to index
      %get3A_144 = tpu.vector_load %arg14[%get3A_143] {strides = array<i32>} : memref<240xf32, #tpu.memory_space<vmem>>, vector<16xf32>,
      %get3A_145 = arith.index_cast %mul3A_109 : i32 to index
      %get3A_146 = tpu.vector_load %arg15[%get3A_145] {strides = array<i32>} : memref<240xf32, #tpu.memory_space<vmem>>, vector<16xf32>,
      %get3A_147 = arith.index_cast %mul3A_109 : i32 to index
      %get3A_148 = tpu.vector_load %arg16[%get3A_147] {strides = array<i32>} : memref<240xf32, #tpu.memory_space<vmem>>, vector<16xf32>,
      %get3A_149 = arith.index_cast %mul3A_109 : i32 to index
      %get3A_150 = tpu.vector_load %arg17[%get3A_149] {strides = array<i32>} : memref<240xf32, #tpu.memory_space<vmem>>, vector<16xf32>,
      %get3A_151 = arith.index_cast %mul3A_109 : i32 to index
      %get3A_152 = tpu.vector_load %arg18[%get3A_151] {strides = array<i32>} : memref<240xf32, #tpu.memory_space<vmem>>, vector<16xf32>,
      %neg3A = arith.constant 0.000000e+00 : f32
      %neg3A_153 = vector.broadcast %neg3A : f32 to vector<16xf32>
      %neg3A_154 = arith.subf %neg3A_153, %get3A_114 : vector<16xf32>
      %exp3A = math.exp %neg3A_154 : vector<16xf32>
      %add3A_155 = arith.constant 1.000000e+00 : f32
      %add3A_156 = vector.broadcast %add3A_155 : f32 to vector<16xf32>
      %add3A_157 = arith.addf %add3A_156, %exp3A : vector<16xf32>
      %div3A = arith.constant 1.000000e+00 : f32
      %div3A_158 = vector.broadcast %div3A : f32 to vector<16xf32>
      %div3A_159 = arith.divf %div3A_158, %add3A_157 : vector<16xf32>
      %mul3A_160 = arith.constant 2.000000e+00 : f32
      %mul3A_161 = vector.broadcast %mul3A_160 : f32 to vector<16xf32>
      %mul3A_162 = arith.mulf %div3A_159, %mul3A_161 : vector<16xf32>
      %sub3A = arith.constant 5.000000e-01 : f32
      %sub3A_163 = vector.broadcast %sub3A : f32 to vector<16xf32>
      %sub3A_164 = arith.subf %mul3A_162, %sub3A_163 : vector<16xf32>
      %neg3A_165 = arith.constant 0.000000e+00 : f32
      %neg3A_166 = vector.broadcast %neg3A_165 : f32 to vector<16xf32>
      %neg3A_167 = arith.subf %neg3A_166, %get3A_120 : vector<16xf32>
      %exp3A_168 = math.exp %neg3A_167 : vector<16xf32>
      %add3A_169 = arith.constant 1.000000e+00 : f32
      %add3A_170 = vector.broadcast %add3A_169 : f32 to vector<16xf32>
      %add3A_171 = arith.addf %add3A_170, %exp3A_168 : vector<16xf32>
      %div3A_172 = arith.constant 1.000000e+00 : f32
      %div3A_173 = vector.broadcast %div3A_172 : f32 to vector<16xf32>
      %div3A_174 = arith.divf %div3A_173, %add3A_171 : vector<16xf32>
      %mul3A_175 = arith.constant 2.000000e+00 : f32
      %mul3A_176 = vector.broadcast %mul3A_175 : f32 to vector<16xf32>
      %mul3A_177 = arith.mulf %div3A_174, %mul3A_176 : vector<16xf32>
      %sub3A_178 = arith.constant 5.000000e-01 : f32
      %sub3A_179 = vector.broadcast %sub3A_178 : f32 to vector<16xf32>
      %sub3A_180 = arith.subf %mul3A_177, %sub3A_179 : vector<16xf32>
      %neg3A_181 = arith.constant 0.000000e+00 : f32
      %neg3A_182 = vector.broadcast %neg3A_181 : f32 to vector<16xf32>
      %neg3A_183 = arith.subf %neg3A_182, %get3A_126 : vector<16xf32>
      %exp3A_184 = math.exp %neg3A_183 : vector<16xf32>
      %add3A_185 = arith.constant 1.000000e+00 : f32
      %add3A_186 = vector.broadcast %add3A_185 : f32 to vector<16xf32>
      %add3A_187 = arith.addf %add3A_186, %exp3A_184 : vector<16xf32>
      %div3A_188 = arith.constant 1.000000e+00 : f32
      %div3A_189 = vector.broadcast %div3A_188 : f32 to vector<16xf32>
      %div3A_190 = arith.divf %div3A_189, %add3A_187 : vector<16xf32>
      %mul3A_191 = arith.constant 2.000000e+00 : f32
      %mul3A_192 = vector.broadcast %mul3A_191 : f32 to vector<16xf32>
      %mul3A_193 = arith.mulf %div3A_190, %mul3A_192 : vector<16xf32>
      %mul3A_194 = arith.mulf %mul3A_193, %mul3A_193 : vector<16xf32>
      %mul3A_195 = arith.mulf %mul3A_194, %get3A_150 : vector<16xf32>
      %neg3A_196 = arith.constant 0.000000e+00 : f32
      %neg3A_197 = vector.broadcast %neg3A_196 : f32 to vector<16xf32>
      %neg3A_198 = arith.subf %neg3A_197, %get3A_132 : vector<16xf32>
      %exp3A_199 = math.exp %neg3A_198 : vector<16xf32>
      %add3A_200 = arith.constant 1.000000e+00 : f32
      %add3A_201 = vector.broadcast %add3A_200 : f32 to vector<16xf32>
      %add3A_202 = arith.addf %add3A_201, %exp3A_199 : vector<16xf32>
      %div3A_203 = arith.constant 1.000000e+00 : f32
      %div3A_204 = vector.broadcast %div3A_203 : f32 to vector<16xf32>
      %div3A_205 = arith.divf %div3A_204, %add3A_202 : vector<16xf32>
      %mul3A_206 = arith.constant 2.000000e+00 : f32
      %mul3A_207 = vector.broadcast %mul3A_206 : f32 to vector<16xf32>
      %mul3A_208 = arith.mulf %div3A_205, %mul3A_207 : vector<16xf32>
      %mul3A_209 = arith.mulf %mul3A_208, %mul3A_208 : vector<16xf32>
      %mul3A_210 = arith.mulf %mul3A_209, %get3A_152 : vector<16xf32>
      %mul3A_211 = arith.constant 5.000000e-01 : f32
      %mul3A_212 = vector.broadcast %mul3A_211 : f32 to vector<16xf32>
      %mul3A_213 = arith.mulf %mul3A_195, %mul3A_212 : vector<16xf32>
      %sub3A_214 = arith.subf %sub3A_164, %mul3A_213 : vector<16xf32>
      %mul3A_215 = arith.constant 5.000000e-01 : f32
      %mul3A_216 = vector.broadcast %mul3A_215 : f32 to vector<16xf32>
      %mul3A_217 = arith.mulf %mul3A_195, %mul3A_216 : vector<16xf32>
      %add3A_218 = arith.addf %sub3A_164, %mul3A_217 : vector<16xf32>
      %mul3A_219 = arith.constant 5.000000e-01 : f32
      %mul3A_220 = vector.broadcast %mul3A_219 : f32 to vector<16xf32>
      %mul3A_221 = arith.mulf %mul3A_210, %mul3A_220 : vector<16xf32>
      %sub3A_222 = arith.subf %sub3A_180, %mul3A_221 : vector<16xf32>
      %mul3A_223 = arith.constant 5.000000e-01 : f32
      %mul3A_224 = vector.broadcast %mul3A_223 : f32 to vector<16xf32>
      %mul3A_225 = arith.mulf %mul3A_210, %mul3A_224 : vector<16xf32>
      %add3A_226 = arith.addf %sub3A_180, %mul3A_225 : vector<16xf32>
      %mul3A_227 = arith.constant 5.000000e-01 : f32
      %mul3A_228 = vector.broadcast %mul3A_227 : f32 to vector<16xf32>
      %mul3A_229 = arith.mulf %get3A_146, %mul3A_228 : vector<16xf32>
      %sub3A_230 = arith.subf %get3A_142, %mul3A_229 : vector<16xf32>
      %mul3A_231 = arith.constant 5.000000e-01 : f32
      %mul3A_232 = vector.broadcast %mul3A_231 : f32 to vector<16xf32>
      %mul3A_233 = arith.mulf %get3A_146, %mul3A_232 : vector<16xf32>
      %add3A_234 = arith.addf %get3A_142, %mul3A_233 : vector<16xf32>
      %mul3A_235 = arith.constant 5.000000e-01 : f32
      %mul3A_236 = vector.broadcast %mul3A_235 : f32 to vector<16xf32>
      %mul3A_237 = arith.mulf %get3A_148, %mul3A_236 : vector<16xf32>
      %sub3A_238 = arith.subf %get3A_144, %mul3A_237 : vector<16xf32>
      %mul3A_239 = arith.constant 5.000000e-01 : f32
      %mul3A_240 = vector.broadcast %mul3A_239 : f32 to vector<16xf32>
      %mul3A_241 = arith.mulf %get3A_148, %mul3A_240 : vector<16xf32>
      %add3A_242 = arith.addf %get3A_144, %mul3A_241 : vector<16xf32>
      %min3A = arith.minimumf %add3A_218, %add3A_234 : vector<16xf32>
      %max3A = arith.maximumf %sub3A_214, %sub3A_230 : vector<16xf32>
      %sub3A_243 = arith.subf %min3A, %max3A : vector<16xf32>
      %max3A_244 = arith.constant 0.000000e+00 : f32
      %max3A_245 = vector.broadcast %max3A_244 : f32 to vector<16xf32>
      %max3A_246 = arith.maximumf %sub3A_243, %max3A_245 : vector<16xf32>
      %min3A_247 = arith.minimumf %add3A_226, %add3A_242 : vector<16xf32>
      %max3A_248 = arith.maximumf %sub3A_222, %sub3A_238 : vector<16xf32>
      %sub3A_249 = arith.subf %min3A_247, %max3A_248 : vector<16xf32>
      %max3A_250 = arith.constant 0.000000e+00 : f32
      %max3A_251 = vector.broadcast %max3A_250 : f32 to vector<16xf32>
      %max3A_252 = arith.maximumf %sub3A_249, %max3A_251 : vector<16xf32>
      %mul3A_253 = arith.mulf %max3A_246, %max3A_252 : vector<16xf32>
      %sub3A_254 = arith.subf %add3A_218, %sub3A_214 : vector<16xf32>
      %sub3A_255 = arith.subf %add3A_226, %sub3A_222 : vector<16xf32>
      %mul3A_256 = arith.mulf %sub3A_254, %sub3A_255 : vector<16xf32>
      %sub3A_257 = arith.subf %add3A_234, %sub3A_230 : vector<16xf32>
      %sub3A_258 = arith.subf %add3A_242, %sub3A_238 : vector<16xf32>
      %mul3A_259 = arith.mulf %sub3A_257, %sub3A_258 : vector<16xf32>
      %add3A_260 = arith.addf %mul3A_256, %mul3A_259 : vector<16xf32>
      %sub3A_261 = arith.subf %add3A_260, %mul3A_253 : vector<16xf32>
      %div3A_262 = arith.divf %mul3A_253, %sub3A_261 : vector<16xf32>
      %max3A_263 = arith.maximumf %add3A_218, %add3A_234 : vector<16xf32>
      %min3A_264 = arith.minimumf %sub3A_214, %sub3A_230 : vector<16xf32>
      %sub3A_265 = arith.subf %max3A_263, %min3A_264 : vector<16xf32>
      %add3A_266 = arith.constant 1.000000e-16 : f32
      %add3A_267 = vector.broadcast %add3A_266 : f32 to vector<16xf32>
      %add3A_268 = arith.addf %sub3A_265, %add3A_267 : vector<16xf32>
      %max3A_269 = arith.maximumf %add3A_226, %add3A_242 : vector<16xf32>
      %min3A_270 = arith.minimumf %sub3A_222, %sub3A_238 : vector<16xf32>
      %sub3A_271 = arith.subf %max3A_269, %min3A_270 : vector<16xf32>
      %mul3A_272 = arith.mulf %add3A_268, %sub3A_271 : vector<16xf32>
      %add3A_273 = arith.constant 1.000000e-16 : f32
      %add3A_274 = vector.broadcast %add3A_273 : f32 to vector<16xf32>
      %add3A_275 = arith.addf %mul3A_272, %add3A_274 : vector<16xf32>
      %sub3A_276 = arith.subf %add3A_275, %sub3A_261 : vector<16xf32>
      %div3A_277 = arith.divf %sub3A_276, %add3A_275 : vector<16xf32>
      %sub3A_278 = arith.subf %div3A_262, %div3A_277 : vector<16xf32>
      %get3A_279 = arith.index_cast %mul3A_109 : i32 to index
      %get3A_280 = tpu.vector_load %arg19[%get3A_279] {strides = array<i32>} : memref<240xi32, #tpu.memory_space<vmem>>, vector<16xi32>,
      %add3A_281 = arith.constant 5 : i32
      %add3A_282 = vector.broadcast %add3A_281 : i32 to vector<16xi32>
      %add3A_283 = arith.addi %get3A_280, %add3A_282 : vector<16xi32>
      %mul3A_284 = arith.constant 240 : i32
      %mul3A_285 = vector.broadcast %mul3A_284 : i32 to vector<16xi32>
      %mul3A_286 = arith.muli %add3A_283, %mul3A_285 : vector<16xi32>
      %mul3A_287 = arith.constant 16 : i32
      %mul3A_288 = arith.muli %scan3A_103, %mul3A_287 : i32
      %add3A_289 = vector.broadcast %mul3A_288 : i32 to vector<16xi32>
      %add3A_290 = arith.addi %mul3A_286, %add3A_289 : vector<16xi32>
      %add3A_291 = arith.addi %add3A_290, %iota3A : vector<16xi32>
      %gather3A = tpu.vector_load_idx %arg11[%add3A_291] : memref<20400xf32, #tpu.memory_space<vmem>>[vector<16xi32>], vector<16xf32>,
      %sub3A_292 = arith.constant 1.000000e+00 : f32
      %sub3A_293 = vector.broadcast %sub3A_292 : f32 to vector<16xf32>
      %sub3A_294 = arith.subf %sub3A_293, %sub3A_278 : vector<16xf32>
      %mul3A_295 = arith.mulf %get3A_140, %sub3A_294 : vector<16xf32>
      %add3A_296 = arith.addf %scan3A_104, %mul3A_295 : vector<16xf32>
      %add3A_297 = arith.addf %scan3A_105, %get3A_140 : vector<16xf32>
      %mul3A_298 = arith.mulf %get3A_140, %get3A_138 : vector<16xf32>
      %max3A_299 = arith.constant 0.000000e+00 : f32
      %max3A_300 = vector.broadcast %max3A_299 : f32 to vector<16xf32>
      %max3A_301 = arith.maximumf %sub3A_278, %max3A_300 : vector<16xf32>
      %mul3A_302 = arith.mulf %mul3A_298, %max3A_301 : vector<16xf32>
      %add3A_303 = arith.addf %scan3A_106, %mul3A_302 : vector<16xf32>
      %mul3A_304 = arith.mulf %get3A_140, %gather3A : vector<16xf32>
      %add3A_305 = arith.addf %scan3A_107, %mul3A_304 : vector<16xf32>
      scf.yield %add3A_296, %add3A_297, %add3A_303, %add3A_305 : vector<16xf32>, vector<16xf32>, vector<16xf32>, vector<16xf32>
    }
    %scan3A_56 = arith.constant 15 : i32
    %swap3A_57 = arith.constant 64 : index
    %swap3A_58 = tpu.vector_load %arg20[%swap3A_57] {strides = array<i32>} : memref<192xf32, #tpu.memory_space<vmem>>, vector<16xf32>,
    tpu.vector_store %arg20[%swap3A_57], %scan3A_55#0 {strides = array<i32>} : memref<192xf32, #tpu.memory_space<vmem>>, vector<16xf32>,
    %swap3A_59 = arith.constant 80 : index
    %swap3A_60 = tpu.vector_load %arg20[%swap3A_59] {strides = array<i32>} : memref<192xf32, #tpu.memory_space<vmem>>, vector<16xf32>,
    tpu.vector_store %arg20[%swap3A_59], %scan3A_55#1 {strides = array<i32>} : memref<192xf32, #tpu.memory_space<vmem>>, vector<16xf32>,
    %swap3A_61 = arith.constant 96 : index
    %swap3A_62 = tpu.vector_load %arg20[%swap3A_61] {strides = array<i32>} : memref<192xf32, #tpu.memory_space<vmem>>, vector<16xf32>,
    tpu.vector_store %arg20[%swap3A_61], %scan3A_55#2 {strides = array<i32>} : memref<192xf32, #tpu.memory_space<vmem>>, vector<16xf32>,
    %swap3A_63 = arith.constant 112 : index
    %swap3A_64 = tpu.vector_load %arg20[%swap3A_63] {strides = array<i32>} : memref<192xf32, #tpu.memory_space<vmem>>, vector<16xf32>,
    tpu.vector_store %arg20[%swap3A_63], %scan3A_55#3 {strides = array<i32>} : memref<192xf32, #tpu.memory_space<vmem>>, vector<16xf32>,
    %run_scoped3A_65 = arith.constant 1 : i32
    "tpu.region"() ({
      %run_scoped3A_103 = tpu.sem_alloc : memref<!tpu.dma_semaphore, #tpu.memory_space<semaphore_mem>>
      %dma_start3A_104 = arith.constant 1200 : i32
      %dma_start3A_105 = tpu.memref_slice %arg11[%dma_start3A_104] : memref<20400xf32, #tpu.memory_space<vmem>> -> memref<19200xf32, #tpu.memory_space<vmem>>
      %dma_start3A_106 = arith.constant 0 : i32
      %dma_start3A_107 = tpu.memref_slice %arg6[%run_scoped3A_65, %add3A, %dma_start3A_106] : memref<3x32x19200xf32, #tpu.memory_space<hbm>> -> memref<1x1x19200xf32, #tpu.memory_space<hbm>>
      %dma_start3A_108 = tpu.memref_squeeze %dma_start3A_107 : memref<1x1x19200xf32, #tpu.memory_space<hbm>> -> memref<19200xf32, #tpu.memory_space<hbm>>
      %dma_start3A_109 = arith.constant 0 : i32
      %dma_start3A_110 = tpu.memref_slice %arg6[%run_scoped3A_65, %add3A, %dma_start3A_109] : memref<3x32x19200xf32, #tpu.memory_space<hbm>> -> memref<1x1x19200xf32, #tpu.memory_space<hbm>>
      %dma_start3A_111 = tpu.memref_squeeze %dma_start3A_110 : memref<1x1x19200xf32, #tpu.memory_space<hbm>> -> memref<19200xf32, #tpu.memory_space<hbm>>
      %dma_start3A_112 = arith.constant 1200 : i32
      %dma_start3A_113 = tpu.memref_slice %arg11[%dma_start3A_112] : memref<20400xf32, #tpu.memory_space<vmem>> -> memref<19200xf32, #tpu.memory_space<vmem>>
      tpu.enqueue_dma source(%dma_start3A_113 : memref<19200xf32, #tpu.memory_space<vmem>>) target(%dma_start3A_111 : memref<19200xf32, #tpu.memory_space<hbm>>) target_semaphore(%run_scoped3A_103 : memref<!tpu.dma_semaphore, #tpu.memory_space<semaphore_mem>>)
      %dma_wait3A_114 = arith.constant 1200 : i32
      %dma_wait3A_115 = tpu.memref_slice %arg11[%dma_wait3A_114] : memref<20400xf32, #tpu.memory_space<vmem>> -> memref<19200xf32, #tpu.memory_space<vmem>>
      %dma_wait3A_116 = arith.constant 0 : i32
      %dma_wait3A_117 = tpu.memref_slice %arg6[%run_scoped3A_65, %add3A, %dma_wait3A_116] : memref<3x32x19200xf32, #tpu.memory_space<hbm>> -> memref<1x1x19200xf32, #tpu.memory_space<hbm>>
      %dma_wait3A_118 = tpu.memref_squeeze %dma_wait3A_117 : memref<1x1x19200xf32, #tpu.memory_space<hbm>> -> memref<19200xf32, #tpu.memory_space<hbm>>
      %dma_wait3A_119 = arith.constant 0 : i32
      %dma_wait3A_120 = tpu.memref_slice %arg6[%run_scoped3A_65, %add3A, %dma_wait3A_119] : memref<3x32x19200xf32, #tpu.memory_space<hbm>> -> memref<1x1x19200xf32, #tpu.memory_space<hbm>>
      %dma_wait3A_121 = tpu.memref_squeeze %dma_wait3A_120 : memref<1x1x19200xf32, #tpu.memory_space<hbm>> -> memref<19200xf32, #tpu.memory_space<hbm>>
      %dma_wait3A_122 = arith.constant 1200 : i32
      %dma_wait3A_123 = tpu.memref_slice %arg11[%dma_wait3A_122] : memref<20400xf32, #tpu.memory_space<vmem>> -> memref<19200xf32, #tpu.memory_space<vmem>>
      tpu.wait_dma2 semaphore(%run_scoped3A_103 : memref<!tpu.dma_semaphore, #tpu.memory_space<semaphore_mem>>) src(%dma_wait3A_123 : memref<19200xf32, #tpu.memory_space<vmem>>) dst(%dma_wait3A_121 : memref<19200xf32, #tpu.memory_space<hbm>>)
      tpu.yield
    }) : () -> ()
    %run_scoped3A_66 = arith.constant 1 : i32
    "tpu.region"() ({
      %run_scoped3A_103 = tpu.sem_alloc : memref<!tpu.dma_semaphore, #tpu.memory_space<semaphore_mem>>
      %dma_start3A_104 = arith.constant 0 : i32
      %dma_start3A_105 = tpu.memref_slice %arg7[%run_scoped3A_66, %add3A, %dma_start3A_104] : memref<3x32x240xf32, #tpu.memory_space<hbm>> -> memref<1x1x240xf32, #tpu.memory_space<hbm>>
      %dma_start3A_106 = tpu.memref_squeeze %dma_start3A_105 : memref<1x1x240xf32, #tpu.memory_space<hbm>> -> memref<240xf32, #tpu.memory_space<hbm>>
      %dma_start3A_107 = arith.constant 0 : i32
      %dma_start3A_108 = tpu.memref_slice %arg7[%run_scoped3A_66, %add3A, %dma_start3A_107] : memref<3x32x240xf32, #tpu.memory_space<hbm>> -> memref<1x1x240xf32, #tpu.memory_space<hbm>>
      %dma_start3A_109 = tpu.memref_squeeze %dma_start3A_108 : memref<1x1x240xf32, #tpu.memory_space<hbm>> -> memref<240xf32, #tpu.memory_space<hbm>>
      tpu.enqueue_dma source(%arg12 : memref<240xf32, #tpu.memory_space<vmem>>) target(%dma_start3A_109 : memref<240xf32, #tpu.memory_space<hbm>>) target_semaphore(%run_scoped3A_103 : memref<!tpu.dma_semaphore, #tpu.memory_space<semaphore_mem>>)
      %dma_wait3A_110 = arith.constant 0 : i32
      %dma_wait3A_111 = tpu.memref_slice %arg7[%run_scoped3A_66, %add3A, %dma_wait3A_110] : memref<3x32x240xf32, #tpu.memory_space<hbm>> -> memref<1x1x240xf32, #tpu.memory_space<hbm>>
      %dma_wait3A_112 = tpu.memref_squeeze %dma_wait3A_111 : memref<1x1x240xf32, #tpu.memory_space<hbm>> -> memref<240xf32, #tpu.memory_space<hbm>>
      %dma_wait3A_113 = arith.constant 0 : i32
      %dma_wait3A_114 = tpu.memref_slice %arg7[%run_scoped3A_66, %add3A, %dma_wait3A_113] : memref<3x32x240xf32, #tpu.memory_space<hbm>> -> memref<1x1x240xf32, #tpu.memory_space<hbm>>
      %dma_wait3A_115 = tpu.memref_squeeze %dma_wait3A_114 : memref<1x1x240xf32, #tpu.memory_space<hbm>> -> memref<240xf32, #tpu.memory_space<hbm>>
      tpu.wait_dma2 semaphore(%run_scoped3A_103 : memref<!tpu.dma_semaphore, #tpu.memory_space<semaphore_mem>>) src(%arg12 : memref<240xf32, #tpu.memory_space<vmem>>) dst(%dma_wait3A_115 : memref<240xf32, #tpu.memory_space<hbm>>)
      tpu.yield
    }) : () -> ()
    %scan3A_67 = arith.constant 0 : i32
    %scan3A_68 = arith.constant 0 : i32
    %scan3A_69 = arith.constant 15 : i32
    %scan3A_70 = arith.addi %scan3A_68, %scan3A_69 : i32
    %scan3A_71 = arith.constant 1 : i32
    %scan3A_72 = scf.for %scan3A_103 = %scan3A_68 to %scan3A_70 step %scan3A_71 iter_args(%scan3A_104 = %scan3A_67) -> (i32)  : i32 {
      %mul3A_105 = arith.constant 240 : i32
      %mul3A_106 = arith.muli %add3A, %mul3A_105 : i32
      %mul3A_107 = arith.constant 16 : i32
      %mul3A_108 = arith.muli %scan3A_103, %mul3A_107 : i32
      %add3A_109 = arith.addi %mul3A_106, %mul3A_108 : i32
      %add3A_110 = vector.broadcast %add3A_109 : i32 to vector<16xi32>
      %add3A_111 = arith.addi %add3A_110, %iota3A : vector<16xi32>
      %rem3A = arith.constant 512 : i32
      %rem3A_112 = vector.broadcast %rem3A : i32 to vector<16xi32>
      %rem3A_113 = arith.remsi %add3A_111, %rem3A_112 : vector<16xi32>
      %div3A = arith.constant 512 : i32
      %div3A_114 = vector.broadcast %div3A : i32 to vector<16xi32>
      %div3A_115 = arith.divsi %add3A_111, %div3A_114 : vector<16xi32>
      %rem3A_116 = arith.constant 3 : i32
      %rem3A_117 = vector.broadcast %rem3A_116 : i32 to vector<16xi32>
      %rem3A_118 = arith.remsi %div3A_115, %rem3A_117 : vector<16xi32>
      %div3A_119 = arith.constant 3 : i32
      %div3A_120 = vector.broadcast %div3A_119 : i32 to vector<16xi32>
      %div3A_121 = arith.divsi %div3A_115, %div3A_120 : vector<16xi32>
      %mul3A_122 = arith.constant 6 : i32
      %mul3A_123 = vector.broadcast %mul3A_122 : i32 to vector<16xi32>
      %mul3A_124 = arith.muli %rem3A_113, %mul3A_123 : vector<16xi32>
      %gather3A = tpu.vector_load_idx %arg9[%mul3A_124] : memref<3072xf32, #tpu.memory_space<vmem>>[vector<16xi32>], vector<16xf32>,
      %convert_element_type3A = arith.fptosi %gather3A : vector<16xf32> to vector<16xi32>
      %add3A_125 = arith.constant 1 : i32
      %add3A_126 = vector.broadcast %add3A_125 : i32 to vector<16xi32>
      %add3A_127 = arith.addi %mul3A_124, %add3A_126 : vector<16xi32>
      %gather3A_128 = tpu.vector_load_idx %arg9[%add3A_127] : memref<3072xf32, #tpu.memory_space<vmem>>[vector<16xi32>], vector<16xf32>,
      %convert_element_type3A_129 = arith.fptosi %gather3A_128 : vector<16xf32> to vector<16xi32>
      %add3A_130 = arith.constant 2 : i32
      %add3A_131 = vector.broadcast %add3A_130 : i32 to vector<16xi32>
      %add3A_132 = arith.addi %mul3A_124, %add3A_131 : vector<16xi32>
      %gather3A_133 = tpu.vector_load_idx %arg9[%add3A_132] : memref<3072xf32, #tpu.memory_space<vmem>>[vector<16xi32>], vector<16xf32>,
      %mul3A_134 = arith.constant 8.000000e+01 : f32
      %mul3A_135 = vector.broadcast %mul3A_134 : f32 to vector<16xf32>
      %mul3A_136 = arith.mulf %gather3A_133, %mul3A_135 : vector<16xf32>
      %add3A_137 = arith.constant 3 : i32
      %add3A_138 = vector.broadcast %add3A_137 : i32 to vector<16xi32>
      %add3A_139 = arith.addi %mul3A_124, %add3A_138 : vector<16xi32>
      %gather3A_140 = tpu.vector_load_idx %arg9[%add3A_139] : memref<3072xf32, #tpu.memory_space<vmem>>[vector<16xi32>], vector<16xf32>,
      %mul3A_141 = arith.constant 8.000000e+01 : f32
      %mul3A_142 = vector.broadcast %mul3A_141 : f32 to vector<16xf32>
      %mul3A_143 = arith.mulf %gather3A_140, %mul3A_142 : vector<16xf32>
      %add3A_144 = arith.constant 4 : i32
      %add3A_145 = vector.broadcast %add3A_144 : i32 to vector<16xi32>
      %add3A_146 = arith.addi %mul3A_124, %add3A_145 : vector<16xi32>
      %gather3A_147 = tpu.vector_load_idx %arg9[%add3A_146] : memref<3072xf32, #tpu.memory_space<vmem>>[vector<16xi32>], vector<16xf32>,
      %mul3A_148 = arith.constant 8.000000e+01 : f32
      %mul3A_149 = vector.broadcast %mul3A_148 : f32 to vector<16xf32>
      %mul3A_150 = arith.mulf %gather3A_147, %mul3A_149 : vector<16xf32>
      %add3A_151 = arith.constant 5 : i32
      %add3A_152 = vector.broadcast %add3A_151 : i32 to vector<16xi32>
      %add3A_153 = arith.addi %mul3A_124, %add3A_152 : vector<16xi32>
      %gather3A_154 = tpu.vector_load_idx %arg9[%add3A_153] : memref<3072xf32, #tpu.memory_space<vmem>>[vector<16xi32>], vector<16xf32>,
      %mul3A_155 = arith.constant 8.000000e+01 : f32
      %mul3A_156 = vector.broadcast %mul3A_155 : f32 to vector<16xf32>
      %mul3A_157 = arith.mulf %gather3A_154, %mul3A_156 : vector<16xf32>
      %eq3A = arith.constant 0 : i32
      %eq3A_158 = vector.broadcast %eq3A : i32 to vector<16xi32>
      %eq3A_159 = arith.cmpi eq, %rem3A_118, %eq3A_158 : vector<16xi32>
      %eq3A_160 = arith.constant 1 : i32
      %eq3A_161 = vector.broadcast %eq3A_160 : i32 to vector<16xi32>
      %eq3A_162 = arith.cmpi eq, %rem3A_118, %eq3A_161 : vector<16xi32>
      %jit3A = arith.constant 1.560000e+02 : f32
      %jit3A_163 = arith.constant 3.730000e+02 : f32
      %broadcast_in_dim3A_164 = vector.broadcast %jit3A : f32 to vector<16xf32>
      %broadcast_in_dim3A_165 = vector.broadcast %jit3A_163 : f32 to vector<16xf32>
      %select_n3A = arith.select %eq3A_162, %broadcast_in_dim3A_164, %broadcast_in_dim3A_165 : vector<16xi1>, vector<16xf32>
      %jit3A_166 = arith.constant 1.160000e+02 : f32
      %broadcast_in_dim3A_167 = vector.broadcast %jit3A_166 : f32 to vector<16xf32>
      %select_n3A_168 = arith.select %eq3A_159, %broadcast_in_dim3A_167, %select_n3A : vector<16xi1>, vector<16xf32>
      %eq3A_169 = arith.constant 0 : i32
      %eq3A_170 = vector.broadcast %eq3A_169 : i32 to vector<16xi32>
      %eq3A_171 = arith.cmpi eq, %rem3A_118, %eq3A_170 : vector<16xi32>
      %eq3A_172 = arith.constant 1 : i32
      %eq3A_173 = vector.broadcast %eq3A_172 : i32 to vector<16xi32>
      %eq3A_174 = arith.cmpi eq, %rem3A_118, %eq3A_173 : vector<16xi32>
      %jit3A_175 = arith.constant 1.980000e+02 : f32
      %jit3A_176 = arith.constant 3.260000e+02 : f32
      %broadcast_in_dim3A_177 = vector.broadcast %jit3A_175 : f32 to vector<16xf32>
      %broadcast_in_dim3A_178 = vector.broadcast %jit3A_176 : f32 to vector<16xf32>
      %select_n3A_179 = arith.select %eq3A_174, %broadcast_in_dim3A_177, %broadcast_in_dim3A_178 : vector<16xi1>, vector<16xf32>
      %jit3A_180 = arith.constant 9.000000e+01 : f32
      %broadcast_in_dim3A_181 = vector.broadcast %jit3A_180 : f32 to vector<16xf32>
      %select_n3A_182 = arith.select %eq3A_171, %broadcast_in_dim3A_181, %select_n3A_179 : vector<16xi1>, vector<16xf32>
      %div3A_183 = arith.divf %mul3A_150, %select_n3A_168 : vector<16xf32>
      %div3A_184 = arith.divf %mul3A_157, %select_n3A_182 : vector<16xf32>
      %div3A_185 = arith.constant 1.000000e+00 : f32
      %div3A_186 = vector.broadcast %div3A_185 : f32 to vector<16xf32>
      %div3A_187 = arith.divf %div3A_186, %div3A_183 : vector<16xf32>
      %max3A = arith.maximumf %div3A_183, %div3A_187 : vector<16xf32>
      %div3A_188 = arith.constant 1.000000e+00 : f32
      %div3A_189 = vector.broadcast %div3A_188 : f32 to vector<16xf32>
      %div3A_190 = arith.divf %div3A_189, %div3A_184 : vector<16xf32>
      %max3A_191 = arith.maximumf %div3A_184, %div3A_190 : vector<16xf32>
      %max3A_192 = arith.maximumf %max3A, %max3A_191 : vector<16xf32>
      %lt3A = arith.constant 4.000000e+00 : f32
      %lt3A_193 = vector.broadcast %lt3A : f32 to vector<16xf32>
      %lt3A_194 = arith.cmpf olt, %max3A_192, %lt3A_193 : vector<16xf32>
      %rem3A_195 = arith.constant 1.000000e+00 : f32
      %rem3A_196 = vector.broadcast %rem3A_195 : f32 to vector<16xf32>
      %rem3A_197 = arith.remf %mul3A_136, %rem3A_196 : vector<16xf32>
      %rem3A_198 = arith.constant 1.000000e+00 : f32
      %rem3A_199 = vector.broadcast %rem3A_198 : f32 to vector<16xf32>
      %rem3A_200 = arith.remf %mul3A_143, %rem3A_199 : vector<16xf32>
      %eq3A_201 = arith.constant 0 : i32
      %eq3A_202 = vector.broadcast %eq3A_201 : i32 to vector<16xi32>
      %eq3A_203 = arith.cmpi eq, %div3A_121, %eq3A_202 : vector<16xi32>
      %eq3A_204 = arith.constant 1 : i32
      %eq3A_205 = vector.broadcast %eq3A_204 : i32 to vector<16xi32>
      %eq3A_206 = arith.cmpi eq, %div3A_121, %eq3A_205 : vector<16xi32>
      %lt3A_207 = arith.constant 5.000000e-01 : f32
      %lt3A_208 = vector.broadcast %lt3A_207 : f32 to vector<16xf32>
      %lt3A_209 = arith.cmpf olt, %rem3A_197, %lt3A_208 : vector<16xf32>
      %and3A = arith.andi %eq3A_206, %lt3A_209 : vector<16xi1>
      %gt3A = arith.constant 1.000000e+00 : f32
      %gt3A_210 = vector.broadcast %gt3A : f32 to vector<16xf32>
      %gt3A_211 = arith.cmpf ogt, %mul3A_136, %gt3A_210 : vector<16xf32>
      %and3A_212 = arith.andi %and3A, %gt3A_211 : vector<16xi1>
      %or3A = arith.ori %eq3A_203, %and3A_212 : vector<16xi1>
      %eq3A_213 = arith.constant 2 : i32
      %eq3A_214 = vector.broadcast %eq3A_213 : i32 to vector<16xi32>
      %eq3A_215 = arith.cmpi eq, %div3A_121, %eq3A_214 : vector<16xi32>
      %lt3A_216 = arith.constant 5.000000e-01 : f32
      %lt3A_217 = vector.broadcast %lt3A_216 : f32 to vector<16xf32>
      %lt3A_218 = arith.cmpf olt, %rem3A_200, %lt3A_217 : vector<16xf32>
      %and3A_219 = arith.andi %eq3A_215, %lt3A_218 : vector<16xi1>
      %gt3A_220 = arith.constant 1.000000e+00 : f32
      %gt3A_221 = vector.broadcast %gt3A_220 : f32 to vector<16xf32>
      %gt3A_222 = arith.cmpf ogt, %mul3A_143, %gt3A_221 : vector<16xf32>
      %and3A_223 = arith.andi %and3A_219, %gt3A_222 : vector<16xi1>
      %or3A_224 = arith.ori %or3A, %and3A_223 : vector<16xi1>
      %eq3A_225 = arith.constant 3 : i32
      %eq3A_226 = vector.broadcast %eq3A_225 : i32 to vector<16xi32>
      %eq3A_227 = arith.cmpi eq, %div3A_121, %eq3A_226 : vector<16xi32>
      %gt3A_228 = arith.constant 5.000000e-01 : f32
      %gt3A_229 = vector.broadcast %gt3A_228 : f32 to vector<16xf32>
      %gt3A_230 = arith.cmpf ogt, %rem3A_197, %gt3A_229 : vector<16xf32>
      %and3A_231 = arith.andi %eq3A_227, %gt3A_230 : vector<16xi1>
      %lt3A_232 = arith.constant 7.900000e+01 : f32
      %lt3A_233 = vector.broadcast %lt3A_232 : f32 to vector<16xf32>
      %lt3A_234 = arith.cmpf olt, %mul3A_136, %lt3A_233 : vector<16xf32>
      %and3A_235 = arith.andi %and3A_231, %lt3A_234 : vector<16xi1>
      %or3A_236 = arith.ori %or3A_224, %and3A_235 : vector<16xi1>
      %eq3A_237 = arith.constant 4 : i32
      %eq3A_238 = vector.broadcast %eq3A_237 : i32 to vector<16xi32>
      %eq3A_239 = arith.cmpi eq, %div3A_121, %eq3A_238 : vector<16xi32>
      %gt3A_240 = arith.constant 5.000000e-01 : f32
      %gt3A_241 = vector.broadcast %gt3A_240 : f32 to vector<16xf32>
      %gt3A_242 = arith.cmpf ogt, %rem3A_200, %gt3A_241 : vector<16xf32>
      %and3A_243 = arith.andi %eq3A_239, %gt3A_242 : vector<16xi1>
      %lt3A_244 = arith.constant 7.900000e+01 : f32
      %lt3A_245 = vector.broadcast %lt3A_244 : f32 to vector<16xf32>
      %lt3A_246 = arith.cmpf olt, %mul3A_143, %lt3A_245 : vector<16xf32>
      %and3A_247 = arith.andi %and3A_243, %lt3A_246 : vector<16xi1>
      %or3A_248 = arith.ori %or3A_236, %and3A_247 : vector<16xi1>
      %and3A_249 = arith.andi %lt3A_194, %or3A_248 : vector<16xi1>
      %eq3A_250 = arith.constant 1 : i32
      %eq3A_251 = vector.broadcast %eq3A_250 : i32 to vector<16xi32>
      %eq3A_252 = arith.cmpi eq, %div3A_121, %eq3A_251 : vector<16xi32>
      %eq3A_253 = arith.constant 3 : i32
      %eq3A_254 = vector.broadcast %eq3A_253 : i32 to vector<16xi32>
      %eq3A_255 = arith.cmpi eq, %div3A_121, %eq3A_254 : vector<16xi32>
      %jit3A_256 = arith.constant -5.000000e-01 : f32
      %jit3A_257 = arith.constant 0.000000e+00 : f32
      %broadcast_in_dim3A_258 = vector.broadcast %jit3A_256 : f32 to vector<16xf32>
      %broadcast_in_dim3A_259 = vector.broadcast %jit3A_257 : f32 to vector<16xf32>
      %select_n3A_260 = arith.select %eq3A_255, %broadcast_in_dim3A_258, %broadcast_in_dim3A_259 : vector<16xi1>, vector<16xf32>
      %jit3A_261 = arith.constant 5.000000e-01 : f32
      %broadcast_in_dim3A_262 = vector.broadcast %jit3A_261 : f32 to vector<16xf32>
      %select_n3A_263 = arith.select %eq3A_252, %broadcast_in_dim3A_262, %select_n3A_260 : vector<16xi1>, vector<16xf32>
      %eq3A_264 = arith.constant 2 : i32
      %eq3A_265 = vector.broadcast %eq3A_264 : i32 to vector<16xi32>
      %eq3A_266 = arith.cmpi eq, %div3A_121, %eq3A_265 : vector<16xi32>
      %eq3A_267 = arith.constant 4 : i32
      %eq3A_268 = vector.broadcast %eq3A_267 : i32 to vector<16xi32>
      %eq3A_269 = arith.cmpi eq, %div3A_121, %eq3A_268 : vector<16xi32>
      %jit3A_270 = arith.constant -5.000000e-01 : f32
      %jit3A_271 = arith.constant 0.000000e+00 : f32
      %broadcast_in_dim3A_272 = vector.broadcast %jit3A_270 : f32 to vector<16xf32>
      %broadcast_in_dim3A_273 = vector.broadcast %jit3A_271 : f32 to vector<16xf32>
      %select_n3A_274 = arith.select %eq3A_269, %broadcast_in_dim3A_272, %broadcast_in_dim3A_273 : vector<16xi1>, vector<16xf32>
      %jit3A_275 = arith.constant 5.000000e-01 : f32
      %broadcast_in_dim3A_276 = vector.broadcast %jit3A_275 : f32 to vector<16xf32>
      %select_n3A_277 = arith.select %eq3A_266, %broadcast_in_dim3A_276, %select_n3A_274 : vector<16xi1>, vector<16xf32>
      %sub3A = arith.subf %mul3A_136, %select_n3A_263 : vector<16xf32>
      %convert_element_type3A_278 = arith.fptosi %sub3A : vector<16xf32> to vector<16xi32>
      %sub3A_279 = arith.subf %mul3A_143, %select_n3A_277 : vector<16xf32>
      %convert_element_type3A_280 = arith.fptosi %sub3A_279 : vector<16xf32> to vector<16xi32>
      %mul3A_281 = arith.constant 255 : i32
      %mul3A_282 = vector.broadcast %mul3A_281 : i32 to vector<16xi32>
      %mul3A_283 = arith.muli %convert_element_type3A, %mul3A_282 : vector<16xi32>
      %mul3A_284 = arith.constant 85 : i32
      %mul3A_285 = vector.broadcast %mul3A_284 : i32 to vector<16xi32>
      %mul3A_286 = arith.muli %rem3A_118, %mul3A_285 : vector<16xi32>
      %add3A_287 = arith.addi %mul3A_283, %mul3A_286 : vector<16xi32>
      %mul3A_288 = arith.constant 6400 : i32
      %mul3A_289 = vector.broadcast %mul3A_288 : i32 to vector<16xi32>
      %mul3A_290 = arith.muli %add3A_287, %mul3A_289 : vector<16xi32>
      %mul3A_291 = arith.constant 80 : i32
      %mul3A_292 = vector.broadcast %mul3A_291 : i32 to vector<16xi32>
      %mul3A_293 = arith.muli %convert_element_type3A_280, %mul3A_292 : vector<16xi32>
      %add3A_294 = arith.addi %mul3A_290, %mul3A_293 : vector<16xi32>
      %add3A_295 = arith.addi %add3A_294, %convert_element_type3A_278 : vector<16xi32>
      %mul3A_296 = arith.constant 16 : i32
      %mul3A_297 = arith.muli %scan3A_103, %mul3A_296 : i32
      %swap3A_298 = arith.index_cast %mul3A_297 : i32 to index
      %swap3A_299 = tpu.vector_load %arg10[%swap3A_298] {strides = array<i32>} : memref<20400xi32, #tpu.memory_space<vmem>>, vector<16xi32>,
      tpu.vector_store %arg10[%swap3A_298], %add3A_295 {strides = array<i32>} : memref<20400xi32, #tpu.memory_space<vmem>>, vector<16xi32>,
      %jit3A_300 = arith.constant 1.000000e+00 : f32
      %jit3A_301 = arith.constant 0.000000e+00 : f32
      %broadcast_in_dim3A_302 = vector.broadcast %jit3A_300 : f32 to vector<16xf32>
      %broadcast_in_dim3A_303 = vector.broadcast %jit3A_301 : f32 to vector<16xf32>
      %select_n3A_304 = arith.select %and3A_249, %broadcast_in_dim3A_302, %broadcast_in_dim3A_303 : vector<16xi1>, vector<16xf32>
      %swap3A_305 = arith.index_cast %mul3A_297 : i32 to index
      %swap3A_306 = tpu.vector_load %arg12[%swap3A_305] {strides = array<i32>} : memref<240xf32, #tpu.memory_space<vmem>>, vector<16xf32>,
      tpu.vector_store %arg12[%swap3A_305], %select_n3A_304 {strides = array<i32>} : memref<240xf32, #tpu.memory_space<vmem>>, vector<16xf32>,
      %convert_element_type3A_307 = arith.sitofp %convert_element_type3A_278 : vector<16xi32> to vector<16xf32>
      %sub3A_308 = arith.subf %mul3A_136, %convert_element_type3A_307 : vector<16xf32>
      %swap3A_309 = arith.index_cast %mul3A_297 : i32 to index
      %swap3A_310 = tpu.vector_load %arg13[%swap3A_309] {strides = array<i32>} : memref<240xf32, #tpu.memory_space<vmem>>, vector<16xf32>,
      tpu.vector_store %arg13[%swap3A_309], %sub3A_308 {strides = array<i32>} : memref<240xf32, #tpu.memory_space<vmem>>, vector<16xf32>,
      %convert_element_type3A_311 = arith.sitofp %convert_element_type3A_280 : vector<16xi32> to vector<16xf32>
      %sub3A_312 = arith.subf %mul3A_143, %convert_element_type3A_311 : vector<16xf32>
      %swap3A_313 = arith.index_cast %mul3A_297 : i32 to index
      %swap3A_314 = tpu.vector_load %arg14[%swap3A_313] {strides = array<i32>} : memref<240xf32, #tpu.memory_space<vmem>>, vector<16xf32>,
      tpu.vector_store %arg14[%swap3A_313], %sub3A_312 {strides = array<i32>} : memref<240xf32, #tpu.memory_space<vmem>>, vector<16xf32>,
      %swap3A_315 = arith.index_cast %mul3A_297 : i32 to index
      %swap3A_316 = tpu.vector_load %arg15[%swap3A_315] {strides = array<i32>} : memref<240xf32, #tpu.memory_space<vmem>>, vector<16xf32>,
      tpu.vector_store %arg15[%swap3A_315], %mul3A_150 {strides = array<i32>} : memref<240xf32, #tpu.memory_space<vmem>>, vector<16xf32>,
      %swap3A_317 = arith.index_cast %mul3A_297 : i32 to index
      %swap3A_318 = tpu.vector_load %arg16[%swap3A_317] {strides = array<i32>} : memref<240xf32, #tpu.memory_space<vmem>>, vector<16xf32>,
      tpu.vector_store %arg16[%swap3A_317], %mul3A_157 {strides = array<i32>} : memref<240xf32, #tpu.memory_space<vmem>>, vector<16xf32>,
      %swap3A_319 = arith.index_cast %mul3A_297 : i32 to index
      %swap3A_320 = tpu.vector_load %arg17[%swap3A_319] {strides = array<i32>} : memref<240xf32, #tpu.memory_space<vmem>>, vector<16xf32>,
      tpu.vector_store %arg17[%swap3A_319], %select_n3A_168 {strides = array<i32>} : memref<240xf32, #tpu.memory_space<vmem>>, vector<16xf32>,
      %swap3A_321 = arith.index_cast %mul3A_297 : i32 to index
      %swap3A_322 = tpu.vector_load %arg18[%swap3A_321] {strides = array<i32>} : memref<240xf32, #tpu.memory_space<vmem>>, vector<16xf32>,
      tpu.vector_store %arg18[%swap3A_321], %select_n3A_182 {strides = array<i32>} : memref<240xf32, #tpu.memory_space<vmem>>, vector<16xf32>,
      %swap3A_323 = arith.index_cast %mul3A_297 : i32 to index
      %swap3A_324 = tpu.vector_load %arg19[%swap3A_323] {strides = array<i32>} : memref<240xi32, #tpu.memory_space<vmem>>, vector<16xi32>,
      tpu.vector_store %arg19[%swap3A_323], %convert_element_type3A_129 {strides = array<i32>} : memref<240xi32, #tpu.memory_space<vmem>>, vector<16xi32>,
      %scan3A_325 = arith.constant 0 : i32
      scf.yield %scan3A_325 : i32
    }
    %scan3A_73 = arith.constant 15 : i32
    %scan3A_74 = arith.constant 0 : i32
    %scan3A_75 = arith.constant 1 : i32
    %scan3A_76 = arith.constant 84 : i32
    %scan3A_77 = arith.addi %scan3A_75, %scan3A_76 : i32
    %scan3A_78 = arith.constant 1 : i32
    %scan3A_79 = scf.for %scan3A_103 = %scan3A_75 to %scan3A_77 step %scan3A_78 iter_args(%scan3A_104 = %scan3A_74) -> (i32)  : i32 {
      %sub3A = arith.constant 1 : i32
      %sub3A_105 = arith.subi %scan3A_103, %sub3A : i32
      %mul3A_106 = arith.constant 240 : i32
      %mul3A_107 = arith.muli %sub3A_105, %mul3A_106 : i32
      %add3A_108 = arith.constant 0 : i32
      %add3A_109 = arith.addi %mul3A_107, %add3A_108 : i32
      %get3A = arith.index_cast %add3A_109 : i32 to index
      %get3A_110 = tpu.vector_load %arg10[%get3A] {strides = array<i32>} : memref<20400xi32, #tpu.memory_space<vmem>>, vector<16xi32>,
      %add3A_111 = arith.constant 6400 : i32
      %add3A_112 = vector.broadcast %add3A_111 : i32 to vector<16xi32>
      %add3A_113 = arith.addi %get3A_110, %add3A_112 : vector<16xi32>
      %mul3A_114 = arith.constant 240 : i32
      %mul3A_115 = arith.muli %scan3A_103, %mul3A_114 : i32
      %add3A_116 = arith.constant 0 : i32
      %add3A_117 = arith.addi %mul3A_115, %add3A_116 : i32
      %swap3A_118 = arith.index_cast %add3A_117 : i32 to index
      %swap3A_119 = tpu.vector_load %arg10[%swap3A_118] {strides = array<i32>} : memref<20400xi32, #tpu.memory_space<vmem>>, vector<16xi32>,
      tpu.vector_store %arg10[%swap3A_118], %add3A_113 {strides = array<i32>} : memref<20400xi32, #tpu.memory_space<vmem>>, vector<16xi32>,
      %sub3A_120 = arith.constant 1 : i32
      %sub3A_121 = arith.subi %scan3A_103, %sub3A_120 : i32
      %mul3A_122 = arith.constant 240 : i32
      %mul3A_123 = arith.muli %sub3A_121, %mul3A_122 : i32
      %add3A_124 = arith.constant 16 : i32
      %add3A_125 = arith.addi %mul3A_123, %add3A_124 : i32
      %get3A_126 = arith.index_cast %add3A_125 : i32 to index
      %get3A_127 = tpu.vector_load %arg10[%get3A_126] {strides = array<i32>} : memref<20400xi32, #tpu.memory_space<vmem>>, vector<16xi32>,
      %add3A_128 = arith.constant 6400 : i32
      %add3A_129 = vector.broadcast %add3A_128 : i32 to vector<16xi32>
      %add3A_130 = arith.addi %get3A_127, %add3A_129 : vector<16xi32>
      %mul3A_131 = arith.constant 240 : i32
      %mul3A_132 = arith.muli %scan3A_103, %mul3A_131 : i32
      %add3A_133 = arith.constant 16 : i32
      %add3A_134 = arith.addi %mul3A_132, %add3A_133 : i32
      %swap3A_135 = arith.index_cast %add3A_134 : i32 to index
      %swap3A_136 = tpu.vector_load %arg10[%swap3A_135] {strides = array<i32>} : memref<20400xi32, #tpu.memory_space<vmem>>, vector<16xi32>,
      tpu.vector_store %arg10[%swap3A_135], %add3A_130 {strides = array<i32>} : memref<20400xi32, #tpu.memory_space<vmem>>, vector<16xi32>,
      %sub3A_137 = arith.constant 1 : i32
      %sub3A_138 = arith.subi %scan3A_103, %sub3A_137 : i32
      %mul3A_139 = arith.constant 240 : i32
      %mul3A_140 = arith.muli %sub3A_138, %mul3A_139 : i32
      %add3A_141 = arith.constant 32 : i32
      %add3A_142 = arith.addi %mul3A_140, %add3A_141 : i32
      %get3A_143 = arith.index_cast %add3A_142 : i32 to index
      %get3A_144 = tpu.vector_load %arg10[%get3A_143] {strides = array<i32>} : memref<20400xi32, #tpu.memory_space<vmem>>, vector<16xi32>,
      %add3A_145 = arith.constant 6400 : i32
      %add3A_146 = vector.broadcast %add3A_145 : i32 to vector<16xi32>
      %add3A_147 = arith.addi %get3A_144, %add3A_146 : vector<16xi32>
      %mul3A_148 = arith.constant 240 : i32
      %mul3A_149 = arith.muli %scan3A_103, %mul3A_148 : i32
      %add3A_150 = arith.constant 32 : i32
      %add3A_151 = arith.addi %mul3A_149, %add3A_150 : i32
      %swap3A_152 = arith.index_cast %add3A_151 : i32 to index
      %swap3A_153 = tpu.vector_load %arg10[%swap3A_152] {strides = array<i32>} : memref<20400xi32, #tpu.memory_space<vmem>>, vector<16xi32>,
      tpu.vector_store %arg10[%swap3A_152], %add3A_147 {strides = array<i32>} : memref<20400xi32, #tpu.memory_space<vmem>>, vector<16xi32>,
      %sub3A_154 = arith.constant 1 : i32
      %sub3A_155 = arith.subi %scan3A_103, %sub3A_154 : i32
      %mul3A_156 = arith.constant 240 : i32
      %mul3A_157 = arith.muli %sub3A_155, %mul3A_156 : i32
      %add3A_158 = arith.constant 48 : i32
      %add3A_159 = arith.addi %mul3A_157, %add3A_158 : i32
      %get3A_160 = arith.index_cast %add3A_159 : i32 to index
      %get3A_161 = tpu.vector_load %arg10[%get3A_160] {strides = array<i32>} : memref<20400xi32, #tpu.memory_space<vmem>>, vector<16xi32>,
      %add3A_162 = arith.constant 6400 : i32
      %add3A_163 = vector.broadcast %add3A_162 : i32 to vector<16xi32>
      %add3A_164 = arith.addi %get3A_161, %add3A_163 : vector<16xi32>
      %mul3A_165 = arith.constant 240 : i32
      %mul3A_166 = arith.muli %scan3A_103, %mul3A_165 : i32
      %add3A_167 = arith.constant 48 : i32
      %add3A_168 = arith.addi %mul3A_166, %add3A_167 : i32
      %swap3A_169 = arith.index_cast %add3A_168 : i32 to index
      %swap3A_170 = tpu.vector_load %arg10[%swap3A_169] {strides = array<i32>} : memref<20400xi32, #tpu.memory_space<vmem>>, vector<16xi32>,
      tpu.vector_store %arg10[%swap3A_169], %add3A_164 {strides = array<i32>} : memref<20400xi32, #tpu.memory_space<vmem>>, vector<16xi32>,
      %sub3A_171 = arith.constant 1 : i32
      %sub3A_172 = arith.subi %scan3A_103, %sub3A_171 : i32
      %mul3A_173 = arith.constant 240 : i32
      %mul3A_174 = arith.muli %sub3A_172, %mul3A_173 : i32
      %add3A_175 = arith.constant 64 : i32
      %add3A_176 = arith.addi %mul3A_174, %add3A_175 : i32
      %get3A_177 = arith.index_cast %add3A_176 : i32 to index
      %get3A_178 = tpu.vector_load %arg10[%get3A_177] {strides = array<i32>} : memref<20400xi32, #tpu.memory_space<vmem>>, vector<16xi32>,
      %add3A_179 = arith.constant 6400 : i32
      %add3A_180 = vector.broadcast %add3A_179 : i32 to vector<16xi32>
      %add3A_181 = arith.addi %get3A_178, %add3A_180 : vector<16xi32>
      %mul3A_182 = arith.constant 240 : i32
      %mul3A_183 = arith.muli %scan3A_103, %mul3A_182 : i32
      %add3A_184 = arith.constant 64 : i32
      %add3A_185 = arith.addi %mul3A_183, %add3A_184 : i32
      %swap3A_186 = arith.index_cast %add3A_185 : i32 to index
      %swap3A_187 = tpu.vector_load %arg10[%swap3A_186] {strides = array<i32>} : memref<20400xi32, #tpu.memory_space<vmem>>, vector<16xi32>,
      tpu.vector_store %arg10[%swap3A_186], %add3A_181 {strides = array<i32>} : memref<20400xi32, #tpu.memory_space<vmem>>, vector<16xi32>,
      %sub3A_188 = arith.constant 1 : i32
      %sub3A_189 = arith.subi %scan3A_103, %sub3A_188 : i32
      %mul3A_190 = arith.constant 240 : i32
      %mul3A_191 = arith.muli %sub3A_189, %mul3A_190 : i32
      %add3A_192 = arith.constant 80 : i32
      %add3A_193 = arith.addi %mul3A_191, %add3A_192 : i32
      %get3A_194 = arith.index_cast %add3A_193 : i32 to index
      %get3A_195 = tpu.vector_load %arg10[%get3A_194] {strides = array<i32>} : memref<20400xi32, #tpu.memory_space<vmem>>, vector<16xi32>,
      %add3A_196 = arith.constant 6400 : i32
      %add3A_197 = vector.broadcast %add3A_196 : i32 to vector<16xi32>
      %add3A_198 = arith.addi %get3A_195, %add3A_197 : vector<16xi32>
      %mul3A_199 = arith.constant 240 : i32
      %mul3A_200 = arith.muli %scan3A_103, %mul3A_199 : i32
      %add3A_201 = arith.constant 80 : i32
      %add3A_202 = arith.addi %mul3A_200, %add3A_201 : i32
      %swap3A_203 = arith.index_cast %add3A_202 : i32 to index
      %swap3A_204 = tpu.vector_load %arg10[%swap3A_203] {strides = array<i32>} : memref<20400xi32, #tpu.memory_space<vmem>>, vector<16xi32>,
      tpu.vector_store %arg10[%swap3A_203], %add3A_198 {strides = array<i32>} : memref<20400xi32, #tpu.memory_space<vmem>>, vector<16xi32>,
      %sub3A_205 = arith.constant 1 : i32
      %sub3A_206 = arith.subi %scan3A_103, %sub3A_205 : i32
      %mul3A_207 = arith.constant 240 : i32
      %mul3A_208 = arith.muli %sub3A_206, %mul3A_207 : i32
      %add3A_209 = arith.constant 96 : i32
      %add3A_210 = arith.addi %mul3A_208, %add3A_209 : i32
      %get3A_211 = arith.index_cast %add3A_210 : i32 to index
      %get3A_212 = tpu.vector_load %arg10[%get3A_211] {strides = array<i32>} : memref<20400xi32, #tpu.memory_space<vmem>>, vector<16xi32>,
      %add3A_213 = arith.constant 6400 : i32
      %add3A_214 = vector.broadcast %add3A_213 : i32 to vector<16xi32>
      %add3A_215 = arith.addi %get3A_212, %add3A_214 : vector<16xi32>
      %mul3A_216 = arith.constant 240 : i32
      %mul3A_217 = arith.muli %scan3A_103, %mul3A_216 : i32
      %add3A_218 = arith.constant 96 : i32
      %add3A_219 = arith.addi %mul3A_217, %add3A_218 : i32
      %swap3A_220 = arith.index_cast %add3A_219 : i32 to index
      %swap3A_221 = tpu.vector_load %arg10[%swap3A_220] {strides = array<i32>} : memref<20400xi32, #tpu.memory_space<vmem>>, vector<16xi32>,
      tpu.vector_store %arg10[%swap3A_220], %add3A_215 {strides = array<i32>} : memref<20400xi32, #tpu.memory_space<vmem>>, vector<16xi32>,
      %sub3A_222 = arith.constant 1 : i32
      %sub3A_223 = arith.subi %scan3A_103, %sub3A_222 : i32
      %mul3A_224 = arith.constant 240 : i32
      %mul3A_225 = arith.muli %sub3A_223, %mul3A_224 : i32
      %add3A_226 = arith.constant 112 : i32
      %add3A_227 = arith.addi %mul3A_225, %add3A_226 : i32
      %get3A_228 = arith.index_cast %add3A_227 : i32 to index
      %get3A_229 = tpu.vector_load %arg10[%get3A_228] {strides = array<i32>} : memref<20400xi32, #tpu.memory_space<vmem>>, vector<16xi32>,
      %add3A_230 = arith.constant 6400 : i32
      %add3A_231 = vector.broadcast %add3A_230 : i32 to vector<16xi32>
      %add3A_232 = arith.addi %get3A_229, %add3A_231 : vector<16xi32>
      %mul3A_233 = arith.constant 240 : i32
      %mul3A_234 = arith.muli %scan3A_103, %mul3A_233 : i32
      %add3A_235 = arith.constant 112 : i32
      %add3A_236 = arith.addi %mul3A_234, %add3A_235 : i32
      %swap3A_237 = arith.index_cast %add3A_236 : i32 to index
      %swap3A_238 = tpu.vector_load %arg10[%swap3A_237] {strides = array<i32>} : memref<20400xi32, #tpu.memory_space<vmem>>, vector<16xi32>,
      tpu.vector_store %arg10[%swap3A_237], %add3A_232 {strides = array<i32>} : memref<20400xi32, #tpu.memory_space<vmem>>, vector<16xi32>,
      %sub3A_239 = arith.constant 1 : i32
      %sub3A_240 = arith.subi %scan3A_103, %sub3A_239 : i32
      %mul3A_241 = arith.constant 240 : i32
      %mul3A_242 = arith.muli %sub3A_240, %mul3A_241 : i32
      %add3A_243 = arith.constant 128 : i32
      %add3A_244 = arith.addi %mul3A_242, %add3A_243 : i32
      %get3A_245 = arith.index_cast %add3A_244 : i32 to index
      %get3A_246 = tpu.vector_load %arg10[%get3A_245] {strides = array<i32>} : memref<20400xi32, #tpu.memory_space<vmem>>, vector<16xi32>,
      %add3A_247 = arith.constant 6400 : i32
      %add3A_248 = vector.broadcast %add3A_247 : i32 to vector<16xi32>
      %add3A_249 = arith.addi %get3A_246, %add3A_248 : vector<16xi32>
      %mul3A_250 = arith.constant 240 : i32
      %mul3A_251 = arith.muli %scan3A_103, %mul3A_250 : i32
      %add3A_252 = arith.constant 128 : i32
      %add3A_253 = arith.addi %mul3A_251, %add3A_252 : i32
      %swap3A_254 = arith.index_cast %add3A_253 : i32 to index
      %swap3A_255 = tpu.vector_load %arg10[%swap3A_254] {strides = array<i32>} : memref<20400xi32, #tpu.memory_space<vmem>>, vector<16xi32>,
      tpu.vector_store %arg10[%swap3A_254], %add3A_249 {strides = array<i32>} : memref<20400xi32, #tpu.memory_space<vmem>>, vector<16xi32>,
      %sub3A_256 = arith.constant 1 : i32
      %sub3A_257 = arith.subi %scan3A_103, %sub3A_256 : i32
      %mul3A_258 = arith.constant 240 : i32
      %mul3A_259 = arith.muli %sub3A_257, %mul3A_258 : i32
      %add3A_260 = arith.constant 144 : i32
      %add3A_261 = arith.addi %mul3A_259, %add3A_260 : i32
      %get3A_262 = arith.index_cast %add3A_261 : i32 to index
      %get3A_263 = tpu.vector_load %arg10[%get3A_262] {strides = array<i32>} : memref<20400xi32, #tpu.memory_space<vmem>>, vector<16xi32>,
      %add3A_264 = arith.constant 6400 : i32
      %add3A_265 = vector.broadcast %add3A_264 : i32 to vector<16xi32>
      %add3A_266 = arith.addi %get3A_263, %add3A_265 : vector<16xi32>
      %mul3A_267 = arith.constant 240 : i32
      %mul3A_268 = arith.muli %scan3A_103, %mul3A_267 : i32
      %add3A_269 = arith.constant 144 : i32
      %add3A_270 = arith.addi %mul3A_268, %add3A_269 : i32
      %swap3A_271 = arith.index_cast %add3A_270 : i32 to index
      %swap3A_272 = tpu.vector_load %arg10[%swap3A_271] {strides = array<i32>} : memref<20400xi32, #tpu.memory_space<vmem>>, vector<16xi32>,
      tpu.vector_store %arg10[%swap3A_271], %add3A_266 {strides = array<i32>} : memref<20400xi32, #tpu.memory_space<vmem>>, vector<16xi32>,
      %sub3A_273 = arith.constant 1 : i32
      %sub3A_274 = arith.subi %scan3A_103, %sub3A_273 : i32
      %mul3A_275 = arith.constant 240 : i32
      %mul3A_276 = arith.muli %sub3A_274, %mul3A_275 : i32
      %add3A_277 = arith.constant 160 : i32
      %add3A_278 = arith.addi %mul3A_276, %add3A_277 : i32
      %get3A_279 = arith.index_cast %add3A_278 : i32 to index
      %get3A_280 = tpu.vector_load %arg10[%get3A_279] {strides = array<i32>} : memref<20400xi32, #tpu.memory_space<vmem>>, vector<16xi32>,
      %add3A_281 = arith.constant 6400 : i32
      %add3A_282 = vector.broadcast %add3A_281 : i32 to vector<16xi32>
      %add3A_283 = arith.addi %get3A_280, %add3A_282 : vector<16xi32>
      %mul3A_284 = arith.constant 240 : i32
      %mul3A_285 = arith.muli %scan3A_103, %mul3A_284 : i32
      %add3A_286 = arith.constant 160 : i32
      %add3A_287 = arith.addi %mul3A_285, %add3A_286 : i32
      %swap3A_288 = arith.index_cast %add3A_287 : i32 to index
      %swap3A_289 = tpu.vector_load %arg10[%swap3A_288] {strides = array<i32>} : memref<20400xi32, #tpu.memory_space<vmem>>, vector<16xi32>,
      tpu.vector_store %arg10[%swap3A_288], %add3A_283 {strides = array<i32>} : memref<20400xi32, #tpu.memory_space<vmem>>, vector<16xi32>,
      %sub3A_290 = arith.constant 1 : i32
      %sub3A_291 = arith.subi %scan3A_103, %sub3A_290 : i32
      %mul3A_292 = arith.constant 240 : i32
      %mul3A_293 = arith.muli %sub3A_291, %mul3A_292 : i32
      %add3A_294 = arith.constant 176 : i32
      %add3A_295 = arith.addi %mul3A_293, %add3A_294 : i32
      %get3A_296 = arith.index_cast %add3A_295 : i32 to index
      %get3A_297 = tpu.vector_load %arg10[%get3A_296] {strides = array<i32>} : memref<20400xi32, #tpu.memory_space<vmem>>, vector<16xi32>,
      %add3A_298 = arith.constant 6400 : i32
      %add3A_299 = vector.broadcast %add3A_298 : i32 to vector<16xi32>
      %add3A_300 = arith.addi %get3A_297, %add3A_299 : vector<16xi32>
      %mul3A_301 = arith.constant 240 : i32
      %mul3A_302 = arith.muli %scan3A_103, %mul3A_301 : i32
      %add3A_303 = arith.constant 176 : i32
      %add3A_304 = arith.addi %mul3A_302, %add3A_303 : i32
      %swap3A_305 = arith.index_cast %add3A_304 : i32 to index
      %swap3A_306 = tpu.vector_load %arg10[%swap3A_305] {strides = array<i32>} : memref<20400xi32, #tpu.memory_space<vmem>>, vector<16xi32>,
      tpu.vector_store %arg10[%swap3A_305], %add3A_300 {strides = array<i32>} : memref<20400xi32, #tpu.memory_space<vmem>>, vector<16xi32>,
      %sub3A_307 = arith.constant 1 : i32
      %sub3A_308 = arith.subi %scan3A_103, %sub3A_307 : i32
      %mul3A_309 = arith.constant 240 : i32
      %mul3A_310 = arith.muli %sub3A_308, %mul3A_309 : i32
      %add3A_311 = arith.constant 192 : i32
      %add3A_312 = arith.addi %mul3A_310, %add3A_311 : i32
      %get3A_313 = arith.index_cast %add3A_312 : i32 to index
      %get3A_314 = tpu.vector_load %arg10[%get3A_313] {strides = array<i32>} : memref<20400xi32, #tpu.memory_space<vmem>>, vector<16xi32>,
      %add3A_315 = arith.constant 6400 : i32
      %add3A_316 = vector.broadcast %add3A_315 : i32 to vector<16xi32>
      %add3A_317 = arith.addi %get3A_314, %add3A_316 : vector<16xi32>
      %mul3A_318 = arith.constant 240 : i32
      %mul3A_319 = arith.muli %scan3A_103, %mul3A_318 : i32
      %add3A_320 = arith.constant 192 : i32
      %add3A_321 = arith.addi %mul3A_319, %add3A_320 : i32
      %swap3A_322 = arith.index_cast %add3A_321 : i32 to index
      %swap3A_323 = tpu.vector_load %arg10[%swap3A_322] {strides = array<i32>} : memref<20400xi32, #tpu.memory_space<vmem>>, vector<16xi32>,
      tpu.vector_store %arg10[%swap3A_322], %add3A_317 {strides = array<i32>} : memref<20400xi32, #tpu.memory_space<vmem>>, vector<16xi32>,
      %sub3A_324 = arith.constant 1 : i32
      %sub3A_325 = arith.subi %scan3A_103, %sub3A_324 : i32
      %mul3A_326 = arith.constant 240 : i32
      %mul3A_327 = arith.muli %sub3A_325, %mul3A_326 : i32
      %add3A_328 = arith.constant 208 : i32
      %add3A_329 = arith.addi %mul3A_327, %add3A_328 : i32
      %get3A_330 = arith.index_cast %add3A_329 : i32 to index
      %get3A_331 = tpu.vector_load %arg10[%get3A_330] {strides = array<i32>} : memref<20400xi32, #tpu.memory_space<vmem>>, vector<16xi32>,
      %add3A_332 = arith.constant 6400 : i32
      %add3A_333 = vector.broadcast %add3A_332 : i32 to vector<16xi32>
      %add3A_334 = arith.addi %get3A_331, %add3A_333 : vector<16xi32>
      %mul3A_335 = arith.constant 240 : i32
      %mul3A_336 = arith.muli %scan3A_103, %mul3A_335 : i32
      %add3A_337 = arith.constant 208 : i32
      %add3A_338 = arith.addi %mul3A_336, %add3A_337 : i32
      %swap3A_339 = arith.index_cast %add3A_338 : i32 to index
      %swap3A_340 = tpu.vector_load %arg10[%swap3A_339] {strides = array<i32>} : memref<20400xi32, #tpu.memory_space<vmem>>, vector<16xi32>,
      tpu.vector_store %arg10[%swap3A_339], %add3A_334 {strides = array<i32>} : memref<20400xi32, #tpu.memory_space<vmem>>, vector<16xi32>,
      %sub3A_341 = arith.constant 1 : i32
      %sub3A_342 = arith.subi %scan3A_103, %sub3A_341 : i32
      %mul3A_343 = arith.constant 240 : i32
      %mul3A_344 = arith.muli %sub3A_342, %mul3A_343 : i32
      %add3A_345 = arith.constant 224 : i32
      %add3A_346 = arith.addi %mul3A_344, %add3A_345 : i32
      %get3A_347 = arith.index_cast %add3A_346 : i32 to index
      %get3A_348 = tpu.vector_load %arg10[%get3A_347] {strides = array<i32>} : memref<20400xi32, #tpu.memory_space<vmem>>, vector<16xi32>,
      %add3A_349 = arith.constant 6400 : i32
      %add3A_350 = vector.broadcast %add3A_349 : i32 to vector<16xi32>
      %add3A_351 = arith.addi %get3A_348, %add3A_350 : vector<16xi32>
      %mul3A_352 = arith.constant 240 : i32
      %mul3A_353 = arith.muli %scan3A_103, %mul3A_352 : i32
      %add3A_354 = arith.constant 224 : i32
      %add3A_355 = arith.addi %mul3A_353, %add3A_354 : i32
      %swap3A_356 = arith.index_cast %add3A_355 : i32 to index
      %swap3A_357 = tpu.vector_load %arg10[%swap3A_356] {strides = array<i32>} : memref<20400xi32, #tpu.memory_space<vmem>>, vector<16xi32>,
      tpu.vector_store %arg10[%swap3A_356], %add3A_351 {strides = array<i32>} : memref<20400xi32, #tpu.memory_space<vmem>>, vector<16xi32>,
      %scan3A_358 = arith.constant 0 : i32
      scf.yield %scan3A_358 : i32
    }
    %scan3A_80 = arith.constant 84 : i32
    %dma_start3A_81 = arith.constant 0 : i32
    %dma_start3A_82 = tpu.memref_slice %arg4[%dma_start3A_81] : memref<52224000xf32, #tpu.memory_space<hbm>> -> memref<52224000xf32, #tpu.memory_space<hbm>>
    tpu.enqueue_indirect_dma source(%dma_start3A_82 : memref<52224000xf32, #tpu.memory_space<hbm>>) target(%arg11 : memref<20400xf32, #tpu.memory_space<vmem>>) offsets(%arg10 : memref<20400xi32, #tpu.memory_space<vmem>>) semaphore(%arg21 : memref<!tpu.dma_semaphore, #tpu.memory_space<semaphore_mem>>)
    %dma_wait3A_83 = arith.constant 0 : i32
    %dma_wait3A_84 = tpu.memref_slice %arg4[%dma_wait3A_83] : memref<52224000xf32, #tpu.memory_space<hbm>> -> memref<52224000xf32, #tpu.memory_space<hbm>>
    tpu.wait_indirect_dma semaphore(%arg21 : memref<!tpu.dma_semaphore, #tpu.memory_space<semaphore_mem>>) src(%dma_wait3A_84 : memref<52224000xf32, #tpu.memory_space<hbm>>) dst(%arg11 : memref<20400xf32, #tpu.memory_space<vmem>>)
    %broadcast_in_dim3A_85 = arith.constant 0.000000e+00 : f32
    %broadcast_in_dim3A_86 = vector.broadcast %broadcast_in_dim3A_85 : f32 to vector<16xf32>
    %scan3A_87 = arith.constant 0 : i32
    %scan3A_88 = arith.constant 15 : i32
    %scan3A_89 = arith.addi %scan3A_87, %scan3A_88 : i32
    %scan3A_90 = arith.constant 1 : i32
    %scan3A_91:4 = scf.for %scan3A_103 = %scan3A_87 to %scan3A_89 step %scan3A_90 iter_args(%scan3A_104 = %broadcast_in_dim3A_86, %scan3A_105 = %broadcast_in_dim3A_86, %scan3A_106 = %broadcast_in_dim3A_86, %scan3A_107 = %broadcast_in_dim3A_86) -> (vector<16xf32>, vector<16xf32>, vector<16xf32>, vector<16xf32>)  : i32 {
      %mul3A_108 = arith.constant 16 : i32
      %mul3A_109 = arith.muli %scan3A_103, %mul3A_108 : i32
      %mul3A_110 = arith.constant 16 : i32
      %mul3A_111 = arith.muli %scan3A_103, %mul3A_110 : i32
      %add3A_112 = arith.constant 0 : i32
      %add3A_113 = arith.addi %add3A_112, %mul3A_111 : i32
      %get3A = arith.index_cast %add3A_113 : i32 to index
      %get3A_114 = tpu.vector_load %arg11[%get3A] {strides = array<i32>} : memref<20400xf32, #tpu.memory_space<vmem>>, vector<16xf32>,
      %mul3A_115 = arith.constant 16 : i32
      %mul3A_116 = arith.muli %scan3A_103, %mul3A_115 : i32
      %add3A_117 = arith.constant 240 : i32
      %add3A_118 = arith.addi %add3A_117, %mul3A_116 : i32
      %get3A_119 = arith.index_cast %add3A_118 : i32 to index
      %get3A_120 = tpu.vector_load %arg11[%get3A_119] {strides = array<i32>} : memref<20400xf32, #tpu.memory_space<vmem>>, vector<16xf32>,
      %mul3A_121 = arith.constant 16 : i32
      %mul3A_122 = arith.muli %scan3A_103, %mul3A_121 : i32
      %add3A_123 = arith.constant 480 : i32
      %add3A_124 = arith.addi %add3A_123, %mul3A_122 : i32
      %get3A_125 = arith.index_cast %add3A_124 : i32 to index
      %get3A_126 = tpu.vector_load %arg11[%get3A_125] {strides = array<i32>} : memref<20400xf32, #tpu.memory_space<vmem>>, vector<16xf32>,
      %mul3A_127 = arith.constant 16 : i32
      %mul3A_128 = arith.muli %scan3A_103, %mul3A_127 : i32
      %add3A_129 = arith.constant 720 : i32
      %add3A_130 = arith.addi %add3A_129, %mul3A_128 : i32
      %get3A_131 = arith.index_cast %add3A_130 : i32 to index
      %get3A_132 = tpu.vector_load %arg11[%get3A_131] {strides = array<i32>} : memref<20400xf32, #tpu.memory_space<vmem>>, vector<16xf32>,
      %mul3A_133 = arith.constant 16 : i32
      %mul3A_134 = arith.muli %scan3A_103, %mul3A_133 : i32
      %add3A_135 = arith.constant 960 : i32
      %add3A_136 = arith.addi %add3A_135, %mul3A_134 : i32
      %get3A_137 = arith.index_cast %add3A_136 : i32 to index
      %get3A_138 = tpu.vector_load %arg11[%get3A_137] {strides = array<i32>} : memref<20400xf32, #tpu.memory_space<vmem>>, vector<16xf32>,
      %get3A_139 = arith.index_cast %mul3A_109 : i32 to index
      %get3A_140 = tpu.vector_load %arg12[%get3A_139] {strides = array<i32>} : memref<240xf32, #tpu.memory_space<vmem>>, vector<16xf32>,
      %get3A_141 = arith.index_cast %mul3A_109 : i32 to index
      %get3A_142 = tpu.vector_load %arg13[%get3A_141] {strides = array<i32>} : memref<240xf32, #tpu.memory_space<vmem>>, vector<16xf32>,
      %get3A_143 = arith.index_cast %mul3A_109 : i32 to index
      %get3A_144 = tpu.vector_load %arg14[%get3A_143] {strides = array<i32>} : memref<240xf32, #tpu.memory_space<vmem>>, vector<16xf32>,
      %get3A_145 = arith.index_cast %mul3A_109 : i32 to index
      %get3A_146 = tpu.vector_load %arg15[%get3A_145] {strides = array<i32>} : memref<240xf32, #tpu.memory_space<vmem>>, vector<16xf32>,
      %get3A_147 = arith.index_cast %mul3A_109 : i32 to index
      %get3A_148 = tpu.vector_load %arg16[%get3A_147] {strides = array<i32>} : memref<240xf32, #tpu.memory_space<vmem>>, vector<16xf32>,
      %get3A_149 = arith.index_cast %mul3A_109 : i32 to index
      %get3A_150 = tpu.vector_load %arg17[%get3A_149] {strides = array<i32>} : memref<240xf32, #tpu.memory_space<vmem>>, vector<16xf32>,
      %get3A_151 = arith.index_cast %mul3A_109 : i32 to index
      %get3A_152 = tpu.vector_load %arg18[%get3A_151] {strides = array<i32>} : memref<240xf32, #tpu.memory_space<vmem>>, vector<16xf32>,
      %neg3A = arith.constant 0.000000e+00 : f32
      %neg3A_153 = vector.broadcast %neg3A : f32 to vector<16xf32>
      %neg3A_154 = arith.subf %neg3A_153, %get3A_114 : vector<16xf32>
      %exp3A = math.exp %neg3A_154 : vector<16xf32>
      %add3A_155 = arith.constant 1.000000e+00 : f32
      %add3A_156 = vector.broadcast %add3A_155 : f32 to vector<16xf32>
      %add3A_157 = arith.addf %add3A_156, %exp3A : vector<16xf32>
      %div3A = arith.constant 1.000000e+00 : f32
      %div3A_158 = vector.broadcast %div3A : f32 to vector<16xf32>
      %div3A_159 = arith.divf %div3A_158, %add3A_157 : vector<16xf32>
      %mul3A_160 = arith.constant 2.000000e+00 : f32
      %mul3A_161 = vector.broadcast %mul3A_160 : f32 to vector<16xf32>
      %mul3A_162 = arith.mulf %div3A_159, %mul3A_161 : vector<16xf32>
      %sub3A = arith.constant 5.000000e-01 : f32
      %sub3A_163 = vector.broadcast %sub3A : f32 to vector<16xf32>
      %sub3A_164 = arith.subf %mul3A_162, %sub3A_163 : vector<16xf32>
      %neg3A_165 = arith.constant 0.000000e+00 : f32
      %neg3A_166 = vector.broadcast %neg3A_165 : f32 to vector<16xf32>
      %neg3A_167 = arith.subf %neg3A_166, %get3A_120 : vector<16xf32>
      %exp3A_168 = math.exp %neg3A_167 : vector<16xf32>
      %add3A_169 = arith.constant 1.000000e+00 : f32
      %add3A_170 = vector.broadcast %add3A_169 : f32 to vector<16xf32>
      %add3A_171 = arith.addf %add3A_170, %exp3A_168 : vector<16xf32>
      %div3A_172 = arith.constant 1.000000e+00 : f32
      %div3A_173 = vector.broadcast %div3A_172 : f32 to vector<16xf32>
      %div3A_174 = arith.divf %div3A_173, %add3A_171 : vector<16xf32>
      %mul3A_175 = arith.constant 2.000000e+00 : f32
      %mul3A_176 = vector.broadcast %mul3A_175 : f32 to vector<16xf32>
      %mul3A_177 = arith.mulf %div3A_174, %mul3A_176 : vector<16xf32>
      %sub3A_178 = arith.constant 5.000000e-01 : f32
      %sub3A_179 = vector.broadcast %sub3A_178 : f32 to vector<16xf32>
      %sub3A_180 = arith.subf %mul3A_177, %sub3A_179 : vector<16xf32>
      %neg3A_181 = arith.constant 0.000000e+00 : f32
      %neg3A_182 = vector.broadcast %neg3A_181 : f32 to vector<16xf32>
      %neg3A_183 = arith.subf %neg3A_182, %get3A_126 : vector<16xf32>
      %exp3A_184 = math.exp %neg3A_183 : vector<16xf32>
      %add3A_185 = arith.constant 1.000000e+00 : f32
      %add3A_186 = vector.broadcast %add3A_185 : f32 to vector<16xf32>
      %add3A_187 = arith.addf %add3A_186, %exp3A_184 : vector<16xf32>
      %div3A_188 = arith.constant 1.000000e+00 : f32
      %div3A_189 = vector.broadcast %div3A_188 : f32 to vector<16xf32>
      %div3A_190 = arith.divf %div3A_189, %add3A_187 : vector<16xf32>
      %mul3A_191 = arith.constant 2.000000e+00 : f32
      %mul3A_192 = vector.broadcast %mul3A_191 : f32 to vector<16xf32>
      %mul3A_193 = arith.mulf %div3A_190, %mul3A_192 : vector<16xf32>
      %mul3A_194 = arith.mulf %mul3A_193, %mul3A_193 : vector<16xf32>
      %mul3A_195 = arith.mulf %mul3A_194, %get3A_150 : vector<16xf32>
      %neg3A_196 = arith.constant 0.000000e+00 : f32
      %neg3A_197 = vector.broadcast %neg3A_196 : f32 to vector<16xf32>
      %neg3A_198 = arith.subf %neg3A_197, %get3A_132 : vector<16xf32>
      %exp3A_199 = math.exp %neg3A_198 : vector<16xf32>
      %add3A_200 = arith.constant 1.000000e+00 : f32
      %add3A_201 = vector.broadcast %add3A_200 : f32 to vector<16xf32>
      %add3A_202 = arith.addf %add3A_201, %exp3A_199 : vector<16xf32>
      %div3A_203 = arith.constant 1.000000e+00 : f32
      %div3A_204 = vector.broadcast %div3A_203 : f32 to vector<16xf32>
      %div3A_205 = arith.divf %div3A_204, %add3A_202 : vector<16xf32>
      %mul3A_206 = arith.constant 2.000000e+00 : f32
      %mul3A_207 = vector.broadcast %mul3A_206 : f32 to vector<16xf32>
      %mul3A_208 = arith.mulf %div3A_205, %mul3A_207 : vector<16xf32>
      %mul3A_209 = arith.mulf %mul3A_208, %mul3A_208 : vector<16xf32>
      %mul3A_210 = arith.mulf %mul3A_209, %get3A_152 : vector<16xf32>
      %mul3A_211 = arith.constant 5.000000e-01 : f32
      %mul3A_212 = vector.broadcast %mul3A_211 : f32 to vector<16xf32>
      %mul3A_213 = arith.mulf %mul3A_195, %mul3A_212 : vector<16xf32>
      %sub3A_214 = arith.subf %sub3A_164, %mul3A_213 : vector<16xf32>
      %mul3A_215 = arith.constant 5.000000e-01 : f32
      %mul3A_216 = vector.broadcast %mul3A_215 : f32 to vector<16xf32>
      %mul3A_217 = arith.mulf %mul3A_195, %mul3A_216 : vector<16xf32>
      %add3A_218 = arith.addf %sub3A_164, %mul3A_217 : vector<16xf32>
      %mul3A_219 = arith.constant 5.000000e-01 : f32
      %mul3A_220 = vector.broadcast %mul3A_219 : f32 to vector<16xf32>
      %mul3A_221 = arith.mulf %mul3A_210, %mul3A_220 : vector<16xf32>
      %sub3A_222 = arith.subf %sub3A_180, %mul3A_221 : vector<16xf32>
      %mul3A_223 = arith.constant 5.000000e-01 : f32
      %mul3A_224 = vector.broadcast %mul3A_223 : f32 to vector<16xf32>
      %mul3A_225 = arith.mulf %mul3A_210, %mul3A_224 : vector<16xf32>
      %add3A_226 = arith.addf %sub3A_180, %mul3A_225 : vector<16xf32>
      %mul3A_227 = arith.constant 5.000000e-01 : f32
      %mul3A_228 = vector.broadcast %mul3A_227 : f32 to vector<16xf32>
      %mul3A_229 = arith.mulf %get3A_146, %mul3A_228 : vector<16xf32>
      %sub3A_230 = arith.subf %get3A_142, %mul3A_229 : vector<16xf32>
      %mul3A_231 = arith.constant 5.000000e-01 : f32
      %mul3A_232 = vector.broadcast %mul3A_231 : f32 to vector<16xf32>
      %mul3A_233 = arith.mulf %get3A_146, %mul3A_232 : vector<16xf32>
      %add3A_234 = arith.addf %get3A_142, %mul3A_233 : vector<16xf32>
      %mul3A_235 = arith.constant 5.000000e-01 : f32
      %mul3A_236 = vector.broadcast %mul3A_235 : f32 to vector<16xf32>
      %mul3A_237 = arith.mulf %get3A_148, %mul3A_236 : vector<16xf32>
      %sub3A_238 = arith.subf %get3A_144, %mul3A_237 : vector<16xf32>
      %mul3A_239 = arith.constant 5.000000e-01 : f32
      %mul3A_240 = vector.broadcast %mul3A_239 : f32 to vector<16xf32>
      %mul3A_241 = arith.mulf %get3A_148, %mul3A_240 : vector<16xf32>
      %add3A_242 = arith.addf %get3A_144, %mul3A_241 : vector<16xf32>
      %min3A = arith.minimumf %add3A_218, %add3A_234 : vector<16xf32>
      %max3A = arith.maximumf %sub3A_214, %sub3A_230 : vector<16xf32>
      %sub3A_243 = arith.subf %min3A, %max3A : vector<16xf32>
      %max3A_244 = arith.constant 0.000000e+00 : f32
      %max3A_245 = vector.broadcast %max3A_244 : f32 to vector<16xf32>
      %max3A_246 = arith.maximumf %sub3A_243, %max3A_245 : vector<16xf32>
      %min3A_247 = arith.minimumf %add3A_226, %add3A_242 : vector<16xf32>
      %max3A_248 = arith.maximumf %sub3A_222, %sub3A_238 : vector<16xf32>
      %sub3A_249 = arith.subf %min3A_247, %max3A_248 : vector<16xf32>
      %max3A_250 = arith.constant 0.000000e+00 : f32
      %max3A_251 = vector.broadcast %max3A_250 : f32 to vector<16xf32>
      %max3A_252 = arith.maximumf %sub3A_249, %max3A_251 : vector<16xf32>
      %mul3A_253 = arith.mulf %max3A_246, %max3A_252 : vector<16xf32>
      %sub3A_254 = arith.subf %add3A_218, %sub3A_214 : vector<16xf32>
      %sub3A_255 = arith.subf %add3A_226, %sub3A_222 : vector<16xf32>
      %mul3A_256 = arith.mulf %sub3A_254, %sub3A_255 : vector<16xf32>
      %sub3A_257 = arith.subf %add3A_234, %sub3A_230 : vector<16xf32>
      %sub3A_258 = arith.subf %add3A_242, %sub3A_238 : vector<16xf32>
      %mul3A_259 = arith.mulf %sub3A_257, %sub3A_258 : vector<16xf32>
      %add3A_260 = arith.addf %mul3A_256, %mul3A_259 : vector<16xf32>
      %sub3A_261 = arith.subf %add3A_260, %mul3A_253 : vector<16xf32>
      %div3A_262 = arith.divf %mul3A_253, %sub3A_261 : vector<16xf32>
      %max3A_263 = arith.maximumf %add3A_218, %add3A_234 : vector<16xf32>
      %min3A_264 = arith.minimumf %sub3A_214, %sub3A_230 : vector<16xf32>
      %sub3A_265 = arith.subf %max3A_263, %min3A_264 : vector<16xf32>
      %add3A_266 = arith.constant 1.000000e-16 : f32
      %add3A_267 = vector.broadcast %add3A_266 : f32 to vector<16xf32>
      %add3A_268 = arith.addf %sub3A_265, %add3A_267 : vector<16xf32>
      %max3A_269 = arith.maximumf %add3A_226, %add3A_242 : vector<16xf32>
      %min3A_270 = arith.minimumf %sub3A_222, %sub3A_238 : vector<16xf32>
      %sub3A_271 = arith.subf %max3A_269, %min3A_270 : vector<16xf32>
      %mul3A_272 = arith.mulf %add3A_268, %sub3A_271 : vector<16xf32>
      %add3A_273 = arith.constant 1.000000e-16 : f32
      %add3A_274 = vector.broadcast %add3A_273 : f32 to vector<16xf32>
      %add3A_275 = arith.addf %mul3A_272, %add3A_274 : vector<16xf32>
      %sub3A_276 = arith.subf %add3A_275, %sub3A_261 : vector<16xf32>
      %div3A_277 = arith.divf %sub3A_276, %add3A_275 : vector<16xf32>
      %sub3A_278 = arith.subf %div3A_262, %div3A_277 : vector<16xf32>
      %get3A_279 = arith.index_cast %mul3A_109 : i32 to index
      %get3A_280 = tpu.vector_load %arg19[%get3A_279] {strides = array<i32>} : memref<240xi32, #tpu.memory_space<vmem>>, vector<16xi32>,
      %add3A_281 = arith.constant 5 : i32
      %add3A_282 = vector.broadcast %add3A_281 : i32 to vector<16xi32>
      %add3A_283 = arith.addi %get3A_280, %add3A_282 : vector<16xi32>
      %mul3A_284 = arith.constant 240 : i32
      %mul3A_285 = vector.broadcast %mul3A_284 : i32 to vector<16xi32>
      %mul3A_286 = arith.muli %add3A_283, %mul3A_285 : vector<16xi32>
      %mul3A_287 = arith.constant 16 : i32
      %mul3A_288 = arith.muli %scan3A_103, %mul3A_287 : i32
      %add3A_289 = vector.broadcast %mul3A_288 : i32 to vector<16xi32>
      %add3A_290 = arith.addi %mul3A_286, %add3A_289 : vector<16xi32>
      %add3A_291 = arith.addi %add3A_290, %iota3A : vector<16xi32>
      %gather3A = tpu.vector_load_idx %arg11[%add3A_291] : memref<20400xf32, #tpu.memory_space<vmem>>[vector<16xi32>], vector<16xf32>,
      %sub3A_292 = arith.constant 1.000000e+00 : f32
      %sub3A_293 = vector.broadcast %sub3A_292 : f32 to vector<16xf32>
      %sub3A_294 = arith.subf %sub3A_293, %sub3A_278 : vector<16xf32>
      %mul3A_295 = arith.mulf %get3A_140, %sub3A_294 : vector<16xf32>
      %add3A_296 = arith.addf %scan3A_104, %mul3A_295 : vector<16xf32>
      %add3A_297 = arith.addf %scan3A_105, %get3A_140 : vector<16xf32>
      %mul3A_298 = arith.mulf %get3A_140, %get3A_138 : vector<16xf32>
      %max3A_299 = arith.constant 0.000000e+00 : f32
      %max3A_300 = vector.broadcast %max3A_299 : f32 to vector<16xf32>
      %max3A_301 = arith.maximumf %sub3A_278, %max3A_300 : vector<16xf32>
      %mul3A_302 = arith.mulf %mul3A_298, %max3A_301 : vector<16xf32>
      %add3A_303 = arith.addf %scan3A_106, %mul3A_302 : vector<16xf32>
      %mul3A_304 = arith.mulf %get3A_140, %gather3A : vector<16xf32>
      %add3A_305 = arith.addf %scan3A_107, %mul3A_304 : vector<16xf32>
      scf.yield %add3A_296, %add3A_297, %add3A_303, %add3A_305 : vector<16xf32>, vector<16xf32>, vector<16xf32>, vector<16xf32>
    }
    %scan3A_92 = arith.constant 15 : i32
    %swap3A_93 = arith.constant 128 : index
    %swap3A_94 = tpu.vector_load %arg20[%swap3A_93] {strides = array<i32>} : memref<192xf32, #tpu.memory_space<vmem>>, vector<16xf32>,
    tpu.vector_store %arg20[%swap3A_93], %scan3A_91#0 {strides = array<i32>} : memref<192xf32, #tpu.memory_space<vmem>>, vector<16xf32>,
    %swap3A_95 = arith.constant 144 : index
    %swap3A_96 = tpu.vector_load %arg20[%swap3A_95] {strides = array<i32>} : memref<192xf32, #tpu.memory_space<vmem>>, vector<16xf32>,
    tpu.vector_store %arg20[%swap3A_95], %scan3A_91#1 {strides = array<i32>} : memref<192xf32, #tpu.memory_space<vmem>>, vector<16xf32>,
    %swap3A_97 = arith.constant 160 : index
    %swap3A_98 = tpu.vector_load %arg20[%swap3A_97] {strides = array<i32>} : memref<192xf32, #tpu.memory_space<vmem>>, vector<16xf32>,
    tpu.vector_store %arg20[%swap3A_97], %scan3A_91#2 {strides = array<i32>} : memref<192xf32, #tpu.memory_space<vmem>>, vector<16xf32>,
    %swap3A_99 = arith.constant 176 : index
    %swap3A_100 = tpu.vector_load %arg20[%swap3A_99] {strides = array<i32>} : memref<192xf32, #tpu.memory_space<vmem>>, vector<16xf32>,
    tpu.vector_store %arg20[%swap3A_99], %scan3A_91#3 {strides = array<i32>} : memref<192xf32, #tpu.memory_space<vmem>>, vector<16xf32>,
    %run_scoped3A_101 = arith.constant 2 : i32
    "tpu.region"() ({
      %run_scoped3A_103 = tpu.sem_alloc : memref<!tpu.dma_semaphore, #tpu.memory_space<semaphore_mem>>
      %dma_start3A_104 = arith.constant 1200 : i32
      %dma_start3A_105 = tpu.memref_slice %arg11[%dma_start3A_104] : memref<20400xf32, #tpu.memory_space<vmem>> -> memref<19200xf32, #tpu.memory_space<vmem>>
      %dma_start3A_106 = arith.constant 0 : i32
      %dma_start3A_107 = tpu.memref_slice %arg6[%run_scoped3A_101, %add3A, %dma_start3A_106] : memref<3x32x19200xf32, #tpu.memory_space<hbm>> -> memref<1x1x19200xf32, #tpu.memory_space<hbm>>
      %dma_start3A_108 = tpu.memref_squeeze %dma_start3A_107 : memref<1x1x19200xf32, #tpu.memory_space<hbm>> -> memref<19200xf32, #tpu.memory_space<hbm>>
      %dma_start3A_109 = arith.constant 0 : i32
      %dma_start3A_110 = tpu.memref_slice %arg6[%run_scoped3A_101, %add3A, %dma_start3A_109] : memref<3x32x19200xf32, #tpu.memory_space<hbm>> -> memref<1x1x19200xf32, #tpu.memory_space<hbm>>
      %dma_start3A_111 = tpu.memref_squeeze %dma_start3A_110 : memref<1x1x19200xf32, #tpu.memory_space<hbm>> -> memref<19200xf32, #tpu.memory_space<hbm>>
      %dma_start3A_112 = arith.constant 1200 : i32
      %dma_start3A_113 = tpu.memref_slice %arg11[%dma_start3A_112] : memref<20400xf32, #tpu.memory_space<vmem>> -> memref<19200xf32, #tpu.memory_space<vmem>>
      tpu.enqueue_dma source(%dma_start3A_113 : memref<19200xf32, #tpu.memory_space<vmem>>) target(%dma_start3A_111 : memref<19200xf32, #tpu.memory_space<hbm>>) target_semaphore(%run_scoped3A_103 : memref<!tpu.dma_semaphore, #tpu.memory_space<semaphore_mem>>)
      %dma_wait3A_114 = arith.constant 1200 : i32
      %dma_wait3A_115 = tpu.memref_slice %arg11[%dma_wait3A_114] : memref<20400xf32, #tpu.memory_space<vmem>> -> memref<19200xf32, #tpu.memory_space<vmem>>
      %dma_wait3A_116 = arith.constant 0 : i32
      %dma_wait3A_117 = tpu.memref_slice %arg6[%run_scoped3A_101, %add3A, %dma_wait3A_116] : memref<3x32x19200xf32, #tpu.memory_space<hbm>> -> memref<1x1x19200xf32, #tpu.memory_space<hbm>>
      %dma_wait3A_118 = tpu.memref_squeeze %dma_wait3A_117 : memref<1x1x19200xf32, #tpu.memory_space<hbm>> -> memref<19200xf32, #tpu.memory_space<hbm>>
      %dma_wait3A_119 = arith.constant 0 : i32
      %dma_wait3A_120 = tpu.memref_slice %arg6[%run_scoped3A_101, %add3A, %dma_wait3A_119] : memref<3x32x19200xf32, #tpu.memory_space<hbm>> -> memref<1x1x19200xf32, #tpu.memory_space<hbm>>
      %dma_wait3A_121 = tpu.memref_squeeze %dma_wait3A_120 : memref<1x1x19200xf32, #tpu.memory_space<hbm>> -> memref<19200xf32, #tpu.memory_space<hbm>>
      %dma_wait3A_122 = arith.constant 1200 : i32
      %dma_wait3A_123 = tpu.memref_slice %arg11[%dma_wait3A_122] : memref<20400xf32, #tpu.memory_space<vmem>> -> memref<19200xf32, #tpu.memory_space<vmem>>
      tpu.wait_dma2 semaphore(%run_scoped3A_103 : memref<!tpu.dma_semaphore, #tpu.memory_space<semaphore_mem>>) src(%dma_wait3A_123 : memref<19200xf32, #tpu.memory_space<vmem>>) dst(%dma_wait3A_121 : memref<19200xf32, #tpu.memory_space<hbm>>)
      tpu.yield
    }) : () -> ()
    %run_scoped3A_102 = arith.constant 2 : i32
    "tpu.region"() ({
      %run_scoped3A_103 = tpu.sem_alloc : memref<!tpu.dma_semaphore, #tpu.memory_space<semaphore_mem>>
      %dma_start3A_104 = arith.constant 0 : i32
      %dma_start3A_105 = tpu.memref_slice %arg7[%run_scoped3A_102, %add3A, %dma_start3A_104] : memref<3x32x240xf32, #tpu.memory_space<hbm>> -> memref<1x1x240xf32, #tpu.memory_space<hbm>>
      %dma_start3A_106 = tpu.memref_squeeze %dma_start3A_105 : memref<1x1x240xf32, #tpu.memory_space<hbm>> -> memref<240xf32, #tpu.memory_space<hbm>>
      %dma_start3A_107 = arith.constant 0 : i32
      %dma_start3A_108 = tpu.memref_slice %arg7[%run_scoped3A_102, %add3A, %dma_start3A_107] : memref<3x32x240xf32, #tpu.memory_space<hbm>> -> memref<1x1x240xf32, #tpu.memory_space<hbm>>
      %dma_start3A_109 = tpu.memref_squeeze %dma_start3A_108 : memref<1x1x240xf32, #tpu.memory_space<hbm>> -> memref<240xf32, #tpu.memory_space<hbm>>
      tpu.enqueue_dma source(%arg12 : memref<240xf32, #tpu.memory_space<vmem>>) target(%dma_start3A_109 : memref<240xf32, #tpu.memory_space<hbm>>) target_semaphore(%run_scoped3A_103 : memref<!tpu.dma_semaphore, #tpu.memory_space<semaphore_mem>>)
      %dma_wait3A_110 = arith.constant 0 : i32
      %dma_wait3A_111 = tpu.memref_slice %arg7[%run_scoped3A_102, %add3A, %dma_wait3A_110] : memref<3x32x240xf32, #tpu.memory_space<hbm>> -> memref<1x1x240xf32, #tpu.memory_space<hbm>>
      %dma_wait3A_112 = tpu.memref_squeeze %dma_wait3A_111 : memref<1x1x240xf32, #tpu.memory_space<hbm>> -> memref<240xf32, #tpu.memory_space<hbm>>
      %dma_wait3A_113 = arith.constant 0 : i32
      %dma_wait3A_114 = tpu.memref_slice %arg7[%run_scoped3A_102, %add3A, %dma_wait3A_113] : memref<3x32x240xf32, #tpu.memory_space<hbm>> -> memref<1x1x240xf32, #tpu.memory_space<hbm>>
      %dma_wait3A_115 = tpu.memref_squeeze %dma_wait3A_114 : memref<1x1x240xf32, #tpu.memory_space<hbm>> -> memref<240xf32, #tpu.memory_space<hbm>>
      tpu.wait_dma2 semaphore(%run_scoped3A_103 : memref<!tpu.dma_semaphore, #tpu.memory_space<semaphore_mem>>) src(%arg12 : memref<240xf32, #tpu.memory_space<vmem>>) dst(%dma_wait3A_115 : memref<240xf32, #tpu.memory_space<hbm>>)
      tpu.yield
    }) : () -> ()
    "tpu.region"() ({
      %run_scoped3A_103 = tpu.sem_alloc : memref<!tpu.dma_semaphore, #tpu.memory_space<semaphore_mem>>
      %dma_start3A_104 = arith.constant 0 : i32
      %dma_start3A_105 = tpu.memref_slice %arg8[%add3A, %dma_start3A_104] : memref<32x192xf32, #tpu.memory_space<hbm>> -> memref<1x192xf32, #tpu.memory_space<hbm>>
      %dma_start3A_106 = tpu.memref_squeeze %dma_start3A_105 : memref<1x192xf32, #tpu.memory_space<hbm>> -> memref<192xf32, #tpu.memory_space<hbm>>
      %dma_start3A_107 = arith.constant 0 : i32
      %dma_start3A_108 = tpu.memref_slice %arg8[%add3A, %dma_start3A_107] : memref<32x192xf32, #tpu.memory_space<hbm>> -> memref<1x192xf32, #tpu.memory_space<hbm>>
      %dma_start3A_109 = tpu.memref_squeeze %dma_start3A_108 : memref<1x192xf32, #tpu.memory_space<hbm>> -> memref<192xf32, #tpu.memory_space<hbm>>
      tpu.enqueue_dma source(%arg20 : memref<192xf32, #tpu.memory_space<vmem>>) target(%dma_start3A_109 : memref<192xf32, #tpu.memory_space<hbm>>) target_semaphore(%run_scoped3A_103 : memref<!tpu.dma_semaphore, #tpu.memory_space<semaphore_mem>>)
      %dma_wait3A_110 = arith.constant 0 : i32
      %dma_wait3A_111 = tpu.memref_slice %arg8[%add3A, %dma_wait3A_110] : memref<32x192xf32, #tpu.memory_space<hbm>> -> memref<1x192xf32, #tpu.memory_space<hbm>>
      %dma_wait3A_112 = tpu.memref_squeeze %dma_wait3A_111 : memref<1x192xf32, #tpu.memory_space<hbm>> -> memref<192xf32, #tpu.memory_space<hbm>>
      %dma_wait3A_113 = arith.constant 0 : i32
      %dma_wait3A_114 = tpu.memref_slice %arg8[%add3A, %dma_wait3A_113] : memref<32x192xf32, #tpu.memory_space<hbm>> -> memref<1x192xf32, #tpu.memory_space<hbm>>
      %dma_wait3A_115 = tpu.memref_squeeze %dma_wait3A_114 : memref<1x192xf32, #tpu.memory_space<hbm>> -> memref<192xf32, #tpu.memory_space<hbm>>
      tpu.wait_dma2 semaphore(%run_scoped3A_103 : memref<!tpu.dma_semaphore, #tpu.memory_space<semaphore_mem>>) src(%arg20 : memref<192xf32, #tpu.memory_space<vmem>>) dst(%dma_wait3A_115 : memref<192xf32, #tpu.memory_space<hbm>>)
      tpu.yield
    }) : () -> ()
    return
  }
}

module attributes {stable_mosaic.version = 14 : i64} {
  func.func @_obj_body(%arg0: i32, %arg1: memref<32x1x20x20xf32, #tpu.memory_space<vmem>>, %arg2: memref<1x1xf32, #tpu.memory_space<vmem>>) attributes {dimension_semantics = [#tpu.dimension_semantics<arbitrary>], iteration_bounds = array<i64: 3>, scalar_prefetch = 0 : i64, scratch_operands = 0 : i64, tpu.core_type = #tpu.core_type<tc>, window_params = [{transform_indices = @transform_0, window_bounds = array<i64: 32, 1, 20, 20>}, {pipeline_mode = #tpu.pipeline_mode<synchronous>, transform_indices = @transform_1, window_bounds = array<i64: 1, 1>}]} {
    %get3A = arith.constant 0 : index
    %get3A_0 = arith.constant 0 : index
    %get3A_1 = arith.constant 0 : index
    %get3A_2 = arith.constant 0 : index
    %get3A_3 = vector.load %arg1[%get3A, %get3A_0, %get3A_1, %get3A_2] : memref<32x1x20x20xf32, #tpu.memory_space<vmem>>, vector<32x1x20x20xf32>
    %max3A = arith.constant 0.000000e+00 : f32
    %max3A_4 = vector.broadcast %max3A : f32 to vector<32x1x20x20xf32>
    %max3A_5 = arith.maximumf %get3A_3, %max3A_4 : vector<32x1x20x20xf32>
    %abs3A = math.absf %get3A_3 : vector<32x1x20x20xf32>
    %neg3A = arith.constant 0.000000e+00 : f32
    %neg3A_6 = vector.broadcast %neg3A : f32 to vector<32x1x20x20xf32>
    %neg3A_7 = arith.subf %neg3A_6, %abs3A : vector<32x1x20x20xf32>
    %exp3A = math.exp %neg3A_7 : vector<32x1x20x20xf32>
    %log1p3A = math.log1p %exp3A : vector<32x1x20x20xf32>
    %add3A = arith.addf %max3A_5, %log1p3A : vector<32x1x20x20xf32>
    %reduce_sum3A = vector.shape_cast %add3A : vector<32x1x20x20xf32> to vector<1x32x1x20x20xf32>
    %reduce_sum3A_8 = arith.constant dense<0.000000e+00> : vector<1xf32>
    %reduce_sum3A_9 = vector.multi_reduction <add>, %reduce_sum3A, %reduce_sum3A_8 [1, 2, 3, 4] : vector<1x32x1x20x20xf32> to vector<1xf32>
    %reduce_sum3A_10 = vector.shape_cast %reduce_sum3A_9 : vector<1xf32> to vector<1x1x1x1x1xf32>
    %reduce_sum3A_11 = vector.extract %reduce_sum3A_10[0, 0, 0, 0, 0] : f32 from vector<1x1x1x1x1xf32>
    %eq3A = arith.constant 0 : i32
    %eq3A_12 = arith.cmpi eq, %arg0, %eq3A : i32
    %convert_element_type3A = arith.extui %eq3A_12 : i1 to i32
    %cond3A = arith.constant 0 : i32
    %cond3A_13 = arith.cmpi ne, %convert_element_type3A, %cond3A : i32
    scf.if %cond3A_13 {
      %broadcast_in_dim3A = arith.constant 0.000000e+00 : f32
      %broadcast_in_dim3A_21 = vector.broadcast %broadcast_in_dim3A : f32 to vector<1x1xf32>
      %swap3A_22 = arith.constant 0 : index
      %swap3A_23 = arith.constant 0 : index
      %swap3A_24 = vector.load %arg2[%swap3A_22, %swap3A_23] : memref<1x1xf32, #tpu.memory_space<vmem>>, vector<1x1xf32>
      tpu.vector_store %arg2[%swap3A_22, %swap3A_23], %broadcast_in_dim3A_21 {strides = array<i32>} : memref<1x1xf32, #tpu.memory_space<vmem>>, vector<1x1xf32>,
    } else {
    }
    %get3A_14 = arith.constant 0 : index
    %get3A_15 = arith.constant 0 : index
    %get3A_16 = vector.load %arg2[%get3A_14, %get3A_15] : memref<1x1xf32, #tpu.memory_space<vmem>>, vector<1x1xf32>
    %add3A_17 = vector.broadcast %reduce_sum3A_11 : f32 to vector<1x1xf32>
    %add3A_18 = arith.addf %get3A_16, %add3A_17 : vector<1x1xf32>
    %swap3A = arith.constant 0 : index
    %swap3A_19 = arith.constant 0 : index
    %swap3A_20 = vector.load %arg2[%swap3A, %swap3A_19] : memref<1x1xf32, #tpu.memory_space<vmem>>, vector<1x1xf32>
    tpu.vector_store %arg2[%swap3A, %swap3A_19], %add3A_18 {strides = array<i32>} : memref<1x1xf32, #tpu.memory_space<vmem>>, vector<1x1xf32>,
    return
  }
  func.func @transform_0(%arg0: i32) -> (i32, i32, i32, i32) {
    %mul3A = arith.constant 85 : i32
    %mul3A_0 = arith.muli %mul3A, %arg0 : i32
    %add3A = arith.constant 4 : i32
    %add3A_1 = arith.addi %add3A, %mul3A_0 : i32
    %c0_i32 = arith.constant 0 : i32
    %c0_i32_2 = arith.constant 0 : i32
    %c0_i32_3 = arith.constant 0 : i32
    %c0_i32_4 = arith.constant 0 : i32
    return %c0_i32, %add3A_1, %c0_i32_2, %c0_i32_3 : i32, i32, i32, i32
  }
  func.func @transform_1(%arg0: i32) -> (i32, i32) {
    %c0_i32 = arith.constant 0 : i32
    %c0_i32_0 = arith.constant 0 : i32
    %c0_i32_1 = arith.constant 0 : i32
    return %c0_i32, %c0_i32_0 : i32, i32
  }
}

module attributes {stable_mosaic.version = 14 : i64} {
  func.func @_obj_body(%arg0: i32, %arg1: memref<32x1x40x40xf32, #tpu.memory_space<vmem>>, %arg2: memref<1x1xf32, #tpu.memory_space<vmem>>) attributes {dimension_semantics = [#tpu.dimension_semantics<arbitrary>], iteration_bounds = array<i64: 3>, scalar_prefetch = 0 : i64, scratch_operands = 0 : i64, tpu.core_type = #tpu.core_type<tc>, window_params = [{transform_indices = @transform_0, window_bounds = array<i64: 32, 1, 40, 40>}, {pipeline_mode = #tpu.pipeline_mode<synchronous>, transform_indices = @transform_1, window_bounds = array<i64: 1, 1>}]} {
    %get3A = arith.constant 0 : index
    %get3A_0 = arith.constant 0 : index
    %get3A_1 = arith.constant 0 : index
    %get3A_2 = arith.constant 0 : index
    %get3A_3 = vector.load %arg1[%get3A, %get3A_0, %get3A_1, %get3A_2] : memref<32x1x40x40xf32, #tpu.memory_space<vmem>>, vector<32x1x40x40xf32>
    %max3A = arith.constant 0.000000e+00 : f32
    %max3A_4 = vector.broadcast %max3A : f32 to vector<32x1x40x40xf32>
    %max3A_5 = arith.maximumf %get3A_3, %max3A_4 : vector<32x1x40x40xf32>
    %abs3A = math.absf %get3A_3 : vector<32x1x40x40xf32>
    %neg3A = arith.constant 0.000000e+00 : f32
    %neg3A_6 = vector.broadcast %neg3A : f32 to vector<32x1x40x40xf32>
    %neg3A_7 = arith.subf %neg3A_6, %abs3A : vector<32x1x40x40xf32>
    %exp3A = math.exp %neg3A_7 : vector<32x1x40x40xf32>
    %log1p3A = math.log1p %exp3A : vector<32x1x40x40xf32>
    %add3A = arith.addf %max3A_5, %log1p3A : vector<32x1x40x40xf32>
    %reduce_sum3A = vector.shape_cast %add3A : vector<32x1x40x40xf32> to vector<1x32x1x40x40xf32>
    %reduce_sum3A_8 = arith.constant dense<0.000000e+00> : vector<1xf32>
    %reduce_sum3A_9 = vector.multi_reduction <add>, %reduce_sum3A, %reduce_sum3A_8 [1, 2, 3, 4] : vector<1x32x1x40x40xf32> to vector<1xf32>
    %reduce_sum3A_10 = vector.shape_cast %reduce_sum3A_9 : vector<1xf32> to vector<1x1x1x1x1xf32>
    %reduce_sum3A_11 = vector.extract %reduce_sum3A_10[0, 0, 0, 0, 0] : f32 from vector<1x1x1x1x1xf32>
    %eq3A = arith.constant 0 : i32
    %eq3A_12 = arith.cmpi eq, %arg0, %eq3A : i32
    %convert_element_type3A = arith.extui %eq3A_12 : i1 to i32
    %cond3A = arith.constant 0 : i32
    %cond3A_13 = arith.cmpi ne, %convert_element_type3A, %cond3A : i32
    scf.if %cond3A_13 {
      %broadcast_in_dim3A = arith.constant 0.000000e+00 : f32
      %broadcast_in_dim3A_21 = vector.broadcast %broadcast_in_dim3A : f32 to vector<1x1xf32>
      %swap3A_22 = arith.constant 0 : index
      %swap3A_23 = arith.constant 0 : index
      %swap3A_24 = vector.load %arg2[%swap3A_22, %swap3A_23] : memref<1x1xf32, #tpu.memory_space<vmem>>, vector<1x1xf32>
      tpu.vector_store %arg2[%swap3A_22, %swap3A_23], %broadcast_in_dim3A_21 {strides = array<i32>} : memref<1x1xf32, #tpu.memory_space<vmem>>, vector<1x1xf32>,
    } else {
    }
    %get3A_14 = arith.constant 0 : index
    %get3A_15 = arith.constant 0 : index
    %get3A_16 = vector.load %arg2[%get3A_14, %get3A_15] : memref<1x1xf32, #tpu.memory_space<vmem>>, vector<1x1xf32>
    %add3A_17 = vector.broadcast %reduce_sum3A_11 : f32 to vector<1x1xf32>
    %add3A_18 = arith.addf %get3A_16, %add3A_17 : vector<1x1xf32>
    %swap3A = arith.constant 0 : index
    %swap3A_19 = arith.constant 0 : index
    %swap3A_20 = vector.load %arg2[%swap3A, %swap3A_19] : memref<1x1xf32, #tpu.memory_space<vmem>>, vector<1x1xf32>
    tpu.vector_store %arg2[%swap3A, %swap3A_19], %add3A_18 {strides = array<i32>} : memref<1x1xf32, #tpu.memory_space<vmem>>, vector<1x1xf32>,
    return
  }
  func.func @transform_0(%arg0: i32) -> (i32, i32, i32, i32) {
    %mul3A = arith.constant 85 : i32
    %mul3A_0 = arith.muli %mul3A, %arg0 : i32
    %add3A = arith.constant 4 : i32
    %add3A_1 = arith.addi %add3A, %mul3A_0 : i32
    %c0_i32 = arith.constant 0 : i32
    %c0_i32_2 = arith.constant 0 : i32
    %c0_i32_3 = arith.constant 0 : i32
    %c0_i32_4 = arith.constant 0 : i32
    return %c0_i32, %add3A_1, %c0_i32_2, %c0_i32_3 : i32, i32, i32, i32
  }
  func.func @transform_1(%arg0: i32) -> (i32, i32) {
    %c0_i32 = arith.constant 0 : i32
    %c0_i32_0 = arith.constant 0 : i32
    %c0_i32_1 = arith.constant 0 : i32
    return %c0_i32, %c0_i32_0 : i32, i32
  }
}

module attributes {stable_mosaic.version = 14 : i64} {
  func.func @_obj_body(%arg0: i32, %arg1: memref<32x1x80x80xf32, #tpu.memory_space<vmem>>, %arg2: memref<1x1xf32, #tpu.memory_space<vmem>>) attributes {dimension_semantics = [#tpu.dimension_semantics<arbitrary>], iteration_bounds = array<i64: 3>, scalar_prefetch = 0 : i64, scratch_operands = 0 : i64, tpu.core_type = #tpu.core_type<tc>, window_params = [{transform_indices = @transform_0, window_bounds = array<i64: 32, 1, 80, 80>}, {pipeline_mode = #tpu.pipeline_mode<synchronous>, transform_indices = @transform_1, window_bounds = array<i64: 1, 1>}]} {
    %get3A = arith.constant 0 : index
    %get3A_0 = arith.constant 0 : index
    %get3A_1 = arith.constant 0 : index
    %get3A_2 = arith.constant 0 : index
    %get3A_3 = vector.load %arg1[%get3A, %get3A_0, %get3A_1, %get3A_2] : memref<32x1x80x80xf32, #tpu.memory_space<vmem>>, vector<32x1x80x80xf32>
    %max3A = arith.constant 0.000000e+00 : f32
    %max3A_4 = vector.broadcast %max3A : f32 to vector<32x1x80x80xf32>
    %max3A_5 = arith.maximumf %get3A_3, %max3A_4 : vector<32x1x80x80xf32>
    %abs3A = math.absf %get3A_3 : vector<32x1x80x80xf32>
    %neg3A = arith.constant 0.000000e+00 : f32
    %neg3A_6 = vector.broadcast %neg3A : f32 to vector<32x1x80x80xf32>
    %neg3A_7 = arith.subf %neg3A_6, %abs3A : vector<32x1x80x80xf32>
    %exp3A = math.exp %neg3A_7 : vector<32x1x80x80xf32>
    %log1p3A = math.log1p %exp3A : vector<32x1x80x80xf32>
    %add3A = arith.addf %max3A_5, %log1p3A : vector<32x1x80x80xf32>
    %reduce_sum3A = vector.shape_cast %add3A : vector<32x1x80x80xf32> to vector<1x32x1x80x80xf32>
    %reduce_sum3A_8 = arith.constant dense<0.000000e+00> : vector<1xf32>
    %reduce_sum3A_9 = vector.multi_reduction <add>, %reduce_sum3A, %reduce_sum3A_8 [1, 2, 3, 4] : vector<1x32x1x80x80xf32> to vector<1xf32>
    %reduce_sum3A_10 = vector.shape_cast %reduce_sum3A_9 : vector<1xf32> to vector<1x1x1x1x1xf32>
    %reduce_sum3A_11 = vector.extract %reduce_sum3A_10[0, 0, 0, 0, 0] : f32 from vector<1x1x1x1x1xf32>
    %eq3A = arith.constant 0 : i32
    %eq3A_12 = arith.cmpi eq, %arg0, %eq3A : i32
    %convert_element_type3A = arith.extui %eq3A_12 : i1 to i32
    %cond3A = arith.constant 0 : i32
    %cond3A_13 = arith.cmpi ne, %convert_element_type3A, %cond3A : i32
    scf.if %cond3A_13 {
      %broadcast_in_dim3A = arith.constant 0.000000e+00 : f32
      %broadcast_in_dim3A_21 = vector.broadcast %broadcast_in_dim3A : f32 to vector<1x1xf32>
      %swap3A_22 = arith.constant 0 : index
      %swap3A_23 = arith.constant 0 : index
      %swap3A_24 = vector.load %arg2[%swap3A_22, %swap3A_23] : memref<1x1xf32, #tpu.memory_space<vmem>>, vector<1x1xf32>
      tpu.vector_store %arg2[%swap3A_22, %swap3A_23], %broadcast_in_dim3A_21 {strides = array<i32>} : memref<1x1xf32, #tpu.memory_space<vmem>>, vector<1x1xf32>,
    } else {
    }
    %get3A_14 = arith.constant 0 : index
    %get3A_15 = arith.constant 0 : index
    %get3A_16 = vector.load %arg2[%get3A_14, %get3A_15] : memref<1x1xf32, #tpu.memory_space<vmem>>, vector<1x1xf32>
    %add3A_17 = vector.broadcast %reduce_sum3A_11 : f32 to vector<1x1xf32>
    %add3A_18 = arith.addf %get3A_16, %add3A_17 : vector<1x1xf32>
    %swap3A = arith.constant 0 : index
    %swap3A_19 = arith.constant 0 : index
    %swap3A_20 = vector.load %arg2[%swap3A, %swap3A_19] : memref<1x1xf32, #tpu.memory_space<vmem>>, vector<1x1xf32>
    tpu.vector_store %arg2[%swap3A, %swap3A_19], %add3A_18 {strides = array<i32>} : memref<1x1xf32, #tpu.memory_space<vmem>>, vector<1x1xf32>,
    return
  }
  func.func @transform_0(%arg0: i32) -> (i32, i32, i32, i32) {
    %mul3A = arith.constant 85 : i32
    %mul3A_0 = arith.muli %mul3A, %arg0 : i32
    %add3A = arith.constant 4 : i32
    %add3A_1 = arith.addi %add3A, %mul3A_0 : i32
    %c0_i32 = arith.constant 0 : i32
    %c0_i32_2 = arith.constant 0 : i32
    %c0_i32_3 = arith.constant 0 : i32
    %c0_i32_4 = arith.constant 0 : i32
    return %c0_i32, %add3A_1, %c0_i32_2, %c0_i32_3 : i32, i32, i32, i32
  }
  func.func @transform_1(%arg0: i32) -> (i32, i32) {
    %c0_i32 = arith.constant 0 : i32
    %c0_i32_0 = arith.constant 0 : i32
    %c0_i32_1 = arith.constant 0 : i32
    return %c0_i32, %c0_i32_0 : i32, i32
  }
}

module attributes {stable_mosaic.version = 14 : i64} {
  func.func @_final_body(%arg0: memref<3x32x80x240xf32, #tpu.memory_space<vmem>>, %arg1: memref<3x32x240xf32, #tpu.memory_space<vmem>>, %arg2: memref<32x3x4x16xf32, #tpu.memory_space<vmem>>, %arg3: memref<1x1xf32, #tpu.memory_space<vmem>>, %arg4: memref<1x1xf32, #tpu.memory_space<vmem>>, %arg5: memref<1x1xf32, #tpu.memory_space<vmem>>, %arg6: memref<1x1xf32, #tpu.memory_space<vmem>>) attributes {dimension_semantics = [], scalar_prefetch = 0 : i64, scratch_operands = 0 : i64, tpu.core_type = #tpu.core_type<tc>} {
    %get3A = arith.constant 0 : index
    %get3A_0 = arith.constant 0 : index
    %get3A_1 = arith.constant 0 : index
    %get3A_2 = arith.constant 0 : index
    %get3A_3 = vector.load %arg0[%get3A, %get3A_0, %get3A_1, %get3A_2] : memref<3x32x80x240xf32, #tpu.memory_space<vmem>>, vector<3x32x80x240xf32>
    %get3A_4 = arith.constant 0 : index
    %get3A_5 = arith.constant 0 : index
    %get3A_6 = arith.constant 0 : index
    %get3A_7 = vector.load %arg1[%get3A_4, %get3A_5, %get3A_6] : memref<3x32x240xf32, #tpu.memory_space<vmem>>, vector<3x32x240xf32>
    %get3A_8 = arith.constant 0 : index
    %get3A_9 = arith.constant 0 : index
    %get3A_10 = arith.constant 0 : index
    %get3A_11 = arith.constant 0 : index
    %get3A_12 = vector.load %arg2[%get3A_8, %get3A_9, %get3A_10, %get3A_11] : memref<32x3x4x16xf32, #tpu.memory_space<vmem>>, vector<32x3x4x16xf32>
    %max3A = arith.constant 0.000000e+00 : f32
    %max3A_13 = vector.broadcast %max3A : f32 to vector<3x32x80x240xf32>
    %max3A_14 = arith.maximumf %get3A_3, %max3A_13 : vector<3x32x80x240xf32>
    %abs3A = math.absf %get3A_3 : vector<3x32x80x240xf32>
    %neg3A = arith.constant 0.000000e+00 : f32
    %neg3A_15 = vector.broadcast %neg3A : f32 to vector<3x32x80x240xf32>
    %neg3A_16 = arith.subf %neg3A_15, %abs3A : vector<3x32x80x240xf32>
    %exp3A = math.exp %neg3A_16 : vector<3x32x80x240xf32>
    %log1p3A = math.log1p %exp3A : vector<3x32x80x240xf32>
    %add3A = arith.addf %max3A_14, %log1p3A : vector<3x32x80x240xf32>
    %get3A_17 = arith.constant 0 : index
    %get3A_18 = arith.constant 0 : index
    %get3A_19 = vector.load %arg3[%get3A_17, %get3A_18] : memref<1x1xf32, #tpu.memory_space<vmem>>, vector<1x1xf32>
    %get3A_20 = vector.extract %get3A_19[0, 0] : f32 from vector<1x1xf32>
    %get3A_21 = arith.constant 0 : index
    %get3A_22 = arith.constant 0 : index
    %get3A_23 = vector.load %arg4[%get3A_21, %get3A_22] : memref<1x1xf32, #tpu.memory_space<vmem>>, vector<1x1xf32>
    %get3A_24 = vector.extract %get3A_23[0, 0] : f32 from vector<1x1xf32>
    %get3A_25 = arith.constant 0 : index
    %get3A_26 = arith.constant 0 : index
    %get3A_27 = vector.load %arg5[%get3A_25, %get3A_26] : memref<1x1xf32, #tpu.memory_space<vmem>>, vector<1x1xf32>
    %get3A_28 = vector.extract %get3A_27[0, 0] : f32 from vector<1x1xf32>
    %slice3A = vector.extract_strided_slice %add3A {offsets = [0, 0, 0, 0], sizes = [1, 32, 80, 240], strides = [1, 1, 1, 1]} : vector<3x32x80x240xf32> to vector<1x32x80x240xf32>
    %squeeze3A = vector.shape_cast %slice3A : vector<1x32x80x240xf32> to vector<32x80x240xf32>
    %slice3A_29 = vector.extract_strided_slice %get3A_7 {offsets = [0, 0, 0], sizes = [1, 32, 240], strides = [1, 1, 1]} : vector<3x32x240xf32> to vector<1x32x240xf32>
    %squeeze3A_30 = vector.shape_cast %slice3A_29 : vector<1x32x240xf32> to vector<32x240xf32>
    %broadcast_in_dim3A = vector.shape_cast %squeeze3A_30 : vector<32x240xf32> to vector<32x1x240xf32>
    %mul3A = vector.broadcast %broadcast_in_dim3A : vector<32x1x240xf32> to vector<32x80x240xf32>
    %mul3A_31 = arith.mulf %squeeze3A, %mul3A : vector<32x80x240xf32>
    %reduce_sum3A = vector.shape_cast %mul3A_31 : vector<32x80x240xf32> to vector<1x32x80x240xf32>
    %reduce_sum3A_32 = arith.constant dense<0.000000e+00> : vector<1xf32>
    %reduce_sum3A_33 = vector.multi_reduction <add>, %reduce_sum3A, %reduce_sum3A_32 [1, 2, 3] : vector<1x32x80x240xf32> to vector<1xf32>
    %reduce_sum3A_34 = vector.shape_cast %reduce_sum3A_33 : vector<1xf32> to vector<1x1x1x1xf32>
    %reduce_sum3A_35 = vector.extract %reduce_sum3A_34[0, 0, 0, 0] : f32 from vector<1x1x1x1xf32>
    %slice3A_36 = vector.extract_strided_slice %get3A_12 {offsets = [0, 0, 0, 0], sizes = [32, 1, 1, 16], strides = [1, 1, 1, 1]} : vector<32x3x4x16xf32> to vector<32x1x1x16xf32>
    %squeeze3A_37 = vector.shape_cast %slice3A_36 : vector<32x1x1x16xf32> to vector<32x16xf32>
    %reduce_sum3A_38 = vector.shape_cast %squeeze3A_37 : vector<32x16xf32> to vector<1x32x16xf32>
    %reduce_sum3A_39 = arith.constant dense<0.000000e+00> : vector<1xf32>
    %reduce_sum3A_40 = vector.multi_reduction <add>, %reduce_sum3A_38, %reduce_sum3A_39 [1, 2] : vector<1x32x16xf32> to vector<1xf32>
    %reduce_sum3A_41 = vector.shape_cast %reduce_sum3A_40 : vector<1xf32> to vector<1x1x1xf32>
    %reduce_sum3A_42 = vector.extract %reduce_sum3A_41[0, 0, 0] : f32 from vector<1x1x1xf32>
    %slice3A_43 = vector.extract_strided_slice %get3A_12 {offsets = [0, 0, 1, 0], sizes = [32, 1, 1, 16], strides = [1, 1, 1, 1]} : vector<32x3x4x16xf32> to vector<32x1x1x16xf32>
    %squeeze3A_44 = vector.shape_cast %slice3A_43 : vector<32x1x1x16xf32> to vector<32x16xf32>
    %reduce_sum3A_45 = vector.shape_cast %squeeze3A_44 : vector<32x16xf32> to vector<1x32x16xf32>
    %reduce_sum3A_46 = arith.constant dense<0.000000e+00> : vector<1xf32>
    %reduce_sum3A_47 = vector.multi_reduction <add>, %reduce_sum3A_45, %reduce_sum3A_46 [1, 2] : vector<1x32x16xf32> to vector<1xf32>
    %reduce_sum3A_48 = vector.shape_cast %reduce_sum3A_47 : vector<1xf32> to vector<1x1x1xf32>
    %reduce_sum3A_49 = vector.extract %reduce_sum3A_48[0, 0, 0] : f32 from vector<1x1x1xf32>
    %slice3A_50 = vector.extract_strided_slice %get3A_12 {offsets = [0, 0, 2, 0], sizes = [32, 1, 1, 16], strides = [1, 1, 1, 1]} : vector<32x3x4x16xf32> to vector<32x1x1x16xf32>
    %squeeze3A_51 = vector.shape_cast %slice3A_50 : vector<32x1x1x16xf32> to vector<32x16xf32>
    %reduce_sum3A_52 = vector.shape_cast %squeeze3A_51 : vector<32x16xf32> to vector<1x32x16xf32>
    %reduce_sum3A_53 = arith.constant dense<0.000000e+00> : vector<1xf32>
    %reduce_sum3A_54 = vector.multi_reduction <add>, %reduce_sum3A_52, %reduce_sum3A_53 [1, 2] : vector<1x32x16xf32> to vector<1xf32>
    %reduce_sum3A_55 = vector.shape_cast %reduce_sum3A_54 : vector<1xf32> to vector<1x1x1xf32>
    %reduce_sum3A_56 = vector.extract %reduce_sum3A_55[0, 0, 0] : f32 from vector<1x1x1xf32>
    %slice3A_57 = vector.extract_strided_slice %get3A_12 {offsets = [0, 0, 3, 0], sizes = [32, 1, 1, 16], strides = [1, 1, 1, 1]} : vector<32x3x4x16xf32> to vector<32x1x1x16xf32>
    %squeeze3A_58 = vector.shape_cast %slice3A_57 : vector<32x1x1x16xf32> to vector<32x16xf32>
    %reduce_sum3A_59 = vector.shape_cast %squeeze3A_58 : vector<32x16xf32> to vector<1x32x16xf32>
    %reduce_sum3A_60 = arith.constant dense<0.000000e+00> : vector<1xf32>
    %reduce_sum3A_61 = vector.multi_reduction <add>, %reduce_sum3A_59, %reduce_sum3A_60 [1, 2] : vector<1x32x16xf32> to vector<1xf32>
    %reduce_sum3A_62 = vector.shape_cast %reduce_sum3A_61 : vector<1xf32> to vector<1x1x1xf32>
    %reduce_sum3A_63 = vector.extract %reduce_sum3A_62[0, 0, 0] : f32 from vector<1x1x1xf32>
    %sub3A = arith.subf %get3A_20, %reduce_sum3A_56 : f32
    %div3A = arith.constant 3.840000e+04 : f32
    %div3A_64 = arith.divf %sub3A, %div3A : f32
    %mul3A_65 = arith.constant 4.000000e+00 : f32
    %mul3A_66 = arith.mulf %div3A_64, %mul3A_65 : f32
    %gt3A = arith.constant 0.000000e+00 : f32
    %gt3A_67 = arith.cmpf ogt, %reduce_sum3A_49, %gt3A : f32
    %div3A_68 = arith.divf %reduce_sum3A_42, %reduce_sum3A_49 : f32
    %jit3A = arith.constant 0.000000e+00 : f32
    %select_n3A = arith.select %gt3A_67, %div3A_68, %jit3A : f32
    %gt3A_69 = arith.constant 0.000000e+00 : f32
    %gt3A_70 = arith.cmpf ogt, %reduce_sum3A_49, %gt3A_69 : f32
    %sub3A_71 = arith.subf %reduce_sum3A_35, %reduce_sum3A_63 : f32
    %mul3A_72 = arith.constant 8.000000e+01 : f32
    %mul3A_73 = arith.mulf %reduce_sum3A_49, %mul3A_72 : f32
    %div3A_74 = arith.divf %sub3A_71, %mul3A_73 : f32
    %jit3A_75 = arith.constant 0.000000e+00 : f32
    %select_n3A_76 = arith.select %gt3A_70, %div3A_74, %jit3A_75 : f32
    %mul3A_77 = arith.constant 5.000000e-02 : f32
    %mul3A_78 = arith.mulf %mul3A_77, %select_n3A : f32
    %add3A_79 = arith.constant 0.000000e+00 : f32
    %add3A_80 = arith.addf %add3A_79, %mul3A_78 : f32
    %add3A_81 = arith.addf %add3A_80, %mul3A_66 : f32
    %mul3A_82 = arith.constant 5.000000e-01 : f32
    %mul3A_83 = arith.mulf %mul3A_82, %select_n3A_76 : f32
    %add3A_84 = arith.addf %add3A_81, %mul3A_83 : f32
    %slice3A_85 = vector.extract_strided_slice %add3A {offsets = [1, 0, 0, 0], sizes = [1, 32, 80, 240], strides = [1, 1, 1, 1]} : vector<3x32x80x240xf32> to vector<1x32x80x240xf32>
    %squeeze3A_86 = vector.shape_cast %slice3A_85 : vector<1x32x80x240xf32> to vector<32x80x240xf32>
    %slice3A_87 = vector.extract_strided_slice %get3A_7 {offsets = [1, 0, 0], sizes = [1, 32, 240], strides = [1, 1, 1]} : vector<3x32x240xf32> to vector<1x32x240xf32>
    %squeeze3A_88 = vector.shape_cast %slice3A_87 : vector<1x32x240xf32> to vector<32x240xf32>
    %broadcast_in_dim3A_89 = vector.shape_cast %squeeze3A_88 : vector<32x240xf32> to vector<32x1x240xf32>
    %mul3A_90 = vector.broadcast %broadcast_in_dim3A_89 : vector<32x1x240xf32> to vector<32x80x240xf32>
    %mul3A_91 = arith.mulf %squeeze3A_86, %mul3A_90 : vector<32x80x240xf32>
    %reduce_sum3A_92 = vector.shape_cast %mul3A_91 : vector<32x80x240xf32> to vector<1x32x80x240xf32>
    %reduce_sum3A_93 = arith.constant dense<0.000000e+00> : vector<1xf32>
    %reduce_sum3A_94 = vector.multi_reduction <add>, %reduce_sum3A_92, %reduce_sum3A_93 [1, 2, 3] : vector<1x32x80x240xf32> to vector<1xf32>
    %reduce_sum3A_95 = vector.shape_cast %reduce_sum3A_94 : vector<1xf32> to vector<1x1x1x1xf32>
    %reduce_sum3A_96 = vector.extract %reduce_sum3A_95[0, 0, 0, 0] : f32 from vector<1x1x1x1xf32>
    %slice3A_97 = vector.extract_strided_slice %get3A_12 {offsets = [0, 1, 0, 0], sizes = [32, 1, 1, 16], strides = [1, 1, 1, 1]} : vector<32x3x4x16xf32> to vector<32x1x1x16xf32>
    %squeeze3A_98 = vector.shape_cast %slice3A_97 : vector<32x1x1x16xf32> to vector<32x16xf32>
    %reduce_sum3A_99 = vector.shape_cast %squeeze3A_98 : vector<32x16xf32> to vector<1x32x16xf32>
    %reduce_sum3A_100 = arith.constant dense<0.000000e+00> : vector<1xf32>
    %reduce_sum3A_101 = vector.multi_reduction <add>, %reduce_sum3A_99, %reduce_sum3A_100 [1, 2] : vector<1x32x16xf32> to vector<1xf32>
    %reduce_sum3A_102 = vector.shape_cast %reduce_sum3A_101 : vector<1xf32> to vector<1x1x1xf32>
    %reduce_sum3A_103 = vector.extract %reduce_sum3A_102[0, 0, 0] : f32 from vector<1x1x1xf32>
    %slice3A_104 = vector.extract_strided_slice %get3A_12 {offsets = [0, 1, 1, 0], sizes = [32, 1, 1, 16], strides = [1, 1, 1, 1]} : vector<32x3x4x16xf32> to vector<32x1x1x16xf32>
    %squeeze3A_105 = vector.shape_cast %slice3A_104 : vector<32x1x1x16xf32> to vector<32x16xf32>
    %reduce_sum3A_106 = vector.shape_cast %squeeze3A_105 : vector<32x16xf32> to vector<1x32x16xf32>
    %reduce_sum3A_107 = arith.constant dense<0.000000e+00> : vector<1xf32>
    %reduce_sum3A_108 = vector.multi_reduction <add>, %reduce_sum3A_106, %reduce_sum3A_107 [1, 2] : vector<1x32x16xf32> to vector<1xf32>
    %reduce_sum3A_109 = vector.shape_cast %reduce_sum3A_108 : vector<1xf32> to vector<1x1x1xf32>
    %reduce_sum3A_110 = vector.extract %reduce_sum3A_109[0, 0, 0] : f32 from vector<1x1x1xf32>
    %slice3A_111 = vector.extract_strided_slice %get3A_12 {offsets = [0, 1, 2, 0], sizes = [32, 1, 1, 16], strides = [1, 1, 1, 1]} : vector<32x3x4x16xf32> to vector<32x1x1x16xf32>
    %squeeze3A_112 = vector.shape_cast %slice3A_111 : vector<32x1x1x16xf32> to vector<32x16xf32>
    %reduce_sum3A_113 = vector.shape_cast %squeeze3A_112 : vector<32x16xf32> to vector<1x32x16xf32>
    %reduce_sum3A_114 = arith.constant dense<0.000000e+00> : vector<1xf32>
    %reduce_sum3A_115 = vector.multi_reduction <add>, %reduce_sum3A_113, %reduce_sum3A_114 [1, 2] : vector<1x32x16xf32> to vector<1xf32>
    %reduce_sum3A_116 = vector.shape_cast %reduce_sum3A_115 : vector<1xf32> to vector<1x1x1xf32>
    %reduce_sum3A_117 = vector.extract %reduce_sum3A_116[0, 0, 0] : f32 from vector<1x1x1xf32>
    %slice3A_118 = vector.extract_strided_slice %get3A_12 {offsets = [0, 1, 3, 0], sizes = [32, 1, 1, 16], strides = [1, 1, 1, 1]} : vector<32x3x4x16xf32> to vector<32x1x1x16xf32>
    %squeeze3A_119 = vector.shape_cast %slice3A_118 : vector<32x1x1x16xf32> to vector<32x16xf32>
    %reduce_sum3A_120 = vector.shape_cast %squeeze3A_119 : vector<32x16xf32> to vector<1x32x16xf32>
    %reduce_sum3A_121 = arith.constant dense<0.000000e+00> : vector<1xf32>
    %reduce_sum3A_122 = vector.multi_reduction <add>, %reduce_sum3A_120, %reduce_sum3A_121 [1, 2] : vector<1x32x16xf32> to vector<1xf32>
    %reduce_sum3A_123 = vector.shape_cast %reduce_sum3A_122 : vector<1xf32> to vector<1x1x1xf32>
    %reduce_sum3A_124 = vector.extract %reduce_sum3A_123[0, 0, 0] : f32 from vector<1x1x1xf32>
    %sub3A_125 = arith.subf %get3A_24, %reduce_sum3A_117 : f32
    %div3A_126 = arith.constant 1.536000e+05 : f32
    %div3A_127 = arith.divf %sub3A_125, %div3A_126 : f32
    %mul3A_128 = arith.constant 1.000000e+00 : f32
    %mul3A_129 = arith.mulf %div3A_127, %mul3A_128 : f32
    %gt3A_130 = arith.constant 0.000000e+00 : f32
    %gt3A_131 = arith.cmpf ogt, %reduce_sum3A_110, %gt3A_130 : f32
    %div3A_132 = arith.divf %reduce_sum3A_103, %reduce_sum3A_110 : f32
    %jit3A_133 = arith.constant 0.000000e+00 : f32
    %select_n3A_134 = arith.select %gt3A_131, %div3A_132, %jit3A_133 : f32
    %gt3A_135 = arith.constant 0.000000e+00 : f32
    %gt3A_136 = arith.cmpf ogt, %reduce_sum3A_110, %gt3A_135 : f32
    %sub3A_137 = arith.subf %reduce_sum3A_96, %reduce_sum3A_124 : f32
    %mul3A_138 = arith.constant 8.000000e+01 : f32
    %mul3A_139 = arith.mulf %reduce_sum3A_110, %mul3A_138 : f32
    %div3A_140 = arith.divf %sub3A_137, %mul3A_139 : f32
    %jit3A_141 = arith.constant 0.000000e+00 : f32
    %select_n3A_142 = arith.select %gt3A_136, %div3A_140, %jit3A_141 : f32
    %mul3A_143 = arith.constant 5.000000e-02 : f32
    %mul3A_144 = arith.mulf %mul3A_143, %select_n3A_134 : f32
    %add3A_145 = arith.addf %add3A_84, %mul3A_144 : f32
    %add3A_146 = arith.addf %add3A_145, %mul3A_129 : f32
    %mul3A_147 = arith.constant 5.000000e-01 : f32
    %mul3A_148 = arith.mulf %mul3A_147, %select_n3A_142 : f32
    %add3A_149 = arith.addf %add3A_146, %mul3A_148 : f32
    %slice3A_150 = vector.extract_strided_slice %add3A {offsets = [2, 0, 0, 0], sizes = [1, 32, 80, 240], strides = [1, 1, 1, 1]} : vector<3x32x80x240xf32> to vector<1x32x80x240xf32>
    %squeeze3A_151 = vector.shape_cast %slice3A_150 : vector<1x32x80x240xf32> to vector<32x80x240xf32>
    %slice3A_152 = vector.extract_strided_slice %get3A_7 {offsets = [2, 0, 0], sizes = [1, 32, 240], strides = [1, 1, 1]} : vector<3x32x240xf32> to vector<1x32x240xf32>
    %squeeze3A_153 = vector.shape_cast %slice3A_152 : vector<1x32x240xf32> to vector<32x240xf32>
    %broadcast_in_dim3A_154 = vector.shape_cast %squeeze3A_153 : vector<32x240xf32> to vector<32x1x240xf32>
    %mul3A_155 = vector.broadcast %broadcast_in_dim3A_154 : vector<32x1x240xf32> to vector<32x80x240xf32>
    %mul3A_156 = arith.mulf %squeeze3A_151, %mul3A_155 : vector<32x80x240xf32>
    %reduce_sum3A_157 = vector.shape_cast %mul3A_156 : vector<32x80x240xf32> to vector<1x32x80x240xf32>
    %reduce_sum3A_158 = arith.constant dense<0.000000e+00> : vector<1xf32>
    %reduce_sum3A_159 = vector.multi_reduction <add>, %reduce_sum3A_157, %reduce_sum3A_158 [1, 2, 3] : vector<1x32x80x240xf32> to vector<1xf32>
    %reduce_sum3A_160 = vector.shape_cast %reduce_sum3A_159 : vector<1xf32> to vector<1x1x1x1xf32>
    %reduce_sum3A_161 = vector.extract %reduce_sum3A_160[0, 0, 0, 0] : f32 from vector<1x1x1x1xf32>
    %slice3A_162 = vector.extract_strided_slice %get3A_12 {offsets = [0, 2, 0, 0], sizes = [32, 1, 1, 16], strides = [1, 1, 1, 1]} : vector<32x3x4x16xf32> to vector<32x1x1x16xf32>
    %squeeze3A_163 = vector.shape_cast %slice3A_162 : vector<32x1x1x16xf32> to vector<32x16xf32>
    %reduce_sum3A_164 = vector.shape_cast %squeeze3A_163 : vector<32x16xf32> to vector<1x32x16xf32>
    %reduce_sum3A_165 = arith.constant dense<0.000000e+00> : vector<1xf32>
    %reduce_sum3A_166 = vector.multi_reduction <add>, %reduce_sum3A_164, %reduce_sum3A_165 [1, 2] : vector<1x32x16xf32> to vector<1xf32>
    %reduce_sum3A_167 = vector.shape_cast %reduce_sum3A_166 : vector<1xf32> to vector<1x1x1xf32>
    %reduce_sum3A_168 = vector.extract %reduce_sum3A_167[0, 0, 0] : f32 from vector<1x1x1xf32>
    %slice3A_169 = vector.extract_strided_slice %get3A_12 {offsets = [0, 2, 1, 0], sizes = [32, 1, 1, 16], strides = [1, 1, 1, 1]} : vector<32x3x4x16xf32> to vector<32x1x1x16xf32>
    %squeeze3A_170 = vector.shape_cast %slice3A_169 : vector<32x1x1x16xf32> to vector<32x16xf32>
    %reduce_sum3A_171 = vector.shape_cast %squeeze3A_170 : vector<32x16xf32> to vector<1x32x16xf32>
    %reduce_sum3A_172 = arith.constant dense<0.000000e+00> : vector<1xf32>
    %reduce_sum3A_173 = vector.multi_reduction <add>, %reduce_sum3A_171, %reduce_sum3A_172 [1, 2] : vector<1x32x16xf32> to vector<1xf32>
    %reduce_sum3A_174 = vector.shape_cast %reduce_sum3A_173 : vector<1xf32> to vector<1x1x1xf32>
    %reduce_sum3A_175 = vector.extract %reduce_sum3A_174[0, 0, 0] : f32 from vector<1x1x1xf32>
    %slice3A_176 = vector.extract_strided_slice %get3A_12 {offsets = [0, 2, 2, 0], sizes = [32, 1, 1, 16], strides = [1, 1, 1, 1]} : vector<32x3x4x16xf32> to vector<32x1x1x16xf32>
    %squeeze3A_177 = vector.shape_cast %slice3A_176 : vector<32x1x1x16xf32> to vector<32x16xf32>
    %reduce_sum3A_178 = vector.shape_cast %squeeze3A_177 : vector<32x16xf32> to vector<1x32x16xf32>
    %reduce_sum3A_179 = arith.constant dense<0.000000e+00> : vector<1xf32>
    %reduce_sum3A_180 = vector.multi_reduction <add>, %reduce_sum3A_178, %reduce_sum3A_179 [1, 2] : vector<1x32x16xf32> to vector<1xf32>
    %reduce_sum3A_181 = vector.shape_cast %reduce_sum3A_180 : vector<1xf32> to vector<1x1x1xf32>
    %reduce_sum3A_182 = vector.extract %reduce_sum3A_181[0, 0, 0] : f32 from vector<1x1x1xf32>
    %slice3A_183 = vector.extract_strided_slice %get3A_12 {offsets = [0, 2, 3, 0], sizes = [32, 1, 1, 16], strides = [1, 1, 1, 1]} : vector<32x3x4x16xf32> to vector<32x1x1x16xf32>
    %squeeze3A_184 = vector.shape_cast %slice3A_183 : vector<32x1x1x16xf32> to vector<32x16xf32>
    %reduce_sum3A_185 = vector.shape_cast %squeeze3A_184 : vector<32x16xf32> to vector<1x32x16xf32>
    %reduce_sum3A_186 = arith.constant dense<0.000000e+00> : vector<1xf32>
    %reduce_sum3A_187 = vector.multi_reduction <add>, %reduce_sum3A_185, %reduce_sum3A_186 [1, 2] : vector<1x32x16xf32> to vector<1xf32>
    %reduce_sum3A_188 = vector.shape_cast %reduce_sum3A_187 : vector<1xf32> to vector<1x1x1xf32>
    %reduce_sum3A_189 = vector.extract %reduce_sum3A_188[0, 0, 0] : f32 from vector<1x1x1xf32>
    %sub3A_190 = arith.subf %get3A_28, %reduce_sum3A_182 : f32
    %div3A_191 = arith.constant 6.144000e+05 : f32
    %div3A_192 = arith.divf %sub3A_190, %div3A_191 : f32
    %mul3A_193 = arith.constant 4.000000e-01 : f32
    %mul3A_194 = arith.mulf %div3A_192, %mul3A_193 : f32
    %gt3A_195 = arith.constant 0.000000e+00 : f32
    %gt3A_196 = arith.cmpf ogt, %reduce_sum3A_175, %gt3A_195 : f32
    %div3A_197 = arith.divf %reduce_sum3A_168, %reduce_sum3A_175 : f32
    %jit3A_198 = arith.constant 0.000000e+00 : f32
    %select_n3A_199 = arith.select %gt3A_196, %div3A_197, %jit3A_198 : f32
    %gt3A_200 = arith.constant 0.000000e+00 : f32
    %gt3A_201 = arith.cmpf ogt, %reduce_sum3A_175, %gt3A_200 : f32
    %sub3A_202 = arith.subf %reduce_sum3A_161, %reduce_sum3A_189 : f32
    %mul3A_203 = arith.constant 8.000000e+01 : f32
    %mul3A_204 = arith.mulf %reduce_sum3A_175, %mul3A_203 : f32
    %div3A_205 = arith.divf %sub3A_202, %mul3A_204 : f32
    %jit3A_206 = arith.constant 0.000000e+00 : f32
    %select_n3A_207 = arith.select %gt3A_201, %div3A_205, %jit3A_206 : f32
    %mul3A_208 = arith.constant 5.000000e-02 : f32
    %mul3A_209 = arith.mulf %mul3A_208, %select_n3A_199 : f32
    %add3A_210 = arith.addf %add3A_149, %mul3A_209 : f32
    %add3A_211 = arith.addf %add3A_210, %mul3A_194 : f32
    %mul3A_212 = arith.constant 5.000000e-01 : f32
    %mul3A_213 = arith.mulf %mul3A_212, %select_n3A_207 : f32
    %add3A_214 = arith.addf %add3A_211, %mul3A_213 : f32
    %mul3A_215 = arith.constant 3.200000e+01 : f32
    %mul3A_216 = arith.mulf %add3A_214, %mul3A_215 : f32
    %broadcast_in_dim3A_217 = vector.broadcast %mul3A_216 : f32 to vector<1x1xf32>
    %swap3A = arith.constant 0 : index
    %swap3A_218 = arith.constant 0 : index
    %swap3A_219 = vector.load %arg6[%swap3A, %swap3A_218] : memref<1x1xf32, #tpu.memory_space<vmem>>, vector<1x1xf32>
    tpu.vector_store %arg6[%swap3A, %swap3A_218], %broadcast_in_dim3A_217 {strides = array<i32>} : memref<1x1xf32, #tpu.memory_space<vmem>>, vector<1x1xf32>,
    return
  }
}

</mosaic_0001>

<sc_bundles>
// kernel: kernel.7.cloned.1.call-start
scs
__scs_entry_jumppad:
0x0: {  	(pc) =	sbr.rel $0x88, $3  }
0x1: {  	(tag) =	ssettag $0x0;
	lr =	simm.s32 $0x1  }
0x2: {  	[smem:$0x3F9D] =	sst lr;
	_ =	strace $0xD0000000  }
0x3: {  	_ = 	snop  }
0x4: {  	_ = 	snop  }
0x5: {  	_ = 	snop  }
0x6: {  	_ = 	snop  }
0x7: {  	_ = 	snop  }
__scs_overlays_trampoline_lowered:
0x8: {  	[smem:$0x3FAC] =	sst s0  }
0x9: {  	[smem:$0x3FAD] =	sst s1  }
0xa: {  	[smem:$0x3FAE] =	sst s2  }
0xb: {  	[smem:$0x3FAF] =	sst s3  }
0xc: {  	[smem:$0x3FB0] =	sst s4  }
0xd: {  	[smem:$0x3FB1] =	sst s5  }
0xe: {  	[smem:$0x3FB2] =	sst s6  }
0xf: {  	[smem:$0x3FB3] =	sst s7  }
0x10: {  	[smem:$0x3FB4] =	sst s8  }
0x11: {  	[smem:$0x3FB5] =	sst s9;
	s0 =	simm.s32 @!p0 $0x0  }
0x12: {  	s1 =	sld [smem:$0x3F9B];
	s0 =	simm.s32 @p0 $0x1  }
0x13: {  	[smem:$0x3FB6] =	sst s0;
	s0 =	simm.s32 @!p1 $0x0  }
0x14: {  	s2 =	sld [smem:$0x3F9A];
	s0 =	simm.s32 @p1 $0x1  }
0x15: {  	[smem:$0x3FB7] =	sst s0;
	s0 =	simm.s32 @!p2 $0x0  }
0x16: {  	s3 =	sld [smem:$0x3FDB];
	s0 =	simm.s32 @p2 $0x1  }
0x17: {  	s4 =	simm.s32 $0x1BF5;
	[smem:$0x3FB9] =	sst s0  }
0x18: {  	s0 =	sld [smem:$0x3F9C];
	_ =	swait.ge [sflag:s4], $0x0  }
0x19: {  	s7 =	sld [smem:$0x3F9D]  }
0x1a: {  	s8 =	sadd.s32 $0xFFFFE003, lr  }
0x1b: {  	s9 =	sadd.s32 $0xFFFFFEF7, lr;
	s5 =	simm.s32 $0xFFFFFFFF;
	p2 =	slt.u32 s8, $0xFFFFF086  }
0x1c: {  	p1 =	slt.u32 s9, $0xF7A;
	s5 =	simm.s32 @!p2 $0x0  }
0x1d: {  	s5 =	simm.s32 @p1 $0x1;
	p0 =	seq.s32 s7, s2  }
0x1e: {  	s7 =	smul.u32 @!p0 $0xF7A, s2;
	p2 =	seq.s32 @!p0 s5, $0x0  }
0x1f: {  	s9 =	smul.u32 $0xF7A, s1;
	s8 =	simm.s32 @!p0 $0x1BF5;
	p2 =	por !p2, p0  }
0x20: {  	[sflag:s8] =	ssyncset.s32 @!p0 $0xFFFFF086;
	s6 =	sadd.s32 @!p0 s3, s7;
	s7 =	simm.s32 @!p0 $0x108  }
0x21: {  	s3 =	sadd.s32 s3, s9;
	s6 =	sadd.s32 @!p0 $0x88, s6;
	s7 =	simm.s32 @p2 $0x1082  }
0x22: {  	[simem:s7], [sflag:s8] =	dma.local @!p0 [hbm:s6], $0xF7A  }
0x23: {  	s9 =	sor.u32 $0xD0000000, s2;
	s6 =	simm.s32 $0x108;
	_ =	swait.ge @!p0 [sflag:s8], $0x0  }
0x24: {  	s3 =	sadd.s32 $0x88, s3;
	s6 =	simm.s32 @!p1 $0x1082;
	[sflag:s4] =	ssyncset.s32 $0xFFFFF086  }
0x25: {  	[simem:s6], [sflag:s4] =	dma.local [hbm:s3], $0xF7A  }
0x26: {  	[smem:$0x3F9D] =	sst s1;
	(tag) =	ssettag s2;
	_ =	strace s9  }
0x27: {  	s1 =	sld [smem:$0x3FAD]  }
0x28: {  	s2 =	sld [smem:$0x3FAE]  }
0x29: {  	s4 =	sld [smem:$0x3FB0]  }
0x2a: {  	p0 =	seq.s32 s5, $0x0;
	s5 =	sld [smem:$0x3FB1]  }
0x2b: {  	s6 =	sld [smem:$0x3FB2]  }
0x2c: {  	s7 =	sld [smem:$0x3FB3]  }
0x2d: {  	s3 =	simm.s32 $0x108;
	s8 =	sld [smem:$0x3FB4]  }
0x2e: {  	s3 =	simm.s32 @!p0 $0x1082;
	s9 =	sld [smem:$0x3FB5]  }
0x2f: {  	lr =	sadd.s32 s0, s3;
	s0 =	sld [smem:$0x3FAC]  }
0x30: {  	s3 =	sld [smem:$0x3FAF]  }
0x31: {  	[smem:$0x3FB8] =	sst s10  }
0x32: {  	s10 =	sld [smem:$0x3FB6];
	_ =	sdelay $0x3  }
0x33: {  	p0 =	seq.s32 s10, $0x1;
	s10 =	sld [smem:$0x3FB8];
	_ =	sdelay $0x3  }
0x34: {  	[smem:$0x3FB8] =	sst s10  }
0x35: {  	s10 =	sld [smem:$0x3FB7];
	_ =	sdelay $0x3  }
0x36: {  	p1 =	seq.s32 s10, $0x1;
	s10 =	sld [smem:$0x3FB8];
	_ =	sdelay $0x3  }
0x37: {  	[smem:$0x3FB8] =	sst s10  }
0x38: {  	s10 =	sld [smem:$0x3FB9]  }
0x39: {  	_ = 	snop;
	(pc) =	sbr.ind lr, $3  }
0x3a: {  	_ = 	snop  }
0x3b: {  	_ = 	snop  }
0x3c: {  	p2 =	seq.s32 s10, $0x1;
	s10 =	sld [smem:$0x3FB8]  }
0x3d: {  	_ =	shalt  }
0x3e: {  	_ =	shalt  }
0x3f: {  	_ =	shalt  }
0x40: {  	_ =	shalt  }
0x41: {  	_ =	shalt  }
0x42: {  	_ =	shalt  }
0x43: {  	_ =	shalt  }
0x44: {  	_ =	shalt  }
0x45: {  	_ =	shalt  }
0x46: {  	_ =	shalt  }
0x47: {  	_ =	shalt  }
0x48: {  	_ =	shalt  }
0x49: {  	_ =	shalt  }
0x4a: {  	_ =	shalt  }
0x4b: {  	_ =	shalt  }
0x4c: {  	_ =	shalt  }
0x4d: {  	_ =	shalt  }
0x4e: {  	_ =	shalt  }
0x4f: {  	_ =	shalt  }
0x50: {  	_ =	shalt  }
0x51: {  	_ =	shalt  }
0x52: {  	_ =	shalt  }
0x53: {  	_ =	shalt  }
0x54: {  	_ =	shalt  }
0x55: {  	_ =	shalt  }
0x56: {  	_ =	shalt  }
0x57: {  	_ =	shalt  }
0x58: {  	_ =	shalt  }
0x59: {  	_ =	shalt  }
0x5a: {  	_ =	shalt  }
0x5b: {  	_ =	shalt  }
0x5c: {  	_ =	shalt  }
0x5d: {  	_ =	shalt  }
0x5e: {  	_ =	shalt  }
0x5f: {  	_ =	shalt  }
0x60: {  	_ =	shalt  }
0x61: {  	_ =	shalt  }
0x62: {  	_ =	shalt  }
0x63: {  	_ =	shalt  }
0x64: {  	_ =	shalt  }
0x65: {  	_ =	shalt  }
0x66: {  	_ =	shalt  }
0x67: {  	_ =	shalt  }
0x68: {  	_ =	shalt  }
0x69: {  	_ =	shalt  }
0x6a: {  	_ =	shalt  }
0x6b: {  	_ =	shalt  }
0x6c: {  	_ =	shalt  }
0x6d: {  	_ =	shalt  }
0x6e: {  	_ =	shalt  }
0x6f: {  	_ =	shalt  }
0x70: {  	_ =	shalt  }
0x71: {  	_ =	shalt  }
0x72: {  	_ =	shalt  }
0x73: {  	_ =	shalt  }
0x74: {  	_ =	shalt  }
0x75: {  	_ =	shalt  }
0x76: {  	_ =	shalt  }
0x77: {  	_ =	shalt  }
0x78: {  	_ =	shalt  }
0x79: {  	_ =	shalt  }
0x7a: {  	_ =	shalt  }
0x7b: {  	_ =	shalt  }
0x7c: {  	_ =	shalt  }
0x7d: {  	_ =	shalt  }
0x7e: {  	_ =	shalt  }
0x7f: {  	_ =	shalt  }
0x80: {  	_ =	shalt  }
0x81: {  	_ =	shalt  }
0x82: {  	_ =	shalt  }
0x83: {  	_ =	shalt  }
0x84: {  	_ =	shalt  }
0x85: {  	_ =	shalt  }
0x86: {  	_ =	shalt  }
0x87: {  	_ =	shalt  }
.Lfunc_end0:
.L_simem_size_0:
called_computation_lowered:
.L_overlay_start_0:
0x88: {  	s2 =	sld [smem:$0x3FD9]  }
0x89: {  	s3 =	sld [smem:$0x3FFE];
	_ =	sdelay $0x1  }
0x8a: {  	s1 =	srdreg.scid  }
0x8b: {  	s0 =	sand.u32 $0x1, s1  }
0x8c: {  	s16 =	sshll.u32 s0, $0xA;
	s2 =	sadd.s32 s3, s2  }
0x8d: {  	s2 =	sadd.s32 s2, s16  }
0x8e: {  	[smem:$0x3FC4] =	sst s2  }
0x8f: {  	_ = 	snop  }
0x90: {  	(tm) =	ssettm $0x1  }
0x91: {  	s17 =	sld [smem:$0x3FFB];
	_ =	sdelay $0x3  }
0x92: {  	_ =	strace s17  }
0x93: {  	s2 =	sld [smem:$0x3FFC];
	_ =	sdelay $0x3  }
0x94: {  	_ =	strace s2  }
0x95: {  	s2 =	sld [smem:$0x3FFD];
	_ =	sdelay $0x3  }
0x96: {  	_ =	strace s2  }
0x97: {  	_ =	strace $0x8FFFFFFF  }
0x98: {  	s18 =	sld [smem:$0x3FDB];
	_ =	sdelay $0x1  }
0x99: {  	s19 =	simm.s32 $_scs_section_size  }
0x9a: {  	s4 =	simm.s32 $_size__tile_overlayer_lowered;
	s5 =	simm.s32 $_tile_overlayer_lowered  }
0x9b: {  	s22 =	simm.s32 $0x1BFF;
	s21 =	sshll.u32 s5, $0x1;
	s2 =	sadd.s32 s19, s18  }
0x9c: {  	s6 =	simm.s32 $0x0;
	s20 =	sshll.u32 s4, $0x1;
	s4 =	sadd.s32 s21, s2  }
0x9d: {  	[timem:s6], [sflag:s22] =	dma.local [hbm:s4], s20  }
0x9e: {  	_ =	swait.ge [sflag:s22], s20  }
0x9f: {  	s3 =	ssub.s32 $0x0, s20;
	[sflag:s22] =	ssyncset.done $0x0  }
0xa0: {  	[sflag:s22] =	ssyncadd.s32 s3;
	_ =	sdelay $0x1  }
0xa1: {  	s23 =	simm.s32 $0x1B8B  }
0xa2: {  	_ =	swait.ge [sflag:s23], $0x1  }
0xa3: {  	[sflag:s23] =	ssyncset.done $0x0  }
0xa4: {  	s25 =	simm.s32 $0x1B8E;
	s24 =	sld [smem:$0x3FFE];
	[sflag:s23] =	ssyncadd.s32 $0xFFFFFFFF  }
0xa5: {  	s26 =	simm.s32 $execute0_lowered;
	[smem:$0x3FD2] =	sst s25  }
0xa6: {  	s4 =	sshll.u32 s26, $0x1;
	_ =	strace $0x80000046;
	[dreg:$0x1] =	wrdreg $0xFFFFFFFF  }
0xa7: {  	s28 =	simm.s32 $_size_execute0_lowered;
	s2 =	sadd.s32 s2, s4;
	[dreg:$0x0] =	wrdreg $0x0  }
0xa8: {  	s4 =	sshll.u32 s28, $0x1;
	[dreg:$0x2] =	wrdreg s2  }
0xa9: {  	[dreg:$0x3] =	wrdreg s4  }
0xaa: {  	[dreg:$0x4] =	wrdreg $0xC0  }
0xab: {  	_ =	task [dreg:s6], $0x5FFFF  }
0xac: {  	[dreg:$0x1] =	wrdreg $0xFFFFFFFF  }
0xad: {  	[dreg:$0x0] =	wrdreg $0x60  }
0xae: {  	[dreg:$0x2] =	wrdreg s24  }
0xaf: {  	[dreg:$0x3] =	wrdreg $0x9  }
0xb0: {  	_ =	task.clear_ibuf [dreg:s6], $0x4FFFF;
	_ =	strace $0x90000046  }
0xb1: {  	s29 =	simm.s32 $0x9;
	_ =	strace $0x80000048  }
0xb2: {  	_ =	swait.ge [sflag:s29], $0x1  }
0xb3: {  	[sflag:s29] =	ssyncadd.s32 $0xFFFFFFFF  }
0xb4: {  	_ =	strace $0x90000048  }
0xb5: {  	_ =	sfence  }
0xb6: {  	s30 =	sld [smem:$0x0];
	_ =	sdelay $0x2  }
0xb7: {  	s31 =	sshll.u32 s1, $0xD;
	s1 =	sshrl.u32 s1, $0x2  }
0xb8: {  	s3 =	sand.u32 $0x4000, s31;
	s1 =	sadd.s32 s1, s30  }
0xb9: {  	s0 =	sor.u32 s3, s0;
	s1 =	sshll.u32 s1, $0x11  }
0xba: {  	s0 =	sor.u32 s1, s0  }
0xbb: {  	s0 =	sadd.s32 $0x8F2B, s0  }
0xbc: {  	[sflag:s0] =	ssyncadd.remote.s32 $0x1  }
0xbd: {  	_ =	sfence.sel $0xFFFF  }
0xbe: {  	[dreg:$0x0] =	wrdreg $0xFFFFFFFF;
	(pc) =	sbr.abs _section_cstart, $3  }
0xbf: {  	[dreg:$0x1] =	wrdreg $0xFFFFFFFF  }
0xc0: {  	_ =	task.clear_ibuf [dreg:s6], $0x2FFFF;
	_ =	strace $0x9FFFFFFF  }
0xc1: {  	(tm) =	ssettm $0x7FFFFFFF  }
tec
execute0_lowered:
.L_overlay_start_1:
0x0: {  	(tag) =	ssettag $0x1  }
0x1: {  	s7 =	rddreg [dreg:$0x0];
	s3 =	srdreg.scid  }
0x2: {  	s1 =	stileid.u32;
	s2 =	simm.s32 $0x0;
	s19 =	simm.s32 $0x5BB0  }
0x3: {  	s20 =	simm.s32 $0x1;
	s21 =	simm.s32 $0x6060;
	s22 =	simm.s32 $0xAB60  }
0x4: {  	s23 =	simm.s32 $0xB2E0;
	s11 =	sand.u32 $0x1, s3;
	[smem:$0x7FF] =	sst s2  }
0x5: {  	v0 =	vimm.f32 $1.000000000e+00;
	s31 =	sshll.u32 s1, $0x1;
	s16 =	smul.u32 $0x1E0, s1;
	_ =	strace $0x80000047  }
0x6: {  	s3 =	sadd.s32 $0x2FDA00, s7;
	s6 =	sor.u32 s11, s31;
	s18 =	smul.u32 $0xF0, s11;
	(erf) = vrcp.f32 v0  }
0x7: {  	s24 =	simm.s32 $0x0;
	s4 =	sadd.s32 $0x85C400, s7;
	s8 =	smul.u32 $0x4B00, s6  }
0x8: {  	s5 =	sadd.s32 $0x13E0C00, s7;
	s15 =	ssub.s32 $0x2, s11;
	s9 =	smul.u32 $0xF0, s6  }
0x9: {  	s10 =	smul.u32 $0x18, s6;
	s6 =	sadd.s32 $0x800, s7;
	s8 =	sshrl.u32 s8, $0x3  }
0xa: {  	s17 =	sshrl.u32 s15, $0x1;
	s9 =	sshrl.u32 s9, $0x3;
	s12 =	sadd.s32 s8, s7  }
0xb: {  	v1 =	vimm.f32 $3.300000000e+01;
	v2 =	vimm.f32 $2.300000000e+01;
	s14 =	sadd.s32 s10, s7;
	s13 =	sadd.s32 s9, s7;
	s7 =	sadd.s32 $0x1A1B800, s12  }
0xc: {  	v9 =	vimm.f32 $5.900000000e+01;
	v11 =	vimm.f32 $1.190000000e+02;
	v0 =	vlaneseq.u32;
	s15 =	ssub.s32 s15, s17;
	s8 =	sadd.s32 $0x1A1A800, s13;
	s9 =	sadd.s32 $0x1A2E400, s12  }
0xd: {  	v12 =	vimm.f32 $3.730000000e+02;
	v13 =	vimm.f32 $3.260000000e+02;
	v4 =	vmul.u32 $0xFFFFFFFF, v0;
	s17 =	simm.s32 $0x4FB0;
	s10 =	sadd.s32 $0x1A1ABC0, s13;
	s11 =	sadd.s32 $0x1A41000, s12  }
0xe: {  	v3 =	vimm.f32 $0.0e+00;
	v5 =	vor.u32 $0xFFFFFA00, v0;
	v6 =	vor.u32 $0xFFFFF400, v0;
	s12 =	sadd.s32 $0x1A1AF80, s13;
	s13 =	sadd.s32 $0x1A1B400, s14;
	s14 =	smax.u32 s15, $0x1  }
0xf: {  	v7 =	vor.u32 $0xFFFFEE00, v0;
	v8 =	vor.u32 $0xFFFFE800, v0;
	v4 =	vadd.s32 $0x600, v4;
	s15 =	sadd.s32 s18, s16;
	s16 =	simm.s32 $0x2;
	s18 =	simm.s32 $0xC00;
	v10 =	vpop (erf)  }
.LBB2_1:
0x10: {  	v14 =	vor.u32 s15, v0;
	v21 =	vmov s15  }
0x11: {  	v19 =	vadd.s32 s15, v6;
	v28 =	vimm.s32 $0x0;
	v14 =	vand.u32 $0x1FF, v14  }
0x12: {  	s25 =	sadd.s32 $0x10, s15;
	v17 =	vshrl.u32 v21, $0x9;
	vm1 =	vlt.u32 v19, $0x600;
	v19 =	vadd.s32 s15, v8  }
0x13: {  	v24 =	vmov s25;
	v31 =	vor.u32 s25, v0;
	v15 =	vmul.u32 $0x6, v14  }
0x14: {  	v41 =	vadd.s32 s25, v6;
	v43 =	vadd.s32 s25, v5;
	v14 =	vmulhi.u32 $0x55555556, v17  }
0x15: {  	[tilespmem:s2], [sflag:$0x2] =	stream.linear.gather [hbm4b:s6+s2], $0xC00, $0x38;
	v54 =	vadd.s32 s25, v8;
	v56 =	vadd.s32 s25, v7;
	v16 =	vadd.s32 $0x2, v15;
	[tilespmem:$0xB3A0] =	vst v63  }
0x16: {  	_ =	swait.ge [sflag:s16], $0xC00;
	vm2 =	vlt.u32 v19, $0x600;
	v14 =	vmul.u32 $0x3, v14;
	v18 =	vadd.s32 $0x3, v15  }
0x17: {  	[sflag:s16] =	ssyncset.done $0x0;
	v31 =	vand.u32 $0x1FF, v31;
	vm3 =	vmmov vm1;
	v25 =	vadd.s32 $0x4, v15  }
0x18: {  	vm12 =	vlt.u32 v56, $0x600;
	[sflag:s16] =	ssyncadd.s32 $0xFFFFF400;
	v19 =	vsel vm2, $0xBF000000, v3;
	v14 =	vsub.s32 v17, v14  }
0x19: {  	v63 =	vsel vm12, $0xBF000000, v3;
	v29 =	vor.u32 $0x1, v15;
	vm5 =	veq.s32 v14, $0x1;
	v38 =	vld.idx.msk [tilespmem:v15+s2+$0x0], $0xffff  }
0x1a: {  	vm4 =	veq.s32 v14, $0x0;
	v20 =	vsel vm5, $0x41800000, v1;
	v22 =	vsel vm5, $0x41F00000, v2;
	v23 =	vld.idx.msk [tilespmem:v16+s2+$0x0], $0xffff  }
0x1b: {  	v30 =	vsel vm4, $0x41200000, v20;
	v32 =	vsel vm4, $0x41500000, v22;
	v20 =	vadd.s32 s15, v5;
	v22 =	vld.idx.msk [tilespmem:v18+s2+$0x0], $0xffff  }
0x1c: {  	v19 =	vsel vm1, $0x3F000000, v19;
	v25 =	vld.idx.msk [tilespmem:v25+s2+$0x0], $0xffff;
	vm0 =	vlt.u32 v20, $0x600;
	v20 =	vadd.s32 s15, v7  }
0x1d: {  	v17 =	vadd.s32 $0x5, v15;
	v34 =	vmul.u32 $0x84D0, v14;
	vm11 =	vlt.u32 v20, $0x600  }
0x1e: {  	(erf) = vrcp.f32 v32;
	v28 =	vsel vm0, $0xFFFFFFFF, v28;
	v20 =	vsel vm11, $0xBF000000, v3  }
0x1f: {  	(erf) = vrcp.f32 v30;
	v20 =	vsel vm0, $0x3F000000, v20;
	v38 =	vtrunc.f32 v38  }
0x20: {  	vm0 =	vmmov vm0;
	v35 =	vmul.f32 $2.000000000e+01, v23;
	v36 =	vmul.f32 $2.000000000e+01, v22  }
0x21: {  	v23 =	vshrl.u32 v24, $0x9;
	v40 =	vmul.f32 $2.000000000e+01, v25;
	v25 =	vld.idx.msk [tilespmem:v29+s2+$0x0], $0xffff;
	v38 =	vcvt.f32.s32 v38  }
0x22: {  	v26 =	vmulhi.u32 $0x55555556, v23;
	v27 =	vand.u32 $0x7FFFFFFF, v35;
	v37 =	vand.u32 $0x80000000, v35  }
0x23: {  	[tilespmem:$0x1FFD0] =	vst v28;
	v45 =	vsub.f32 v36, v19;
	v38 =	vmul.u32 $0x18E70, v38;
	v28 =	vmul.f32 v27, v10  }
0x24: {  	vm10 =	vlt.f32 v36, $1.900000000e+01;
	v53 =	vsub.f32 v35, v20;
	v26 =	vmul.u32 $0x3, v26  }
0x25: {  	v57 =	vtrunc.f32 v45;
	v34 =	vadd.s32 v34, v38;
	v22 =	vfloor.f32 v28  }
0x26: {  	v33 =	vsub.s32 v23, v26;
	v26 =	vand.u32 $0x7FFFFFFF, v36;
	v44 =	vtrunc.f32 v25  }
0x27: {  	v45 =	vcvt.f32.s32 v57;
	v22 =	vsub.f32 v27, v22;
	vm6 =	veq.s32 v33, $0x0  }
0x28: {  	v39 =	vpop (erf);
	vm7 =	veq.s32 v33, $0x1;
	v27 =	vmul.f32 v26, v10;
	v25 =	vmul.u32 $0x84D0, v33  }
0x29: {  	v42 =	vpop (erf);
	v55 =	vcvt.f32.s32 v44;
	v23 =	vsel vm7, $0x41800000, v1;
	v28 =	vsel vm7, $0x41F00000, v2  }
0x2a: {  	v52 =	vld.idx.msk [tilespmem:v17+s2+$0x0], $0xffff;
	v42 =	vmul.f32 v40, v42;
	v58 =	vcvt.s32.f32 v45;
	v59 =	vmul.u32 $0x14, v45  }
0x2b: {  	vm7 =	veq.f32 v22, $1.000000000e+00;
	v23 =	vsel vm6, $0x41200000, v23;
	v27 =	vfloor.f32 v27  }
0x2c: {  	v22 =	vsel vm7, $0x0, v22;
	v26 =	vsub.f32 v26, v27;
	vm7 =	vgt.f32 v35, $1.000000000e+00  }
0x2d: {  	v62 =	vsub.f32 v36, v58;
	v27 =	vand.u32 $0x7FFFFFFF, v22;
	v22 =	vsel vm6, $0x41500000, v28  }
0x2e: {  	vm6 =	vlt.u32 v21, v4;
	v28 =	vand.u32 $0x80000000, v36;
	v27 =	vor.u32 v37, v27  }
0x2f: {  	vm8 =	veq.f32 v26, $1.000000000e+00;
	v37 =	vmul.f32 $2.000000000e+01, v52;
	(erf) = vrcp.f32 v22  }
0x30: {  	vm9 =	vlt.f32 v27, $5.000000000e-01;
	v26 =	vsel vm8, $0x0, v26;
	vm8 =	vgt.f32 v27, $5.000000000e-01  }
0x31: {  	v27 =	vimm.s32 $0x0;
	(erf) = vrcp.f32 v42;
	vm7 =	vmand vm7, vm9  }
0x32: {  	v26 =	vand.u32 $0x7FFFFFFF, v26;
	vm9 =	vlt.f32 v35, $1.900000000e+01;
	v27 =	vsel vm2, $0xFFFFFFFF, v27  }
0x33: {  	v39 =	vmul.f32 v37, v39;
	vm0 =	vmand vm0, vm7;
	vm7 =	vgt.f32 v36, $1.000000000e+00  }
0x34: {  	v26 =	vor.u32 v28, v26;
	vm8 =	vmand vm9, vm8;
	[tilespmem:$0x1FFE0] =	vst v27;
	v27 =	vimm.s32 $0x0  }
0x35: {  	vm6 =	vmor vm6, vm0;
	vm0 =	vgt.f32 v26, $5.000000000e-01;
	(erf) = vrcp.f32 v39  }
0x36: {  	vm9 =	vlt.f32 v26, $5.000000000e-01;
	v26 =	vmul.u32 $0x6, v31;
	v27 =	vsel vm11, $0xFFFFFFFF, v27  }
0x37: {  	vm0 =	vmand vm10, vm0;
	vm10 =	vmmov vm1;
	vm7 =	vmand vm7, vm9  }
0x38: {  	vm9 =	vmmov vm2;
	vm7 =	vmand vm10, vm7;
	vm10 =	vmmov vm11  }
0x39: {  	s29 =	simm.s32 $0x0;
	[tilespmem:$0x1FFF0] =	vst v27;
	v28 =	vadd.s32 $0x2, v26;
	v27 =	vadd.s32 $0x3, v26;
	v29 =	vadd.s32 $0x5, v26  }
0x3a: {  	[tilespmem:s29+$0xB010] =	vst v30;
	v31 =	vadd.s32 $0x4, v26;
	v33 =	vor.u32 $0x1, v26;
	vm11 =	vmor vm6, vm7  }
0x3b: {  	[tilespmem:s29+$0xB100] =	vst v32;
	vm6 =	vlt.u32 v43, $0x600;
	vm8 =	vmand vm10, vm8;
	v43 =	vtrunc.f32 v53  }
0x3c: {  	[tilespmem:s29+$0xAE30] =	vst v40;
	vm10 =	vmor vm8, vm11;
	vm8 =	vlt.u32 v54, $0x600;
	v43 =	vcvt.f32.s32 v43;
	v32 =	vpop (erf)  }
0x3d: {  	[tilespmem:s29+$0xB1F0] =	vst v55;
	vm0 =	vmand vm9, vm0;
	vm7 =	vlt.u32 v41, $0x600;
	v46 =	vsel vm8, $0xBF000000, v3;
	v60 =	vpop (erf)  }
0x3e: {  	[tilespmem:s29+$0xAD40] =	vst v62;
	v30 =	vsel vm7, $0x3F000000, v46;
	v34 =	vadd.s32 v43, v34;
	v43 =	vcvt.s32.f32 v43;
	v61 =	vpop (erf)  }
0x3f: {  	[tilespmem:s29+$0xAF20] =	vst v37;
	v34 =	vadd.s32 v59, v34;
	v37 =	vmax.f32 v42, v60;
	v39 =	vmax.f32 v39, v61  }
0x40: {  	s26 =	simm.s32 $0x40;
	s30 =	simm.s32 $0x80;
	s28 =	simm.s32 $0x0;
	[tilespmem:s29+$0xC00] =	vst v34;
	v34 =	vsel vm6, $0x3F000000, v63;
	v35 =	vsub.f32 v35, v43;
	v36 =	vmax.f32 v37, v39  }
.LBB2_2:
0x41: {  	p0 =	sne.s32 s30, $0x380;
	vm14 =	vlt.f32 v36, $4.000000000e+00;
	vm0 =	vmor vm0, vm10;
	vm13 =	vmmov vm6  }
0x42: {  	s25 =	sadd.s32 $0x10, s25;
	[tilespmem:s29+$0xAC50] =	vst v35;
	vm11 =	vmmov vm7;
	vm9 =	vmmov vm8;
	vm10 =	vmmov vm12;
	s31 =	smov.u32 s30;
	s30 =	sadd.s32 $0x40, s30  }
0x43: {  	vm0 =	vmand vm14, vm0  }
0x44: {  	v35 =	vmov s25;
	v36 =	vsel vm0, $0x3F800000, v3  }
0x45: {  	v37 =	vor.u32 s25, v0;
	v38 =	vshrl.u32 v35, $0x9;
	(erf) = vrcp.f32 v23;
	[tilespmem:s29+$0xAB60] =	vst v36  }
0x46: {  	v36 =	vand.u32 $0x1FF, v37;
	v37 =	vmulhi.u32 $0x55555556, v38;
	v31 =	vld.idx.msk [tilespmem:v31+s28+$0x0], $0xffff  }
0x47: {  	v36 =	vmul.u32 $0x6, v36;
	v39 =	vld.idx.msk [tilespmem:v28+s28+$0x0], $0xffff  }
0x48: {  	v37 =	vmul.u32 $0x3, v37;
	v40 =	vld.idx.msk [tilespmem:v27+s28+$0x0], $0xffff  }
0x49: {  	v41 =	vadd.s32 s25, v6;
	v28 =	vadd.s32 $0x2, v36;
	v27 =	vadd.s32 $0x3, v36  }
0x4a: {  	v37 =	vsub.s32 v38, v37;
	v38 =	vld.idx.msk [tilespmem:v29+s28+$0x0], $0xffff;
	v29 =	vadd.s32 $0x5, v36  }
0x4b: {  	vm0 =	veq.s32 v37, $0x0;
	vm6 =	veq.s32 v37, $0x1  }
0x4c: {  	s0 =	simm.s32 $0x0;
	v42 =	vsel vm6, $0x41800000, v1;
	v43 =	vsel vm6, $0x41F00000, v2;
	v45 =	vmul.f32 $2.000000000e+01, v31;
	v44 =	vld.idx.msk [tilespmem:v26+s28+$0x0], $0xffff;
	v26 =	vmovc v36  }
0x4d: {  	s29 =	sshra.s32 s26, $0x2;
	s26 =	smov.u32 s31;
	v36 =	vsel vm0, $0x41200000, v42;
	v42 =	vsel vm0, $0x41500000, v43;
	v39 =	vmul.f32 $2.000000000e+01, v39;
	v33 =	vld.idx.msk [tilespmem:v33+s28+$0x0], $0xffff;
	s28 =	smov.u32 s0  }
0x4e: {  	v31 =	vadd.s32 $0x4, v26;
	v40 =	vmul.f32 $2.000000000e+01, v40;
	(erf) = vrcp.f32 v42;
	[tilespmem:s29+$0xB010] =	vst v23;
	v23 =	vpop (erf)  }
0x4f: {  	v43 =	vadd.s32 s25, v5;
	v47 =	vand.u32 $0x7FFFFFFF, v39;
	v46 =	vmul.f32 v45, v23;
	[tilespmem:s29+$0xB100] =	vst v22;
	v23 =	vmovc v36;
	v22 =	vmovc v42  }
0x50: {  	vm6 =	vlt.u32 v43, $0x600;
	v36 =	vmul.f32 $2.000000000e+01, v38;
	v38 =	vsub.f32 v39, v34;
	[tilespmem:s29+$0xAE30] =	vst v45  }
0x51: {  	vm0 =	vlt.u32 v24, v4;
	v24 =	vmovc v35;
	v34 =	vand.u32 $0x7FFFFFFF, v40;
	vm15 =	vlt.f32 v40, $1.900000000e+01  }
0x52: {  	vm14 =	vgt.f32 v40, $1.000000000e+00;
	v35 =	vtrunc.f32 v44;
	v42 =	vmul.f32 v36, v32;
	[tilespmem:s29+$0xAF20] =	vst v36  }
0x53: {  	v32 =	vtrunc.f32 v33;
	v33 =	vmul.f32 v47, v10;
	v36 =	vsub.f32 v40, v30  }
0x54: {  	vm7 =	vlt.u32 v41, $0x600;
	v35 =	vcvt.f32.s32 v35;
	(erf) = vrcp.f32 v46  }
0x55: {  	v37 =	vmul.u32 $0x84D0, v37;
	v41 =	vmul.f32 v34, v10;
	v30 =	vcvt.f32.s32 v32  }
0x56: {  	v43 =	vand.u32 $0x80000000, v39;
	v33 =	vfloor.f32 v33;
	(erf) = vrcp.f32 v42  }
0x57: {  	v45 =	vadd.s32 s25, v8;
	v44 =	vadd.s32 s25, v7;
	v47 =	vsub.f32 v47, v33;
	v32 =	vpop (erf);
	[tilespmem:s29+$0xB1F0] =	vst v30  }
0x58: {  	vm8 =	vlt.u32 v45, $0x600;
	v41 =	vfloor.f32 v41;
	v33 =	vor.u32 $0x1, v26  }
0x59: {  	v45 =	vand.u32 $0x80000000, v40;
	v30 =	vsel vm8, $0xBF000000, v3;
	vm12 =	veq.f32 v47, $1.000000000e+00  }
0x5a: {  	v34 =	vsub.f32 v34, v41;
	v30 =	vsel vm7, $0x3F000000, v30;
	v47 =	vsel vm12, $0x0, v47  }
0x5b: {  	vm1 =	vgt.f32 v39, $1.000000000e+00;
	vm12 =	vlt.u32 v44, $0x600;
	v41 =	vand.u32 $0x7FFFFFFF, v47  }
0x5c: {  	vm2 =	veq.f32 v34, $1.000000000e+00;
	v44 =	vsel vm12, $0xBF000000, v3;
	v41 =	vor.u32 v43, v41  }
0x5d: {  	v35 =	vmul.u32 $0x18E70, v35;
	v43 =	vsel vm2, $0x0, v34;
	vm2 =	vlt.f32 v41, $5.000000000e-01;
	v47 =	vpop (erf)  }
0x5e: {  	v34 =	vsel vm6, $0x3F000000, v44;
	v43 =	vand.u32 $0x7FFFFFFF, v43;
	vm1 =	vmand vm1, vm2  }
0x5f: {  	v43 =	vor.u32 v45, v43;
	vm1 =	vmand vm13, vm1;
	v44 =	vmax.f32 v46, v47;
	v45 =	vpop (erf)  }
0x60: {  	v36 =	vtrunc.f32 v36;
	vm0 =	vmor vm0, vm1;
	vm1 =	vgt.f32 v43, $5.000000000e-01  }
0x61: {  	v36 =	vcvt.f32.s32 v36;
	vm2 =	vgt.f32 v41, $5.000000000e-01;
	v42 =	vmax.f32 v42, v45  }
0x62: {  	v38 =	vtrunc.f32 v38;
	vm13 =	vlt.f32 v39, $1.900000000e+01;
	vm1 =	vmand vm15, vm1  }
0x63: {  	v38 =	vcvt.f32.s32 v38;
	v41 =	vcvt.s32.f32 v36;
	vm2 =	vmand vm13, vm2  }
.Ltmp0:
0x64: {  	v35 =	vadd.s32 v25, v35;
	v25 =	vmovc v37;
	v36 =	vmul.u32 $0x14, v36;
	vm13 =	vlt.f32 v43, $5.000000000e-01;
	(pc) =	sbr.rel @p0 .LBB2_2-.Ltmp0, $4  }
0x65: {  	v37 =	vcvt.s32.f32 v38;
	v35 =	vadd.s32 v38, v35;
	vm13 =	vmand vm14, vm13  }
0x66: {  	v35 =	vadd.s32 v36, v35;
	v38 =	vsub.f32 v40, v41;
	vm11 =	vmand vm11, vm13  }
0x67: {  	vm2 =	vmand vm10, vm2;
	vm0 =	vmor vm0, vm11;
	[tilespmem:s29+$0xC00] =	vst v35;
	v35 =	vsub.f32 v39, v37  }
0x68: {  	v36 =	vmax.f32 v44, v42;
	vm10 =	vmor vm2, vm0;
	vm0 =	vmand vm9, vm1;
	[tilespmem:s29+$0xAD40] =	vst v38  }
0x69: {  	vm1 =	vlt.f32 v36, $4.000000000e+00;
	vm0 =	vmor vm0, vm10  }
0x6a: {  	vm0 =	vmand vm1, vm0  }
0x6b: {  	[tilespmem:s29+$0xAC50] =	vst v35;
	v55 =	vsel vm0, $0x3F800000, v3  }
0x6c: {  	[tilespmem:s29+$0xAB60] =	vst v55  }
0x6d: {  	v31 =	vld.idx.msk [tilespmem:v31+s28+$0x0], $0xffff  }
0x6e: {  	(erf) = vrcp.f32 v23;
	v29 =	vld.idx.msk [tilespmem:v29+s28+$0x0], $0xffff  }
0x6f: {  	v28 =	vld.idx.msk [tilespmem:v28+s28+$0x0], $0xffff  }
0x70: {  	v27 =	vld.idx.msk [tilespmem:v27+s28+$0x0], $0xffff  }
0x71: {  	v26 =	vld.idx.msk [tilespmem:v26+s28+$0x0], $0xffff  }
0x72: {  	v33 =	vld.idx.msk [tilespmem:v33+s28+$0x0], $0xffff;
	_ =	sdelay $0x1  }
0x73: {  	vm9 =	vmmov vm6;
	v31 =	vmul.f32 $2.000000000e+01, v31  }
0x74: {  	vm7 =	vmmov vm7;
	v29 =	vmul.f32 $2.000000000e+01, v29;
	v28 =	vmul.f32 $2.000000000e+01, v28  }
0x75: {  	vm6 =	vmmov vm12;
	v27 =	vmul.f32 $2.000000000e+01, v27;
	v26 =	vtrunc.f32 v26  }
0x76: {  	vm1 =	vlt.u32 v24, v4;
	v56 =	vpop (erf);
	v33 =	vtrunc.f32 v33;
	v26 =	vcvt.f32.s32 v26  }
0x77: {  	v33 =	vcvt.f32.s32 v33;
	v35 =	vmul.f32 v31, v56;
	v57 =	vand.u32 $0x7FFFFFFF, v28  }
0x78: {  	v32 =	vmul.f32 v29, v32;
	v38 =	vand.u32 $0x7FFFFFFF, v27;
	v37 =	vmul.f32 v57, v10  }
0x79: {  	v24 =	vand.u32 $0x80000000, v28;
	v59 =	vand.u32 $0x80000000, v27;
	v39 =	vmul.f32 v38, v10  }
0x7a: {  	v34 =	vsub.f32 v28, v34;
	(erf) = vrcp.f32 v35;
	v37 =	vfloor.f32 v37  }
0x7b: {  	vm2 =	vgt.f32 v28, $1.000000000e+00;
	v30 =	vsub.f32 v27, v30;
	v36 =	vsub.f32 v57, v37  }
0x7c: {  	vm15 =	vlt.f32 v27, $1.900000000e+01;
	vm13 =	vlt.f32 v28, $1.900000000e+01;
	v58 =	vfloor.f32 v39  }
0x7d: {  	vm14 =	vgt.f32 v27, $1.000000000e+00;
	v37 =	vsub.f32 v38, v58;
	vm0 =	veq.f32 v36, $1.000000000e+00  }
0x7e: {  	v26 =	vmul.u32 $0x18E70, v26;
	(erf) = vrcp.f32 v32;
	v36 =	vsel vm0, $0x0, v36  }
0x7f: {  	v30 =	vtrunc.f32 v30;
	vm0 =	veq.f32 v37, $1.000000000e+00;
	v36 =	vand.u32 $0x7FFFFFFF, v36  }
0x80: {  	s0 =	sshra.s32 s26, $0x2;
	v63 =	vtrunc.f32 v34;
	v60 =	vsel vm0, $0x0, v37;
	v24 =	vor.u32 v24, v36  }
0x81: {  	[tilespmem:s0+$0xB010] =	vst v23;
	v23 =	vadd.s32 v25, v26;
	v36 =	vand.u32 $0x7FFFFFFF, v60;
	vm0 =	vlt.f32 v24, $5.000000000e-01  }
0x82: {  	v36 =	vor.u32 v59, v36;
	vm12 =	vgt.f32 v24, $5.000000000e-01;
	v24 =	vcvt.f32.s32 v30  }
0x83: {  	v30 =	vcvt.f32.s32 v63;
	v61 =	vpop (erf);
	vm2 =	vmand vm2, vm0;
	vm0 =	vmmov vm8  }
0x84: {  	vm8 =	vmand vm13, vm12;
	v35 =	vmax.f32 v35, v61;
	vm2 =	vmand vm9, vm2  }
0x85: {  	v25 =	vmul.u32 $0x14, v24;
	vm1 =	vmor vm1, vm2;
	vm2 =	vgt.f32 v36, $5.000000000e-01  }
0x86: {  	[tilespmem:s0+$0xB100] =	vst v22;
	v22 =	vcvt.s32.f32 v24;
	vm2 =	vmand vm15, vm2;
	vm15 =	vlt.f32 v36, $5.000000000e-01  }
0x87: {  	v62 =	vpop (erf);
	v23 =	vadd.s32 v30, v23;
	v24 =	vcvt.s32.f32 v30;
	vm9 =	vmand vm14, vm15  }
0x88: {  	[tilespmem:s0+$0xAE30] =	vst v31;
	vm6 =	vmand vm6, vm8;
	v32 =	vmax.f32 v32, v62;
	vm7 =	vmand vm7, vm9  }
0x89: {  	[tilespmem:s0+$0xAF20] =	vst v29;
	v23 =	vadd.s32 v25, v23;
	v22 =	vsub.f32 v27, v22;
	vm1 =	vmor vm1, vm7  }
0x8a: {  	[tilespmem:s0+$0xB1F0] =	vst v33;
	v25 =	vmax.f32 v35, v32;
	vm0 =	vmand vm0, vm2;
	vm1 =	vmor vm6, vm1  }
0x8b: {  	[tilespmem:s0+$0xC00] =	vst v23;
	v23 =	vsub.f32 v28, v24;
	vm2 =	vlt.f32 v25, $4.000000000e+00;
	vm0 =	vmor vm0, vm1  }
0x8c: {  	[tilespmem:s0+$0xAD40] =	vst v22;
	vm0 =	vmand vm2, vm0  }
0x8d: {  	[tilespmem:s0+$0xAC50] =	vst v23;
	v22 =	vsel vm0, $0x3F800000, v3  }
0x8e: {  	s25 =	simm.s32 $0x0;
	[tilespmem:s0+$0xAB60] =	vst v22  }
0x8f: {  	v22 =	vld [tilespmem:s25+$0xCE0]  }
0x90: {  	v23 =	vld [tilespmem:s25+$0xC00]  }
0x91: {  	v24 =	vld [tilespmem:s25+$0xC10]  }
0x92: {  	v25 =	vld [tilespmem:s25+$0xC20]  }
0x93: {  	v26 =	vld [tilespmem:s25+$0xC30]  }
0x94: {  	v27 =	vld [tilespmem:s25+$0xC40];
	v22 =	vadd.s32 $0x190, v22  }
0x95: {  	v28 =	vld [tilespmem:s25+$0xC50];
	v23 =	vadd.s32 $0x190, v23;
	[tilespmem:s25+$0xDD0] =	vst v22  }
0x96: {  	[tilespmem:s25+$0xCF0] =	vst v23;
	v22 =	vadd.s32 $0x190, v24;
	v24 =	vld [tilespmem:s25+$0xC60]  }
0x97: {  	[tilespmem:s25+$0xD00] =	vst v22;
	v22 =	vadd.s32 $0x190, v25;
	v25 =	vld [tilespmem:s25+$0xC70]  }
0x98: {  	[tilespmem:s25+$0xD10] =	vst v22;
	v22 =	vadd.s32 $0x190, v26;
	v26 =	vld [tilespmem:s25+$0xC80]  }
0x99: {  	v23 =	vadd.s32 $0x190, v27;
	[tilespmem:s25+$0xD20] =	vst v22;
	v22 =	vld [tilespmem:s25+$0xC90]  }
0x9a: {  	v27 =	vadd.s32 $0x190, v28;
	[tilespmem:s25+$0xD30] =	vst v23;
	v23 =	vld [tilespmem:s25+$0xCA0]  }
0x9b: {  	[tilespmem:s25+$0xD40] =	vst v27;
	v27 =	vadd.s32 $0x190, v24;
	v24 =	vld [tilespmem:s25+$0xCB0]  }
0x9c: {  	[tilespmem:s25+$0xD50] =	vst v27;
	v27 =	vadd.s32 $0x190, v25;
	v25 =	vld [tilespmem:s25+$0xCC0]  }
0x9d: {  	s26 =	simm.s32 $0xF0;
	s28 =	simm.s32 $0x780;
	[tilespmem:s25+$0xD60] =	vst v27;
	v27 =	vadd.s32 $0x190, v26;
	v26 =	vld [tilespmem:s25+$0xCD0]  }
.LBB2_4:
0x9e: {  	p0 =	sne.s32 s28, $0x13740;
	v28 =	vld [tilespmem:s26+$0xCE0];
	[tilespmem:s25+$0xD70] =	vst v27;
	v22 =	vadd.s32 $0x190, v22  }
0x9f: {  	v27 =	vld [tilespmem:s26+$0xC00];
	[tilespmem:s25+$0xD80] =	vst v22;
	v22 =	vadd.s32 $0x190, v23  }
0xa0: {  	v23 =	vld [tilespmem:s26+$0xC10];
	[tilespmem:s25+$0xD90] =	vst v22;
	v22 =	vadd.s32 $0x190, v24  }
0xa1: {  	v24 =	vld [tilespmem:s26+$0xC20];
	[tilespmem:s25+$0xDA0] =	vst v22;
	v22 =	vadd.s32 $0x190, v25  }
0xa2: {  	v25 =	vld [tilespmem:s26+$0xC30];
	[tilespmem:s25+$0xDB0] =	vst v22;
	v22 =	vadd.s32 $0x190, v26  }
0xa3: {  	v26 =	vld [tilespmem:s26+$0xC40];
	v28 =	vadd.s32 $0x190, v28;
	[tilespmem:s25+$0xDC0] =	vst v22;
	s25 =	smov.u32 s26  }
0xa4: {  	v22 =	vadd.s32 $0x190, v27;
	v27 =	vld [tilespmem:s25+$0xC50];
	[tilespmem:s25+$0xDD0] =	vst v28  }
0xa5: {  	[tilespmem:s25+$0xCF0] =	vst v22;
	v22 =	vadd.s32 $0x190, v23;
	v28 =	vld [tilespmem:s25+$0xC60]  }
0xa6: {  	[tilespmem:s25+$0xD00] =	vst v22;
	v22 =	vadd.s32 $0x190, v24;
	v29 =	vld [tilespmem:s25+$0xC70]  }
0xa7: {  	[tilespmem:s25+$0xD10] =	vst v22;
	v22 =	vadd.s32 $0x190, v25;
	v30 =	vld [tilespmem:s25+$0xC80]  }
.Ltmp1:
0xa8: {  	[tilespmem:s25+$0xD20] =	vst v22;
	v23 =	vadd.s32 $0x190, v26;
	v22 =	vld [tilespmem:s25+$0xC90];
	(pc) =	sbr.rel @p0 .LBB2_4-.Ltmp1, $4  }
0xa9: {  	[tilespmem:s25+$0xD30] =	vst v23;
	v24 =	vadd.s32 $0x190, v27;
	v23 =	vld [tilespmem:s25+$0xCA0]  }
0xaa: {  	[tilespmem:s25+$0xD40] =	vst v24;
	v25 =	vadd.s32 $0x190, v28;
	v24 =	vld [tilespmem:s25+$0xCB0]  }
0xab: {  	[tilespmem:s25+$0xD50] =	vst v25;
	v26 =	vadd.s32 $0x190, v29;
	v25 =	vld [tilespmem:s25+$0xCC0]  }
0xac: {  	s26 =	sshra.s32 s28, $0x2;
	s28 =	sadd.s32 $0x3C0, s28;
	[tilespmem:s25+$0xD60] =	vst v26;
	v27 =	vadd.s32 $0x190, v30;
	v26 =	vld [tilespmem:s25+$0xCD0]  }
0xad: {  	v28 =	vld [tilespmem:s26+$0xCE0];
	[tilespmem:s25+$0xD70] =	vst v27;
	v22 =	vadd.s32 $0x190, v22  }
0xae: {  	v27 =	vld [tilespmem:s26+$0xC00];
	[tilespmem:s25+$0xD80] =	vst v22;
	v22 =	vadd.s32 $0x190, v23  }
0xaf: {  	v23 =	vld [tilespmem:s26+$0xC10];
	[tilespmem:s25+$0xD90] =	vst v22;
	v22 =	vadd.s32 $0x190, v24  }
0xb0: {  	v24 =	vld [tilespmem:s26+$0xC20];
	[tilespmem:s25+$0xDA0] =	vst v22;
	v22 =	vadd.s32 $0x190, v25  }
0xb1: {  	v25 =	vld [tilespmem:s26+$0xC30];
	[tilespmem:s25+$0xDB0] =	vst v22;
	v22 =	vadd.s32 $0x190, v26  }
0xb2: {  	v26 =	vld [tilespmem:s26+$0xC40];
	[tilespmem:s25+$0xDC0] =	vst v22;
	v22 =	vadd.s32 $0x190, v28  }
0xb3: {  	v28 =	vld [tilespmem:s26+$0xC50];
	v27 =	vadd.s32 $0x190, v27;
	[tilespmem:s26+$0xDD0] =	vst v22  }
0xb4: {  	[tilespmem:s26+$0xCF0] =	vst v27;
	v22 =	vadd.s32 $0x190, v23;
	v23 =	vld [tilespmem:s26+$0xC60]  }
0xb5: {  	[tilespmem:s26+$0xD00] =	vst v22;
	v22 =	vadd.s32 $0x190, v24;
	v24 =	vld [tilespmem:s26+$0xC70]  }
0xb6: {  	[tilespmem:s26+$0xD10] =	vst v22;
	v22 =	vadd.s32 $0x190, v25;
	v25 =	vld [tilespmem:s26+$0xC80]  }
0xb7: {  	[tilespmem:s26+$0xD20] =	vst v22;
	v22 =	vadd.s32 $0x190, v26;
	v26 =	vld [tilespmem:s26+$0xC90]  }
0xb8: {  	v27 =	vld [tilespmem:s26+$0xCA0];
	[tilespmem:s26+$0xD30] =	vst v22;
	v22 =	vadd.s32 $0x190, v28  }
0xb9: {  	[tilespmem:s26+$0xD40] =	vst v22;
	v22 =	vadd.s32 $0x190, v23;
	v23 =	vld [tilespmem:s26+$0xCB0]  }
0xba: {  	[tilespmem:s26+$0xD50] =	vst v22;
	v22 =	vadd.s32 $0x190, v24;
	v24 =	vld [tilespmem:s26+$0xCC0]  }
0xbb: {  	[tilespmem:s26+$0xD60] =	vst v22;
	v22 =	vadd.s32 $0x190, v25;
	v25 =	vld [tilespmem:s26+$0xCD0]  }
0xbc: {  	[tilespmem:s26+$0xD70] =	vst v22;
	v22 =	vadd.s32 $0x190, v26  }
0xbd: {  	[tilespmem:s26+$0xD80] =	vst v22;
	v22 =	vadd.s32 $0x190, v27  }
0xbe: {  	[tilespmem:s26+$0xD90] =	vst v22;
	v22 =	vadd.s32 $0x190, v23  }
0xbf: {  	[tilespmem:s26+$0xDA0] =	vst v22;
	v22 =	vadd.s32 $0x190, v24  }
0xc0: {  	[tilespmem:s26+$0xDB0] =	vst v22;
	v22 =	vadd.s32 $0x190, v25  }
0xc1: {  	[tilespmem:s26+$0xDC0] =	vst v22  }
0xc2: {  	[tilespmem:s19], [sflag:$0x1] =	stream.indirect.gather [hbm4b:s3+s17], $0x1, s18, s17, $0xb8;
	[tilespmem:$0xB3A0] =	vst v63  }
0xc3: {  	_ =	swait.ge [sflag:s20], $0x4FB0  }
0xc4: {  	[sflag:s20] =	ssyncset.done $0x0  }
0xc5: {  	s25 =	simm.s32 $0x0;
	[sflag:s20] =	ssyncadd.s32 $0xFFFFB050  }
0xc6: {  	v22 =	vld [tilespmem:s25+$0x5CA0]  }
0xc7: {  	v23 =	vld [tilespmem:s25+$0x5E80];
	_ =	sdelay $0x1  }
0xc8: {  	v24 =	vld [tilespmem:s25+$0x5D90];
	_ =	sdelay $0x1  }
0xc9: {  	v22 =	vsub.f32 $0.0e+00, v22  }
0xca: {  	v25 =	vld [tilespmem:s25+$0x5BB0];
	v23 =	vsub.f32 $0.0e+00, v23  }
0xcb: {  	v22 =	vmul.f32 $1.442695020e+00, v22  }
0xcc: {  	v24 =	vsub.f32 $0.0e+00, v24;
	v23 =	vmul.f32 $1.442695020e+00, v23  }
0xcd: {  	(erf) = vpow2.f32 v22  }
0xce: {  	v24 =	vmul.f32 $1.442695020e+00, v24;
	(erf) = vpow2.f32 v23  }
0xcf: {  	v22 =	vsub.f32 $0.0e+00, v25  }
0xd0: {  	(erf) = vpow2.f32 v24  }
0xd1: {  	v22 =	vmul.f32 $1.442695020e+00, v22;
	_ =	sdelay $0x1  }
0xd2: {  	(erf) = vpow2.f32 v22;
	_ =	sdelay $0x2  }
0xd3: {  	v22 =	vpop (erf)  }
0xd4: {  	v23 =	vpop (erf)  }
0xd5: {  	v23 =	vadd.f32 $1.000000000e+00, v23  }
0xd6: {  	v24 =	vpop (erf)  }
0xd7: {  	s26 =	simm.s32 $0x10;
	v26 =	vld [tilespmem:s25+$0xAD40];
	v24 =	vadd.f32 $1.000000000e+00, v24;
	(erf) = vrcp.f32 v23  }
0xd8: {  	v28 =	vld [tilespmem:s26+$0x5CA0]  }
0xd9: {  	v29 =	vld [tilespmem:s26+$0x5BB0];
	v22 =	vadd.f32 $1.000000000e+00, v22;
	v27 =	vpop (erf);
	(erf) = vrcp.f32 v24  }
0xda: {  	v30 =	vld [tilespmem:s26+$0x5E80];
	v27 =	vadd.f32 $1.000000000e+00, v27  }
0xdb: {  	s0 =	simm.s32 $0x0;
	v23 =	vld [tilespmem:s25+$0xAF20];
	(erf) = vrcp.f32 v22  }
0xdc: {  	v25 =	vld [tilespmem:s25+$0xB1F0];
	v22 =	vmov s0;
	(erf) = vrcp.f32 v27  }
0xdd: {  	s31 =	simm.s32 $0x10;
	s29 =	simm.s32 $0x20;
	v28 =	vsub.f32 $0.0e+00, v28;
	v24 =	vld [tilespmem:s25+$0xAE30];
	v31 =	vadd.s32 $0x4B0, v22  }
0xde: {  	vm15 =	vmmov vm3;
	v37 =	vmov s31;
	v61 =	vmov s29;
	v27 =	vld [tilespmem:s26+$0x5D90]  }
0xdf: {  	v55 =	vadd.s32 $0x4B0, v37;
	v32 =	vld [tilespmem:s25+$0xAC50];
	v30 =	vsub.f32 $0.0e+00, v30;
	v28 =	vmul.f32 $1.442695020e+00, v28  }
0xe0: {  	v34 =	vld [tilespmem:s25+$0xB100];
	v29 =	vsub.f32 $0.0e+00, v29;
	v33 =	vbroadcast v31, $0x0;
	v23 =	vmul.f32 $5.000000000e-01, v23;
	v31 =	vpop (erf)  }
0xe1: {  	v30 =	vmul.f32 $1.442695020e+00, v30;
	v25 =	vmul.u32 $0xF0, v25;
	v31 =	vadd.f32 v31, v31  }
0xe2: {  	v36 =	vld [tilespmem:s25+$0xB010];
	v24 =	vmul.f32 $5.000000000e-01, v24;
	v38 =	vsub.f32 v26, v23;
	v23 =	vadd.f32 v23, v26;
	v35 =	vpop (erf)  }
0xe3: {  	v27 =	vsub.f32 $0.0e+00, v27;
	v35 =	vadd.f32 v35, v35;
	v31 =	vmul.f32 v31, v31  }
0xe4: {  	v39 =	vsub.f32 v32, v24;
	v24 =	vadd.f32 v24, v32;
	(erf) = vpow2.f32 v28;
	v48 =	vpop (erf)  }
0xe5: {  	v49 =	vpop (erf);
	v47 =	vmul.f32 v35, v35;
	v35 =	vadd.f32 v48, v48;
	v31 =	vmul.f32 v34, v31  }
0xe6: {  	v27 =	vmul.f32 $1.442695020e+00, v27;
	(erf) = vpow2.f32 v30;
	v34 =	vadd.f32 v49, v49  }
0xe7: {  	v32 =	vmul.f32 v36, v47;
	v28 =	vadd.f32 $-5.000000000e-01, v35;
	v31 =	vmul.f32 $5.000000000e-01, v31  }
0xe8: {  	v26 =	vmul.f32 $1.442695020e+00, v29;
	v50 =	vsub.f32 v23, v38;
	(erf) = vpow2.f32 v27  }
0xe9: {  	v30 =	vadd.f32 $-5.000000000e-01, v34;
	v32 =	vmul.f32 $5.000000000e-01, v32;
	v27 =	vadd.f32 v31, v28  }
0xea: {  	v29 =	vsub.f32 v24, v39;
	(erf) = vpow2.f32 v26;
	v28 =	vsub.f32 v28, v31  }
0xeb: {  	v34 =	vadd.f32 v32, v30;
	v26 =	vsub.f32 v30, v32;
	v30 =	vmax.f32 v27, v23  }
0xec: {  	v23 =	vmin.f32 v27, v23;
	v40 =	vmax.f32 v28, v38;
	v27 =	vsub.f32 v27, v28  }
0xed: {  	v31 =	vmin.f32 v34, v24;
	v32 =	vmax.f32 v26, v39;
	v51 =	vsub.f32 v34, v26  }
0xee: {  	v54 =	vld [tilespmem:s26+$0xAF20];
	v24 =	vmax.f32 v34, v24;
	v26 =	vmin.f32 v26, v39;
	v23 =	vsub.f32 v23, v40  }
0xef: {  	v31 =	vsub.f32 v31, v32;
	v24 =	vsub.f32 v24, v26;
	v26 =	vmin.f32 v28, v38  }
0xf0: {  	v53 =	vpop (erf);
	v28 =	vmul.f32 v50, v29;
	v27 =	vmul.f32 v27, v51;
	v26 =	vsub.f32 v30, v26  }
0xf1: {  	s28 =	simm.s32 $0x20;
	v52 =	vld [tilespmem:s26+$0xB1F0];
	v30 =	vpop (erf);
	v23 =	vmax.f32 v23, $0.0e+00;
	v31 =	vmax.f32 v31, $0.0e+00;
	v24 =	vadd.f32 $1.000000020e-16, v24  }
0xf2: {  	v58 =	vld [tilespmem:s28+$0x5BB0];
	v30 =	vadd.f32 $1.000000000e+00, v30;
	v56 =	vpop (erf);
	v31 =	vmul.f32 v23, v31;
	v23 =	vadd.f32 v27, v28  }
0xf3: {  	v59 =	vld [tilespmem:s28+$0x5D90];
	v62 =	vmul.f32 $5.000000000e-01, v54;
	v28 =	vadd.f32 $1.000000000e+00, v56;
	v24 =	vmul.f32 v26, v24  }
0xf4: {  	v25 =	vadd.s32 v33, v25;
	v29 =	vld [tilespmem:s26+$0xAD40];
	(erf) = vrcp.f32 v30;
	v57 =	vsub.f32 v23, v31  }
0xf5: {  	v25 =	vor.u32 v0, v25;
	v27 =	vld [tilespmem:s26+$0xAE30];
	(erf) = vrcp.f32 v28;
	v44 =	vadd.f32 $1.000000020e-16, v24  }
0xf6: {  	v26 =	vld [tilespmem:s28+$0x5CA0];
	v30 =	vbroadcast v55, $0x0;
	v23 =	vmul.u32 $0xF0, v52;
	(erf) = vrcp.f32 v57  }
0xf7: {  	v63 =	vsub.f32 $0.0e+00, v58;
	v34 =	vadd.f32 $1.000000000e+00, v53;
	v28 =	vld [tilespmem:s28+$0x5E80];
	v24 =	vpop (erf);
	(erf) = vrcp.f32 v44  }
0xf8: {  	v46 =	vsub.f32 $0.0e+00, v59;
	v23 =	vadd.s32 v30, v23;
	v30 =	vld [tilespmem:s26+$0xAC50];
	v60 =	vadd.f32 $1.000000000e+00, v24  }
0xf9: {  	v45 =	vld [tilespmem:s26+$0xB100];
	v36 =	vsub.f32 v29, v62;
	v40 =	vadd.f32 v62, v29;
	(erf) = vrcp.f32 v34  }
0xfa: {  	v33 =	vld [tilespmem:s28+$0xB1F0];
	v41 =	vor.u32 v0, v23;
	v27 =	vmul.f32 $5.000000000e-01, v27;
	(erf) = vrcp.f32 v60  }
0xfb: {  	v22 =	vimm.f32 $0.0e+00;
	v25 =	vld.idx.msk [tilespmem:v25+s19+$0x0], $0xffff;
	v26 =	vsub.f32 $0.0e+00, v26;
	v34 =	vsub.f32 v44, v57  }
0xfc: {  	v23 =	vld [tilespmem:s26+$0x5F70];
	v44 =	vmul.f32 $1.442695020e+00, v46;
	v43 =	vsub.f32 $0.0e+00, v28;
	v28 =	vadd.s32 $0x4B0, v61  }
0xfd: {  	v24 =	vld [tilespmem:s25+$0x5F70];
	v32 =	vbroadcast v28, $0x0;
	v42 =	vmul.f32 $1.442695020e+00, v26;
	v38 =	vsub.f32 v30, v27;
	v29 =	vpop (erf)  }
0xfe: {  	v46 =	vld [tilespmem:s26+$0xB010];
	v39 =	vadd.f32 v27, v30;
	v43 =	vmul.f32 $1.442695020e+00, v43;
	v26 =	vadd.f32 v29, v29;
	v27 =	vpop (erf)  }
0xff: {  	v30 =	vld.idx.msk [tilespmem:v41+s19+$0x0], $0xffff;
	v41 =	vmul.f32 $1.442695020e+00, v63;
	v29 =	vimm.f32 $0.0e+00;
	v48 =	vadd.f32 v27, v27;
	v35 =	vpop (erf)  }
0x100: {  	s30 =	simm.s32 $0xC0;
	v28 =	vld [tilespmem:s28+$0x5F70];
	v27 =	vimm.f32 $0.0e+00;
	v47 =	vmul.f32 v26, v26;
	v26 =	vimm.f32 $0.0e+00;
	v37 =	vpop (erf)  }
.LBB2_6:
0x101: {  	p0 =	sne.s32 s30, $0x380;
	v33 =	vmul.u32 $0xF0, v33;
	v31 =	vmul.f32 v35, v31;
	v34 =	vmul.f32 v34, v37  }
0x102: {  	v37 =	vsub.f32 v39, v38;
	v35 =	vmul.f32 v48, v48;
	v48 =	vsub.f32 v40, v36;
	v49 =	vpop (erf);
	v50 =	vld [tilespmem:s25+$0xAB60];
	s25 =	smov.u32 s26;
	s26 =	smov.u32 s28  }
0x103: {  	v49 =	vadd.f32 v49, v49;
	v45 =	vmul.f32 v45, v47;
	v47 =	vpop (erf);
	v34 =	vsub.f32 v31, v34  }
0x104: {  	(erf) = vpow2.f32 v42;
	v31 =	vadd.f32 v47, v47;
	v35 =	vmul.f32 v46, v35  }
0x105: {  	v42 =	vadd.f32 $-5.000000000e-01, v49;
	v45 =	vmul.f32 $5.000000000e-01, v45;
	v46 =	vsub.f32 $1.000000000e+00, v34  }
0x106: {  	(erf) = vpow2.f32 v43;
	v31 =	vadd.f32 $-5.000000000e-01, v31;
	v35 =	vmul.f32 $5.000000000e-01, v35  }
0x107: {  	(erf) = vpow2.f32 v44;
	v43 =	vadd.f32 v45, v42;
	v44 =	vmul.f32 v46, v50  }
0x108: {  	(erf) = vpow2.f32 v41;
	v41 =	vsub.f32 v31, v35;
	v31 =	vadd.f32 v35, v31  }
0x109: {  	v35 =	vsub.f32 v42, v45;
	v42 =	vmax.f32 v43, v40;
	v22 =	vadd.f32 v44, v22  }
0x10a: {  	v40 =	vmin.f32 v43, v40;
	v44 =	vmin.f32 v31, v39;
	v45 =	vmax.f32 v41, v38  }
0x10b: {  	v46 =	vmax.f32 v35, v36;
	v47 =	vsub.f32 v31, v41;
	v43 =	vsub.f32 v43, v35  }
0x10c: {  	v31 =	vmax.f32 v31, v39;
	v38 =	vmin.f32 v41, v38;
	v44 =	vsub.f32 v44, v45  }
0x10d: {  	v35 =	vmin.f32 v35, v36;
	v40 =	vsub.f32 v40, v46;
	v31 =	vsub.f32 v31, v38;
	v39 =	vpop (erf)  }
0x10e: {  	v37 =	vmul.f32 v48, v37;
	v35 =	vsub.f32 v42, v35;
	v36 =	vmul.f32 v43, v47  }
0x10f: {  	v42 =	vmax.f32 v44, $0.0e+00;
	v40 =	vmax.f32 v40, $0.0e+00;
	v43 =	vadd.f32 $1.000000020e-16, v31;
	v41 =	vld [tilespmem:s26+$0xAD40];
	v38 =	vpop (erf)  }
0x110: {  	v31 =	vmul.f32 v40, v42;
	v36 =	vadd.f32 v36, v37;
	v44 =	vld [tilespmem:s26+$0xAF20];
	v38 =	vadd.f32 $1.000000000e+00, v38;
	v45 =	vpop (erf)  }
0x111: {  	s28 =	sshra.s32 s30, $0x2;
	v32 =	vadd.s32 v32, v33;
	v35 =	vmul.f32 v35, v43;
	v37 =	vld [tilespmem:s26+$0xAE30];
	v40 =	vadd.f32 $1.000000000e+00, v45;
	v33 =	vpop (erf)  }
0x112: {  	v32 =	vor.u32 v0, v32;
	v47 =	vsub.f32 v36, v31;
	v42 =	vld [tilespmem:s28+$0x5CA0];
	(erf) = vrcp.f32 v38  }
0x113: {  	v35 =	vadd.f32 $1.000000020e-16, v35;
	v38 =	vmul.f32 v50, v24;
	v24 =	vmovc v23;
	v23 =	vmovc v28;
	v36 =	vld [tilespmem:s28+$0x5BB0];
	(erf) = vrcp.f32 v40  }
0x114: {  	v28 =	vmax.f32 v34, $0.0e+00;
	v34 =	vmul.f32 v25, v50;
	v25 =	vmovc v30;
	v40 =	vld [tilespmem:s28+$0x5E80];
	(erf) = vrcp.f32 v47  }
0x115: {  	s29 =	sadd.s32 $0x10, s29;
	v30 =	vadd.f32 $1.000000000e+00, v39;
	v28 =	vmul.f32 v28, v38;
	v43 =	vld [tilespmem:s28+$0x5D90];
	(erf) = vrcp.f32 v35  }
0x116: {  	v45 =	vadd.f32 $1.000000000e+00, v33;
	v38 =	vmov s29;
	v29 =	vadd.f32 v34, v29;
	v39 =	vld [tilespmem:s26+$0xAC50]  }
0x117: {  	v26 =	vadd.f32 v50, v26;
	v27 =	vadd.f32 v28, v27;
	v33 =	vld [tilespmem:s28+$0xB1F0];
	(erf) = vrcp.f32 v30  }
0x118: {  	v34 =	vsub.f32 $0.0e+00, v42;
	v42 =	vmul.f32 $5.000000000e-01, v44;
	v28 =	vld [tilespmem:s28+$0x5F70];
	(erf) = vrcp.f32 v45  }
0x119: {  	v50 =	vmul.f32 $5.000000000e-01, v37;
	v44 =	vsub.f32 $0.0e+00, v36;
	v46 =	vsub.f32 $0.0e+00, v40;
	v30 =	vld.idx.msk [tilespmem:v32+s19+$0x0], $0xffff  }
.Ltmp2:
0x11a: {  	v32 =	vadd.s32 $0x4B0, v38;
	v36 =	vsub.f32 v41, v42;
	v48 =	vsub.f32 $0.0e+00, v43;
	(pc) =	sbr.rel @p0 .LBB2_6-.Ltmp2, $4  }
0x11b: {  	v40 =	vadd.f32 v42, v41;
	v32 =	vbroadcast v32, $0x0;
	v38 =	vsub.f32 v39, v50;
	v41 =	vpop (erf)  }
0x11c: {  	v42 =	vmul.f32 $1.442695020e+00, v34;
	v39 =	vadd.f32 v50, v39;
	v45 =	vld [tilespmem:s26+$0xB100];
	v49 =	vadd.f32 v41, v41;
	v37 =	vpop (erf)  }
0x11d: {  	v34 =	vsub.f32 v35, v47;
	v43 =	vmul.f32 $1.442695020e+00, v46;
	v41 =	vmul.f32 $1.442695020e+00, v44;
	v46 =	vld [tilespmem:s26+$0xB010];
	v35 =	vpop (erf)  }
0x11e: {  	s30 =	sadd.s32 $0x40, s30;
	v44 =	vmul.f32 $1.442695020e+00, v48;
	v48 =	vadd.f32 v37, v37;
	v47 =	vmul.f32 v49, v49;
	v37 =	vpop (erf)  }
0x11f: {  	_ = 	snop  }
0x120: {  	(erf) = vpow2.f32 v42;
	v49 =	vpop (erf)  }
0x121: {  	v48 =	vmul.f32 v48, v48;
	v49 =	vadd.f32 v49, v49;
	v45 =	vmul.f32 v45, v47;
	v63 =	vpop (erf)  }
0x122: {  	(erf) = vpow2.f32 v43;
	v47 =	vadd.f32 v63, v63  }
0x123: {  	v46 =	vmul.f32 v46, v48;
	v52 =	vadd.f32 $-5.000000000e-01, v49;
	v45 =	vmul.f32 $5.000000000e-01, v45  }
0x124: {  	v50 =	vsub.f32 v39, v38;
	(erf) = vpow2.f32 v44  }
0x125: {  	v53 =	vadd.f32 $-5.000000000e-01, v47;
	v46 =	vmul.f32 $5.000000000e-01, v46;
	v54 =	vadd.f32 v45, v52  }
0x126: {  	(erf) = vpow2.f32 v41;
	v47 =	vsub.f32 v40, v36;
	v56 =	vsub.f32 v52, v45  }
0x127: {  	v55 =	vsub.f32 v53, v46;
	v43 =	vadd.f32 v46, v53;
	v57 =	vmax.f32 v54, v40  }
0x128: {  	v60 =	vmin.f32 v54, v40;
	v61 =	vmax.f32 v56, v36;
	v44 =	vsub.f32 v54, v56  }
0x129: {  	v58 =	vmin.f32 v43, v39;
	v59 =	vmax.f32 v55, v38;
	v51 =	vsub.f32 v43, v55  }
0x12a: {  	v62 =	vmax.f32 v43, v39;
	v63 =	vmin.f32 v55, v38;
	v40 =	vsub.f32 v60, v61  }
0x12b: {  	v46 =	vmin.f32 v56, v36;
	v45 =	vsub.f32 v58, v59;
	v38 =	vsub.f32 v62, v63  }
0x12c: {  	v48 =	vpop (erf);
	v36 =	vsub.f32 v57, v46;
	v49 =	vmul.f32 v44, v51;
	v51 =	vmul.f32 v47, v50  }
0x12d: {  	v52 =	vpop (erf);
	v40 =	vmax.f32 v40, $0.0e+00;
	v53 =	vmax.f32 v45, $0.0e+00;
	v38 =	vadd.f32 $1.000000020e-16, v38  }
0x12e: {  	v42 =	vadd.f32 $1.000000000e+00, v52;
	v54 =	vpop (erf);
	v40 =	vmul.f32 v40, v53;
	v41 =	vadd.f32 v49, v51  }
0x12f: {  	v55 =	vadd.f32 $1.000000000e+00, v54;
	v36 =	vmul.f32 v36, v38  }
0x130: {  	(erf) = vrcp.f32 v42;
	v38 =	vsub.f32 v41, v40  }
0x131: {  	(erf) = vrcp.f32 v55;
	v36 =	vadd.f32 $1.000000020e-16, v36  }
0x132: {  	v39 =	vadd.f32 $1.000000000e+00, v48;
	(erf) = vrcp.f32 v38  }
0x133: {  	v56 =	vpop (erf);
	(erf) = vrcp.f32 v36  }
0x134: {  	v41 =	vadd.f32 $1.000000000e+00, v56;
	(erf) = vrcp.f32 v39  }
0x135: {  	v57 =	vld [tilespmem:s28+$0xAF20]  }
0x136: {  	v43 =	vld [tilespmem:s28+$0xAC50];
	(erf) = vrcp.f32 v41  }
0x137: {  	v58 =	vld [tilespmem:s28+$0xAE30]  }
0x138: {  	v61 =	vld [tilespmem:s28+$0xB010]  }
0x139: {  	v62 =	vld [tilespmem:s28+$0xB100];
	v59 =	vpop (erf)  }
0x13a: {  	v39 =	vld [tilespmem:s28+$0xAD40];
	v60 =	vpop (erf);
	v44 =	vadd.f32 v59, v59  }
0x13b: {  	v45 =	vadd.f32 v60, v60;
	v48 =	vpop (erf)  }
0x13c: {  	v42 =	vmul.f32 $5.000000000e-01, v58;
	v44 =	vmul.f32 v44, v44;
	v49 =	vpop (erf)  }
0x13d: {  	v41 =	vmul.f32 $5.000000000e-01, v57;
	v45 =	vmul.f32 v45, v45;
	v63 =	vpop (erf)  }
0x13e: {  	v57 =	vsub.f32 v43, v42;
	v44 =	vmul.f32 v62, v44;
	v50 =	vadd.f32 v63, v63  }
0x13f: {  	v52 =	vsub.f32 v39, v41;
	v39 =	vadd.f32 v41, v39;
	v45 =	vmul.f32 v61, v45;
	v56 =	vpop (erf)  }
0x140: {  	v44 =	vmul.f32 $5.000000000e-01, v44;
	v51 =	vadd.f32 v56, v56;
	v59 =	vadd.f32 $-5.000000000e-01, v50  }
0x141: {  	v42 =	vadd.f32 v42, v43;
	v53 =	vsub.f32 v39, v52  }
0x142: {  	v45 =	vmul.f32 $5.000000000e-01, v45;
	v58 =	vadd.f32 $-5.000000000e-01, v51;
	v50 =	vadd.f32 v44, v59  }
0x143: {  	v61 =	vsub.f32 v42, v57;
	v43 =	vsub.f32 v59, v44  }
0x144: {  	v60 =	vsub.f32 v58, v45;
	v41 =	vadd.f32 v45, v58;
	v54 =	vmax.f32 v50, v39  }
0x145: {  	v39 =	vmin.f32 v50, v39;
	v55 =	vmax.f32 v43, v52;
	v50 =	vsub.f32 v50, v43  }
0x146: {  	v62 =	vmin.f32 v41, v42;
	v63 =	vmax.f32 v60, v57;
	v42 =	vmax.f32 v41, v42  }
0x147: {  	v41 =	vsub.f32 v41, v60;
	v46 =	vmin.f32 v60, v57;
	v39 =	vsub.f32 v39, v55  }
0x148: {  	v43 =	vmin.f32 v43, v52;
	v44 =	vsub.f32 v62, v63;
	v42 =	vsub.f32 v42, v46  }
0x149: {  	v45 =	vmul.f32 v53, v61;
	v43 =	vsub.f32 v54, v43;
	v41 =	vmul.f32 v50, v41  }
0x14a: {  	v39 =	vmax.f32 v39, $0.0e+00;
	v44 =	vmax.f32 v44, $0.0e+00;
	v42 =	vadd.f32 $1.000000020e-16, v42  }
0x14b: {  	v39 =	vmul.f32 v39, v44;
	v41 =	vadd.f32 v41, v45  }
0x14c: {  	v42 =	vmul.f32 v43, v42  }
0x14d: {  	v41 =	vsub.f32 v41, v39  }
0x14e: {  	v42 =	vadd.f32 $1.000000020e-16, v42  }
0x14f: {  	(erf) = vrcp.f32 v41  }
0x150: {  	(erf) = vrcp.f32 v42;
	_ =	sdelay $0x2  }
0x151: {  	v31 =	vmul.f32 v35, v31;
	v34 =	vmul.f32 v34, v37;
	v33 =	vmul.u32 $0xF0, v33;
	v56 =	vld [tilespmem:s25+$0xAB60];
	_ =	sdelay $0x1  }
0x152: {  	v31 =	vsub.f32 v31, v34;
	v32 =	vadd.s32 v32, v33  }
0x153: {  	v32 =	vor.u32 v0, v32;
	v57 =	vsub.f32 v36, v38  }
0x154: {  	v59 =	vmul.f32 v48, v40;
	v58 =	vsub.f32 $1.000000000e+00, v31;
	v31 =	vmax.f32 v31, $0.0e+00  }
0x155: {  	v24 =	vmul.f32 v56, v24;
	v60 =	vld [tilespmem:s26+$0xAB60];
	v34 =	vmul.f32 v57, v49;
	v61 =	vsub.f32 v42, v41;
	v62 =	vpop (erf)  }
0x156: {  	v25 =	vmul.f32 v25, v56;
	v26 =	vadd.f32 v56, v26;
	v36 =	vmul.f32 v58, v56;
	v63 =	vpop (erf)  }
0x157: {  	v33 =	vsub.f32 v59, v34;
	v43 =	vld [tilespmem:s28+$0xAB60];
	v42 =	vmul.f32 v62, v39;
	v38 =	vmul.f32 v61, v63  }
0x158: {  	v24 =	vmul.f32 v31, v24;
	v25 =	vadd.f32 v25, v29;
	v22 =	vadd.f32 v36, v22  }
0x159: {  	v44 =	vsub.f32 $1.000000000e+00, v33;
	v34 =	vsub.f32 v42, v38  }
0x15a: {  	v29 =	vld.idx.msk [tilespmem:v32+s19+$0x0], $0xffff;
	v24 =	vadd.f32 v24, v27;
	v23 =	vmul.f32 v60, v23;
	v30 =	vmul.f32 v30, v60  }
0x15b: {  	v45 =	vmax.f32 v33, $0.0e+00;
	v31 =	vmul.f32 v44, v60;
	v46 =	vsub.f32 $1.000000000e+00, v34  }
0x15c: {  	v26 =	vadd.f32 v60, v26;
	v23 =	vmul.f32 v45, v23;
	v28 =	vmul.f32 v43, v28  }
0x15d: {  	v22 =	vadd.f32 v31, v22;
	v31 =	vmax.f32 v34, $0.0e+00;
	v27 =	vmul.f32 v46, v43  }
0x15e: {  	v23 =	vadd.f32 v23, v24;
	v26 =	vadd.f32 v43, v26;
	v24 =	vmul.f32 v31, v28  }
0x15f: {  	v25 =	vadd.f32 v30, v25;
	v22 =	vadd.f32 v27, v22;
	v27 =	vmul.f32 v29, v43  }
0x160: {  	[tilespmem:$0xB2F0] =	vst v26;
	v23 =	vadd.f32 v24, v23  }
0x161: {  	[tilespmem:$0xB2E0] =	vst v22;
	v22 =	vadd.f32 v27, v25  }
0x162: {  	[tilespmem:$0xB300] =	vst v23  }
0x163: {  	s25 =	simm.s32 $0x0;
	[tilespmem:$0xB310] =	vst v22  }
0x164: {  	[hbm4b:s7+s25] =	stream.linear.scatter [tilespmem:s21], [sflag:$0x2], $0x4B00, $0x38;
	[tilespmem:$0xB3A0] =	vst v63  }
0x165: {  	_ =	swait.ge [sflag:s16], $0x4B00  }
0x166: {  	[sflag:s16] =	ssyncset.done $0x0  }
0x167: {  	[sflag:s16] =	ssyncadd.s32 $0xFFFFB500  }
0x168: {  	[hbm4b:s8+s25] =	stream.linear.scatter [tilespmem:s22], [sflag:$0x2], $0xF0, $0x38;
	[tilespmem:$0xB3A0] =	vst v63  }
0x169: {  	_ =	swait.ge [sflag:s16], $0xF0  }
0x16a: {  	[sflag:s16] =	ssyncset.done $0x0  }
0x16b: {  	[sflag:s16] =	ssyncadd.s32 $0xFFFFFF10  }
0x16c: {  	v24 =	vld.idx.msk [tilespmem:v16+s25+$0x0], $0xffff  }
0x16d: {  	v26 =	vld.idx.msk [tilespmem:v18+s25+$0x0], $0xffff  }
0x16e: {  	v22 =	vsel vm5, $0x42780000, v9;
	v25 =	vld.idx.msk [tilespmem:v15+s25+$0x0], $0xffff  }
0x16f: {  	v27 =	vsel vm5, $0x42340000, v11;
	v28 =	vsel vm4, $0x41F00000, v22  }
0x170: {  	v27 =	vsel vm4, $0x42740000, v27;
	(erf) = vrcp.f32 v28  }
0x171: {  	(erf) = vrcp.f32 v27;
	v30 =	vmul.f32 $4.000000000e+01, v24  }
0x172: {  	vm6 =	vlt.u32 v21, v4;
	v21 =	vmul.f32 $4.000000000e+01, v26  }
0x173: {  	v25 =	vtrunc.f32 v25;
	v31 =	vand.u32 $0x7FFFFFFF, v30  }
0x174: {  	v29 =	vld.idx.msk [tilespmem:v17+s25+$0x0], $0xffff;
	v25 =	vcvt.f32.s32 v25;
	v49 =	vand.u32 $0x7FFFFFFF, v21;
	v48 =	vmul.f32 v31, v10  }
0x175: {  	v51 =	vmul.f32 v49, v10  }
0x176: {  	v23 =	vadd.s32 $0x4, v15;
	v25 =	vmul.u32 $0x639C0, v25;
	v33 =	vfloor.f32 v48  }
0x177: {  	v52 =	vfloor.f32 v51;
	v31 =	vsub.f32 v31, v33  }
0x178: {  	v24 =	vmul.u32 $0x21340, v14;
	v33 =	vsub.f32 v49, v52  }
0x179: {  	v29 =	vmul.f32 $4.000000000e+01, v29;
	v55 =	vpop (erf);
	vm8 =	veq.f32 v31, $1.000000000e+00  }
0x17a: {  	v24 =	vadd.s32 v24, v25;
	v25 =	vpop (erf);
	v31 =	vsel vm8, $0x0, v31;
	vm8 =	veq.f32 v33, $1.000000000e+00  }
0x17b: {  	v26 =	vld.idx.msk [tilespmem:v23+s25+$0x0], $0xffff;
	v56 =	vmul.f32 v29, v25;
	v25 =	vand.u32 $0x7FFFFFFF, v31;
	v31 =	vsel vm8, $0x0, v33  }
0x17c: {  	v54 =	vand.u32 $0x80000000, v21;
	v31 =	vand.u32 $0x7FFFFFFF, v31  }
0x17d: {  	v31 =	vor.u32 v54, v31  }
0x17e: {  	vm9 =	vlt.f32 v31, $5.000000000e-01;
	vm10 =	vgt.f32 v31, $5.000000000e-01;
	v31 =	vld [tilespmem:$0x1FFF0]  }
0x17f: {  	v53 =	vand.u32 $0x80000000, v30  }
0x180: {  	v22 =	vor.u32 $0x1, v15;
	v57 =	vld [tilespmem:$0x1FFD0];
	v26 =	vmul.f32 $4.000000000e+01, v26;
	v25 =	vor.u32 v53, v25  }
0x181: {  	vm7 =	vlt.f32 v30, $3.900000000e+01;
	vm2 =	vgt.f32 v30, $1.000000000e+00;
	vm8 =	vlt.f32 v25, $5.000000000e-01  }
0x182: {  	v37 =	vmul.f32 v26, v55;
	vm2 =	vmand vm2, vm8;
	vm8 =	vgt.f32 v25, $5.000000000e-01  }
0x183: {  	vm7 =	vmand vm7, vm8;
	vm8 =	vnez.u8 v31;
	v31 =	vld [tilespmem:$0x1FFE0]  }
0x184: {  	(erf) = vrcp.f32 v37  }
0x185: {  	vm3 =	vnez.u8 v57;
	vm1 =	vgt.f32 v21, $1.000000000e+00;
	(erf) = vrcp.f32 v56  }
0x186: {  	v47 =	vsub.f32 v30, v20;
	v25 =	vld.idx.msk [tilespmem:v22+s25+$0x0], $0xffff;
	vm2 =	vmand vm3, vm2;
	vm1 =	vmand vm1, vm9  }
0x187: {  	v50 =	vsub.f32 v21, v19;
	vm2 =	vmor vm6, vm2;
	vm1 =	vmand vm15, vm1  }
0x188: {  	vm1 =	vmor vm2, vm1;
	vm2 =	vnez.u8 v31;
	v31 =	vtrunc.f32 v47  }
0x189: {  	s28 =	sadd.s32 $0x10, s15;
	v58 =	vtrunc.f32 v50;
	v31 =	vcvt.f32.s32 v31  }
0x18a: {  	v59 =	vor.u32 s28, v0;
	v32 =	vcvt.f32.s32 v58  }
0x18b: {  	s30 =	simm.s32 $0x0;
	vm0 =	vlt.f32 v21, $3.900000000e+01;
	v60 =	vtrunc.f32 v25;
	v25 =	vand.u32 $0x1FF, v59  }
0x18c: {  	v62 =	vmul.u32 $0x28, v32;
	[tilespmem:s30+$0xAF20] =	vst v29;
	vm0 =	vmand vm0, vm10;
	v25 =	vmul.u32 $0x6, v25  }
0x18d: {  	[tilespmem:s30+$0xB010] =	vst v28;
	vm7 =	vmand vm8, vm7;
	v24 =	vadd.s32 v31, v24;
	v29 =	vcvt.s32.f32 v31;
	v31 =	vpop (erf)  }
0x18e: {  	[tilespmem:s30+$0xAE30] =	vst v26;
	v61 =	vcvt.f32.s32 v60;
	vm1 =	vmor vm7, vm1;
	v26 =	vadd.s32 $0x3, v25;
	v28 =	vpop (erf)  }
0x18f: {  	vm0 =	vmand vm2, vm0;
	v31 =	vmax.f32 v37, v31;
	v63 =	vmax.f32 v56, v28  }
0x190: {  	[tilespmem:s30+$0xB100] =	vst v27;
	v27 =	vadd.s32 $0x2, v25;
	vm0 =	vmor vm0, vm1;
	v31 =	vmax.f32 v31, v63  }
0x191: {  	[tilespmem:s30+$0xB1F0] =	vst v61;
	v28 =	vcvt.s32.f32 v32;
	vm1 =	vlt.f32 v31, $4.000000000e+00;
	v31 =	vadd.s32 v62, v24  }
0x192: {  	s29 =	simm.s32 $0x80;
	s26 =	simm.s32 $0x40;
	v29 =	vsub.f32 v30, v29;
	v24 =	vor.u32 $0x1, v25;
	vm0 =	vmand vm1, vm0;
	[tilespmem:s30+$0xC00] =	vst v31  }
.LBB2_8:
0x193: {  	p0 =	sne.s32 s29, $0x380;
	v30 =	vmov s28;
	v21 =	vsub.f32 v21, v28;
	s31 =	smov.u32 s29;
	s29 =	sadd.s32 $0x40, s29  }
0x194: {  	v28 =	vshrl.u32 v30, $0x9;
	[tilespmem:s30+$0xAC50] =	vst v29  }
0x195: {  	v31 =	vsel vm0, $0x3F800000, v3;
	v29 =	vmulhi.u32 $0x55555556, v28;
	[tilespmem:s30+$0xAD40] =	vst v21  }
0x196: {  	v32 =	vadd.s32 $0x4, v25;
	v33 =	vadd.s32 s28, v6;
	v21 =	vadd.s32 s28, v5;
	[tilespmem:s30+$0xAB60] =	vst v31  }
0x197: {  	vm8 =	vlt.u32 v21, $0x600;
	v21 =	vadd.s32 s28, v7;
	v29 =	vmul.u32 $0x3, v29;
	v27 =	vld.idx.msk [tilespmem:v27+s25+$0x0], $0xffff  }
0x198: {  	vm9 =	vlt.u32 v30, v4;
	vm7 =	vlt.u32 v21, $0x600;
	v31 =	vld.idx.msk [tilespmem:v25+s25+$0x0], $0xffff;
	v25 =	vadd.s32 $0x5, v25  }
0x199: {  	v21 =	vsub.s32 v28, v29;
	v26 =	vld.idx.msk [tilespmem:v26+s25+$0x0], $0xffff;
	v28 =	vadd.s32 s28, v8;
	v29 =	vsel vm7, $0xBF000000, v3  }
0x19a: {  	vm10 =	vlt.u32 v33, $0x600;
	vm0 =	veq.s32 v21, $0x0;
	vm1 =	veq.s32 v21, $0x1  }
0x19b: {  	v34 =	vmul.u32 $0x21340, v21;
	v30 =	vsel vm1, $0x42780000, v9;
	v33 =	vsel vm1, $0x42340000, v11  }
0x19c: {  	v29 =	vsel vm8, $0x3F000000, v29;
	v30 =	vsel vm0, $0x41F00000, v30;
	v33 =	vsel vm0, $0x42740000, v33  }
0x19d: {  	vm11 =	vlt.u32 v28, $0x600;
	v25 =	vld.idx.msk [tilespmem:v25+s25+$0x0], $0xffff;
	(erf) = vrcp.f32 v30  }
0x19e: {  	v35 =	vmul.f32 $4.000000000e+01, v27;
	v27 =	vsel vm11, $0xBF000000, v3;
	(erf) = vrcp.f32 v33  }
0x19f: {  	v28 =	vtrunc.f32 v31;
	v27 =	vsel vm10, $0x3F000000, v27;
	v21 =	vmul.f32 $4.000000000e+01, v26;
	v26 =	vld.idx.msk [tilespmem:v32+s25+$0x0], $0xffff  }
0x1a0: {  	v28 =	vcvt.f32.s32 v28;
	v31 =	vand.u32 $0x7FFFFFFF, v35;
	v29 =	vsub.f32 v35, v29  }
0x1a1: {  	v32 =	vmul.f32 v31, v10;
	v36 =	vand.u32 $0x7FFFFFFF, v21;
	v27 =	vsub.f32 v21, v27  }
0x1a2: {  	vm12 =	vlt.f32 v35, $3.900000000e+01;
	vm0 =	vlt.f32 v21, $3.900000000e+01;
	v37 =	vmul.f32 v36, v10  }
0x1a3: {  	v28 =	vmul.u32 $0x639C0, v28;
	v32 =	vfloor.f32 v32;
	v25 =	vmul.f32 $4.000000000e+01, v25  }
0x1a4: {  	s30 =	sshra.s32 s26, $0x2;
	s26 =	smov.u32 s31;
	vm13 =	vgt.f32 v21, $1.000000000e+00;
	v31 =	vsub.f32 v31, v32;
	v32 =	vfloor.f32 v37;
	v24 =	vld.idx.msk [tilespmem:v24+s25+$0x0], $0xffff  }
0x1a5: {  	vm1 =	vgt.f32 v35, $1.000000000e+00;
	v38 =	vmul.f32 $4.000000000e+01, v26;
	v32 =	vsub.f32 v36, v32;
	[tilespmem:s30+$0xAF20] =	vst v25  }
0x1a6: {  	v37 =	vand.u32 $0x80000000, v21;
	vm2 =	veq.f32 v31, $1.000000000e+00;
	v36 =	vand.u32 $0x80000000, v35;
	[tilespmem:s30+$0xB010] =	vst v30;
	v30 =	vpop (erf)  }
0x1a7: {  	v28 =	vadd.s32 v34, v28;
	v31 =	vsel vm2, $0x0, v31;
	v30 =	vmul.f32 v38, v30;
	[tilespmem:s30+$0xAE30] =	vst v38;
	v26 =	vpop (erf)  }
0x1a8: {  	vm2 =	veq.f32 v32, $1.000000000e+00;
	v26 =	vmul.f32 v25, v26;
	v25 =	vand.u32 $0x7FFFFFFF, v31;
	[tilespmem:s30+$0xB100] =	vst v33  }
0x1a9: {  	v31 =	vsel vm2, $0x0, v32;
	v25 =	vor.u32 v36, v25;
	(erf) = vrcp.f32 v30  }
0x1aa: {  	v31 =	vand.u32 $0x7FFFFFFF, v31;
	vm2 =	vlt.f32 v25, $5.000000000e-01;
	(erf) = vrcp.f32 v26  }
0x1ab: {  	v31 =	vor.u32 v37, v31;
	vm1 =	vmand vm1, vm2;
	vm2 =	vgt.f32 v25, $5.000000000e-01  }
0x1ac: {  	vm14 =	vgt.f32 v31, $5.000000000e-01;
	vm1 =	vmand vm8, vm1;
	vm8 =	vlt.f32 v31, $5.000000000e-01  }
0x1ad: {  	vm2 =	vmand vm12, vm2;
	vm1 =	vmor vm9, vm1;
	vm8 =	vmand vm13, vm8  }
0x1ae: {  	vm0 =	vmand vm0, vm14;
	vm2 =	vmand vm7, vm2;
	vm8 =	vmand vm10, vm8  }
0x1af: {  	v25 =	vtrunc.f32 v29;
	vm0 =	vmand vm11, vm0;
	vm1 =	vmor vm1, vm8  }
0x1b0: {  	s28 =	sadd.s32 $0x10, s28;
	v27 =	vtrunc.f32 v27;
	v25 =	vcvt.f32.s32 v25;
	vm1 =	vmor vm2, vm1  }
0x1b1: {  	v27 =	vcvt.f32.s32 v27;
	v24 =	vtrunc.f32 v24;
	v29 =	vor.u32 s28, v0  }
0x1b2: {  	v29 =	vand.u32 $0x1FF, v29;
	v31 =	vadd.s32 v25, v28;
	v32 =	vcvt.s32.f32 v25;
	v28 =	vpop (erf)  }
.Ltmp3:
0x1b3: {  	v24 =	vcvt.f32.s32 v24;
	v25 =	vmul.u32 $0x6, v29;
	v29 =	vmul.u32 $0x28, v27;
	v33 =	vpop (erf);
	(pc) =	sbr.rel @p0 .LBB2_8-.Ltmp3, $4  }
0x1b4: {  	v30 =	vmax.f32 v30, v28;
	v28 =	vcvt.s32.f32 v27;
	v33 =	vmax.f32 v26, v33  }
0x1b5: {  	vm0 =	vmor vm0, vm1;
	v26 =	vadd.s32 $0x3, v25;
	v30 =	vmax.f32 v30, v33;
	[tilespmem:s30+$0xB1F0] =	vst v24  }
0x1b6: {  	v29 =	vadd.s32 v29, v31;
	v27 =	vadd.s32 $0x2, v25;
	vm1 =	vlt.f32 v30, $4.000000000e+00  }
0x1b7: {  	v24 =	vor.u32 $0x1, v25;
	vm0 =	vmand vm1, vm0;
	[tilespmem:s30+$0xC00] =	vst v29;
	v29 =	vsub.f32 v35, v32  }
0x1b8: {  	v30 =	vmov s28  }
0x1b9: {  	v21 =	vsub.f32 v21, v28;
	v31 =	vshrl.u32 v30, $0x9  }
0x1ba: {  	[tilespmem:s30+$0xAC50] =	vst v29;
	v28 =	vmulhi.u32 $0x55555556, v31  }
0x1bb: {  	v29 =	vsel vm0, $0x3F800000, v3;
	[tilespmem:s30+$0xAD40] =	vst v21  }
0x1bc: {  	v21 =	vadd.s32 s28, v5;
	[tilespmem:s30+$0xAB60] =	vst v29;
	v28 =	vmul.u32 $0x3, v28  }
0x1bd: {  	v32 =	vadd.s32 $0x4, v25;
	v33 =	vadd.s32 s28, v6;
	vm7 =	vlt.u32 v21, $0x600;
	v21 =	vld.idx.msk [tilespmem:v27+s25+$0x0], $0xffff  }
0x1be: {  	vm9 =	vlt.u32 v30, v4;
	v29 =	vadd.s32 $0x5, v25;
	v25 =	vld.idx.msk [tilespmem:v25+s25+$0x0], $0xffff;
	v28 =	vsub.s32 v31, v28  }
0x1bf: {  	vm10 =	vlt.u32 v33, $0x600;
	v27 =	vadd.s32 s28, v7;
	v26 =	vld.idx.msk [tilespmem:v26+s25+$0x0], $0xffff;
	vm0 =	veq.s32 v28, $0x1  }
0x1c0: {  	v24 =	vld.idx.msk [tilespmem:v24+s25+$0x0], $0xffff;
	vm8 =	vlt.u32 v27, $0x600;
	vm1 =	veq.s32 v28, $0x0;
	v30 =	vsel vm0, $0x42780000, v9  }
0x1c1: {  	v27 =	vadd.s32 s28, v8;
	v34 =	vsel vm0, $0x42340000, v11;
	v30 =	vsel vm1, $0x41F00000, v30  }
0x1c2: {  	v31 =	vsel vm8, $0xBF000000, v3;
	v57 =	vsel vm1, $0x42740000, v34;
	(erf) = vrcp.f32 v30  }
0x1c3: {  	v32 =	vld.idx.msk [tilespmem:v32+s25+$0x0], $0xffff;
	v28 =	vmul.u32 $0x21340, v28;
	vm0 =	vlt.u32 v27, $0x600;
	(erf) = vrcp.f32 v57  }
0x1c4: {  	v27 =	vsel vm7, $0x3F000000, v31;
	v21 =	vmul.f32 $4.000000000e+01, v21;
	v25 =	vtrunc.f32 v25  }
0x1c5: {  	v29 =	vld.idx.msk [tilespmem:v29+s25+$0x0], $0xffff;
	v26 =	vmul.f32 $4.000000000e+01, v26;
	v24 =	vtrunc.f32 v24;
	v31 =	vsel vm0, $0xBF000000, v3  }
0x1c6: {  	v25 =	vcvt.f32.s32 v25;
	v24 =	vcvt.f32.s32 v24;
	v31 =	vsel vm10, $0x3F000000, v31  }
0x1c7: {  	v58 =	vand.u32 $0x7FFFFFFF, v21;
	v27 =	vsub.f32 v21, v27;
	v36 =	vand.u32 $0x7FFFFFFF, v26  }
0x1c8: {  	vm12 =	vlt.f32 v21, $3.900000000e+01;
	vm11 =	vlt.f32 v26, $3.900000000e+01;
	v32 =	vmul.f32 $4.000000000e+01, v32  }
0x1c9: {  	v35 =	vmul.f32 v58, v10;
	v37 =	vmul.f32 v36, v10;
	v25 =	vmul.u32 $0x639C0, v25  }
0x1ca: {  	vm1 =	vgt.f32 v26, $1.000000000e+00;
	vm2 =	vgt.f32 v21, $1.000000000e+00;
	v29 =	vmul.f32 $4.000000000e+01, v29  }
0x1cb: {  	v35 =	vfloor.f32 v35;
	v59 =	vfloor.f32 v37;
	v25 =	vadd.s32 v28, v25;
	v60 =	vpop (erf)  }
0x1cc: {  	v34 =	vsub.f32 v58, v35;
	v35 =	vsub.f32 v36, v59;
	v36 =	vmul.f32 v32, v60;
	v28 =	vpop (erf)  }
0x1cd: {  	v61 =	vand.u32 $0x80000000, v21;
	v27 =	vtrunc.f32 v27;
	v28 =	vmul.f32 v29, v28  }
0x1ce: {  	v62 =	vand.u32 $0x80000000, v26;
	v27 =	vcvt.f32.s32 v27;
	(erf) = vrcp.f32 v36  }
0x1cf: {  	v31 =	vsub.f32 v26, v31;
	vm13 =	veq.f32 v34, $1.000000000e+00;
	(erf) = vrcp.f32 v28  }
0x1d0: {  	v25 =	vadd.s32 v27, v25;
	v34 =	vsel vm13, $0x0, v34;
	vm13 =	veq.f32 v35, $1.000000000e+00  }
0x1d1: {  	v27 =	vcvt.s32.f32 v27;
	v34 =	vand.u32 $0x7FFFFFFF, v34;
	v35 =	vsel vm13, $0x0, v35  }
0x1d2: {  	v31 =	vtrunc.f32 v31;
	v34 =	vor.u32 v61, v34;
	v35 =	vand.u32 $0x7FFFFFFF, v35  }
0x1d3: {  	v21 =	vsub.f32 v21, v27;
	vm13 =	vlt.f32 v34, $5.000000000e-01;
	v35 =	vor.u32 v62, v35  }
0x1d4: {  	s0 =	sshra.s32 s26, $0x2;
	vm2 =	vmand vm2, vm13;
	vm13 =	vgt.f32 v34, $5.000000000e-01;
	vm14 =	vgt.f32 v35, $5.000000000e-01  }
0x1d5: {  	[tilespmem:s0+$0xAF20] =	vst v29;
	v29 =	vcvt.f32.s32 v31;
	vm2 =	vmand vm7, vm2;
	vm7 =	vlt.f32 v35, $5.000000000e-01  }
0x1d6: {  	vm2 =	vmor vm9, vm2;
	vm1 =	vmand vm1, vm7;
	vm7 =	vmand vm12, vm13  }
0x1d7: {  	[tilespmem:s0+$0xB010] =	vst v30;
	v31 =	vmul.u32 $0x28, v29;
	v29 =	vcvt.s32.f32 v29;
	vm1 =	vmand vm10, vm1;
	v30 =	vpop (erf)  }
0x1d8: {  	[tilespmem:s0+$0xB100] =	vst v57;
	vm7 =	vmand vm8, vm7;
	vm8 =	vmand vm11, vm14;
	vm1 =	vmor vm2, vm1;
	v63 =	vpop (erf)  }
0x1d9: {  	[tilespmem:s0+$0xB1F0] =	vst v24;
	vm0 =	vmand vm0, vm8;
	v30 =	vmax.f32 v36, v30;
	v28 =	vmax.f32 v28, v63  }
0x1da: {  	[tilespmem:s0+$0xAE30] =	vst v32;
	v24 =	vadd.s32 v31, v25;
	vm1 =	vmor vm7, vm1;
	v28 =	vmax.f32 v30, v28  }
0x1db: {  	[tilespmem:s0+$0xC00] =	vst v24;
	v24 =	vsub.f32 v26, v29;
	vm0 =	vmor vm0, vm1;
	vm1 =	vlt.f32 v28, $4.000000000e+00  }
0x1dc: {  	[tilespmem:s0+$0xAC50] =	vst v21;
	vm0 =	vmand vm1, vm0  }
0x1dd: {  	[tilespmem:s0+$0xAD40] =	vst v24;
	v21 =	vsel vm0, $0x3F800000, v3  }
0x1de: {  	s25 =	simm.s32 $0x0;
	[tilespmem:s0+$0xAB60] =	vst v21  }
0x1df: {  	v21 =	vld [tilespmem:s25+$0xCE0]  }
0x1e0: {  	v24 =	vld [tilespmem:s25+$0xC00]  }
0x1e1: {  	v25 =	vld [tilespmem:s25+$0xC10]  }
0x1e2: {  	v26 =	vld [tilespmem:s25+$0xC20]  }
0x1e3: {  	v27 =	vld [tilespmem:s25+$0xC30]  }
0x1e4: {  	v28 =	vld [tilespmem:s25+$0xC40];
	v21 =	vadd.s32 $0x640, v21  }
0x1e5: {  	v29 =	vld [tilespmem:s25+$0xC50];
	v24 =	vadd.s32 $0x640, v24;
	[tilespmem:s25+$0xDD0] =	vst v21  }
0x1e6: {  	[tilespmem:s25+$0xCF0] =	vst v24;
	v21 =	vadd.s32 $0x640, v25;
	v25 =	vld [tilespmem:s25+$0xC60]  }
0x1e7: {  	[tilespmem:s25+$0xD00] =	vst v21;
	v21 =	vadd.s32 $0x640, v26;
	v26 =	vld [tilespmem:s25+$0xC70]  }
0x1e8: {  	[tilespmem:s25+$0xD10] =	vst v21;
	v21 =	vadd.s32 $0x640, v27;
	v27 =	vld [tilespmem:s25+$0xC80]  }
0x1e9: {  	v24 =	vadd.s32 $0x640, v28;
	[tilespmem:s25+$0xD20] =	vst v21;
	v21 =	vld [tilespmem:s25+$0xC90]  }
0x1ea: {  	v28 =	vadd.s32 $0x640, v29;
	[tilespmem:s25+$0xD30] =	vst v24;
	v24 =	vld [tilespmem:s25+$0xCA0]  }
0x1eb: {  	[tilespmem:s25+$0xD40] =	vst v28;
	v28 =	vadd.s32 $0x640, v25;
	v25 =	vld [tilespmem:s25+$0xCB0]  }
0x1ec: {  	[tilespmem:s25+$0xD50] =	vst v28;
	v28 =	vadd.s32 $0x640, v26;
	v26 =	vld [tilespmem:s25+$0xCC0]  }
0x1ed: {  	s26 =	simm.s32 $0xF0;
	s28 =	simm.s32 $0x780;
	[tilespmem:s25+$0xD60] =	vst v28;
	v28 =	vadd.s32 $0x640, v27;
	v27 =	vld [tilespmem:s25+$0xCD0]  }
.LBB2_10:
0x1ee: {  	p0 =	sne.s32 s28, $0x13740;
	v29 =	vld [tilespmem:s26+$0xCE0];
	[tilespmem:s25+$0xD70] =	vst v28;
	v21 =	vadd.s32 $0x640, v21  }
0x1ef: {  	v28 =	vld [tilespmem:s26+$0xC00];
	[tilespmem:s25+$0xD80] =	vst v21;
	v21 =	vadd.s32 $0x640, v24  }
0x1f0: {  	v24 =	vld [tilespmem:s26+$0xC10];
	[tilespmem:s25+$0xD90] =	vst v21;
	v21 =	vadd.s32 $0x640, v25  }
0x1f1: {  	v25 =	vld [tilespmem:s26+$0xC20];
	[tilespmem:s25+$0xDA0] =	vst v21;
	v21 =	vadd.s32 $0x640, v26  }
0x1f2: {  	v26 =	vld [tilespmem:s26+$0xC30];
	[tilespmem:s25+$0xDB0] =	vst v21;
	v21 =	vadd.s32 $0x640, v27  }
0x1f3: {  	v27 =	vld [tilespmem:s26+$0xC40];
	v29 =	vadd.s32 $0x640, v29;
	[tilespmem:s25+$0xDC0] =	vst v21;
	s25 =	smov.u32 s26  }
0x1f4: {  	v21 =	vadd.s32 $0x640, v28;
	v28 =	vld [tilespmem:s25+$0xC50];
	[tilespmem:s25+$0xDD0] =	vst v29  }
0x1f5: {  	[tilespmem:s25+$0xCF0] =	vst v21;
	v21 =	vadd.s32 $0x640, v24;
	v29 =	vld [tilespmem:s25+$0xC60]  }
0x1f6: {  	[tilespmem:s25+$0xD00] =	vst v21;
	v21 =	vadd.s32 $0x640, v25;
	v30 =	vld [tilespmem:s25+$0xC70]  }
0x1f7: {  	[tilespmem:s25+$0xD10] =	vst v21;
	v21 =	vadd.s32 $0x640, v26;
	v31 =	vld [tilespmem:s25+$0xC80]  }
.Ltmp4:
0x1f8: {  	[tilespmem:s25+$0xD20] =	vst v21;
	v24 =	vadd.s32 $0x640, v27;
	v21 =	vld [tilespmem:s25+$0xC90];
	(pc) =	sbr.rel @p0 .LBB2_10-.Ltmp4, $4  }
0x1f9: {  	[tilespmem:s25+$0xD30] =	vst v24;
	v25 =	vadd.s32 $0x640, v28;
	v24 =	vld [tilespmem:s25+$0xCA0]  }
0x1fa: {  	[tilespmem:s25+$0xD40] =	vst v25;
	v26 =	vadd.s32 $0x640, v29;
	v25 =	vld [tilespmem:s25+$0xCB0]  }
0x1fb: {  	[tilespmem:s25+$0xD50] =	vst v26;
	v27 =	vadd.s32 $0x640, v30;
	v26 =	vld [tilespmem:s25+$0xCC0]  }
0x1fc: {  	s26 =	sshra.s32 s28, $0x2;
	s28 =	sadd.s32 $0x3C0, s28;
	[tilespmem:s25+$0xD60] =	vst v27;
	v28 =	vadd.s32 $0x640, v31;
	v27 =	vld [tilespmem:s25+$0xCD0]  }
0x1fd: {  	v29 =	vld [tilespmem:s26+$0xCE0];
	[tilespmem:s25+$0xD70] =	vst v28;
	v21 =	vadd.s32 $0x640, v21  }
0x1fe: {  	v28 =	vld [tilespmem:s26+$0xC00];
	[tilespmem:s25+$0xD80] =	vst v21;
	v21 =	vadd.s32 $0x640, v24  }
0x1ff: {  	v24 =	vld [tilespmem:s26+$0xC10];
	[tilespmem:s25+$0xD90] =	vst v21;
	v21 =	vadd.s32 $0x640, v25  }
0x200: {  	v25 =	vld [tilespmem:s26+$0xC20];
	[tilespmem:s25+$0xDA0] =	vst v21;
	v21 =	vadd.s32 $0x640, v26  }
0x201: {  	v26 =	vld [tilespmem:s26+$0xC30];
	[tilespmem:s25+$0xDB0] =	vst v21;
	v21 =	vadd.s32 $0x640, v27  }
0x202: {  	v27 =	vld [tilespmem:s26+$0xC40];
	[tilespmem:s25+$0xDC0] =	vst v21;
	v21 =	vadd.s32 $0x640, v29  }
0x203: {  	v29 =	vld [tilespmem:s26+$0xC50];
	v28 =	vadd.s32 $0x640, v28;
	[tilespmem:s26+$0xDD0] =	vst v21  }
0x204: {  	[tilespmem:s26+$0xCF0] =	vst v28;
	v21 =	vadd.s32 $0x640, v24;
	v24 =	vld [tilespmem:s26+$0xC60]  }
0x205: {  	[tilespmem:s26+$0xD00] =	vst v21;
	v21 =	vadd.s32 $0x640, v25;
	v25 =	vld [tilespmem:s26+$0xC70]  }
0x206: {  	[tilespmem:s26+$0xD10] =	vst v21;
	v21 =	vadd.s32 $0x640, v26;
	v26 =	vld [tilespmem:s26+$0xC80]  }
0x207: {  	[tilespmem:s26+$0xD20] =	vst v21;
	v21 =	vadd.s32 $0x640, v27;
	v27 =	vld [tilespmem:s26+$0xC90]  }
0x208: {  	v28 =	vld [tilespmem:s26+$0xCA0];
	[tilespmem:s26+$0xD30] =	vst v21;
	v21 =	vadd.s32 $0x640, v29  }
0x209: {  	[tilespmem:s26+$0xD40] =	vst v21;
	v21 =	vadd.s32 $0x640, v24;
	v24 =	vld [tilespmem:s26+$0xCB0]  }
0x20a: {  	[tilespmem:s26+$0xD50] =	vst v21;
	v21 =	vadd.s32 $0x640, v25;
	v25 =	vld [tilespmem:s26+$0xCC0]  }
0x20b: {  	[tilespmem:s26+$0xD60] =	vst v21;
	v21 =	vadd.s32 $0x640, v26;
	v26 =	vld [tilespmem:s26+$0xCD0]  }
0x20c: {  	[tilespmem:s26+$0xD70] =	vst v21;
	v21 =	vadd.s32 $0x640, v27  }
0x20d: {  	[tilespmem:s26+$0xD80] =	vst v21;
	v21 =	vadd.s32 $0x640, v28  }
0x20e: {  	[tilespmem:s26+$0xD90] =	vst v21;
	v21 =	vadd.s32 $0x640, v24  }
0x20f: {  	[tilespmem:s26+$0xDA0] =	vst v21;
	v21 =	vadd.s32 $0x640, v25  }
0x210: {  	[tilespmem:s26+$0xDB0] =	vst v21;
	v21 =	vadd.s32 $0x640, v26  }
0x211: {  	[tilespmem:s26+$0xDC0] =	vst v21  }
0x212: {  	[tilespmem:s19], [sflag:$0x1] =	stream.indirect.gather [hbm4b:s4+s17], $0x1, s18, s17, $0xb8;
	[tilespmem:$0xB3A0] =	vst v63  }
0x213: {  	_ =	swait.ge [sflag:s20], $0x4FB0  }
0x214: {  	[sflag:s20] =	ssyncset.done $0x0  }
0x215: {  	s25 =	simm.s32 $0x0;
	[sflag:s20] =	ssyncadd.s32 $0xFFFFB050  }
0x216: {  	v21 =	vld [tilespmem:s25+$0x5CA0]  }
0x217: {  	v24 =	vld [tilespmem:s25+$0x5E80];
	_ =	sdelay $0x1  }
0x218: {  	v25 =	vld [tilespmem:s25+$0x5D90];
	_ =	sdelay $0x1  }
0x219: {  	v21 =	vsub.f32 $0.0e+00, v21  }
0x21a: {  	v26 =	vld [tilespmem:s25+$0x5BB0];
	v24 =	vsub.f32 $0.0e+00, v24  }
0x21b: {  	v21 =	vmul.f32 $1.442695020e+00, v21  }
0x21c: {  	v25 =	vsub.f32 $0.0e+00, v25;
	v24 =	vmul.f32 $1.442695020e+00, v24  }
0x21d: {  	(erf) = vpow2.f32 v21  }
0x21e: {  	v25 =	vmul.f32 $1.442695020e+00, v25;
	(erf) = vpow2.f32 v24  }
0x21f: {  	v21 =	vsub.f32 $0.0e+00, v26  }
0x220: {  	(erf) = vpow2.f32 v25  }
0x221: {  	v21 =	vmul.f32 $1.442695020e+00, v21;
	_ =	sdelay $0x1  }
0x222: {  	(erf) = vpow2.f32 v21;
	_ =	sdelay $0x2  }
0x223: {  	v21 =	vpop (erf)  }
0x224: {  	v24 =	vpop (erf)  }
0x225: {  	v24 =	vadd.f32 $1.000000000e+00, v24  }
0x226: {  	v25 =	vpop (erf)  }
0x227: {  	s26 =	simm.s32 $0x10;
	v27 =	vld [tilespmem:s25+$0xAD40];
	v25 =	vadd.f32 $1.000000000e+00, v25;
	(erf) = vrcp.f32 v24  }
0x228: {  	v29 =	vld [tilespmem:s26+$0x5CA0]  }
0x229: {  	v31 =	vld [tilespmem:s26+$0x5E80];
	v21 =	vadd.f32 $1.000000000e+00, v21;
	v28 =	vpop (erf);
	(erf) = vrcp.f32 v25  }
0x22a: {  	v30 =	vld [tilespmem:s26+$0x5BB0];
	v28 =	vadd.f32 $1.000000000e+00, v28  }
0x22b: {  	v24 =	vld [tilespmem:s25+$0xAF20];
	(erf) = vrcp.f32 v21  }
0x22c: {  	s31 =	simm.s32 $0x10;
	v26 =	vld [tilespmem:s25+$0xB1F0];
	(erf) = vrcp.f32 v28  }
0x22d: {  	s29 =	simm.s32 $0x20;
	v38 =	vmov s31;
	v29 =	vsub.f32 $0.0e+00, v29;
	v25 =	vld [tilespmem:s25+$0xAE30]  }
0x22e: {  	s0 =	simm.s32 $0x0;
	v61 =	vmov s29;
	v55 =	vadd.s32 $0x4B0, v38;
	v31 =	vsub.f32 $0.0e+00, v31;
	v28 =	vld [tilespmem:s26+$0x5D90]  }
0x22f: {  	v33 =	vld [tilespmem:s25+$0xAC50];
	v30 =	vsub.f32 $0.0e+00, v30;
	v29 =	vmul.f32 $1.442695020e+00, v29;
	v21 =	vmov s0  }
0x230: {  	v35 =	vld [tilespmem:s25+$0xB100];
	v31 =	vmul.f32 $1.442695020e+00, v31;
	v32 =	vadd.s32 $0x4B0, v21;
	v24 =	vmul.f32 $5.000000000e-01, v24;
	v45 =	vpop (erf)  }
0x231: {  	v26 =	vmul.u32 $0xF0, v26;
	v34 =	vbroadcast v32, $0x0;
	v32 =	vadd.f32 v45, v45  }
0x232: {  	v37 =	vld [tilespmem:s25+$0xB010];
	v25 =	vmul.f32 $5.000000000e-01, v25;
	v39 =	vsub.f32 v27, v24;
	v24 =	vadd.f32 v24, v27;
	v36 =	vpop (erf)  }
0x233: {  	v28 =	vsub.f32 $0.0e+00, v28;
	v36 =	vadd.f32 v36, v36;
	v32 =	vmul.f32 v32, v32  }
0x234: {  	v40 =	vsub.f32 v33, v25;
	v25 =	vadd.f32 v25, v33;
	(erf) = vpow2.f32 v29;
	v47 =	vpop (erf)  }
0x235: {  	v48 =	vpop (erf);
	v46 =	vmul.f32 v36, v36;
	v36 =	vadd.f32 v47, v47;
	v32 =	vmul.f32 v35, v32  }
0x236: {  	v28 =	vmul.f32 $1.442695020e+00, v28;
	(erf) = vpow2.f32 v31;
	v35 =	vadd.f32 v48, v48  }
0x237: {  	v33 =	vmul.f32 v37, v46;
	v29 =	vadd.f32 $-5.000000000e-01, v36;
	v32 =	vmul.f32 $5.000000000e-01, v32  }
0x238: {  	v27 =	vmul.f32 $1.442695020e+00, v30;
	v49 =	vsub.f32 v24, v39;
	(erf) = vpow2.f32 v28  }
0x239: {  	v31 =	vadd.f32 $-5.000000000e-01, v35;
	v33 =	vmul.f32 $5.000000000e-01, v33;
	v28 =	vadd.f32 v32, v29  }
0x23a: {  	v30 =	vsub.f32 v25, v40;
	(erf) = vpow2.f32 v27;
	v29 =	vsub.f32 v29, v32  }
0x23b: {  	v35 =	vadd.f32 v33, v31;
	v27 =	vsub.f32 v31, v33;
	v31 =	vmax.f32 v28, v24  }
0x23c: {  	v24 =	vmin.f32 v28, v24;
	v41 =	vmax.f32 v29, v39;
	v28 =	vsub.f32 v28, v29  }
0x23d: {  	v50 =	vmin.f32 v35, v25;
	v33 =	vmax.f32 v27, v40;
	v51 =	vsub.f32 v35, v27  }
0x23e: {  	v54 =	vld [tilespmem:s26+$0xAF20];
	v25 =	vmax.f32 v35, v25;
	v27 =	vmin.f32 v27, v40;
	v24 =	vsub.f32 v24, v41  }
0x23f: {  	v32 =	vsub.f32 v50, v33;
	v25 =	vsub.f32 v25, v27;
	v27 =	vmin.f32 v29, v39  }
0x240: {  	v53 =	vpop (erf);
	v29 =	vmul.f32 v49, v30;
	v28 =	vmul.f32 v28, v51;
	v27 =	vsub.f32 v31, v27  }
0x241: {  	s28 =	simm.s32 $0x20;
	v52 =	vld [tilespmem:s26+$0xB1F0];
	v31 =	vpop (erf);
	v24 =	vmax.f32 v24, $0.0e+00;
	v32 =	vmax.f32 v32, $0.0e+00;
	v25 =	vadd.f32 $1.000000020e-16, v25  }
0x242: {  	v58 =	vld [tilespmem:s28+$0x5BB0];
	v31 =	vadd.f32 $1.000000000e+00, v31;
	v56 =	vpop (erf);
	v32 =	vmul.f32 v24, v32;
	v24 =	vadd.f32 v28, v29  }
0x243: {  	v59 =	vld [tilespmem:s28+$0x5D90];
	v62 =	vmul.f32 $5.000000000e-01, v54;
	v29 =	vadd.f32 $1.000000000e+00, v56;
	v25 =	vmul.f32 v27, v25  }
0x244: {  	v26 =	vadd.s32 v34, v26;
	v30 =	vld [tilespmem:s26+$0xAD40];
	(erf) = vrcp.f32 v31;
	v57 =	vsub.f32 v24, v32  }
0x245: {  	v26 =	vor.u32 v0, v26;
	v28 =	vld [tilespmem:s26+$0xAE30];
	(erf) = vrcp.f32 v29;
	v45 =	vadd.f32 $1.000000020e-16, v25  }
0x246: {  	v27 =	vld [tilespmem:s28+$0x5CA0];
	v31 =	vbroadcast v55, $0x0;
	v24 =	vmul.u32 $0xF0, v52;
	(erf) = vrcp.f32 v57  }
0x247: {  	v63 =	vsub.f32 $0.0e+00, v58;
	v35 =	vadd.f32 $1.000000000e+00, v53;
	v29 =	vld [tilespmem:s28+$0x5E80];
	v25 =	vpop (erf);
	(erf) = vrcp.f32 v45  }
0x248: {  	v47 =	vsub.f32 $0.0e+00, v59;
	v24 =	vadd.s32 v31, v24;
	v31 =	vld [tilespmem:s26+$0xAC50];
	v60 =	vadd.f32 $1.000000000e+00, v25  }
0x249: {  	v34 =	vld [tilespmem:s28+$0xB1F0];
	v37 =	vsub.f32 v30, v62;
	v41 =	vadd.f32 v62, v30;
	(erf) = vrcp.f32 v35  }
0x24a: {  	v26 =	vld.idx.msk [tilespmem:v26+s19+$0x0], $0xffff;
	v42 =	vor.u32 v0, v24;
	v28 =	vmul.f32 $5.000000000e-01, v28;
	(erf) = vrcp.f32 v60  }
0x24b: {  	v21 =	vimm.f32 $0.0e+00;
	v46 =	vld [tilespmem:s26+$0xB100];
	v27 =	vsub.f32 $0.0e+00, v27;
	v35 =	vsub.f32 v45, v57  }
0x24c: {  	v24 =	vld [tilespmem:s26+$0x5F70];
	v45 =	vmul.f32 $1.442695020e+00, v47;
	v44 =	vsub.f32 $0.0e+00, v29;
	v29 =	vadd.s32 $0x4B0, v61  }
0x24d: {  	v25 =	vld [tilespmem:s25+$0x5F70];
	v33 =	vbroadcast v29, $0x0;
	v43 =	vmul.f32 $1.442695020e+00, v27;
	v39 =	vsub.f32 v31, v28;
	v30 =	vpop (erf)  }
0x24e: {  	v47 =	vld [tilespmem:s26+$0xB010];
	v40 =	vadd.f32 v28, v31;
	v44 =	vmul.f32 $1.442695020e+00, v44;
	v27 =	vadd.f32 v30, v30;
	v28 =	vpop (erf)  }
0x24f: {  	v31 =	vld.idx.msk [tilespmem:v42+s19+$0x0], $0xffff;
	v42 =	vmul.f32 $1.442695020e+00, v63;
	v30 =	vimm.f32 $0.0e+00;
	v49 =	vadd.f32 v28, v28;
	v36 =	vpop (erf)  }
0x250: {  	s30 =	simm.s32 $0xC0;
	v29 =	vld [tilespmem:s28+$0x5F70];
	v28 =	vimm.f32 $0.0e+00;
	v48 =	vmul.f32 v27, v27;
	v27 =	vimm.f32 $0.0e+00;
	v38 =	vpop (erf)  }
.LBB2_12:
0x251: {  	p0 =	sne.s32 s30, $0x380;
	v34 =	vmul.u32 $0xF0, v34;
	v32 =	vmul.f32 v36, v32;
	v35 =	vmul.f32 v35, v38  }
0x252: {  	v38 =	vsub.f32 v40, v39;
	v36 =	vmul.f32 v49, v49;
	v49 =	vsub.f32 v41, v37;
	v50 =	vpop (erf);
	v51 =	vld [tilespmem:s25+$0xAB60];
	s25 =	smov.u32 s26;
	s26 =	smov.u32 s28  }
0x253: {  	v50 =	vadd.f32 v50, v50;
	v46 =	vmul.f32 v46, v48;
	v48 =	vpop (erf);
	v35 =	vsub.f32 v32, v35  }
0x254: {  	(erf) = vpow2.f32 v43;
	v32 =	vadd.f32 v48, v48;
	v36 =	vmul.f32 v47, v36  }
0x255: {  	v43 =	vadd.f32 $-5.000000000e-01, v50;
	v46 =	vmul.f32 $5.000000000e-01, v46;
	v47 =	vsub.f32 $1.000000000e+00, v35  }
0x256: {  	(erf) = vpow2.f32 v44;
	v32 =	vadd.f32 $-5.000000000e-01, v32;
	v36 =	vmul.f32 $5.000000000e-01, v36  }
0x257: {  	(erf) = vpow2.f32 v45;
	v44 =	vadd.f32 v46, v43;
	v45 =	vmul.f32 v47, v51  }
0x258: {  	(erf) = vpow2.f32 v42;
	v42 =	vsub.f32 v32, v36;
	v32 =	vadd.f32 v36, v32  }
0x259: {  	v36 =	vsub.f32 v43, v46;
	v43 =	vmax.f32 v44, v41;
	v21 =	vadd.f32 v45, v21  }
0x25a: {  	v41 =	vmin.f32 v44, v41;
	v45 =	vmin.f32 v32, v40;
	v46 =	vmax.f32 v42, v39  }
0x25b: {  	v47 =	vmax.f32 v36, v37;
	v48 =	vsub.f32 v32, v42;
	v44 =	vsub.f32 v44, v36  }
0x25c: {  	v32 =	vmax.f32 v32, v40;
	v39 =	vmin.f32 v42, v39;
	v45 =	vsub.f32 v45, v46  }
0x25d: {  	v36 =	vmin.f32 v36, v37;
	v41 =	vsub.f32 v41, v47;
	v32 =	vsub.f32 v32, v39;
	v40 =	vpop (erf)  }
0x25e: {  	v38 =	vmul.f32 v49, v38;
	v36 =	vsub.f32 v43, v36;
	v37 =	vmul.f32 v44, v48  }
0x25f: {  	v43 =	vmax.f32 v45, $0.0e+00;
	v41 =	vmax.f32 v41, $0.0e+00;
	v44 =	vadd.f32 $1.000000020e-16, v32;
	v42 =	vld [tilespmem:s26+$0xAD40];
	v39 =	vpop (erf)  }
0x260: {  	v32 =	vmul.f32 v41, v43;
	v37 =	vadd.f32 v37, v38;
	v45 =	vld [tilespmem:s26+$0xAF20];
	v39 =	vadd.f32 $1.000000000e+00, v39;
	v46 =	vpop (erf)  }
0x261: {  	s28 =	sshra.s32 s30, $0x2;
	v33 =	vadd.s32 v33, v34;
	v36 =	vmul.f32 v36, v44;
	v38 =	vld [tilespmem:s26+$0xAE30];
	v41 =	vadd.f32 $1.000000000e+00, v46;
	v34 =	vpop (erf)  }
0x262: {  	v33 =	vor.u32 v0, v33;
	v48 =	vsub.f32 v37, v32;
	v43 =	vld [tilespmem:s28+$0x5CA0];
	(erf) = vrcp.f32 v39  }
0x263: {  	v36 =	vadd.f32 $1.000000020e-16, v36;
	v39 =	vmul.f32 v51, v25;
	v25 =	vmovc v24;
	v24 =	vmovc v29;
	v37 =	vld [tilespmem:s28+$0x5BB0];
	(erf) = vrcp.f32 v41  }
0x264: {  	v29 =	vmax.f32 v35, $0.0e+00;
	v35 =	vmul.f32 v26, v51;
	v26 =	vmovc v31;
	v41 =	vld [tilespmem:s28+$0x5E80];
	(erf) = vrcp.f32 v48  }
0x265: {  	s29 =	sadd.s32 $0x10, s29;
	v31 =	vadd.f32 $1.000000000e+00, v40;
	v29 =	vmul.f32 v29, v39;
	v44 =	vld [tilespmem:s28+$0x5D90];
	(erf) = vrcp.f32 v36  }
0x266: {  	v46 =	vadd.f32 $1.000000000e+00, v34;
	v39 =	vmov s29;
	v30 =	vadd.f32 v35, v30;
	v40 =	vld [tilespmem:s26+$0xAC50]  }
0x267: {  	v27 =	vadd.f32 v51, v27;
	v28 =	vadd.f32 v29, v28;
	v34 =	vld [tilespmem:s28+$0xB1F0];
	(erf) = vrcp.f32 v31  }
0x268: {  	v35 =	vsub.f32 $0.0e+00, v43;
	v43 =	vmul.f32 $5.000000000e-01, v45;
	v29 =	vld [tilespmem:s28+$0x5F70];
	(erf) = vrcp.f32 v46  }
0x269: {  	v51 =	vmul.f32 $5.000000000e-01, v38;
	v45 =	vsub.f32 $0.0e+00, v37;
	v47 =	vsub.f32 $0.0e+00, v41;
	v31 =	vld.idx.msk [tilespmem:v33+s19+$0x0], $0xffff  }
.Ltmp5:
0x26a: {  	v33 =	vadd.s32 $0x4B0, v39;
	v37 =	vsub.f32 v42, v43;
	v49 =	vsub.f32 $0.0e+00, v44;
	(pc) =	sbr.rel @p0 .LBB2_12-.Ltmp5, $4  }
0x26b: {  	v41 =	vadd.f32 v43, v42;
	v33 =	vbroadcast v33, $0x0;
	v39 =	vsub.f32 v40, v51;
	v42 =	vpop (erf)  }
0x26c: {  	v43 =	vmul.f32 $1.442695020e+00, v35;
	v40 =	vadd.f32 v51, v40;
	v46 =	vld [tilespmem:s26+$0xB100];
	v50 =	vadd.f32 v42, v42;
	v38 =	vpop (erf)  }
0x26d: {  	v35 =	vsub.f32 v36, v48;
	v44 =	vmul.f32 $1.442695020e+00, v47;
	v42 =	vmul.f32 $1.442695020e+00, v45;
	v47 =	vld [tilespmem:s26+$0xB010];
	v36 =	vpop (erf)  }
0x26e: {  	s30 =	sadd.s32 $0x40, s30;
	v45 =	vmul.f32 $1.442695020e+00, v49;
	v49 =	vadd.f32 v38, v38;
	v48 =	vmul.f32 v50, v50;
	v38 =	vpop (erf)  }
0x26f: {  	_ = 	snop  }
0x270: {  	(erf) = vpow2.f32 v43;
	v50 =	vpop (erf)  }
0x271: {  	v49 =	vmul.f32 v49, v49;
	v50 =	vadd.f32 v50, v50;
	v46 =	vmul.f32 v46, v48;
	v57 =	vpop (erf)  }
0x272: {  	(erf) = vpow2.f32 v44;
	v48 =	vadd.f32 v57, v57  }
0x273: {  	v47 =	vmul.f32 v47, v49;
	v58 =	vadd.f32 $-5.000000000e-01, v50;
	v46 =	vmul.f32 $5.000000000e-01, v46  }
0x274: {  	v51 =	vsub.f32 v40, v39;
	(erf) = vpow2.f32 v45  }
0x275: {  	v59 =	vadd.f32 $-5.000000000e-01, v48;
	v47 =	vmul.f32 $5.000000000e-01, v47;
	v60 =	vadd.f32 v46, v58  }
0x276: {  	(erf) = vpow2.f32 v42;
	v48 =	vsub.f32 v41, v37;
	v62 =	vsub.f32 v58, v46  }
0x277: {  	v61 =	vsub.f32 v59, v47;
	v44 =	vadd.f32 v47, v59;
	v43 =	vmax.f32 v60, v41  }
0x278: {  	v57 =	vmin.f32 v60, v41;
	v58 =	vmax.f32 v62, v37;
	v45 =	vsub.f32 v60, v62  }
0x279: {  	v63 =	vmin.f32 v44, v40;
	v56 =	vmax.f32 v61, v39;
	v52 =	vsub.f32 v44, v61  }
0x27a: {  	v59 =	vmax.f32 v44, v40;
	v60 =	vmin.f32 v61, v39;
	v41 =	vsub.f32 v57, v58  }
0x27b: {  	v61 =	vmin.f32 v62, v37;
	v46 =	vsub.f32 v63, v56;
	v39 =	vsub.f32 v59, v60  }
0x27c: {  	v49 =	vmul.f32 v48, v51;
	v62 =	vpop (erf);
	v37 =	vsub.f32 v43, v61;
	v63 =	vmul.f32 v45, v52  }
0x27d: {  	v50 =	vpop (erf);
	v41 =	vmax.f32 v41, $0.0e+00;
	v51 =	vmax.f32 v46, $0.0e+00;
	v39 =	vadd.f32 $1.000000020e-16, v39  }
0x27e: {  	v43 =	vadd.f32 $1.000000000e+00, v50;
	v52 =	vpop (erf);
	v41 =	vmul.f32 v41, v51;
	v42 =	vadd.f32 v63, v49  }
0x27f: {  	v53 =	vadd.f32 $1.000000000e+00, v52;
	v37 =	vmul.f32 v37, v39  }
0x280: {  	(erf) = vrcp.f32 v43;
	v39 =	vsub.f32 v42, v41  }
0x281: {  	(erf) = vrcp.f32 v53;
	v37 =	vadd.f32 $1.000000020e-16, v37  }
0x282: {  	v40 =	vadd.f32 $1.000000000e+00, v62;
	v54 =	vpop (erf);
	(erf) = vrcp.f32 v39  }
0x283: {  	v42 =	vadd.f32 $1.000000000e+00, v54;
	(erf) = vrcp.f32 v37  }
0x284: {  	(erf) = vrcp.f32 v40  }
0x285: {  	v55 =	vld [tilespmem:s28+$0xAF20];
	(erf) = vrcp.f32 v42  }
0x286: {  	v44 =	vld [tilespmem:s28+$0xAC50]  }
0x287: {  	v56 =	vld [tilespmem:s28+$0xAE30]  }
0x288: {  	v59 =	vld [tilespmem:s28+$0xB010]  }
0x289: {  	v60 =	vld [tilespmem:s28+$0xB100];
	v57 =	vpop (erf)  }
0x28a: {  	v40 =	vld [tilespmem:s28+$0xAD40];
	v45 =	vadd.f32 v57, v57;
	v58 =	vpop (erf)  }
0x28b: {  	v49 =	vpop (erf);
	v46 =	vadd.f32 v58, v58  }
0x28c: {  	v43 =	vmul.f32 $5.000000000e-01, v56;
	v45 =	vmul.f32 v45, v45;
	v50 =	vpop (erf)  }
0x28d: {  	v42 =	vmul.f32 $5.000000000e-01, v55;
	v46 =	vmul.f32 v46, v46;
	v61 =	vpop (erf)  }
0x28e: {  	v63 =	vsub.f32 v44, v43;
	v45 =	vmul.f32 v60, v45;
	v62 =	vpop (erf);
	v51 =	vadd.f32 v61, v61  }
0x28f: {  	v53 =	vsub.f32 v40, v42;
	v52 =	vadd.f32 v62, v62;
	v46 =	vmul.f32 v59, v46  }
0x290: {  	v40 =	vadd.f32 v42, v40;
	v45 =	vmul.f32 $5.000000000e-01, v45;
	v57 =	vadd.f32 $-5.000000000e-01, v51  }
0x291: {  	v43 =	vadd.f32 v43, v44;
	v56 =	vadd.f32 $-5.000000000e-01, v52;
	v46 =	vmul.f32 $5.000000000e-01, v46  }
0x292: {  	v54 =	vsub.f32 v40, v53;
	v51 =	vadd.f32 v45, v57  }
0x293: {  	v44 =	vsub.f32 v57, v45;
	v42 =	vadd.f32 v46, v56  }
0x294: {  	v59 =	vsub.f32 v43, v63;
	v58 =	vsub.f32 v56, v46;
	v62 =	vmax.f32 v51, v40  }
0x295: {  	v40 =	vmin.f32 v51, v40;
	v51 =	vsub.f32 v51, v44;
	v60 =	vmin.f32 v42, v43  }
0x296: {  	v61 =	vmax.f32 v58, v63;
	v43 =	vmax.f32 v42, v43;
	v42 =	vsub.f32 v42, v58  }
0x297: {  	v47 =	vmin.f32 v58, v63;
	v63 =	vmax.f32 v44, v53;
	v45 =	vsub.f32 v60, v61  }
0x298: {  	v44 =	vmin.f32 v44, v53;
	v40 =	vsub.f32 v40, v63;
	v43 =	vsub.f32 v43, v47  }
0x299: {  	v46 =	vmul.f32 v54, v59;
	v44 =	vsub.f32 v62, v44;
	v42 =	vmul.f32 v51, v42  }
0x29a: {  	v45 =	vmax.f32 v45, $0.0e+00;
	v40 =	vmax.f32 v40, $0.0e+00;
	v43 =	vadd.f32 $1.000000020e-16, v43  }
0x29b: {  	v40 =	vmul.f32 v40, v45;
	v42 =	vadd.f32 v42, v46  }
0x29c: {  	v43 =	vmul.f32 v44, v43  }
0x29d: {  	v42 =	vsub.f32 v42, v40  }
0x29e: {  	v43 =	vadd.f32 $1.000000020e-16, v43  }
0x29f: {  	(erf) = vrcp.f32 v42  }
0x2a0: {  	(erf) = vrcp.f32 v43;
	_ =	sdelay $0x1  }
0x2a1: {  	v55 =	vld [tilespmem:s25+$0xAB60]  }
0x2a2: {  	v32 =	vmul.f32 v36, v32;
	v35 =	vmul.f32 v35, v38;
	v34 =	vmul.u32 $0xF0, v34;
	_ =	sdelay $0x1  }
0x2a3: {  	v32 =	vsub.f32 v32, v35;
	v33 =	vadd.s32 v33, v34  }
0x2a4: {  	v33 =	vor.u32 v0, v33;
	v56 =	vsub.f32 v37, v39  }
0x2a5: {  	v25 =	vmul.f32 v55, v25;
	v57 =	vsub.f32 $1.000000000e+00, v32;
	v32 =	vmax.f32 v32, $0.0e+00  }
0x2a6: {  	v59 =	vld [tilespmem:s26+$0xAB60];
	v58 =	vmul.f32 v49, v41;
	v35 =	vmul.f32 v56, v50;
	v60 =	vsub.f32 v43, v42;
	v61 =	vpop (erf)  }
0x2a7: {  	v26 =	vmul.f32 v26, v55;
	v27 =	vadd.f32 v55, v27;
	v25 =	vmul.f32 v32, v25;
	v62 =	vpop (erf)  }
0x2a8: {  	v34 =	vsub.f32 v58, v35;
	v44 =	vld [tilespmem:s28+$0xAB60];
	v63 =	vmul.f32 v61, v40;
	v39 =	vmul.f32 v60, v62  }
0x2a9: {  	v26 =	vadd.f32 v26, v30;
	v37 =	vmul.f32 v57, v55;
	v25 =	vadd.f32 v25, v28  }
0x2aa: {  	v45 =	vsub.f32 $1.000000000e+00, v34;
	v35 =	vsub.f32 v63, v39  }
0x2ab: {  	v21 =	vadd.f32 v37, v21;
	v24 =	vmul.f32 v59, v24;
	v31 =	vmul.f32 v31, v59;
	v46 =	vld.idx.msk [tilespmem:v33+s19+$0x0], $0xffff  }
0x2ac: {  	v48 =	vmax.f32 v34, $0.0e+00;
	v47 =	vmul.f32 v45, v59;
	v49 =	vsub.f32 $1.000000000e+00, v35  }
0x2ad: {  	v27 =	vadd.f32 v59, v27;
	v24 =	vmul.f32 v48, v24;
	v29 =	vmul.f32 v44, v29  }
0x2ae: {  	v21 =	vadd.f32 v47, v21;
	v51 =	vmax.f32 v35, $0.0e+00;
	v50 =	vmul.f32 v49, v44  }
0x2af: {  	v24 =	vadd.f32 v24, v25;
	v27 =	vadd.f32 v44, v27;
	v52 =	vmul.f32 v51, v29  }
0x2b0: {  	v26 =	vadd.f32 v31, v26;
	v53 =	vmul.f32 v46, v44;
	v21 =	vadd.f32 v50, v21  }
0x2b1: {  	[tilespmem:$0xB330] =	vst v27;
	v24 =	vadd.f32 v52, v24  }
0x2b2: {  	[tilespmem:$0xB320] =	vst v21;
	v21 =	vadd.f32 v53, v26  }
0x2b3: {  	[tilespmem:$0xB340] =	vst v24  }
0x2b4: {  	s25 =	simm.s32 $0x0;
	[tilespmem:$0xB350] =	vst v21  }
0x2b5: {  	[hbm4b:s9+s25] =	stream.linear.scatter [tilespmem:s21], [sflag:$0x2], $0x4B00, $0x38;
	[tilespmem:$0xB3A0] =	vst v63  }
0x2b6: {  	_ =	swait.ge [sflag:s16], $0x4B00  }
0x2b7: {  	[sflag:s16] =	ssyncset.done $0x0  }
0x2b8: {  	[sflag:s16] =	ssyncadd.s32 $0xFFFFB500  }
0x2b9: {  	[hbm4b:s10+s25] =	stream.linear.scatter [tilespmem:s22], [sflag:$0x2], $0xF0, $0x38;
	[tilespmem:$0xB3A0] =	vst v63  }
0x2ba: {  	_ =	swait.ge [sflag:s16], $0xF0  }
0x2bb: {  	[sflag:s16] =	ssyncset.done $0x0  }
0x2bc: {  	[sflag:s16] =	ssyncadd.s32 $0xFFFFFF10  }
0x2bd: {  	v16 =	vld.idx.msk [tilespmem:v16+s25+$0x0], $0xffff;
	_ =	sdelay $0x1  }
0x2be: {  	v21 =	vsel vm5, $0x431C0000, v12;
	v18 =	vld.idx.msk [tilespmem:v18+s25+$0x0], $0xffff  }
0x2bf: {  	v54 =	vsel vm5, $0x43460000, v13;
	v21 =	vsel vm4, $0x42E80000, v21;
	v15 =	vld.idx.msk [tilespmem:v15+s25+$0x0], $0xffff  }
0x2c0: {  	v24 =	vsel vm4, $0x42B40000, v54;
	(erf) = vrcp.f32 v21;
	v17 =	vld.idx.msk [tilespmem:v17+s25+$0x0], $0xffff  }
0x2c1: {  	(erf) = vrcp.f32 v24;
	v55 =	vmul.f32 $8.000000000e+01, v16;
	_ =	sdelay $0x1  }
0x2c2: {  	v16 =	vmul.u32 $0x84D00, v14;
	v14 =	vmul.f32 $8.000000000e+01, v18;
	v18 =	vld.idx.msk [tilespmem:v23+s25+$0x0], $0xffff;
	v23 =	vand.u32 $0x7FFFFFFF, v55  }
0x2c3: {  	v15 =	vtrunc.f32 v15;
	v56 =	vmul.f32 v23, v10  }
0x2c4: {  	v17 =	vmul.f32 $8.000000000e+01, v17;
	v15 =	vcvt.f32.s32 v15;
	v20 =	vsub.f32 v55, v20  }
0x2c5: {  	v57 =	vand.u32 $0x7FFFFFFF, v14;
	v19 =	vsub.f32 v14, v19;
	v26 =	vfloor.f32 v56  }
0x2c6: {  	vm4 =	vlt.f32 v55, $7.900000000e+01;
	vm0 =	vlt.f32 v14, $7.900000000e+01;
	v23 =	vsub.f32 v23, v26  }
0x2c7: {  	vm1 =	vgt.f32 v14, $1.000000000e+00;
	v15 =	vmul.u32 $0x18E700, v15;
	v18 =	vmul.f32 $8.000000000e+01, v18  }
0x2c8: {  	v60 =	vand.u32 $0x80000000, v55;
	v62 =	vpop (erf);
	v58 =	vmul.f32 v57, v10;
	vm11 =	veq.f32 v23, $1.000000000e+00  }
0x2c9: {  	v15 =	vadd.s32 v16, v15;
	v16 =	vpop (erf);
	v29 =	vmul.f32 v18, v62;
	v23 =	vsel vm11, $0x0, v23  }
0x2ca: {  	v59 =	vfloor.f32 v58;
	v63 =	vmul.f32 v17, v16;
	v16 =	vand.u32 $0x7FFFFFFF, v23  }
0x2cb: {  	v26 =	vsub.f32 v57, v59;
	(erf) = vrcp.f32 v29;
	v16 =	vor.u32 v60, v16  }
0x2cc: {  	(erf) = vrcp.f32 v63;
	vm13 =	vlt.f32 v16, $5.000000000e-01;
	vm14 =	vgt.f32 v16, $5.000000000e-01;
	v16 =	vld.idx.msk [tilespmem:v22+s25+$0x0], $0xffff  }
0x2cd: {  	vm2 =	vgt.f32 v55, $1.000000000e+00;
	v20 =	vtrunc.f32 v20;
	vm12 =	veq.f32 v26, $1.000000000e+00;
	v22 =	vld [tilespmem:$0x1FFF0]  }
0x2ce: {  	v19 =	vtrunc.f32 v19;
	v20 =	vcvt.f32.s32 v20;
	v23 =	vsel vm12, $0x0, v26  }
0x2cf: {  	v61 =	vand.u32 $0x80000000, v14;
	v19 =	vcvt.f32.s32 v19;
	v23 =	vand.u32 $0x7FFFFFFF, v23  }
0x2d0: {  	v15 =	vadd.s32 v20, v15;
	v20 =	vcvt.s32.f32 v20;
	v23 =	vor.u32 v61, v23  }
0x2d1: {  	vm2 =	vmand vm2, vm13;
	vm7 =	vlt.f32 v23, $5.000000000e-01;
	vm8 =	vgt.f32 v23, $5.000000000e-01  }
0x2d2: {  	vm2 =	vmand vm3, vm2;
	vm3 =	vnez.u8 v22;
	v22 =	vld [tilespmem:$0x1FFE0];
	v23 =	vtrunc.f32 v16  }
0x2d3: {  	s30 =	simm.s32 $0x0;
	v20 =	vsub.f32 v55, v20;
	vm4 =	vmand vm4, vm14;
	vm1 =	vmand vm1, vm7  }
0x2d4: {  	[tilespmem:s30+$0xAF20] =	vst v17;
	vm0 =	vmand vm0, vm8;
	vm2 =	vmor vm6, vm2;
	vm1 =	vmand vm15, vm1;
	v17 =	vpop (erf)  }
0x2d5: {  	[tilespmem:s30+$0xB010] =	vst v21;
	vm1 =	vmor vm2, vm1;
	vm3 =	vmand vm3, vm4;
	v21 =	vcvt.f32.s32 v23;
	v23 =	vpop (erf)  }
0x2d6: {  	s28 =	sadd.s32 $0x10, s15;
	[tilespmem:s30+$0xAE30] =	vst v18;
	vm1 =	vmor vm3, vm1;
	v18 =	vmax.f32 v29, v17;
	v23 =	vmax.f32 v63, v23  }
0x2d7: {  	vm2 =	vnez.u8 v22;
	v22 =	vor.u32 s28, v0;
	v23 =	vmax.f32 v18, v23  }
0x2d8: {  	vm0 =	vmand vm2, vm0;
	v16 =	vand.u32 $0x1FF, v22;
	v22 =	vmul.u32 $0x50, v19  }
0x2d9: {  	[tilespmem:s30+$0xB100] =	vst v24;
	v16 =	vmul.u32 $0x6, v16;
	vm0 =	vmor vm0, vm1;
	vm1 =	vlt.f32 v23, $4.000000000e+00  }
0x2da: {  	[tilespmem:s30+$0xB1F0] =	vst v21;
	v19 =	vcvt.s32.f32 v19;
	v21 =	vadd.s32 v22, v15;
	vm0 =	vmand vm1, vm0  }
0x2db: {  	s29 =	simm.s32 $0x80;
	s26 =	simm.s32 $0x40;
	v17 =	vadd.s32 $0x3, v16;
	v18 =	vadd.s32 $0x2, v16;
	v15 =	vor.u32 $0x1, v16;
	[tilespmem:s30+$0xC00] =	vst v21  }
.LBB2_14:
0x2dc: {  	p0 =	sne.s32 s29, $0x380;
	v21 =	vmov s28;
	v14 =	vsub.f32 v14, v19;
	s31 =	smov.u32 s29;
	s29 =	sadd.s32 $0x40, s29  }
0x2dd: {  	v19 =	vshrl.u32 v21, $0x9;
	[tilespmem:s30+$0xAC50] =	vst v20  }
0x2de: {  	v22 =	vsel vm0, $0x3F800000, v3;
	v20 =	vmulhi.u32 $0x55555556, v19;
	[tilespmem:s30+$0xAD40] =	vst v14  }
0x2df: {  	v23 =	vadd.s32 $0x4, v16;
	v24 =	vadd.s32 s28, v6;
	v14 =	vadd.s32 s28, v5;
	[tilespmem:s30+$0xAB60] =	vst v22  }
0x2e0: {  	vm1 =	vlt.u32 v14, $0x600;
	v14 =	vadd.s32 s28, v7;
	v20 =	vmul.u32 $0x3, v20;
	v18 =	vld.idx.msk [tilespmem:v18+s25+$0x0], $0xffff  }
0x2e1: {  	vm2 =	vlt.u32 v21, v4;
	vm0 =	vlt.u32 v14, $0x600;
	v22 =	vld.idx.msk [tilespmem:v16+s25+$0x0], $0xffff;
	v16 =	vadd.s32 $0x5, v16  }
0x2e2: {  	v14 =	vsub.s32 v19, v20;
	v17 =	vld.idx.msk [tilespmem:v17+s25+$0x0], $0xffff;
	v19 =	vadd.s32 s28, v8;
	v20 =	vsel vm0, $0xBF000000, v3  }
0x2e3: {  	vm3 =	vlt.u32 v24, $0x600;
	vm4 =	veq.s32 v14, $0x0;
	vm5 =	veq.s32 v14, $0x1  }
0x2e4: {  	v25 =	vmul.u32 $0x84D00, v14;
	v21 =	vsel vm5, $0x431C0000, v12;
	v24 =	vsel vm5, $0x43460000, v13  }
0x2e5: {  	v20 =	vsel vm1, $0x3F000000, v20;
	v21 =	vsel vm4, $0x42E80000, v21;
	v24 =	vsel vm4, $0x42B40000, v24  }
0x2e6: {  	vm4 =	vlt.u32 v19, $0x600;
	v16 =	vld.idx.msk [tilespmem:v16+s25+$0x0], $0xffff;
	(erf) = vrcp.f32 v21  }
0x2e7: {  	v26 =	vmul.f32 $8.000000000e+01, v18;
	v18 =	vsel vm4, $0xBF000000, v3;
	(erf) = vrcp.f32 v24  }
0x2e8: {  	v19 =	vtrunc.f32 v22;
	v14 =	vmul.f32 $8.000000000e+01, v17;
	v18 =	vsel vm3, $0x3F000000, v18;
	v17 =	vld.idx.msk [tilespmem:v23+s25+$0x0], $0xffff  }
0x2e9: {  	v19 =	vcvt.f32.s32 v19;
	v22 =	vand.u32 $0x7FFFFFFF, v26;
	v20 =	vsub.f32 v26, v20  }
0x2ea: {  	v23 =	vmul.f32 v22, v10;
	v27 =	vand.u32 $0x7FFFFFFF, v14;
	v18 =	vsub.f32 v14, v18  }
0x2eb: {  	vm6 =	vlt.f32 v26, $7.900000000e+01;
	vm5 =	vlt.f32 v14, $7.900000000e+01;
	v28 =	vmul.f32 v27, v10  }
0x2ec: {  	v19 =	vmul.u32 $0x18E700, v19;
	v23 =	vfloor.f32 v23;
	v16 =	vmul.f32 $8.000000000e+01, v16  }
0x2ed: {  	s30 =	sshra.s32 s26, $0x2;
	s26 =	smov.u32 s31;
	vm7 =	vgt.f32 v14, $1.000000000e+00;
	v22 =	vsub.f32 v22, v23;
	v23 =	vfloor.f32 v28;
	v15 =	vld.idx.msk [tilespmem:v15+s25+$0x0], $0xffff  }
0x2ee: {  	vm8 =	vgt.f32 v26, $1.000000000e+00;
	v29 =	vmul.f32 $8.000000000e+01, v17;
	v23 =	vsub.f32 v27, v23;
	[tilespmem:s30+$0xAF20] =	vst v16  }
0x2ef: {  	v28 =	vand.u32 $0x80000000, v14;
	vm9 =	veq.f32 v22, $1.000000000e+00;
	v27 =	vand.u32 $0x80000000, v26;
	[tilespmem:s30+$0xB010] =	vst v21;
	v21 =	vpop (erf)  }
0x2f0: {  	v19 =	vadd.s32 v25, v19;
	v22 =	vsel vm9, $0x0, v22;
	v21 =	vmul.f32 v29, v21;
	[tilespmem:s30+$0xAE30] =	vst v29;
	v17 =	vpop (erf)  }
0x2f1: {  	vm9 =	veq.f32 v23, $1.000000000e+00;
	v17 =	vmul.f32 v16, v17;
	v16 =	vand.u32 $0x7FFFFFFF, v22;
	[tilespmem:s30+$0xB100] =	vst v24  }
0x2f2: {  	v22 =	vsel vm9, $0x0, v23;
	v16 =	vor.u32 v27, v16;
	(erf) = vrcp.f32 v21  }
0x2f3: {  	v22 =	vand.u32 $0x7FFFFFFF, v22;
	vm9 =	vlt.f32 v16, $5.000000000e-01;
	(erf) = vrcp.f32 v17  }
0x2f4: {  	v22 =	vor.u32 v28, v22;
	vm8 =	vmand vm8, vm9;
	vm9 =	vgt.f32 v16, $5.000000000e-01  }
0x2f5: {  	vm10 =	vgt.f32 v22, $5.000000000e-01;
	vm1 =	vmand vm1, vm8;
	vm8 =	vlt.f32 v22, $5.000000000e-01  }
0x2f6: {  	vm6 =	vmand vm6, vm9;
	vm1 =	vmor vm2, vm1;
	vm2 =	vmand vm7, vm8  }
0x2f7: {  	vm0 =	vmand vm0, vm6;
	vm2 =	vmand vm3, vm2;
	vm3 =	vmand vm5, vm10  }
0x2f8: {  	v16 =	vtrunc.f32 v20;
	vm1 =	vmor vm1, vm2;
	vm2 =	vmand vm4, vm3  }
0x2f9: {  	s28 =	sadd.s32 $0x10, s28;
	v18 =	vtrunc.f32 v18;
	v16 =	vcvt.f32.s32 v16;
	vm0 =	vmor vm0, vm1  }
0x2fa: {  	v18 =	vcvt.f32.s32 v18;
	v15 =	vtrunc.f32 v15;
	v20 =	vor.u32 s28, v0  }
0x2fb: {  	v20 =	vand.u32 $0x1FF, v20;
	v22 =	vadd.s32 v16, v19;
	v23 =	vcvt.s32.f32 v16;
	v19 =	vpop (erf)  }
.Ltmp6:
0x2fc: {  	v15 =	vcvt.f32.s32 v15;
	v16 =	vmul.u32 $0x6, v20;
	v20 =	vmul.u32 $0x50, v18;
	v24 =	vpop (erf);
	(pc) =	sbr.rel @p0 .LBB2_14-.Ltmp6, $4  }
0x2fd: {  	v21 =	vmax.f32 v21, v19;
	v19 =	vcvt.s32.f32 v18;
	v24 =	vmax.f32 v17, v24  }
0x2fe: {  	vm0 =	vmor vm2, vm0;
	v17 =	vadd.s32 $0x3, v16;
	v21 =	vmax.f32 v21, v24;
	[tilespmem:s30+$0xB1F0] =	vst v15  }
0x2ff: {  	v20 =	vadd.s32 v20, v22;
	v18 =	vadd.s32 $0x2, v16;
	vm1 =	vlt.f32 v21, $4.000000000e+00  }
0x300: {  	v15 =	vor.u32 $0x1, v16;
	vm0 =	vmand vm1, vm0;
	[tilespmem:s30+$0xC00] =	vst v20;
	v20 =	vsub.f32 v26, v23  }
0x301: {  	v21 =	vmov s28  }
0x302: {  	v14 =	vsub.f32 v14, v19;
	v22 =	vshrl.u32 v21, $0x9  }
0x303: {  	[tilespmem:s30+$0xAC50] =	vst v20;
	v19 =	vmulhi.u32 $0x55555556, v22  }
0x304: {  	v20 =	vsel vm0, $0x3F800000, v3;
	[tilespmem:s30+$0xAD40] =	vst v14  }
0x305: {  	v14 =	vadd.s32 s28, v5;
	[tilespmem:s30+$0xAB60] =	vst v20;
	v19 =	vmul.u32 $0x3, v19  }
0x306: {  	v23 =	vadd.s32 $0x4, v16;
	v24 =	vadd.s32 s28, v6;
	vm15 =	vlt.u32 v14, $0x600;
	v14 =	vld.idx.msk [tilespmem:v18+s25+$0x0], $0xffff  }
0x307: {  	vm2 =	vlt.u32 v21, v4;
	v20 =	vadd.s32 $0x5, v16;
	v16 =	vld.idx.msk [tilespmem:v16+s25+$0x0], $0xffff;
	v19 =	vsub.s32 v22, v19  }
0x308: {  	vm4 =	vlt.u32 v24, $0x600;
	v18 =	vadd.s32 s28, v7;
	v17 =	vld.idx.msk [tilespmem:v17+s25+$0x0], $0xffff;
	vm3 =	veq.s32 v19, $0x1  }
0x309: {  	v15 =	vld.idx.msk [tilespmem:v15+s25+$0x0], $0xffff;
	vm1 =	vlt.u32 v18, $0x600;
	vm5 =	veq.s32 v19, $0x0;
	v53 =	vsel vm3, $0x431C0000, v12  }
0x30a: {  	v18 =	vadd.s32 s28, v8;
	v25 =	vsel vm3, $0x43460000, v13;
	v21 =	vsel vm5, $0x42E80000, v53  }
0x30b: {  	v54 =	vsel vm1, $0xBF000000, v3;
	v55 =	vsel vm5, $0x42B40000, v25;
	(erf) = vrcp.f32 v21  }
0x30c: {  	v23 =	vld.idx.msk [tilespmem:v23+s25+$0x0], $0xffff;
	v19 =	vmul.u32 $0x84D00, v19;
	vm3 =	vlt.u32 v18, $0x600;
	(erf) = vrcp.f32 v55  }
0x30d: {  	v18 =	vsel vm15, $0x3F000000, v54;
	v14 =	vmul.f32 $8.000000000e+01, v14;
	v16 =	vtrunc.f32 v16  }
0x30e: {  	v20 =	vld.idx.msk [tilespmem:v20+s25+$0x0], $0xffff;
	v17 =	vmul.f32 $8.000000000e+01, v17;
	v15 =	vtrunc.f32 v15;
	v56 =	vsel vm3, $0xBF000000, v3  }
0x30f: {  	v16 =	vcvt.f32.s32 v16;
	v15 =	vcvt.f32.s32 v15;
	v22 =	vsel vm4, $0x3F000000, v56  }
0x310: {  	v57 =	vand.u32 $0x7FFFFFFF, v14;
	v18 =	vsub.f32 v14, v18;
	v27 =	vand.u32 $0x7FFFFFFF, v17  }
0x311: {  	vm6 =	vlt.f32 v14, $7.900000000e+01;
	vm5 =	vlt.f32 v17, $7.900000000e+01;
	v23 =	vmul.f32 $8.000000000e+01, v23  }
0x312: {  	v26 =	vmul.f32 v57, v10;
	v28 =	vmul.f32 v27, v10;
	v16 =	vmul.u32 $0x18E700, v16  }
0x313: {  	vm7 =	vgt.f32 v17, $1.000000000e+00;
	vm8 =	vgt.f32 v14, $1.000000000e+00;
	v20 =	vmul.f32 $8.000000000e+01, v20  }
0x314: {  	v26 =	vfloor.f32 v26;
	v58 =	vfloor.f32 v28;
	v16 =	vadd.s32 v19, v16;
	v59 =	vpop (erf)  }
0x315: {  	v25 =	vsub.f32 v57, v26;
	v26 =	vsub.f32 v27, v58;
	v27 =	vmul.f32 v23, v59;
	v19 =	vpop (erf)  }
0x316: {  	v60 =	vand.u32 $0x80000000, v14;
	v18 =	vtrunc.f32 v18;
	v19 =	vmul.f32 v20, v19  }
0x317: {  	v61 =	vand.u32 $0x80000000, v17;
	v18 =	vcvt.f32.s32 v18;
	(erf) = vrcp.f32 v27  }
0x318: {  	v22 =	vsub.f32 v17, v22;
	vm9 =	veq.f32 v25, $1.000000000e+00;
	(erf) = vrcp.f32 v19  }
0x319: {  	v16 =	vadd.s32 v18, v16;
	vm12 =	veq.f32 v26, $1.000000000e+00;
	v25 =	vsel vm9, $0x0, v25  }
0x31a: {  	v18 =	vcvt.s32.f32 v18;
	v26 =	vsel vm12, $0x0, v26;
	v25 =	vand.u32 $0x7FFFFFFF, v25  }
0x31b: {  	v22 =	vtrunc.f32 v22;
	v26 =	vand.u32 $0x7FFFFFFF, v26;
	v25 =	vor.u32 v60, v25  }
0x31c: {  	v14 =	vsub.f32 v14, v18;
	v26 =	vor.u32 v61, v26;
	vm13 =	vlt.f32 v25, $5.000000000e-01  }
0x31d: {  	s0 =	sshra.s32 s26, $0x2;
	vm14 =	vgt.f32 v25, $5.000000000e-01;
	vm10 =	vgt.f32 v26, $5.000000000e-01;
	vm8 =	vmand vm8, vm13  }
0x31e: {  	[tilespmem:s0+$0xAF20] =	vst v20;
	vm6 =	vmand vm6, vm14;
	vm13 =	vmand vm5, vm10;
	v20 =	vcvt.f32.s32 v22  }
0x31f: {  	vm0 =	vmand vm15, vm8;
	vm15 =	vlt.f32 v26, $5.000000000e-01;
	vm1 =	vmand vm1, vm6  }
0x320: {  	[tilespmem:s0+$0xB010] =	vst v21;
	vm14 =	vmand vm3, vm13;
	vm0 =	vmor vm2, vm0;
	vm12 =	vmand vm7, vm15;
	v62 =	vpop (erf)  }
0x321: {  	[tilespmem:s0+$0xB100] =	vst v55;
	v22 =	vmul.u32 $0x50, v20;
	v20 =	vcvt.s32.f32 v20;
	vm2 =	vmand vm4, vm12;
	v63 =	vpop (erf)  }
0x322: {  	[tilespmem:s0+$0xB1F0] =	vst v15;
	vm0 =	vmor vm0, vm2;
	v21 =	vmax.f32 v27, v62;
	v19 =	vmax.f32 v19, v63  }
0x323: {  	[tilespmem:s0+$0xAE30] =	vst v23;
	v15 =	vadd.s32 v22, v16;
	vm0 =	vmor vm1, vm0;
	v19 =	vmax.f32 v21, v19  }
0x324: {  	[tilespmem:s0+$0xC00] =	vst v15;
	v15 =	vsub.f32 v17, v20;
	vm0 =	vmor vm14, vm0;
	vm15 =	vlt.f32 v19, $4.000000000e+00  }
0x325: {  	[tilespmem:s0+$0xAC50] =	vst v14;
	vm0 =	vmand vm15, vm0  }
0x326: {  	[tilespmem:s0+$0xAD40] =	vst v15;
	v14 =	vsel vm0, $0x3F800000, v3  }
0x327: {  	s25 =	simm.s32 $0x0;
	[tilespmem:s0+$0xAB60] =	vst v14  }
0x328: {  	v14 =	vld [tilespmem:s25+$0xCE0]  }
0x329: {  	v15 =	vld [tilespmem:s25+$0xC00]  }
0x32a: {  	v16 =	vld [tilespmem:s25+$0xC10]  }
0x32b: {  	v17 =	vld [tilespmem:s25+$0xC20]  }
0x32c: {  	v18 =	vld [tilespmem:s25+$0xC30]  }
0x32d: {  	v19 =	vld [tilespmem:s25+$0xC40];
	v14 =	vadd.s32 $0x1900, v14  }
0x32e: {  	v20 =	vld [tilespmem:s25+$0xC50];
	v15 =	vadd.s32 $0x1900, v15;
	[tilespmem:s25+$0xDD0] =	vst v14  }
0x32f: {  	[tilespmem:s25+$0xCF0] =	vst v15;
	v14 =	vadd.s32 $0x1900, v16;
	v16 =	vld [tilespmem:s25+$0xC60]  }
0x330: {  	[tilespmem:s25+$0xD00] =	vst v14;
	v14 =	vadd.s32 $0x1900, v17;
	v17 =	vld [tilespmem:s25+$0xC70]  }
0x331: {  	[tilespmem:s25+$0xD10] =	vst v14;
	v14 =	vadd.s32 $0x1900, v18;
	v18 =	vld [tilespmem:s25+$0xC80]  }
0x332: {  	v15 =	vadd.s32 $0x1900, v19;
	[tilespmem:s25+$0xD20] =	vst v14;
	v14 =	vld [tilespmem:s25+$0xC90]  }
0x333: {  	v19 =	vadd.s32 $0x1900, v20;
	[tilespmem:s25+$0xD30] =	vst v15;
	v15 =	vld [tilespmem:s25+$0xCA0]  }
0x334: {  	[tilespmem:s25+$0xD40] =	vst v19;
	v19 =	vadd.s32 $0x1900, v16;
	v16 =	vld [tilespmem:s25+$0xCB0]  }
0x335: {  	[tilespmem:s25+$0xD50] =	vst v19;
	v19 =	vadd.s32 $0x1900, v17;
	v17 =	vld [tilespmem:s25+$0xCC0]  }
0x336: {  	s26 =	simm.s32 $0xF0;
	s28 =	simm.s32 $0x780;
	[tilespmem:s25+$0xD60] =	vst v19;
	v19 =	vadd.s32 $0x1900, v18;
	v18 =	vld [tilespmem:s25+$0xCD0]  }
.LBB2_16:
0x337: {  	p0 =	sne.s32 s28, $0x13740;
	v20 =	vld [tilespmem:s26+$0xCE0];
	[tilespmem:s25+$0xD70] =	vst v19;
	v14 =	vadd.s32 $0x1900, v14  }
0x338: {  	v19 =	vld [tilespmem:s26+$0xC00];
	[tilespmem:s25+$0xD80] =	vst v14;
	v14 =	vadd.s32 $0x1900, v15  }
0x339: {  	v15 =	vld [tilespmem:s26+$0xC10];
	[tilespmem:s25+$0xD90] =	vst v14;
	v14 =	vadd.s32 $0x1900, v16  }
0x33a: {  	v16 =	vld [tilespmem:s26+$0xC20];
	[tilespmem:s25+$0xDA0] =	vst v14;
	v14 =	vadd.s32 $0x1900, v17  }
0x33b: {  	v17 =	vld [tilespmem:s26+$0xC30];
	[tilespmem:s25+$0xDB0] =	vst v14;
	v14 =	vadd.s32 $0x1900, v18  }
0x33c: {  	v18 =	vld [tilespmem:s26+$0xC40];
	v20 =	vadd.s32 $0x1900, v20;
	[tilespmem:s25+$0xDC0] =	vst v14;
	s25 =	smov.u32 s26  }
0x33d: {  	v14 =	vadd.s32 $0x1900, v19;
	v19 =	vld [tilespmem:s25+$0xC50];
	[tilespmem:s25+$0xDD0] =	vst v20  }
0x33e: {  	[tilespmem:s25+$0xCF0] =	vst v14;
	v14 =	vadd.s32 $0x1900, v15;
	v20 =	vld [tilespmem:s25+$0xC60]  }
0x33f: {  	[tilespmem:s25+$0xD00] =	vst v14;
	v14 =	vadd.s32 $0x1900, v16;
	v21 =	vld [tilespmem:s25+$0xC70]  }
0x340: {  	[tilespmem:s25+$0xD10] =	vst v14;
	v14 =	vadd.s32 $0x1900, v17;
	v22 =	vld [tilespmem:s25+$0xC80]  }
.Ltmp7:
0x341: {  	[tilespmem:s25+$0xD20] =	vst v14;
	v15 =	vadd.s32 $0x1900, v18;
	v14 =	vld [tilespmem:s25+$0xC90];
	(pc) =	sbr.rel @p0 .LBB2_16-.Ltmp7, $4  }
0x342: {  	[tilespmem:s25+$0xD30] =	vst v15;
	v16 =	vadd.s32 $0x1900, v19;
	v15 =	vld [tilespmem:s25+$0xCA0]  }
0x343: {  	[tilespmem:s25+$0xD40] =	vst v16;
	v17 =	vadd.s32 $0x1900, v20;
	v16 =	vld [tilespmem:s25+$0xCB0]  }
0x344: {  	[tilespmem:s25+$0xD50] =	vst v17;
	v18 =	vadd.s32 $0x1900, v21;
	v17 =	vld [tilespmem:s25+$0xCC0]  }
0x345: {  	s26 =	sshra.s32 s28, $0x2;
	s28 =	sadd.s32 $0x3C0, s28;
	[tilespmem:s25+$0xD60] =	vst v18;
	v19 =	vadd.s32 $0x1900, v22;
	v18 =	vld [tilespmem:s25+$0xCD0]  }
0x346: {  	v20 =	vld [tilespmem:s26+$0xCE0];
	[tilespmem:s25+$0xD70] =	vst v19;
	v14 =	vadd.s32 $0x1900, v14  }
0x347: {  	v19 =	vld [tilespmem:s26+$0xC00];
	[tilespmem:s25+$0xD80] =	vst v14;
	v14 =	vadd.s32 $0x1900, v15  }
0x348: {  	v15 =	vld [tilespmem:s26+$0xC10];
	[tilespmem:s25+$0xD90] =	vst v14;
	v14 =	vadd.s32 $0x1900, v16  }
0x349: {  	v16 =	vld [tilespmem:s26+$0xC20];
	[tilespmem:s25+$0xDA0] =	vst v14;
	v14 =	vadd.s32 $0x1900, v17  }
0x34a: {  	v17 =	vld [tilespmem:s26+$0xC30];
	[tilespmem:s25+$0xDB0] =	vst v14;
	v14 =	vadd.s32 $0x1900, v18  }
0x34b: {  	v18 =	vld [tilespmem:s26+$0xC40];
	[tilespmem:s25+$0xDC0] =	vst v14;
	v14 =	vadd.s32 $0x1900, v20  }
0x34c: {  	v20 =	vld [tilespmem:s26+$0xC50];
	v19 =	vadd.s32 $0x1900, v19;
	[tilespmem:s26+$0xDD0] =	vst v14  }
0x34d: {  	[tilespmem:s26+$0xCF0] =	vst v19;
	v14 =	vadd.s32 $0x1900, v15;
	v15 =	vld [tilespmem:s26+$0xC60]  }
0x34e: {  	[tilespmem:s26+$0xD00] =	vst v14;
	v14 =	vadd.s32 $0x1900, v16;
	v16 =	vld [tilespmem:s26+$0xC70]  }
0x34f: {  	[tilespmem:s26+$0xD10] =	vst v14;
	v14 =	vadd.s32 $0x1900, v17;
	v17 =	vld [tilespmem:s26+$0xC80]  }
0x350: {  	[tilespmem:s26+$0xD20] =	vst v14;
	v14 =	vadd.s32 $0x1900, v18;
	v18 =	vld [tilespmem:s26+$0xC90]  }
0x351: {  	v19 =	vld [tilespmem:s26+$0xCA0];
	[tilespmem:s26+$0xD30] =	vst v14;
	v14 =	vadd.s32 $0x1900, v20  }
0x352: {  	[tilespmem:s26+$0xD40] =	vst v14;
	v14 =	vadd.s32 $0x1900, v15;
	v15 =	vld [tilespmem:s26+$0xCB0]  }
0x353: {  	[tilespmem:s26+$0xD50] =	vst v14;
	v14 =	vadd.s32 $0x1900, v16;
	v16 =	vld [tilespmem:s26+$0xCC0]  }
0x354: {  	[tilespmem:s26+$0xD60] =	vst v14;
	v14 =	vadd.s32 $0x1900, v17;
	v17 =	vld [tilespmem:s26+$0xCD0]  }
0x355: {  	[tilespmem:s26+$0xD70] =	vst v14;
	v14 =	vadd.s32 $0x1900, v18  }
0x356: {  	[tilespmem:s26+$0xD80] =	vst v14;
	v14 =	vadd.s32 $0x1900, v19  }
0x357: {  	[tilespmem:s26+$0xD90] =	vst v14;
	v14 =	vadd.s32 $0x1900, v15  }
0x358: {  	[tilespmem:s26+$0xDA0] =	vst v14;
	v14 =	vadd.s32 $0x1900, v16  }
0x359: {  	[tilespmem:s26+$0xDB0] =	vst v14;
	v14 =	vadd.s32 $0x1900, v17  }
0x35a: {  	[tilespmem:s26+$0xDC0] =	vst v14  }
0x35b: {  	[tilespmem:s19], [sflag:$0x1] =	stream.indirect.gather [hbm4b:s5+s17], $0x1, s18, s17, $0xb8;
	[tilespmem:$0xB3A0] =	vst v63  }
0x35c: {  	_ =	swait.ge [sflag:s20], $0x4FB0  }
0x35d: {  	[sflag:s20] =	ssyncset.done $0x0  }
0x35e: {  	s25 =	simm.s32 $0x0;
	[sflag:s20] =	ssyncadd.s32 $0xFFFFB050  }
0x35f: {  	v14 =	vld [tilespmem:s25+$0x5CA0]  }
0x360: {  	v15 =	vld [tilespmem:s25+$0x5E80]  }
0x361: {  	v16 =	vld [tilespmem:s25+$0x5D90];
	_ =	sdelay $0x2  }
0x362: {  	v14 =	vsub.f32 $0.0e+00, v14  }
0x363: {  	v15 =	vsub.f32 $0.0e+00, v15  }
0x364: {  	v17 =	vld [tilespmem:s25+$0x5BB0];
	v16 =	vsub.f32 $0.0e+00, v16;
	v14 =	vmul.f32 $1.442695020e+00, v14  }
0x365: {  	v15 =	vmul.f32 $1.442695020e+00, v15  }
0x366: {  	v16 =	vmul.f32 $1.442695020e+00, v16;
	(erf) = vpow2.f32 v14  }
0x367: {  	(erf) = vpow2.f32 v15  }
0x368: {  	(erf) = vpow2.f32 v16  }
0x369: {  	v14 =	vsub.f32 $0.0e+00, v17;
	_ =	sdelay $0x1  }
0x36a: {  	v14 =	vmul.f32 $1.442695020e+00, v14;
	_ =	sdelay $0x2  }
0x36b: {  	(erf) = vpow2.f32 v14  }
0x36c: {  	v14 =	vpop (erf)  }
0x36d: {  	v15 =	vpop (erf)  }
0x36e: {  	v15 =	vadd.f32 $1.000000000e+00, v15;
	v16 =	vpop (erf)  }
0x36f: {  	v16 =	vadd.f32 $1.000000000e+00, v16  }
0x370: {  	(erf) = vrcp.f32 v15  }
0x371: {  	s26 =	simm.s32 $0x10;
	(erf) = vrcp.f32 v16  }
0x372: {  	v20 =	vld [tilespmem:s26+$0x5CA0]  }
0x373: {  	v21 =	vld [tilespmem:s26+$0x5BB0];
	v14 =	vadd.f32 $1.000000000e+00, v14  }
0x374: {  	s0 =	simm.s32 $0x0;
	v22 =	vld [tilespmem:s26+$0x5E80];
	v19 =	vpop (erf)  }
0x375: {  	v17 =	vld [tilespmem:s25+$0xB1F0];
	v19 =	vadd.f32 $1.000000000e+00, v19;
	(erf) = vrcp.f32 v14;
	v14 =	vmov s0  }
0x376: {  	v15 =	vld [tilespmem:s25+$0xAF20];
	v23 =	vadd.s32 $0x4B0, v14  }
0x377: {  	v16 =	vld [tilespmem:s25+$0xAE30];
	(erf) = vrcp.f32 v19  }
0x378: {  	s31 =	simm.s32 $0x10;
	v18 =	vld [tilespmem:s25+$0xAD40];
	v20 =	vsub.f32 $0.0e+00, v20  }
0x379: {  	v29 =	vmov s31;
	v19 =	vld [tilespmem:s26+$0x5D90];
	v25 =	vbroadcast v23, $0x0;
	v23 =	vpop (erf)  }
0x37a: {  	v24 =	vld [tilespmem:s25+$0xAC50];
	v21 =	vsub.f32 $0.0e+00, v21;
	v22 =	vsub.f32 $0.0e+00, v22;
	v20 =	vmul.f32 $1.442695020e+00, v20;
	v27 =	vpop (erf)  }
0x37b: {  	v26 =	vld [tilespmem:s25+$0xB100];
	v17 =	vmul.u32 $0xF0, v17;
	v15 =	vmul.f32 $5.000000000e-01, v15;
	v27 =	vadd.f32 v27, v27  }
0x37c: {  	v28 =	vld [tilespmem:s25+$0xB010];
	v22 =	vmul.f32 $1.442695020e+00, v22;
	v16 =	vmul.f32 $5.000000000e-01, v16;
	v23 =	vadd.f32 v23, v23  }
0x37d: {  	v17 =	vadd.s32 v25, v17;
	v30 =	vsub.f32 v18, v15;
	v15 =	vadd.f32 v15, v18  }
0x37e: {  	v18 =	vmul.f32 $1.442695020e+00, v21;
	v19 =	vsub.f32 $0.0e+00, v19;
	v23 =	vmul.f32 v23, v23  }
0x37f: {  	v31 =	vsub.f32 v24, v16;
	v16 =	vadd.f32 v16, v24;
	v24 =	vmul.f32 v27, v27;
	v27 =	vpop (erf)  }
0x380: {  	v19 =	vmul.f32 $1.442695020e+00, v19;
	v23 =	vmul.f32 v26, v23;
	v27 =	vadd.f32 v27, v27;
	v26 =	vpop (erf)  }
0x381: {  	(erf) = vpow2.f32 v20;
	v24 =	vmul.f32 v28, v24;
	v26 =	vadd.f32 v26, v26  }
0x382: {  	v21 =	vsub.f32 v16, v31;
	v23 =	vmul.f32 $5.000000000e-01, v23;
	v20 =	vadd.f32 $-5.000000000e-01, v27  }
0x383: {  	(erf) = vpow2.f32 v22;
	v24 =	vmul.f32 $5.000000000e-01, v24;
	v22 =	vadd.f32 $-5.000000000e-01, v26  }
0x384: {  	(erf) = vpow2.f32 v19;
	v27 =	vsub.f32 v15, v30;
	v19 =	vadd.f32 v23, v20  }
0x385: {  	(erf) = vpow2.f32 v18;
	v20 =	vsub.f32 v20, v23;
	v26 =	vadd.f32 v24, v22  }
0x386: {  	v18 =	vsub.f32 v22, v24;
	v22 =	vmax.f32 v19, v15;
	v15 =	vmin.f32 v19, v15  }
0x387: {  	v32 =	vmax.f32 v20, v30;
	v19 =	vsub.f32 v19, v20;
	v23 =	vmin.f32 v26, v16  }
0x388: {  	v24 =	vmax.f32 v18, v31;
	v28 =	vsub.f32 v26, v18;
	v16 =	vmax.f32 v26, v16  }
0x389: {  	s28 =	simm.s32 $0x20;
	v18 =	vmin.f32 v18, v31;
	v15 =	vsub.f32 v15, v32;
	v23 =	vsub.f32 v23, v24  }
0x38a: {  	v25 =	vld [tilespmem:s28+$0x5BB0];
	v16 =	vsub.f32 v16, v18;
	v18 =	vmin.f32 v20, v30;
	v20 =	vmul.f32 v27, v21  }
0x38b: {  	v24 =	vld [tilespmem:s26+$0xB1F0];
	v26 =	vpop (erf);
	v19 =	vmul.f32 v19, v28;
	v18 =	vsub.f32 v22, v18;
	v15 =	vmax.f32 v15, $0.0e+00  }
0x38c: {  	v21 =	vld [tilespmem:s26+$0xAD40];
	v28 =	vadd.s32 $0x4B0, v29;
	v22 =	vpop (erf);
	v23 =	vmax.f32 v23, $0.0e+00;
	v16 =	vadd.f32 $1.000000020e-16, v16  }
0x38d: {  	v27 =	vld [tilespmem:s26+$0xAF20];
	v22 =	vadd.f32 $1.000000000e+00, v22;
	v29 =	vpop (erf);
	v23 =	vmul.f32 v15, v23;
	v15 =	vadd.f32 v19, v20  }
0x38e: {  	v17 =	vor.u32 v0, v17;
	v19 =	vld [tilespmem:s26+$0xAE30];
	v20 =	vadd.f32 $1.000000000e+00, v29;
	v16 =	vmul.f32 v18, v16  }
0x38f: {  	v18 =	vld [tilespmem:s28+$0x5CA0];
	(erf) = vrcp.f32 v22;
	v22 =	vbroadcast v28, $0x0;
	v29 =	vsub.f32 v15, v23  }
0x390: {  	s29 =	simm.s32 $0x20;
	v15 =	vmul.u32 $0xF0, v24;
	v24 =	vld [tilespmem:s28+$0x5D90];
	(erf) = vrcp.f32 v20;
	v36 =	vadd.f32 $1.000000020e-16, v16  }
0x391: {  	v14 =	vimm.f32 $0.0e+00;
	v30 =	vmov s29;
	v20 =	vld [tilespmem:s28+$0x5E80];
	(erf) = vrcp.f32 v29  }
0x392: {  	v26 =	vadd.f32 $1.000000000e+00, v26;
	v15 =	vadd.s32 v22, v15;
	v16 =	vpop (erf);
	(erf) = vrcp.f32 v36  }
0x393: {  	v22 =	vld [tilespmem:s26+$0xAC50];
	v33 =	vor.u32 v0, v15;
	v19 =	vmul.f32 $5.000000000e-01, v19;
	v28 =	vadd.f32 $1.000000000e+00, v16  }
0x394: {  	v37 =	vld [tilespmem:s26+$0xB100];
	(erf) = vrcp.f32 v26;
	v18 =	vsub.f32 $0.0e+00, v18;
	v26 =	vmul.f32 $5.000000000e-01, v27  }
0x395: {  	v17 =	vld.idx.msk [tilespmem:v17+s19+$0x0], $0xffff;
	v27 =	vsub.f32 $0.0e+00, v25;
	v38 =	vsub.f32 $0.0e+00, v24;
	(erf) = vrcp.f32 v28  }
0x396: {  	v15 =	vld [tilespmem:s26+$0x5F70];
	v35 =	vsub.f32 $0.0e+00, v20;
	v20 =	vadd.s32 $0x4B0, v30;
	v28 =	vsub.f32 v21, v26  }
0x397: {  	v25 =	vld [tilespmem:s28+$0xB1F0];
	v32 =	vadd.f32 v26, v21;
	v34 =	vmul.f32 $1.442695020e+00, v18;
	v26 =	vsub.f32 v36, v29  }
0x398: {  	v16 =	vld [tilespmem:s25+$0x5F70];
	v24 =	vbroadcast v20, $0x0;
	v30 =	vsub.f32 v22, v19;
	v31 =	vadd.f32 v19, v22;
	v21 =	vpop (erf)  }
0x399: {  	v36 =	vmul.f32 $1.442695020e+00, v38;
	v22 =	vld.idx.msk [tilespmem:v33+s19+$0x0], $0xffff;
	v33 =	vmul.f32 $1.442695020e+00, v27;
	v18 =	vadd.f32 v21, v21;
	v19 =	vpop (erf)  }
0x39a: {  	v38 =	vld [tilespmem:s26+$0xB010];
	v35 =	vmul.f32 $1.442695020e+00, v35;
	v21 =	vimm.f32 $0.0e+00;
	v27 =	vpop (erf);
	v40 =	vadd.f32 v19, v19  }
0x39b: {  	s30 =	simm.s32 $0xC0;
	v20 =	vld [tilespmem:s28+$0x5F70];
	v19 =	vimm.f32 $0.0e+00;
	v39 =	vmul.f32 v18, v18;
	v29 =	vpop (erf);
	v18 =	vimm.f32 $0.0e+00  }
.LBB2_18:
0x39c: {  	p0 =	sne.s32 s30, $0x380;
	v25 =	vmul.u32 $0xF0, v25;
	v23 =	vmul.f32 v27, v23;
	v26 =	vmul.f32 v26, v29  }
0x39d: {  	v29 =	vsub.f32 v31, v30;
	v27 =	vmul.f32 v40, v40;
	v40 =	vsub.f32 v32, v28;
	v41 =	vpop (erf);
	v42 =	vld [tilespmem:s25+$0xAB60];
	s25 =	smov.u32 s26;
	s26 =	smov.u32 s28  }
0x39e: {  	v41 =	vadd.f32 v41, v41;
	v37 =	vmul.f32 v37, v39;
	v39 =	vpop (erf);
	v26 =	vsub.f32 v23, v26  }
0x39f: {  	(erf) = vpow2.f32 v34;
	v23 =	vadd.f32 v39, v39;
	v27 =	vmul.f32 v38, v27  }
0x3a0: {  	v34 =	vadd.f32 $-5.000000000e-01, v41;
	v37 =	vmul.f32 $5.000000000e-01, v37;
	v38 =	vsub.f32 $1.000000000e+00, v26  }
0x3a1: {  	(erf) = vpow2.f32 v35;
	v23 =	vadd.f32 $-5.000000000e-01, v23;
	v27 =	vmul.f32 $5.000000000e-01, v27  }
0x3a2: {  	(erf) = vpow2.f32 v36;
	v35 =	vadd.f32 v37, v34;
	v36 =	vmul.f32 v38, v42  }
0x3a3: {  	(erf) = vpow2.f32 v33;
	v33 =	vsub.f32 v23, v27;
	v23 =	vadd.f32 v27, v23  }
0x3a4: {  	v27 =	vsub.f32 v34, v37;
	v34 =	vmax.f32 v35, v32;
	v14 =	vadd.f32 v36, v14  }
0x3a5: {  	v32 =	vmin.f32 v35, v32;
	v36 =	vmin.f32 v23, v31;
	v37 =	vmax.f32 v33, v30  }
0x3a6: {  	v38 =	vmax.f32 v27, v28;
	v39 =	vsub.f32 v23, v33;
	v35 =	vsub.f32 v35, v27  }
0x3a7: {  	v23 =	vmax.f32 v23, v31;
	v30 =	vmin.f32 v33, v30;
	v36 =	vsub.f32 v36, v37  }
0x3a8: {  	v27 =	vmin.f32 v27, v28;
	v32 =	vsub.f32 v32, v38;
	v23 =	vsub.f32 v23, v30;
	v31 =	vpop (erf)  }
0x3a9: {  	v29 =	vmul.f32 v40, v29;
	v27 =	vsub.f32 v34, v27;
	v28 =	vmul.f32 v35, v39  }
0x3aa: {  	v34 =	vmax.f32 v36, $0.0e+00;
	v32 =	vmax.f32 v32, $0.0e+00;
	v35 =	vadd.f32 $1.000000020e-16, v23;
	v33 =	vld [tilespmem:s26+$0xAD40];
	v30 =	vpop (erf)  }
0x3ab: {  	v23 =	vmul.f32 v32, v34;
	v28 =	vadd.f32 v28, v29;
	v36 =	vld [tilespmem:s26+$0xAF20];
	v30 =	vadd.f32 $1.000000000e+00, v30;
	v37 =	vpop (erf)  }
0x3ac: {  	s28 =	sshra.s32 s30, $0x2;
	v24 =	vadd.s32 v24, v25;
	v27 =	vmul.f32 v27, v35;
	v29 =	vld [tilespmem:s26+$0xAE30];
	v32 =	vadd.f32 $1.000000000e+00, v37;
	v25 =	vpop (erf)  }
0x3ad: {  	v24 =	vor.u32 v0, v24;
	v39 =	vsub.f32 v28, v23;
	v34 =	vld [tilespmem:s28+$0x5CA0];
	(erf) = vrcp.f32 v30  }
0x3ae: {  	v27 =	vadd.f32 $1.000000020e-16, v27;
	v30 =	vmul.f32 v42, v16;
	v16 =	vmovc v15;
	v15 =	vmovc v20;
	v28 =	vld [tilespmem:s28+$0x5BB0];
	(erf) = vrcp.f32 v32  }
0x3af: {  	v20 =	vmax.f32 v26, $0.0e+00;
	v26 =	vmul.f32 v17, v42;
	v17 =	vmovc v22;
	v32 =	vld [tilespmem:s28+$0x5E80];
	(erf) = vrcp.f32 v39  }
0x3b0: {  	s29 =	sadd.s32 $0x10, s29;
	v22 =	vadd.f32 $1.000000000e+00, v31;
	v20 =	vmul.f32 v20, v30;
	v35 =	vld [tilespmem:s28+$0x5D90];
	(erf) = vrcp.f32 v27  }
0x3b1: {  	v37 =	vadd.f32 $1.000000000e+00, v25;
	v30 =	vmov s29;
	v21 =	vadd.f32 v26, v21;
	v31 =	vld [tilespmem:s26+$0xAC50]  }
0x3b2: {  	v18 =	vadd.f32 v42, v18;
	v19 =	vadd.f32 v20, v19;
	v25 =	vld [tilespmem:s28+$0xB1F0];
	(erf) = vrcp.f32 v22  }
0x3b3: {  	v26 =	vsub.f32 $0.0e+00, v34;
	v34 =	vmul.f32 $5.000000000e-01, v36;
	v20 =	vld [tilespmem:s28+$0x5F70];
	(erf) = vrcp.f32 v37  }
0x3b4: {  	v42 =	vmul.f32 $5.000000000e-01, v29;
	v36 =	vsub.f32 $0.0e+00, v28;
	v38 =	vsub.f32 $0.0e+00, v32;
	v22 =	vld.idx.msk [tilespmem:v24+s19+$0x0], $0xffff  }
.Ltmp8:
0x3b5: {  	v24 =	vadd.s32 $0x4B0, v30;
	v28 =	vsub.f32 v33, v34;
	v40 =	vsub.f32 $0.0e+00, v35;
	(pc) =	sbr.rel @p0 .LBB2_18-.Ltmp8, $4  }
0x3b6: {  	v32 =	vadd.f32 v34, v33;
	v24 =	vbroadcast v24, $0x0;
	v30 =	vsub.f32 v31, v42;
	v33 =	vpop (erf)  }
0x3b7: {  	v34 =	vmul.f32 $1.442695020e+00, v26;
	v31 =	vadd.f32 v42, v31;
	v37 =	vld [tilespmem:s26+$0xB100];
	v41 =	vadd.f32 v33, v33;
	v29 =	vpop (erf)  }
0x3b8: {  	v26 =	vsub.f32 v27, v39;
	v35 =	vmul.f32 $1.442695020e+00, v38;
	v33 =	vmul.f32 $1.442695020e+00, v36;
	v38 =	vld [tilespmem:s26+$0xB010];
	v27 =	vpop (erf)  }
0x3b9: {  	s30 =	sadd.s32 $0x40, s30;
	v36 =	vmul.f32 $1.442695020e+00, v40;
	v40 =	vadd.f32 v29, v29;
	v39 =	vmul.f32 v41, v41;
	v29 =	vpop (erf)  }
0x3ba: {  	_ = 	snop  }
0x3bb: {  	(erf) = vpow2.f32 v34;
	v41 =	vpop (erf)  }
0x3bc: {  	v40 =	vmul.f32 v40, v40;
	v41 =	vadd.f32 v41, v41;
	v37 =	vmul.f32 v37, v39;
	v56 =	vpop (erf)  }
0x3bd: {  	(erf) = vpow2.f32 v35;
	v39 =	vadd.f32 v56, v56  }
0x3be: {  	v38 =	vmul.f32 v38, v40;
	v57 =	vadd.f32 $-5.000000000e-01, v41;
	v37 =	vmul.f32 $5.000000000e-01, v37  }
0x3bf: {  	v42 =	vsub.f32 v31, v30;
	(erf) = vpow2.f32 v36  }
0x3c0: {  	v58 =	vadd.f32 $-5.000000000e-01, v39;
	v38 =	vmul.f32 $5.000000000e-01, v38;
	v60 =	vadd.f32 v37, v57  }
0x3c1: {  	v59 =	vsub.f32 v32, v28;
	(erf) = vpow2.f32 v33;
	v62 =	vsub.f32 v57, v37  }
0x3c2: {  	v61 =	vsub.f32 v58, v38;
	v35 =	vadd.f32 v38, v58;
	v63 =	vmax.f32 v60, v32  }
0x3c3: {  	v47 =	vmin.f32 v60, v32;
	v48 =	vmax.f32 v62, v28;
	v36 =	vsub.f32 v60, v62  }
0x3c4: {  	v45 =	vmin.f32 v35, v31;
	v46 =	vmax.f32 v61, v30;
	v43 =	vsub.f32 v35, v61  }
0x3c5: {  	v49 =	vmax.f32 v35, v31;
	v50 =	vmin.f32 v61, v30;
	v32 =	vsub.f32 v47, v48  }
0x3c6: {  	v51 =	vmin.f32 v62, v28;
	v37 =	vsub.f32 v45, v46;
	v30 =	vsub.f32 v49, v50  }
0x3c7: {  	v54 =	vmul.f32 v59, v42;
	v52 =	vpop (erf);
	v28 =	vsub.f32 v63, v51;
	v53 =	vmul.f32 v36, v43  }
0x3c8: {  	v55 =	vpop (erf);
	v32 =	vmax.f32 v32, $0.0e+00;
	v56 =	vmax.f32 v37, $0.0e+00;
	v30 =	vadd.f32 $1.000000020e-16, v30  }
0x3c9: {  	v34 =	vadd.f32 $1.000000000e+00, v55;
	v57 =	vpop (erf);
	v32 =	vmul.f32 v32, v56;
	v33 =	vadd.f32 v53, v54  }
0x3ca: {  	v58 =	vadd.f32 $1.000000000e+00, v57;
	v28 =	vmul.f32 v28, v30  }
0x3cb: {  	(erf) = vrcp.f32 v34;
	v30 =	vsub.f32 v33, v32  }
0x3cc: {  	(erf) = vrcp.f32 v58;
	v28 =	vadd.f32 $1.000000020e-16, v28  }
0x3cd: {  	v31 =	vadd.f32 $1.000000000e+00, v52;
	(erf) = vrcp.f32 v30  }
0x3ce: {  	v59 =	vpop (erf);
	(erf) = vrcp.f32 v28  }
0x3cf: {  	v33 =	vadd.f32 $1.000000000e+00, v59;
	(erf) = vrcp.f32 v31;
	_ =	sdelay $0x1  }
0x3d0: {  	v62 =	vld [tilespmem:s28+$0xAE30];
	(erf) = vrcp.f32 v33  }
0x3d1: {  	v61 =	vld [tilespmem:s28+$0xAF20]  }
0x3d2: {  	v63 =	vld [tilespmem:s28+$0xAC50]  }
0x3d3: {  	v50 =	vld [tilespmem:s28+$0xB100];
	v47 =	vpop (erf)  }
0x3d4: {  	v49 =	vld [tilespmem:s28+$0xB010];
	v48 =	vpop (erf);
	v36 =	vadd.f32 v47, v47  }
0x3d5: {  	v34 =	vmul.f32 $5.000000000e-01, v62;
	v37 =	vadd.f32 v48, v48;
	v51 =	vpop (erf)  }
0x3d6: {  	v60 =	vld [tilespmem:s28+$0xAD40];
	v36 =	vmul.f32 v36, v36;
	v52 =	vpop (erf)  }
0x3d7: {  	v55 =	vsub.f32 v63, v34;
	v34 =	vadd.f32 v34, v63;
	v37 =	vmul.f32 v37, v37;
	v53 =	vpop (erf)  }
0x3d8: {  	v36 =	vmul.f32 v50, v36;
	v42 =	vadd.f32 v53, v53  }
0x3d9: {  	v59 =	vsub.f32 v34, v55;
	v33 =	vmul.f32 $5.000000000e-01, v61;
	v37 =	vmul.f32 v49, v37;
	v54 =	vpop (erf)  }
0x3da: {  	v36 =	vmul.f32 $5.000000000e-01, v36;
	v43 =	vadd.f32 v54, v54;
	v57 =	vadd.f32 $-5.000000000e-01, v42  }
0x3db: {  	v44 =	vsub.f32 v60, v33;
	v31 =	vadd.f32 v33, v60  }
0x3dc: {  	v37 =	vmul.f32 $5.000000000e-01, v37;
	v56 =	vadd.f32 $-5.000000000e-01, v43;
	v42 =	vadd.f32 v36, v57  }
0x3dd: {  	v45 =	vsub.f32 v31, v44;
	v35 =	vsub.f32 v57, v36  }
0x3de: {  	v58 =	vsub.f32 v56, v37;
	v33 =	vadd.f32 v37, v56;
	v62 =	vmax.f32 v42, v31  }
0x3df: {  	v31 =	vmin.f32 v42, v31;
	v63 =	vmax.f32 v35, v44;
	v42 =	vsub.f32 v42, v35  }
0x3e0: {  	v60 =	vmin.f32 v33, v34;
	v61 =	vmax.f32 v58, v55;
	v34 =	vmax.f32 v33, v34  }
0x3e1: {  	v33 =	vsub.f32 v33, v58;
	v38 =	vmin.f32 v58, v55;
	v31 =	vsub.f32 v31, v63  }
0x3e2: {  	v35 =	vmin.f32 v35, v44;
	v36 =	vsub.f32 v60, v61;
	v34 =	vsub.f32 v34, v38  }
0x3e3: {  	v37 =	vmul.f32 v45, v59;
	v35 =	vsub.f32 v62, v35;
	v33 =	vmul.f32 v42, v33  }
0x3e4: {  	v31 =	vmax.f32 v31, $0.0e+00;
	v36 =	vmax.f32 v36, $0.0e+00;
	v34 =	vadd.f32 $1.000000020e-16, v34  }
0x3e5: {  	v31 =	vmul.f32 v31, v36;
	v33 =	vadd.f32 v33, v37  }
0x3e6: {  	v34 =	vmul.f32 v35, v34  }
0x3e7: {  	v33 =	vsub.f32 v33, v31  }
0x3e8: {  	v34 =	vadd.f32 $1.000000020e-16, v34  }
0x3e9: {  	(erf) = vrcp.f32 v33  }
0x3ea: {  	(erf) = vrcp.f32 v34;
	_ =	sdelay $0x2  }
0x3eb: {  	v49 =	vld [tilespmem:s26+$0xAB60]  }
0x3ec: {  	v23 =	vmul.f32 v27, v23;
	v26 =	vmul.f32 v26, v29;
	v25 =	vmul.u32 $0xF0, v25;
	v54 =	vld [tilespmem:s28+$0xAB60]  }
0x3ed: {  	v46 =	vsub.f32 v28, v30  }
0x3ee: {  	v23 =	vsub.f32 v23, v26;
	v24 =	vadd.s32 v24, v25;
	v45 =	vld [tilespmem:s25+$0xAB60]  }
0x3ef: {  	v24 =	vor.u32 v0, v24;
	v48 =	vmul.f32 v51, v32;
	v26 =	vmul.f32 v46, v52  }
0x3f0: {  	v47 =	vsub.f32 $1.000000000e+00, v23;
	v15 =	vmul.f32 v49, v15;
	v50 =	vsub.f32 v34, v33;
	v51 =	vpop (erf)  }
0x3f1: {  	v25 =	vsub.f32 v48, v26;
	v22 =	vmul.f32 v22, v49;
	v20 =	vmul.f32 v54, v20;
	v52 =	vpop (erf)  }
0x3f2: {  	v23 =	vmax.f32 v23, $0.0e+00;
	v53 =	vmul.f32 v51, v31;
	v30 =	vmul.f32 v50, v52  }
0x3f3: {  	v55 =	vsub.f32 $1.000000000e+00, v25;
	v28 =	vmul.f32 v47, v45;
	v16 =	vmul.f32 v45, v16  }
0x3f4: {  	v58 =	vmax.f32 v25, $0.0e+00;
	v17 =	vmul.f32 v17, v45;
	v26 =	vsub.f32 v53, v30  }
0x3f5: {  	v56 =	vld.idx.msk [tilespmem:v24+s19+$0x0], $0xffff;
	v18 =	vadd.f32 v45, v18;
	v14 =	vadd.f32 v28, v14;
	v16 =	vmul.f32 v23, v16  }
0x3f6: {  	v57 =	vmul.f32 v55, v49;
	v17 =	vadd.f32 v17, v21;
	v59 =	vsub.f32 $1.000000000e+00, v26  }
0x3f7: {  	v15 =	vmul.f32 v58, v15;
	v18 =	vadd.f32 v49, v18;
	v16 =	vadd.f32 v16, v19  }
0x3f8: {  	v14 =	vadd.f32 v57, v14;
	v61 =	vmax.f32 v26, $0.0e+00;
	v60 =	vmul.f32 v59, v54  }
0x3f9: {  	v18 =	vadd.f32 v54, v18;
	v15 =	vadd.f32 v15, v16;
	v62 =	vmul.f32 v61, v20  }
0x3fa: {  	v63 =	vmul.f32 v56, v54;
	v17 =	vadd.f32 v22, v17;
	v14 =	vadd.f32 v60, v14  }
0x3fb: {  	[tilespmem:$0xB370] =	vst v18;
	v15 =	vadd.f32 v62, v15  }
0x3fc: {  	[tilespmem:$0xB360] =	vst v14;
	v14 =	vadd.f32 v63, v17  }
0x3fd: {  	[tilespmem:$0xB380] =	vst v15  }
0x3fe: {  	[tilespmem:$0xB390] =	vst v14  }
0x3ff: {  	[hbm4b:s11+s2] =	stream.linear.scatter [tilespmem:s21], [sflag:$0x2], $0x4B00, $0x38;
	[tilespmem:$0xB3A0] =	vst v63  }
0x400: {  	_ =	swait.ge [sflag:s16], $0x4B00  }
0x401: {  	[sflag:s16] =	ssyncset.done $0x0  }
0x402: {  	[sflag:s16] =	ssyncadd.s32 $0xFFFFB500  }
0x403: {  	[hbm4b:s12+s2] =	stream.linear.scatter [tilespmem:s22], [sflag:$0x2], $0xF0, $0x38;
	[tilespmem:$0xB3A0] =	vst v63  }
0x404: {  	s24 =	sadd.s32 $0x1, s24;
	_ =	swait.ge [sflag:s16], $0xF0  }
0x405: {  	p0 =	sne.s32 s24, s14;
	[sflag:s16] =	ssyncset.done $0x0  }
.Ltmp9:
0x406: {  	[sflag:s16] =	ssyncadd.s32 $0xFFFFFF10;
	(pc) =	sbr.rel @p0 .LBB2_1-.Ltmp9, $4  }
0x407: {  	[hbm4b:s13+s2] =	stream.linear.scatter [tilespmem:s23], [sflag:$0x2], $0xC0, $0x38;
	[tilespmem:$0xB3A0] =	vst v63  }
0x408: {  	_ =	swait.ge [sflag:s16], $0xC0  }
0x409: {  	[sflag:s16] =	ssyncset.done $0x0  }
0x40a: {  	[sflag:s16] =	ssyncadd.s32 $0xFFFFFF40  }
0x40b: {  	_ =	sfence.sel $0x180000  }
0x40c: {  	[bflag:$0x0] =	sbarrier.arrive $0xFFFF  }
0x40d: {  	_ =	strace $0x90000047  }
0x40e: {  	[bflag:$0x2] =	sbarrier.arrive $0xFFFF  }
0x40f: {  	p0 =	sne.s32 s1, $0x0;
	s0 =	rddreg [dreg:$0x1]  }
0x410: {  	s0 =	sadd.s32 @!p0 $0x100000, s0  }
0x411: {  	[sflag:s0] =	ssyncadd.tile.s32 @!p0 $0x1;
	_ =	shalt  }
.Lfunc_end2:
_tile_overlayer_lowered:
.L_overlay_start_2:
0x412: {  	(tag) =	ssettag $0x2  }
0x413: {  	s0 =	rddreg [dreg:$0x0];
	s2 =	stileid.u32  }
0x414: {  	s1 =	rddreg [dreg:$0x1];
	p0 =	sne.s32 s2, $0x0  }
0x415: {  	s3 =	rddreg [dreg:$0x2];
	[bflag:$0x3] =	sbarrier.arrive $0xFFFF;
	s2 =	simm.s32 @!p0 $0x1C02  }
0x416: {  	[timem:s3], [sflag:s2] =	dma.local @!p0 [hbm:s0], s1  }
0x417: {  	s0 =	simm.s32 @!p0 $0x2  }
0x418: {  	_ =	swait.ge @!p0 [sflag:s0], s1  }
0x419: {  	s1 =	ssub.s32 @!p0 $0x0, s1;
	[sflag:s0] =	ssyncset.done @!p0 $0x0  }
0x41a: {  	[sflag:s0] =	ssyncadd.s32 @!p0 s1  }
0x41b: {  	[bflag:$0x3] =	sbarrier.arrive $0xFFFF  }
0x41c: {  	_ =	shalt  }

</sc_bundles>
